<compile_context>
chip_gen: v7x
topology: tpu7x:2x2x1
jax: 0.10.2.dev20260603
libtpu: 0.0.44.dev20260713+nightly
codegen_flags: <defaults>
</compile_context>

<pallas_src>
import jax
import jax.numpy as jnp
import numpy as np
from jax import lax
from jax.experimental import pallas as pl
from jax.experimental.pallas import tpu as pltpu
from jax.experimental.pallas import tpu_sc as plsc

VOCAB = 10000
D = 64
B = 16384
T = 200
NC = 2
NS = 16
NW = NC * NS
ROWS_PER_W = B // NW
C = 32
NCHUNK = ROWS_PER_W // C
NSEG = D // 16
G0 = 128
G1 = T - G0
NBUF = 8

_PERM = np.concatenate([
    np.stack([np.arange(16) + b, np.arange(16) + b + 16], axis=1).reshape(-1)
    for b in (0, 32)
])


def _enc_body(tokens_hbm, table_hbm, out_hbm, *refs):
    slab0, slab1 = refs[0], refs[1]
    rows = refs[2:2 + NBUF]
    acc0, acc1 = refs[2 + NBUF], refs[3 + NBUF]
    table_sp = refs[4 + NBUF]
    sems = refs[5 + NBUF:5 + 2 * NBUF]
    sem_slab, sem_out0, sem_out1 = refs[5 + 2 * NBUF:]
    cid = lax.axis_index("c")
    sid = lax.axis_index("s")
    wid = sid * NC + cid
    tile_base = wid * ROWS_PER_W

    @pl.when(sid == 0)
    def _():
        pltpu.sync_copy(table_hbm, table_sp)

    plsc.subcore_barrier()

    def start_gather(slab, i, buf, sem):
        off = pl.multiple_of(i * T, 8)
        pltpu.async_copy(table_sp.at[slab.at[pl.ds(off, G0)]],
                         buf.at[pl.ds(0, G0)], sem)
        pltpu.async_copy(table_sp.at[slab.at[pl.ds(off + G0, G1)]],
                         buf.at[pl.ds(G0, G1)], sem)

    def wait_gather(buf, sem):
        pltpu.make_async_copy(table_hbm.at[pl.ds(0, T)], buf, sem).wait()

    def reduce_row(buf, acc, i):
        zero = jnp.zeros((16,), jnp.float32)

        @plsc.parallel_loop(0, T, step=1, unroll=8, carry=(zero,) * NSEG)
        def accs(t, accs_in):
            a0, a1, a2, a3 = accs_in
            u0a, u0b = plsc.unpack(buf[t, pl.ds(0, 32)],
                                   format=plsc.PackFormat.INTERLEAVED)
            u1a, u1b = plsc.unpack(buf[t, pl.ds(32, 32)],
                                   format=plsc.PackFormat.INTERLEAVED)
            return (a0 + u0a, a1 + u0b, a2 + u1a, a3 + u1b)
        scale = jnp.float32(1.0 / T)
        for j in range(NSEG):
            acc[i, pl.ds(j * 16, 16)] = accs[j] * scale

    def chunk_body(ch, slab_cur, slab_nxt, acc_cur, sem_out):
        base = tile_base + ch * C

        @pl.when(ch + 1 < NCHUNK)
        def _():
            pltpu.async_copy(
                tokens_hbm.at[pl.ds(pl.multiple_of((base + C) * T, 8), C * T)],
                slab_nxt, sem_slab)

        @pl.when(ch >= 2)
        def _():
            pltpu.make_async_copy(acc_cur, out_hbm.at[pl.ds(0, C)],
                                  sem_out).wait()

        for r in range(NBUF - 1):
            start_gather(slab_cur, r, rows[r], sems[r])

        def quad(q, carry):
            for r in range(NBUF):
                i = q * NBUF + r
                wait_gather(rows[r], sems[r])
                reduce_row(rows[r], acc_cur, i)
                nxt = i + NBUF - 1
                bidx = (r + NBUF - 1) % NBUF

                @pl.when(nxt < C)
                def _():
                    start_gather(slab_cur, nxt, rows[bidx], sems[bidx])
            return carry

        lax.fori_loop(0, C // NBUF, quad, 0)
        pltpu.async_copy(acc_cur, out_hbm.at[pl.ds(base, C)], sem_out)

        @pl.when(ch + 1 < NCHUNK)
        def _():
            pltpu.make_async_copy(tokens_hbm.at[pl.ds(0, C * T)],
                                  slab_nxt, sem_slab).wait()

    pltpu.sync_copy(tokens_hbm.at[pl.ds(pl.multiple_of(tile_base * T, 8),
                                        C * T)], slab0)

    def two_chunks(h, carry):
        ch0 = 2 * h
        chunk_body(ch0, slab0, slab1, acc0, sem_out0)
        chunk_body(ch0 + 1, slab1, slab0, acc1, sem_out1)
        return carry

    lax.fori_loop(0, NCHUNK // 2, two_chunks, 0)

    pltpu.make_async_copy(acc0, out_hbm.at[pl.ds(0, C)], sem_out0).wait()
    pltpu.make_async_copy(acc1, out_hbm.at[pl.ds(0, C)], sem_out1).wait()


def kernel(tokens, table):
    tokens_flat = tokens.reshape(B * T).astype(jnp.int32)
    table_bf = table[:, _PERM].astype(jnp.bfloat16)
    k = pl.kernel(
        _enc_body,
        out_type=jax.ShapeDtypeStruct((B, D), jnp.float32),
        mesh=plsc.VectorSubcoreMesh(core_axis_name="c", subcore_axis_name="s",
                                    num_cores=NC, num_subcores=NS),
        scratch_types=(
            [pltpu.VMEM((C * T,), jnp.int32)] * 2
            + [pltpu.VMEM((T, D), jnp.bfloat16)] * NBUF
            + [pltpu.VMEM((C, D), jnp.float32)] * 2
            + [pltpu.VMEM_SHARED((VOCAB, D), jnp.bfloat16)]
            + [pltpu.SemaphoreType.DMA] * NBUF
            + [pltpu.SemaphoreType.DMA] * 3
        ),
        compiler_params=pltpu.CompilerParams(use_tc_tiling_on_sc=False,
                                             needs_layout_passes=False),
    )
    return k(tokens_flat, table_bf)

# --- scband reference (transcript-rebuilt; emitter-appended) ---
"""Pipeline reference for scband-text-encoder-57483842289875 (READ-ONLY COPY).

The authoritative reference and input builder live on the scoring server;
editing this copy changes nothing except your own understanding.
"""

import jax, jax.numpy as jnp
import numpy as np

VOCAB = 10000
EMBED_DIM = 64
BATCH = 16384
SEQ = 200

def setup_inputs(seed: int = 0) -> dict:
    key = jax.random.key(seed)
    k1, k2 = jax.random.split(key)
    tokens = jax.random.randint(k1, (BATCH, SEQ), 0, VOCAB, dtype=jnp.int64 if jax.config.jax_enable_x64 else jnp.int32)
    table = jax.random.normal(k2, (VOCAB, EMBED_DIM), dtype=jnp.float32)
    return {"tokens": tokens, "table": table}

def reference(tokens, table):
    # embedding lookup: [B, T] -> [B, T, D]
    embeds = jnp.take(table, tokens, axis=0)
    # transpose + AdaptiveAvgPool1d(1) + squeeze == mean over time dim
    pooled = jnp.mean(embeds, axis=1)  # [B, D]
    return pooled

if __name__ == "__main__":
    import jax
    _d = setup_inputs()
    print(jax.jit(kernel)(*tuple(_d.values())))

</pallas_src>

<mosaic_0001>
#map = affine_map<(d0, d1) -> (0)>
#map1 = affine_map<(d0, d1) -> (0, 0)>
module attributes {stable_mosaic.version = 14 : i64} {
  func.func @_enc_body(%arg0: i32, %arg1: i32, %arg2: memref<3276800xi32, #tpu.memory_space<hbm>>, %arg3: memref<10000x64xbf16, #tpu.memory_space<hbm>>, %arg4: memref<16384x64xf32, #tpu.memory_space<hbm>>, %arg5: memref<6400xi32, #tpu.memory_space<vmem>>, %arg6: memref<6400xi32, #tpu.memory_space<vmem>>, %arg7: memref<200x64xbf16, #tpu.memory_space<vmem>>, %arg8: memref<200x64xbf16, #tpu.memory_space<vmem>>, %arg9: memref<200x64xbf16, #tpu.memory_space<vmem>>, %arg10: memref<200x64xbf16, #tpu.memory_space<vmem>>, %arg11: memref<200x64xbf16, #tpu.memory_space<vmem>>, %arg12: memref<200x64xbf16, #tpu.memory_space<vmem>>, %arg13: memref<200x64xbf16, #tpu.memory_space<vmem>>, %arg14: memref<200x64xbf16, #tpu.memory_space<vmem>>, %arg15: memref<32x64xf32, #tpu.memory_space<vmem>>, %arg16: memref<32x64xf32, #tpu.memory_space<vmem>>, %arg17: memref<10000x64xbf16, #tpu.memory_space<vmem_shared>>, %arg18: memref<!tpu.dma_semaphore, #tpu.memory_space<semaphore_mem>>, %arg19: memref<!tpu.dma_semaphore, #tpu.memory_space<semaphore_mem>>, %arg20: memref<!tpu.dma_semaphore, #tpu.memory_space<semaphore_mem>>, %arg21: memref<!tpu.dma_semaphore, #tpu.memory_space<semaphore_mem>>, %arg22: memref<!tpu.dma_semaphore, #tpu.memory_space<semaphore_mem>>, %arg23: memref<!tpu.dma_semaphore, #tpu.memory_space<semaphore_mem>>, %arg24: memref<!tpu.dma_semaphore, #tpu.memory_space<semaphore_mem>>, %arg25: memref<!tpu.dma_semaphore, #tpu.memory_space<semaphore_mem>>, %arg26: memref<!tpu.dma_semaphore, #tpu.memory_space<semaphore_mem>>, %arg27: memref<!tpu.dma_semaphore, #tpu.memory_space<semaphore_mem>>, %arg28: memref<!tpu.dma_semaphore, #tpu.memory_space<semaphore_mem>>) attributes {dimension_semantics = [#tpu.dimension_semantics<core_parallel>, #tpu.dimension_semantics<subcore_parallel>], iteration_bounds = array<i64: 2, 16>, scalar_prefetch = 0 : i64, scratch_operands = 24 : i64, tpu.core_type = #tpu.core_type<sc_vector_subcore>, window_params = [{transform_indices = #map}, {transform_indices = #map1}, {transform_indices = #map1}]} {
    %mul3A = arith.constant 2 : i32
    %mul3A_0 = arith.muli %arg1, %mul3A : i32
    %add3A = arith.addi %mul3A_0, %arg0 : i32
    %mul3A_1 = arith.constant 512 : i32
    %mul3A_2 = arith.muli %add3A, %mul3A_1 : i32
    %eq3A = arith.constant 0 : i32
    %eq3A_3 = arith.cmpi eq, %arg1, %eq3A : i32
    %convert_element_type3A = arith.extui %eq3A_3 : i1 to i32
    %cond3A = arith.constant 0 : i32
    %cond3A_4 = arith.cmpi ne, %convert_element_type3A, %cond3A : i32
    scf.if %cond3A_4 {
      "tpu.region"() ({
        %run_scoped3A = tpu.sem_alloc : memref<!tpu.dma_semaphore, #tpu.memory_space<semaphore_mem>>
        tpu.enqueue_dma source(%arg3 : memref<10000x64xbf16, #tpu.memory_space<hbm>>) target(%arg17 : memref<10000x64xbf16, #tpu.memory_space<vmem_shared>>) target_semaphore(%run_scoped3A : memref<!tpu.dma_semaphore, #tpu.memory_space<semaphore_mem>>)
        tpu.wait_dma2 semaphore(%run_scoped3A : memref<!tpu.dma_semaphore, #tpu.memory_space<semaphore_mem>>) src(%arg3 : memref<10000x64xbf16, #tpu.memory_space<hbm>>) dst(%arg17 : memref<10000x64xbf16, #tpu.memory_space<vmem_shared>>)
        tpu.yield
      }) : () -> ()
    } else {
    }
    %barrier3A = arith.constant 0 : index
    tpu.barrier barrier_id(%barrier3A)
    %mul3A_5 = arith.constant 200 : i32
    %mul3A_6 = arith.muli %mul3A_2, %mul3A_5 : i32
    %multiple_of3A = tpu.assume_multiple %mul3A_6, 8 : i32
    "tpu.region"() ({
      %run_scoped3A = tpu.sem_alloc : memref<!tpu.dma_semaphore, #tpu.memory_space<semaphore_mem>>
      %dma_start3A = tpu.memref_slice %arg2[%multiple_of3A] : memref<3276800xi32, #tpu.memory_space<hbm>> -> memref<6400xi32, #tpu.memory_space<hbm>>
      %dma_start3A_23 = tpu.memref_slice %arg2[%multiple_of3A] : memref<3276800xi32, #tpu.memory_space<hbm>> -> memref<6400xi32, #tpu.memory_space<hbm>>
      tpu.enqueue_dma source(%dma_start3A_23 : memref<6400xi32, #tpu.memory_space<hbm>>) target(%arg5 : memref<6400xi32, #tpu.memory_space<vmem>>) target_semaphore(%run_scoped3A : memref<!tpu.dma_semaphore, #tpu.memory_space<semaphore_mem>>)
      %dma_wait3A_24 = tpu.memref_slice %arg2[%multiple_of3A] : memref<3276800xi32, #tpu.memory_space<hbm>> -> memref<6400xi32, #tpu.memory_space<hbm>>
      %dma_wait3A_25 = tpu.memref_slice %arg2[%multiple_of3A] : memref<3276800xi32, #tpu.memory_space<hbm>> -> memref<6400xi32, #tpu.memory_space<hbm>>
      tpu.wait_dma2 semaphore(%run_scoped3A : memref<!tpu.dma_semaphore, #tpu.memory_space<semaphore_mem>>) src(%dma_wait3A_25 : memref<6400xi32, #tpu.memory_space<hbm>>) dst(%arg5 : memref<6400xi32, #tpu.memory_space<vmem>>)
      tpu.yield
    }) : () -> ()
    %scan3A = arith.constant 0 : i32
    %scan3A_7 = arith.constant 0 : i32
    %scan3A_8 = arith.constant 8 : i32
    %scan3A_9 = arith.addi %scan3A_7, %scan3A_8 : i32
    %scan3A_10 = arith.constant 1 : i32
    scf.for %scan3A_23 = %scan3A_7 to %scan3A_9 step %scan3A_10  : i32 {
      %mul3A_24 = arith.constant 2 : i32
      %mul3A_25 = arith.muli %mul3A_24, %scan3A_23 : i32
      %mul3A_26 = arith.constant 32 : i32
      %mul3A_27 = arith.muli %mul3A_25, %mul3A_26 : i32
      %add3A_28 = arith.addi %mul3A_2, %mul3A_27 : i32
      %add3A_29 = arith.constant 1 : i32
      %add3A_30 = arith.addi %mul3A_25, %add3A_29 : i32
      %lt3A = arith.constant 16 : i32
      %lt3A_31 = arith.cmpi slt, %add3A_30, %lt3A : i32
      %convert_element_type3A_32 = arith.extui %lt3A_31 : i1 to i32
      %cond3A_33 = arith.constant 0 : i32
      %cond3A_34 = arith.cmpi ne, %convert_element_type3A_32, %cond3A_33 : i32
      scf.if %cond3A_34 {
        %add3A_341 = arith.constant 32 : i32
        %add3A_342 = arith.addi %add3A_28, %add3A_341 : i32
        %mul3A_343 = arith.constant 200 : i32
        %mul3A_344 = arith.muli %add3A_342, %mul3A_343 : i32
        %multiple_of3A_345 = tpu.assume_multiple %mul3A_344, 8 : i32
        %dma_start3A_346 = tpu.memref_slice %arg2[%multiple_of3A_345] : memref<3276800xi32, #tpu.memory_space<hbm>> -> memref<6400xi32, #tpu.memory_space<hbm>>
        %dma_start3A_347 = tpu.memref_slice %arg2[%multiple_of3A_345] : memref<3276800xi32, #tpu.memory_space<hbm>> -> memref<6400xi32, #tpu.memory_space<hbm>>
        tpu.enqueue_dma source(%dma_start3A_347 : memref<6400xi32, #tpu.memory_space<hbm>>) target(%arg6 : memref<6400xi32, #tpu.memory_space<vmem>>) target_semaphore(%arg26 : memref<!tpu.dma_semaphore, #tpu.memory_space<semaphore_mem>>)
      } else {
      }
      %ge3A = arith.constant 2 : i32
      %ge3A_35 = arith.cmpi sge, %mul3A_25, %ge3A : i32
      %convert_element_type3A_36 = arith.extui %ge3A_35 : i1 to i32
      %cond3A_37 = arith.constant 0 : i32
      %cond3A_38 = arith.cmpi ne, %convert_element_type3A_36, %cond3A_37 : i32
      scf.if %cond3A_38 {
        %dma_wait3A_341 = arith.constant 0 : i32
        %dma_wait3A_342 = arith.constant 0 : i32
        %dma_wait3A_343 = tpu.memref_slice %arg4[%dma_wait3A_341, %dma_wait3A_342] : memref<16384x64xf32, #tpu.memory_space<hbm>> -> memref<32x64xf32, #tpu.memory_space<hbm>>
        %dma_wait3A_344 = arith.constant 0 : i32
        %dma_wait3A_345 = arith.constant 0 : i32
        %dma_wait3A_346 = tpu.memref_slice %arg4[%dma_wait3A_344, %dma_wait3A_345] : memref<16384x64xf32, #tpu.memory_space<hbm>> -> memref<32x64xf32, #tpu.memory_space<hbm>>
        tpu.wait_dma2 semaphore(%arg27 : memref<!tpu.dma_semaphore, #tpu.memory_space<semaphore_mem>>) src(%arg15 : memref<32x64xf32, #tpu.memory_space<vmem>>) dst(%dma_wait3A_346 : memref<32x64xf32, #tpu.memory_space<hbm>>)
      } else {
      }
      %multiple_of3A_39 = arith.constant 0 : i32
      %multiple_of3A_40 = tpu.assume_multiple %multiple_of3A_39, 8 : i32
      %dma_start3A = arith.constant 0 : i32
      %dma_start3A_41 = arith.constant 0 : i32
      %dma_start3A_42 = tpu.memref_slice %arg7[%dma_start3A, %dma_start3A_41] : memref<200x64xbf16, #tpu.memory_space<vmem>> -> memref<128x64xbf16, #tpu.memory_space<vmem>>
      %dma_start3A_43 = tpu.memref_slice %arg5[%multiple_of3A_40] : memref<6400xi32, #tpu.memory_space<vmem>> -> memref<128xi32, #tpu.memory_space<vmem>>
      %dma_start3A_44 = arith.constant 0 : i32
      %dma_start3A_45 = arith.constant 0 : i32
      %dma_start3A_46 = tpu.memref_slice %arg17[%dma_start3A_44, %dma_start3A_45] : memref<10000x64xbf16, #tpu.memory_space<vmem_shared>> -> memref<10000x64xbf16, #tpu.memory_space<vmem_shared>>
      tpu.enqueue_indirect_dma source(%dma_start3A_46 : memref<10000x64xbf16, #tpu.memory_space<vmem_shared>>) target(%dma_start3A_42 : memref<128x64xbf16, #tpu.memory_space<vmem>>) offsets(%dma_start3A_43 : memref<128xi32, #tpu.memory_space<vmem>>) semaphore(%arg18 : memref<!tpu.dma_semaphore, #tpu.memory_space<semaphore_mem>>)
      %add3A_47 = arith.constant 128 : i32
      %add3A_48 = arith.addi %multiple_of3A_40, %add3A_47 : i32
      %dma_start3A_49 = arith.constant 128 : i32
      %dma_start3A_50 = arith.constant 0 : i32
      %dma_start3A_51 = tpu.memref_slice %arg7[%dma_start3A_49, %dma_start3A_50] : memref<200x64xbf16, #tpu.memory_space<vmem>> -> memref<72x64xbf16, #tpu.memory_space<vmem>>
      %dma_start3A_52 = tpu.memref_slice %arg5[%add3A_48] : memref<6400xi32, #tpu.memory_space<vmem>> -> memref<72xi32, #tpu.memory_space<vmem>>
      %dma_start3A_53 = arith.constant 0 : i32
      %dma_start3A_54 = arith.constant 0 : i32
      %dma_start3A_55 = tpu.memref_slice %arg17[%dma_start3A_53, %dma_start3A_54] : memref<10000x64xbf16, #tpu.memory_space<vmem_shared>> -> memref<10000x64xbf16, #tpu.memory_space<vmem_shared>>
      tpu.enqueue_indirect_dma source(%dma_start3A_55 : memref<10000x64xbf16, #tpu.memory_space<vmem_shared>>) target(%dma_start3A_51 : memref<72x64xbf16, #tpu.memory_space<vmem>>) offsets(%dma_start3A_52 : memref<72xi32, #tpu.memory_space<vmem>>) semaphore(%arg18 : memref<!tpu.dma_semaphore, #tpu.memory_space<semaphore_mem>>)
      %multiple_of3A_56 = arith.constant 200 : i32
      %multiple_of3A_57 = tpu.assume_multiple %multiple_of3A_56, 8 : i32
      %dma_start3A_58 = arith.constant 0 : i32
      %dma_start3A_59 = arith.constant 0 : i32
      %dma_start3A_60 = tpu.memref_slice %arg8[%dma_start3A_58, %dma_start3A_59] : memref<200x64xbf16, #tpu.memory_space<vmem>> -> memref<128x64xbf16, #tpu.memory_space<vmem>>
      %dma_start3A_61 = tpu.memref_slice %arg5[%multiple_of3A_57] : memref<6400xi32, #tpu.memory_space<vmem>> -> memref<128xi32, #tpu.memory_space<vmem>>
      %dma_start3A_62 = arith.constant 0 : i32
      %dma_start3A_63 = arith.constant 0 : i32
      %dma_start3A_64 = tpu.memref_slice %arg17[%dma_start3A_62, %dma_start3A_63] : memref<10000x64xbf16, #tpu.memory_space<vmem_shared>> -> memref<10000x64xbf16, #tpu.memory_space<vmem_shared>>
      tpu.enqueue_indirect_dma source(%dma_start3A_64 : memref<10000x64xbf16, #tpu.memory_space<vmem_shared>>) target(%dma_start3A_60 : memref<128x64xbf16, #tpu.memory_space<vmem>>) offsets(%dma_start3A_61 : memref<128xi32, #tpu.memory_space<vmem>>) semaphore(%arg19 : memref<!tpu.dma_semaphore, #tpu.memory_space<semaphore_mem>>)
      %add3A_65 = arith.constant 128 : i32
      %add3A_66 = arith.addi %multiple_of3A_57, %add3A_65 : i32
      %dma_start3A_67 = arith.constant 128 : i32
      %dma_start3A_68 = arith.constant 0 : i32
      %dma_start3A_69 = tpu.memref_slice %arg8[%dma_start3A_67, %dma_start3A_68] : memref<200x64xbf16, #tpu.memory_space<vmem>> -> memref<72x64xbf16, #tpu.memory_space<vmem>>
      %dma_start3A_70 = tpu.memref_slice %arg5[%add3A_66] : memref<6400xi32, #tpu.memory_space<vmem>> -> memref<72xi32, #tpu.memory_space<vmem>>
      %dma_start3A_71 = arith.constant 0 : i32
      %dma_start3A_72 = arith.constant 0 : i32
      %dma_start3A_73 = tpu.memref_slice %arg17[%dma_start3A_71, %dma_start3A_72] : memref<10000x64xbf16, #tpu.memory_space<vmem_shared>> -> memref<10000x64xbf16, #tpu.memory_space<vmem_shared>>
      tpu.enqueue_indirect_dma source(%dma_start3A_73 : memref<10000x64xbf16, #tpu.memory_space<vmem_shared>>) target(%dma_start3A_69 : memref<72x64xbf16, #tpu.memory_space<vmem>>) offsets(%dma_start3A_70 : memref<72xi32, #tpu.memory_space<vmem>>) semaphore(%arg19 : memref<!tpu.dma_semaphore, #tpu.memory_space<semaphore_mem>>)
      %multiple_of3A_74 = arith.constant 400 : i32
      %multiple_of3A_75 = tpu.assume_multiple %multiple_of3A_74, 8 : i32
      %dma_start3A_76 = arith.constant 0 : i32
      %dma_start3A_77 = arith.constant 0 : i32
      %dma_start3A_78 = tpu.memref_slice %arg9[%dma_start3A_76, %dma_start3A_77] : memref<200x64xbf16, #tpu.memory_space<vmem>> -> memref<128x64xbf16, #tpu.memory_space<vmem>>
      %dma_start3A_79 = tpu.memref_slice %arg5[%multiple_of3A_75] : memref<6400xi32, #tpu.memory_space<vmem>> -> memref<128xi32, #tpu.memory_space<vmem>>
      %dma_start3A_80 = arith.constant 0 : i32
      %dma_start3A_81 = arith.constant 0 : i32
      %dma_start3A_82 = tpu.memref_slice %arg17[%dma_start3A_80, %dma_start3A_81] : memref<10000x64xbf16, #tpu.memory_space<vmem_shared>> -> memref<10000x64xbf16, #tpu.memory_space<vmem_shared>>
      tpu.enqueue_indirect_dma source(%dma_start3A_82 : memref<10000x64xbf16, #tpu.memory_space<vmem_shared>>) target(%dma_start3A_78 : memref<128x64xbf16, #tpu.memory_space<vmem>>) offsets(%dma_start3A_79 : memref<128xi32, #tpu.memory_space<vmem>>) semaphore(%arg20 : memref<!tpu.dma_semaphore, #tpu.memory_space<semaphore_mem>>)
      %add3A_83 = arith.constant 128 : i32
      %add3A_84 = arith.addi %multiple_of3A_75, %add3A_83 : i32
      %dma_start3A_85 = arith.constant 128 : i32
      %dma_start3A_86 = arith.constant 0 : i32
      %dma_start3A_87 = tpu.memref_slice %arg9[%dma_start3A_85, %dma_start3A_86] : memref<200x64xbf16, #tpu.memory_space<vmem>> -> memref<72x64xbf16, #tpu.memory_space<vmem>>
      %dma_start3A_88 = tpu.memref_slice %arg5[%add3A_84] : memref<6400xi32, #tpu.memory_space<vmem>> -> memref<72xi32, #tpu.memory_space<vmem>>
      %dma_start3A_89 = arith.constant 0 : i32
      %dma_start3A_90 = arith.constant 0 : i32
      %dma_start3A_91 = tpu.memref_slice %arg17[%dma_start3A_89, %dma_start3A_90] : memref<10000x64xbf16, #tpu.memory_space<vmem_shared>> -> memref<10000x64xbf16, #tpu.memory_space<vmem_shared>>
      tpu.enqueue_indirect_dma source(%dma_start3A_91 : memref<10000x64xbf16, #tpu.memory_space<vmem_shared>>) target(%dma_start3A_87 : memref<72x64xbf16, #tpu.memory_space<vmem>>) offsets(%dma_start3A_88 : memref<72xi32, #tpu.memory_space<vmem>>) semaphore(%arg20 : memref<!tpu.dma_semaphore, #tpu.memory_space<semaphore_mem>>)
      %multiple_of3A_92 = arith.constant 600 : i32
      %multiple_of3A_93 = tpu.assume_multiple %multiple_of3A_92, 8 : i32
      %dma_start3A_94 = arith.constant 0 : i32
      %dma_start3A_95 = arith.constant 0 : i32
      %dma_start3A_96 = tpu.memref_slice %arg10[%dma_start3A_94, %dma_start3A_95] : memref<200x64xbf16, #tpu.memory_space<vmem>> -> memref<128x64xbf16, #tpu.memory_space<vmem>>
      %dma_start3A_97 = tpu.memref_slice %arg5[%multiple_of3A_93] : memref<6400xi32, #tpu.memory_space<vmem>> -> memref<128xi32, #tpu.memory_space<vmem>>
      %dma_start3A_98 = arith.constant 0 : i32
      %dma_start3A_99 = arith.constant 0 : i32
      %dma_start3A_100 = tpu.memref_slice %arg17[%dma_start3A_98, %dma_start3A_99] : memref<10000x64xbf16, #tpu.memory_space<vmem_shared>> -> memref<10000x64xbf16, #tpu.memory_space<vmem_shared>>
      tpu.enqueue_indirect_dma source(%dma_start3A_100 : memref<10000x64xbf16, #tpu.memory_space<vmem_shared>>) target(%dma_start3A_96 : memref<128x64xbf16, #tpu.memory_space<vmem>>) offsets(%dma_start3A_97 : memref<128xi32, #tpu.memory_space<vmem>>) semaphore(%arg21 : memref<!tpu.dma_semaphore, #tpu.memory_space<semaphore_mem>>)
      %add3A_101 = arith.constant 128 : i32
      %add3A_102 = arith.addi %multiple_of3A_93, %add3A_101 : i32
      %dma_start3A_103 = arith.constant 128 : i32
      %dma_start3A_104 = arith.constant 0 : i32
      %dma_start3A_105 = tpu.memref_slice %arg10[%dma_start3A_103, %dma_start3A_104] : memref<200x64xbf16, #tpu.memory_space<vmem>> -> memref<72x64xbf16, #tpu.memory_space<vmem>>
      %dma_start3A_106 = tpu.memref_slice %arg5[%add3A_102] : memref<6400xi32, #tpu.memory_space<vmem>> -> memref<72xi32, #tpu.memory_space<vmem>>
      %dma_start3A_107 = arith.constant 0 : i32
      %dma_start3A_108 = arith.constant 0 : i32
      %dma_start3A_109 = tpu.memref_slice %arg17[%dma_start3A_107, %dma_start3A_108] : memref<10000x64xbf16, #tpu.memory_space<vmem_shared>> -> memref<10000x64xbf16, #tpu.memory_space<vmem_shared>>
      tpu.enqueue_indirect_dma source(%dma_start3A_109 : memref<10000x64xbf16, #tpu.memory_space<vmem_shared>>) target(%dma_start3A_105 : memref<72x64xbf16, #tpu.memory_space<vmem>>) offsets(%dma_start3A_106 : memref<72xi32, #tpu.memory_space<vmem>>) semaphore(%arg21 : memref<!tpu.dma_semaphore, #tpu.memory_space<semaphore_mem>>)
      %multiple_of3A_110 = arith.constant 800 : i32
      %multiple_of3A_111 = tpu.assume_multiple %multiple_of3A_110, 8 : i32
      %dma_start3A_112 = arith.constant 0 : i32
      %dma_start3A_113 = arith.constant 0 : i32
      %dma_start3A_114 = tpu.memref_slice %arg11[%dma_start3A_112, %dma_start3A_113] : memref<200x64xbf16, #tpu.memory_space<vmem>> -> memref<128x64xbf16, #tpu.memory_space<vmem>>
      %dma_start3A_115 = tpu.memref_slice %arg5[%multiple_of3A_111] : memref<6400xi32, #tpu.memory_space<vmem>> -> memref<128xi32, #tpu.memory_space<vmem>>
      %dma_start3A_116 = arith.constant 0 : i32
      %dma_start3A_117 = arith.constant 0 : i32
      %dma_start3A_118 = tpu.memref_slice %arg17[%dma_start3A_116, %dma_start3A_117] : memref<10000x64xbf16, #tpu.memory_space<vmem_shared>> -> memref<10000x64xbf16, #tpu.memory_space<vmem_shared>>
      tpu.enqueue_indirect_dma source(%dma_start3A_118 : memref<10000x64xbf16, #tpu.memory_space<vmem_shared>>) target(%dma_start3A_114 : memref<128x64xbf16, #tpu.memory_space<vmem>>) offsets(%dma_start3A_115 : memref<128xi32, #tpu.memory_space<vmem>>) semaphore(%arg22 : memref<!tpu.dma_semaphore, #tpu.memory_space<semaphore_mem>>)
      %add3A_119 = arith.constant 128 : i32
      %add3A_120 = arith.addi %multiple_of3A_111, %add3A_119 : i32
      %dma_start3A_121 = arith.constant 128 : i32
      %dma_start3A_122 = arith.constant 0 : i32
      %dma_start3A_123 = tpu.memref_slice %arg11[%dma_start3A_121, %dma_start3A_122] : memref<200x64xbf16, #tpu.memory_space<vmem>> -> memref<72x64xbf16, #tpu.memory_space<vmem>>
      %dma_start3A_124 = tpu.memref_slice %arg5[%add3A_120] : memref<6400xi32, #tpu.memory_space<vmem>> -> memref<72xi32, #tpu.memory_space<vmem>>
      %dma_start3A_125 = arith.constant 0 : i32
      %dma_start3A_126 = arith.constant 0 : i32
      %dma_start3A_127 = tpu.memref_slice %arg17[%dma_start3A_125, %dma_start3A_126] : memref<10000x64xbf16, #tpu.memory_space<vmem_shared>> -> memref<10000x64xbf16, #tpu.memory_space<vmem_shared>>
      tpu.enqueue_indirect_dma source(%dma_start3A_127 : memref<10000x64xbf16, #tpu.memory_space<vmem_shared>>) target(%dma_start3A_123 : memref<72x64xbf16, #tpu.memory_space<vmem>>) offsets(%dma_start3A_124 : memref<72xi32, #tpu.memory_space<vmem>>) semaphore(%arg22 : memref<!tpu.dma_semaphore, #tpu.memory_space<semaphore_mem>>)
      %multiple_of3A_128 = arith.constant 1000 : i32
      %multiple_of3A_129 = tpu.assume_multiple %multiple_of3A_128, 8 : i32
      %dma_start3A_130 = arith.constant 0 : i32
      %dma_start3A_131 = arith.constant 0 : i32
      %dma_start3A_132 = tpu.memref_slice %arg12[%dma_start3A_130, %dma_start3A_131] : memref<200x64xbf16, #tpu.memory_space<vmem>> -> memref<128x64xbf16, #tpu.memory_space<vmem>>
      %dma_start3A_133 = tpu.memref_slice %arg5[%multiple_of3A_129] : memref<6400xi32, #tpu.memory_space<vmem>> -> memref<128xi32, #tpu.memory_space<vmem>>
      %dma_start3A_134 = arith.constant 0 : i32
      %dma_start3A_135 = arith.constant 0 : i32
      %dma_start3A_136 = tpu.memref_slice %arg17[%dma_start3A_134, %dma_start3A_135] : memref<10000x64xbf16, #tpu.memory_space<vmem_shared>> -> memref<10000x64xbf16, #tpu.memory_space<vmem_shared>>
      tpu.enqueue_indirect_dma source(%dma_start3A_136 : memref<10000x64xbf16, #tpu.memory_space<vmem_shared>>) target(%dma_start3A_132 : memref<128x64xbf16, #tpu.memory_space<vmem>>) offsets(%dma_start3A_133 : memref<128xi32, #tpu.memory_space<vmem>>) semaphore(%arg23 : memref<!tpu.dma_semaphore, #tpu.memory_space<semaphore_mem>>)
      %add3A_137 = arith.constant 128 : i32
      %add3A_138 = arith.addi %multiple_of3A_129, %add3A_137 : i32
      %dma_start3A_139 = arith.constant 128 : i32
      %dma_start3A_140 = arith.constant 0 : i32
      %dma_start3A_141 = tpu.memref_slice %arg12[%dma_start3A_139, %dma_start3A_140] : memref<200x64xbf16, #tpu.memory_space<vmem>> -> memref<72x64xbf16, #tpu.memory_space<vmem>>
      %dma_start3A_142 = tpu.memref_slice %arg5[%add3A_138] : memref<6400xi32, #tpu.memory_space<vmem>> -> memref<72xi32, #tpu.memory_space<vmem>>
      %dma_start3A_143 = arith.constant 0 : i32
      %dma_start3A_144 = arith.constant 0 : i32
      %dma_start3A_145 = tpu.memref_slice %arg17[%dma_start3A_143, %dma_start3A_144] : memref<10000x64xbf16, #tpu.memory_space<vmem_shared>> -> memref<10000x64xbf16, #tpu.memory_space<vmem_shared>>
      tpu.enqueue_indirect_dma source(%dma_start3A_145 : memref<10000x64xbf16, #tpu.memory_space<vmem_shared>>) target(%dma_start3A_141 : memref<72x64xbf16, #tpu.memory_space<vmem>>) offsets(%dma_start3A_142 : memref<72xi32, #tpu.memory_space<vmem>>) semaphore(%arg23 : memref<!tpu.dma_semaphore, #tpu.memory_space<semaphore_mem>>)
      %multiple_of3A_146 = arith.constant 1200 : i32
      %multiple_of3A_147 = tpu.assume_multiple %multiple_of3A_146, 8 : i32
      %dma_start3A_148 = arith.constant 0 : i32
      %dma_start3A_149 = arith.constant 0 : i32
      %dma_start3A_150 = tpu.memref_slice %arg13[%dma_start3A_148, %dma_start3A_149] : memref<200x64xbf16, #tpu.memory_space<vmem>> -> memref<128x64xbf16, #tpu.memory_space<vmem>>
      %dma_start3A_151 = tpu.memref_slice %arg5[%multiple_of3A_147] : memref<6400xi32, #tpu.memory_space<vmem>> -> memref<128xi32, #tpu.memory_space<vmem>>
      %dma_start3A_152 = arith.constant 0 : i32
      %dma_start3A_153 = arith.constant 0 : i32
      %dma_start3A_154 = tpu.memref_slice %arg17[%dma_start3A_152, %dma_start3A_153] : memref<10000x64xbf16, #tpu.memory_space<vmem_shared>> -> memref<10000x64xbf16, #tpu.memory_space<vmem_shared>>
      tpu.enqueue_indirect_dma source(%dma_start3A_154 : memref<10000x64xbf16, #tpu.memory_space<vmem_shared>>) target(%dma_start3A_150 : memref<128x64xbf16, #tpu.memory_space<vmem>>) offsets(%dma_start3A_151 : memref<128xi32, #tpu.memory_space<vmem>>) semaphore(%arg24 : memref<!tpu.dma_semaphore, #tpu.memory_space<semaphore_mem>>)
      %add3A_155 = arith.constant 128 : i32
      %add3A_156 = arith.addi %multiple_of3A_147, %add3A_155 : i32
      %dma_start3A_157 = arith.constant 128 : i32
      %dma_start3A_158 = arith.constant 0 : i32
      %dma_start3A_159 = tpu.memref_slice %arg13[%dma_start3A_157, %dma_start3A_158] : memref<200x64xbf16, #tpu.memory_space<vmem>> -> memref<72x64xbf16, #tpu.memory_space<vmem>>
      %dma_start3A_160 = tpu.memref_slice %arg5[%add3A_156] : memref<6400xi32, #tpu.memory_space<vmem>> -> memref<72xi32, #tpu.memory_space<vmem>>
      %dma_start3A_161 = arith.constant 0 : i32
      %dma_start3A_162 = arith.constant 0 : i32
      %dma_start3A_163 = tpu.memref_slice %arg17[%dma_start3A_161, %dma_start3A_162] : memref<10000x64xbf16, #tpu.memory_space<vmem_shared>> -> memref<10000x64xbf16, #tpu.memory_space<vmem_shared>>
      tpu.enqueue_indirect_dma source(%dma_start3A_163 : memref<10000x64xbf16, #tpu.memory_space<vmem_shared>>) target(%dma_start3A_159 : memref<72x64xbf16, #tpu.memory_space<vmem>>) offsets(%dma_start3A_160 : memref<72xi32, #tpu.memory_space<vmem>>) semaphore(%arg24 : memref<!tpu.dma_semaphore, #tpu.memory_space<semaphore_mem>>)
      %scan3A_164 = arith.constant 0 : i32
      %scan3A_165 = arith.constant 0 : i32
      %scan3A_166 = arith.constant 4 : i32
      %scan3A_167 = arith.addi %scan3A_165, %scan3A_166 : i32
      %scan3A_168 = arith.constant 1 : i32
      scf.for %scan3A_341 = %scan3A_165 to %scan3A_167 step %scan3A_168  : i32 {
        %mul3A_342 = arith.constant 8 : i32
        %mul3A_343 = arith.muli %scan3A_341, %mul3A_342 : i32
        %add3A_344 = arith.constant 0 : i32
        %add3A_345 = arith.addi %mul3A_343, %add3A_344 : i32
        %dma_wait3A_346 = arith.constant 0 : i32
        %dma_wait3A_347 = arith.constant 0 : i32
        %dma_wait3A_348 = tpu.memref_slice %arg3[%dma_wait3A_346, %dma_wait3A_347] : memref<10000x64xbf16, #tpu.memory_space<hbm>> -> memref<200x64xbf16, #tpu.memory_space<hbm>>
        %dma_wait3A_349 = arith.constant 0 : i32
        %dma_wait3A_350 = arith.constant 0 : i32
        %dma_wait3A_351 = tpu.memref_slice %arg3[%dma_wait3A_349, %dma_wait3A_350] : memref<10000x64xbf16, #tpu.memory_space<hbm>> -> memref<200x64xbf16, #tpu.memory_space<hbm>>
        tpu.wait_dma2 semaphore(%arg18 : memref<!tpu.dma_semaphore, #tpu.memory_space<semaphore_mem>>) src(%dma_wait3A_351 : memref<200x64xbf16, #tpu.memory_space<hbm>>) dst(%arg7 : memref<200x64xbf16, #tpu.memory_space<vmem>>)
        %broadcast_in_dim3A = arith.constant 0.000000e+00 : f32
        %broadcast_in_dim3A_352 = vector.broadcast %broadcast_in_dim3A : f32 to vector<16xf32>
        %parallel_loop3A = arith.constant 0 : i32
        %parallel_loop3A_353 = arith.constant 200 : i32
        %parallel_loop3A_354 = arith.constant 1 : i32
        %parallel_loop3A_355:4 = scf.for %parallel_loop3A_730 = %parallel_loop3A to %parallel_loop3A_353 step %parallel_loop3A_354 iter_args(%parallel_loop3A_731 = %broadcast_in_dim3A_352, %parallel_loop3A_732 = %broadcast_in_dim3A_352, %parallel_loop3A_733 = %broadcast_in_dim3A_352, %parallel_loop3A_734 = %broadcast_in_dim3A_352) -> (vector<16xf32>, vector<16xf32>, vector<16xf32>, vector<16xf32>)  : i32 {
          %parallel_loop3A_735 = arith.index_cast %parallel_loop3A_730 : i32 to index
          %parallel_loop3A_736 = arith.constant 0 : index
          %parallel_loop3A_737 = tpu.vector_load %arg7[%parallel_loop3A_735, %parallel_loop3A_736] {strides = array<i32>} : memref<200x64xbf16, #tpu.memory_space<vmem>>, vector<32xbf16>,
          %parallel_loop3A_738 = tpu.unpack_subelements %parallel_loop3A_737, 0 {pack_format = #tpu.pack_format<interleaved>} : vector<32xbf16> -> vector<16xf32>
          %parallel_loop3A_739 = tpu.unpack_subelements %parallel_loop3A_737, 1 {pack_format = #tpu.pack_format<interleaved>} : vector<32xbf16> -> vector<16xf32>
          %parallel_loop3A_740 = arith.index_cast %parallel_loop3A_730 : i32 to index
          %parallel_loop3A_741 = arith.constant 32 : index
          %parallel_loop3A_742 = tpu.vector_load %arg7[%parallel_loop3A_740, %parallel_loop3A_741] {strides = array<i32>} : memref<200x64xbf16, #tpu.memory_space<vmem>>, vector<32xbf16>,
          %parallel_loop3A_743 = tpu.unpack_subelements %parallel_loop3A_742, 0 {pack_format = #tpu.pack_format<interleaved>} : vector<32xbf16> -> vector<16xf32>
          %parallel_loop3A_744 = tpu.unpack_subelements %parallel_loop3A_742, 1 {pack_format = #tpu.pack_format<interleaved>} : vector<32xbf16> -> vector<16xf32>
          %parallel_loop3A_745 = arith.addf %parallel_loop3A_731, %parallel_loop3A_738 : vector<16xf32>
          %parallel_loop3A_746 = arith.addf %parallel_loop3A_732, %parallel_loop3A_739 : vector<16xf32>
          %parallel_loop3A_747 = arith.addf %parallel_loop3A_733, %parallel_loop3A_743 : vector<16xf32>
          %parallel_loop3A_748 = arith.addf %parallel_loop3A_734, %parallel_loop3A_744 : vector<16xf32>
          scf.yield %parallel_loop3A_745, %parallel_loop3A_746, %parallel_loop3A_747, %parallel_loop3A_748 : vector<16xf32>, vector<16xf32>, vector<16xf32>, vector<16xf32>
        } {sc.loop_unroll_factor = 8 : i64, sc.parallel_access}
        %mul3A_356 = arith.constant 5.000000e-03 : f32
        %mul3A_357 = vector.broadcast %mul3A_356 : f32 to vector<16xf32>
        %mul3A_358 = arith.mulf %parallel_loop3A_355#0, %mul3A_357 : vector<16xf32>
        %swap3A = arith.index_cast %add3A_345 : i32 to index
        %swap3A_359 = arith.constant 0 : index
        %swap3A_360 = tpu.vector_load %arg15[%swap3A, %swap3A_359] {strides = array<i32>} : memref<32x64xf32, #tpu.memory_space<vmem>>, vector<16xf32>,
        tpu.vector_store %arg15[%swap3A, %swap3A_359], %mul3A_358 {strides = array<i32>} : memref<32x64xf32, #tpu.memory_space<vmem>>, vector<16xf32>,
        %mul3A_361 = arith.constant 5.000000e-03 : f32
        %mul3A_362 = vector.broadcast %mul3A_361 : f32 to vector<16xf32>
        %mul3A_363 = arith.mulf %parallel_loop3A_355#1, %mul3A_362 : vector<16xf32>
        %swap3A_364 = arith.index_cast %add3A_345 : i32 to index
        %swap3A_365 = arith.constant 16 : index
        %swap3A_366 = tpu.vector_load %arg15[%swap3A_364, %swap3A_365] {strides = array<i32>} : memref<32x64xf32, #tpu.memory_space<vmem>>, vector<16xf32>,
        tpu.vector_store %arg15[%swap3A_364, %swap3A_365], %mul3A_363 {strides = array<i32>} : memref<32x64xf32, #tpu.memory_space<vmem>>, vector<16xf32>,
        %mul3A_367 = arith.constant 5.000000e-03 : f32
        %mul3A_368 = vector.broadcast %mul3A_367 : f32 to vector<16xf32>
        %mul3A_369 = arith.mulf %parallel_loop3A_355#2, %mul3A_368 : vector<16xf32>
        %swap3A_370 = arith.index_cast %add3A_345 : i32 to index
        %swap3A_371 = arith.constant 32 : index
        %swap3A_372 = tpu.vector_load %arg15[%swap3A_370, %swap3A_371] {strides = array<i32>} : memref<32x64xf32, #tpu.memory_space<vmem>>, vector<16xf32>,
        tpu.vector_store %arg15[%swap3A_370, %swap3A_371], %mul3A_369 {strides = array<i32>} : memref<32x64xf32, #tpu.memory_space<vmem>>, vector<16xf32>,
        %mul3A_373 = arith.constant 5.000000e-03 : f32
        %mul3A_374 = vector.broadcast %mul3A_373 : f32 to vector<16xf32>
        %mul3A_375 = arith.mulf %parallel_loop3A_355#3, %mul3A_374 : vector<16xf32>
        %swap3A_376 = arith.index_cast %add3A_345 : i32 to index
        %swap3A_377 = arith.constant 48 : index
        %swap3A_378 = tpu.vector_load %arg15[%swap3A_376, %swap3A_377] {strides = array<i32>} : memref<32x64xf32, #tpu.memory_space<vmem>>, vector<16xf32>,
        tpu.vector_store %arg15[%swap3A_376, %swap3A_377], %mul3A_375 {strides = array<i32>} : memref<32x64xf32, #tpu.memory_space<vmem>>, vector<16xf32>,
        %add3A_379 = arith.constant 8 : i32
        %add3A_380 = arith.addi %add3A_345, %add3A_379 : i32
        %sub3A = arith.constant 1 : i32
        %sub3A_381 = arith.subi %add3A_380, %sub3A : i32
        %lt3A_382 = arith.constant 32 : i32
        %lt3A_383 = arith.cmpi slt, %sub3A_381, %lt3A_382 : i32
        %convert_element_type3A_384 = arith.extui %lt3A_383 : i1 to i32
        %cond3A_385 = arith.constant 0 : i32
        %cond3A_386 = arith.cmpi ne, %convert_element_type3A_384, %cond3A_385 : i32
        scf.if %cond3A_386 {
          %mul3A_730 = arith.constant 200 : i32
          %mul3A_731 = arith.muli %sub3A_381, %mul3A_730 : i32
          %multiple_of3A_732 = tpu.assume_multiple %mul3A_731, 8 : i32
          %dma_start3A_733 = arith.constant 0 : i32
          %dma_start3A_734 = arith.constant 0 : i32
          %dma_start3A_735 = tpu.memref_slice %arg14[%dma_start3A_733, %dma_start3A_734] : memref<200x64xbf16, #tpu.memory_space<vmem>> -> memref<128x64xbf16, #tpu.memory_space<vmem>>
          %dma_start3A_736 = tpu.memref_slice %arg5[%multiple_of3A_732] : memref<6400xi32, #tpu.memory_space<vmem>> -> memref<128xi32, #tpu.memory_space<vmem>>
          %dma_start3A_737 = arith.constant 0 : i32
          %dma_start3A_738 = arith.constant 0 : i32
          %dma_start3A_739 = tpu.memref_slice %arg17[%dma_start3A_737, %dma_start3A_738] : memref<10000x64xbf16, #tpu.memory_space<vmem_shared>> -> memref<10000x64xbf16, #tpu.memory_space<vmem_shared>>
          tpu.enqueue_indirect_dma source(%dma_start3A_739 : memref<10000x64xbf16, #tpu.memory_space<vmem_shared>>) target(%dma_start3A_735 : memref<128x64xbf16, #tpu.memory_space<vmem>>) offsets(%dma_start3A_736 : memref<128xi32, #tpu.memory_space<vmem>>) semaphore(%arg25 : memref<!tpu.dma_semaphore, #tpu.memory_space<semaphore_mem>>)
          %add3A_740 = arith.constant 128 : i32
          %add3A_741 = arith.addi %multiple_of3A_732, %add3A_740 : i32
          %dma_start3A_742 = arith.constant 128 : i32
          %dma_start3A_743 = arith.constant 0 : i32
          %dma_start3A_744 = tpu.memref_slice %arg14[%dma_start3A_742, %dma_start3A_743] : memref<200x64xbf16, #tpu.memory_space<vmem>> -> memref<72x64xbf16, #tpu.memory_space<vmem>>
          %dma_start3A_745 = tpu.memref_slice %arg5[%add3A_741] : memref<6400xi32, #tpu.memory_space<vmem>> -> memref<72xi32, #tpu.memory_space<vmem>>
          %dma_start3A_746 = arith.constant 0 : i32
          %dma_start3A_747 = arith.constant 0 : i32
          %dma_start3A_748 = tpu.memref_slice %arg17[%dma_start3A_746, %dma_start3A_747] : memref<10000x64xbf16, #tpu.memory_space<vmem_shared>> -> memref<10000x64xbf16, #tpu.memory_space<vmem_shared>>
          tpu.enqueue_indirect_dma source(%dma_start3A_748 : memref<10000x64xbf16, #tpu.memory_space<vmem_shared>>) target(%dma_start3A_744 : memref<72x64xbf16, #tpu.memory_space<vmem>>) offsets(%dma_start3A_745 : memref<72xi32, #tpu.memory_space<vmem>>) semaphore(%arg25 : memref<!tpu.dma_semaphore, #tpu.memory_space<semaphore_mem>>)
        } else {
        }
        %mul3A_387 = arith.constant 8 : i32
        %mul3A_388 = arith.muli %scan3A_341, %mul3A_387 : i32
        %add3A_389 = arith.constant 1 : i32
        %add3A_390 = arith.addi %mul3A_388, %add3A_389 : i32
        %dma_wait3A_391 = arith.constant 0 : i32
        %dma_wait3A_392 = arith.constant 0 : i32
        %dma_wait3A_393 = tpu.memref_slice %arg3[%dma_wait3A_391, %dma_wait3A_392] : memref<10000x64xbf16, #tpu.memory_space<hbm>> -> memref<200x64xbf16, #tpu.memory_space<hbm>>
        %dma_wait3A_394 = arith.constant 0 : i32
        %dma_wait3A_395 = arith.constant 0 : i32
        %dma_wait3A_396 = tpu.memref_slice %arg3[%dma_wait3A_394, %dma_wait3A_395] : memref<10000x64xbf16, #tpu.memory_space<hbm>> -> memref<200x64xbf16, #tpu.memory_space<hbm>>
        tpu.wait_dma2 semaphore(%arg19 : memref<!tpu.dma_semaphore, #tpu.memory_space<semaphore_mem>>) src(%dma_wait3A_396 : memref<200x64xbf16, #tpu.memory_space<hbm>>) dst(%arg8 : memref<200x64xbf16, #tpu.memory_space<vmem>>)
        %broadcast_in_dim3A_397 = arith.constant 0.000000e+00 : f32
        %broadcast_in_dim3A_398 = vector.broadcast %broadcast_in_dim3A_397 : f32 to vector<16xf32>
        %parallel_loop3A_399 = arith.constant 0 : i32
        %parallel_loop3A_400 = arith.constant 200 : i32
        %parallel_loop3A_401 = arith.constant 1 : i32
        %parallel_loop3A_402:4 = scf.for %parallel_loop3A_730 = %parallel_loop3A_399 to %parallel_loop3A_400 step %parallel_loop3A_401 iter_args(%parallel_loop3A_731 = %broadcast_in_dim3A_398, %parallel_loop3A_732 = %broadcast_in_dim3A_398, %parallel_loop3A_733 = %broadcast_in_dim3A_398, %parallel_loop3A_734 = %broadcast_in_dim3A_398) -> (vector<16xf32>, vector<16xf32>, vector<16xf32>, vector<16xf32>)  : i32 {
          %parallel_loop3A_735 = arith.index_cast %parallel_loop3A_730 : i32 to index
          %parallel_loop3A_736 = arith.constant 0 : index
          %parallel_loop3A_737 = tpu.vector_load %arg8[%parallel_loop3A_735, %parallel_loop3A_736] {strides = array<i32>} : memref<200x64xbf16, #tpu.memory_space<vmem>>, vector<32xbf16>,
          %parallel_loop3A_738 = tpu.unpack_subelements %parallel_loop3A_737, 0 {pack_format = #tpu.pack_format<interleaved>} : vector<32xbf16> -> vector<16xf32>
          %parallel_loop3A_739 = tpu.unpack_subelements %parallel_loop3A_737, 1 {pack_format = #tpu.pack_format<interleaved>} : vector<32xbf16> -> vector<16xf32>
          %parallel_loop3A_740 = arith.index_cast %parallel_loop3A_730 : i32 to index
          %parallel_loop3A_741 = arith.constant 32 : index
          %parallel_loop3A_742 = tpu.vector_load %arg8[%parallel_loop3A_740, %parallel_loop3A_741] {strides = array<i32>} : memref<200x64xbf16, #tpu.memory_space<vmem>>, vector<32xbf16>,
          %parallel_loop3A_743 = tpu.unpack_subelements %parallel_loop3A_742, 0 {pack_format = #tpu.pack_format<interleaved>} : vector<32xbf16> -> vector<16xf32>
          %parallel_loop3A_744 = tpu.unpack_subelements %parallel_loop3A_742, 1 {pack_format = #tpu.pack_format<interleaved>} : vector<32xbf16> -> vector<16xf32>
          %parallel_loop3A_745 = arith.addf %parallel_loop3A_731, %parallel_loop3A_738 : vector<16xf32>
          %parallel_loop3A_746 = arith.addf %parallel_loop3A_732, %parallel_loop3A_739 : vector<16xf32>
          %parallel_loop3A_747 = arith.addf %parallel_loop3A_733, %parallel_loop3A_743 : vector<16xf32>
          %parallel_loop3A_748 = arith.addf %parallel_loop3A_734, %parallel_loop3A_744 : vector<16xf32>
          scf.yield %parallel_loop3A_745, %parallel_loop3A_746, %parallel_loop3A_747, %parallel_loop3A_748 : vector<16xf32>, vector<16xf32>, vector<16xf32>, vector<16xf32>
        } {sc.loop_unroll_factor = 8 : i64, sc.parallel_access}
        %mul3A_403 = arith.constant 5.000000e-03 : f32
        %mul3A_404 = vector.broadcast %mul3A_403 : f32 to vector<16xf32>
        %mul3A_405 = arith.mulf %parallel_loop3A_402#0, %mul3A_404 : vector<16xf32>
        %swap3A_406 = arith.index_cast %add3A_390 : i32 to index
        %swap3A_407 = arith.constant 0 : index
        %swap3A_408 = tpu.vector_load %arg15[%swap3A_406, %swap3A_407] {strides = array<i32>} : memref<32x64xf32, #tpu.memory_space<vmem>>, vector<16xf32>,
        tpu.vector_store %arg15[%swap3A_406, %swap3A_407], %mul3A_405 {strides = array<i32>} : memref<32x64xf32, #tpu.memory_space<vmem>>, vector<16xf32>,
        %mul3A_409 = arith.constant 5.000000e-03 : f32
        %mul3A_410 = vector.broadcast %mul3A_409 : f32 to vector<16xf32>
        %mul3A_411 = arith.mulf %parallel_loop3A_402#1, %mul3A_410 : vector<16xf32>
        %swap3A_412 = arith.index_cast %add3A_390 : i32 to index
        %swap3A_413 = arith.constant 16 : index
        %swap3A_414 = tpu.vector_load %arg15[%swap3A_412, %swap3A_413] {strides = array<i32>} : memref<32x64xf32, #tpu.memory_space<vmem>>, vector<16xf32>,
        tpu.vector_store %arg15[%swap3A_412, %swap3A_413], %mul3A_411 {strides = array<i32>} : memref<32x64xf32, #tpu.memory_space<vmem>>, vector<16xf32>,
        %mul3A_415 = arith.constant 5.000000e-03 : f32
        %mul3A_416 = vector.broadcast %mul3A_415 : f32 to vector<16xf32>
        %mul3A_417 = arith.mulf %parallel_loop3A_402#2, %mul3A_416 : vector<16xf32>
        %swap3A_418 = arith.index_cast %add3A_390 : i32 to index
        %swap3A_419 = arith.constant 32 : index
        %swap3A_420 = tpu.vector_load %arg15[%swap3A_418, %swap3A_419] {strides = array<i32>} : memref<32x64xf32, #tpu.memory_space<vmem>>, vector<16xf32>,
        tpu.vector_store %arg15[%swap3A_418, %swap3A_419], %mul3A_417 {strides = array<i32>} : memref<32x64xf32, #tpu.memory_space<vmem>>, vector<16xf32>,
        %mul3A_421 = arith.constant 5.000000e-03 : f32
        %mul3A_422 = vector.broadcast %mul3A_421 : f32 to vector<16xf32>
        %mul3A_423 = arith.mulf %parallel_loop3A_402#3, %mul3A_422 : vector<16xf32>
        %swap3A_424 = arith.index_cast %add3A_390 : i32 to index
        %swap3A_425 = arith.constant 48 : index
        %swap3A_426 = tpu.vector_load %arg15[%swap3A_424, %swap3A_425] {strides = array<i32>} : memref<32x64xf32, #tpu.memory_space<vmem>>, vector<16xf32>,
        tpu.vector_store %arg15[%swap3A_424, %swap3A_425], %mul3A_423 {strides = array<i32>} : memref<32x64xf32, #tpu.memory_space<vmem>>, vector<16xf32>,
        %add3A_427 = arith.constant 8 : i32
        %add3A_428 = arith.addi %add3A_390, %add3A_427 : i32
        %sub3A_429 = arith.constant 1 : i32
        %sub3A_430 = arith.subi %add3A_428, %sub3A_429 : i32
        %lt3A_431 = arith.constant 32 : i32
        %lt3A_432 = arith.cmpi slt, %sub3A_430, %lt3A_431 : i32
        %convert_element_type3A_433 = arith.extui %lt3A_432 : i1 to i32
        %cond3A_434 = arith.constant 0 : i32
        %cond3A_435 = arith.cmpi ne, %convert_element_type3A_433, %cond3A_434 : i32
        scf.if %cond3A_435 {
          %mul3A_730 = arith.constant 200 : i32
          %mul3A_731 = arith.muli %sub3A_430, %mul3A_730 : i32
          %multiple_of3A_732 = tpu.assume_multiple %mul3A_731, 8 : i32
          %dma_start3A_733 = arith.constant 0 : i32
          %dma_start3A_734 = arith.constant 0 : i32
          %dma_start3A_735 = tpu.memref_slice %arg7[%dma_start3A_733, %dma_start3A_734] : memref<200x64xbf16, #tpu.memory_space<vmem>> -> memref<128x64xbf16, #tpu.memory_space<vmem>>
          %dma_start3A_736 = tpu.memref_slice %arg5[%multiple_of3A_732] : memref<6400xi32, #tpu.memory_space<vmem>> -> memref<128xi32, #tpu.memory_space<vmem>>
          %dma_start3A_737 = arith.constant 0 : i32
          %dma_start3A_738 = arith.constant 0 : i32
          %dma_start3A_739 = tpu.memref_slice %arg17[%dma_start3A_737, %dma_start3A_738] : memref<10000x64xbf16, #tpu.memory_space<vmem_shared>> -> memref<10000x64xbf16, #tpu.memory_space<vmem_shared>>
          tpu.enqueue_indirect_dma source(%dma_start3A_739 : memref<10000x64xbf16, #tpu.memory_space<vmem_shared>>) target(%dma_start3A_735 : memref<128x64xbf16, #tpu.memory_space<vmem>>) offsets(%dma_start3A_736 : memref<128xi32, #tpu.memory_space<vmem>>) semaphore(%arg18 : memref<!tpu.dma_semaphore, #tpu.memory_space<semaphore_mem>>)
          %add3A_740 = arith.constant 128 : i32
          %add3A_741 = arith.addi %multiple_of3A_732, %add3A_740 : i32
          %dma_start3A_742 = arith.constant 128 : i32
          %dma_start3A_743 = arith.constant 0 : i32
          %dma_start3A_744 = tpu.memref_slice %arg7[%dma_start3A_742, %dma_start3A_743] : memref<200x64xbf16, #tpu.memory_space<vmem>> -> memref<72x64xbf16, #tpu.memory_space<vmem>>
          %dma_start3A_745 = tpu.memref_slice %arg5[%add3A_741] : memref<6400xi32, #tpu.memory_space<vmem>> -> memref<72xi32, #tpu.memory_space<vmem>>
          %dma_start3A_746 = arith.constant 0 : i32
          %dma_start3A_747 = arith.constant 0 : i32
          %dma_start3A_748 = tpu.memref_slice %arg17[%dma_start3A_746, %dma_start3A_747] : memref<10000x64xbf16, #tpu.memory_space<vmem_shared>> -> memref<10000x64xbf16, #tpu.memory_space<vmem_shared>>
          tpu.enqueue_indirect_dma source(%dma_start3A_748 : memref<10000x64xbf16, #tpu.memory_space<vmem_shared>>) target(%dma_start3A_744 : memref<72x64xbf16, #tpu.memory_space<vmem>>) offsets(%dma_start3A_745 : memref<72xi32, #tpu.memory_space<vmem>>) semaphore(%arg18 : memref<!tpu.dma_semaphore, #tpu.memory_space<semaphore_mem>>)
        } else {
        }
        %mul3A_436 = arith.constant 8 : i32
        %mul3A_437 = arith.muli %scan3A_341, %mul3A_436 : i32
        %add3A_438 = arith.constant 2 : i32
        %add3A_439 = arith.addi %mul3A_437, %add3A_438 : i32
        %dma_wait3A_440 = arith.constant 0 : i32
        %dma_wait3A_441 = arith.constant 0 : i32
        %dma_wait3A_442 = tpu.memref_slice %arg3[%dma_wait3A_440, %dma_wait3A_441] : memref<10000x64xbf16, #tpu.memory_space<hbm>> -> memref<200x64xbf16, #tpu.memory_space<hbm>>
        %dma_wait3A_443 = arith.constant 0 : i32
        %dma_wait3A_444 = arith.constant 0 : i32
        %dma_wait3A_445 = tpu.memref_slice %arg3[%dma_wait3A_443, %dma_wait3A_444] : memref<10000x64xbf16, #tpu.memory_space<hbm>> -> memref<200x64xbf16, #tpu.memory_space<hbm>>
        tpu.wait_dma2 semaphore(%arg20 : memref<!tpu.dma_semaphore, #tpu.memory_space<semaphore_mem>>) src(%dma_wait3A_445 : memref<200x64xbf16, #tpu.memory_space<hbm>>) dst(%arg9 : memref<200x64xbf16, #tpu.memory_space<vmem>>)
        %broadcast_in_dim3A_446 = arith.constant 0.000000e+00 : f32
        %broadcast_in_dim3A_447 = vector.broadcast %broadcast_in_dim3A_446 : f32 to vector<16xf32>
        %parallel_loop3A_448 = arith.constant 0 : i32
        %parallel_loop3A_449 = arith.constant 200 : i32
        %parallel_loop3A_450 = arith.constant 1 : i32
        %parallel_loop3A_451:4 = scf.for %parallel_loop3A_730 = %parallel_loop3A_448 to %parallel_loop3A_449 step %parallel_loop3A_450 iter_args(%parallel_loop3A_731 = %broadcast_in_dim3A_447, %parallel_loop3A_732 = %broadcast_in_dim3A_447, %parallel_loop3A_733 = %broadcast_in_dim3A_447, %parallel_loop3A_734 = %broadcast_in_dim3A_447) -> (vector<16xf32>, vector<16xf32>, vector<16xf32>, vector<16xf32>)  : i32 {
          %parallel_loop3A_735 = arith.index_cast %parallel_loop3A_730 : i32 to index
          %parallel_loop3A_736 = arith.constant 0 : index
          %parallel_loop3A_737 = tpu.vector_load %arg9[%parallel_loop3A_735, %parallel_loop3A_736] {strides = array<i32>} : memref<200x64xbf16, #tpu.memory_space<vmem>>, vector<32xbf16>,
          %parallel_loop3A_738 = tpu.unpack_subelements %parallel_loop3A_737, 0 {pack_format = #tpu.pack_format<interleaved>} : vector<32xbf16> -> vector<16xf32>
          %parallel_loop3A_739 = tpu.unpack_subelements %parallel_loop3A_737, 1 {pack_format = #tpu.pack_format<interleaved>} : vector<32xbf16> -> vector<16xf32>
          %parallel_loop3A_740 = arith.index_cast %parallel_loop3A_730 : i32 to index
          %parallel_loop3A_741 = arith.constant 32 : index
          %parallel_loop3A_742 = tpu.vector_load %arg9[%parallel_loop3A_740, %parallel_loop3A_741] {strides = array<i32>} : memref<200x64xbf16, #tpu.memory_space<vmem>>, vector<32xbf16>,
          %parallel_loop3A_743 = tpu.unpack_subelements %parallel_loop3A_742, 0 {pack_format = #tpu.pack_format<interleaved>} : vector<32xbf16> -> vector<16xf32>
          %parallel_loop3A_744 = tpu.unpack_subelements %parallel_loop3A_742, 1 {pack_format = #tpu.pack_format<interleaved>} : vector<32xbf16> -> vector<16xf32>
          %parallel_loop3A_745 = arith.addf %parallel_loop3A_731, %parallel_loop3A_738 : vector<16xf32>
          %parallel_loop3A_746 = arith.addf %parallel_loop3A_732, %parallel_loop3A_739 : vector<16xf32>
          %parallel_loop3A_747 = arith.addf %parallel_loop3A_733, %parallel_loop3A_743 : vector<16xf32>
          %parallel_loop3A_748 = arith.addf %parallel_loop3A_734, %parallel_loop3A_744 : vector<16xf32>
          scf.yield %parallel_loop3A_745, %parallel_loop3A_746, %parallel_loop3A_747, %parallel_loop3A_748 : vector<16xf32>, vector<16xf32>, vector<16xf32>, vector<16xf32>
        } {sc.loop_unroll_factor = 8 : i64, sc.parallel_access}
        %mul3A_452 = arith.constant 5.000000e-03 : f32
        %mul3A_453 = vector.broadcast %mul3A_452 : f32 to vector<16xf32>
        %mul3A_454 = arith.mulf %parallel_loop3A_451#0, %mul3A_453 : vector<16xf32>
        %swap3A_455 = arith.index_cast %add3A_439 : i32 to index
        %swap3A_456 = arith.constant 0 : index
        %swap3A_457 = tpu.vector_load %arg15[%swap3A_455, %swap3A_456] {strides = array<i32>} : memref<32x64xf32, #tpu.memory_space<vmem>>, vector<16xf32>,
        tpu.vector_store %arg15[%swap3A_455, %swap3A_456], %mul3A_454 {strides = array<i32>} : memref<32x64xf32, #tpu.memory_space<vmem>>, vector<16xf32>,
        %mul3A_458 = arith.constant 5.000000e-03 : f32
        %mul3A_459 = vector.broadcast %mul3A_458 : f32 to vector<16xf32>
        %mul3A_460 = arith.mulf %parallel_loop3A_451#1, %mul3A_459 : vector<16xf32>
        %swap3A_461 = arith.index_cast %add3A_439 : i32 to index
        %swap3A_462 = arith.constant 16 : index
        %swap3A_463 = tpu.vector_load %arg15[%swap3A_461, %swap3A_462] {strides = array<i32>} : memref<32x64xf32, #tpu.memory_space<vmem>>, vector<16xf32>,
        tpu.vector_store %arg15[%swap3A_461, %swap3A_462], %mul3A_460 {strides = array<i32>} : memref<32x64xf32, #tpu.memory_space<vmem>>, vector<16xf32>,
        %mul3A_464 = arith.constant 5.000000e-03 : f32
        %mul3A_465 = vector.broadcast %mul3A_464 : f32 to vector<16xf32>
        %mul3A_466 = arith.mulf %parallel_loop3A_451#2, %mul3A_465 : vector<16xf32>
        %swap3A_467 = arith.index_cast %add3A_439 : i32 to index
        %swap3A_468 = arith.constant 32 : index
        %swap3A_469 = tpu.vector_load %arg15[%swap3A_467, %swap3A_468] {strides = array<i32>} : memref<32x64xf32, #tpu.memory_space<vmem>>, vector<16xf32>,
        tpu.vector_store %arg15[%swap3A_467, %swap3A_468], %mul3A_466 {strides = array<i32>} : memref<32x64xf32, #tpu.memory_space<vmem>>, vector<16xf32>,
        %mul3A_470 = arith.constant 5.000000e-03 : f32
        %mul3A_471 = vector.broadcast %mul3A_470 : f32 to vector<16xf32>
        %mul3A_472 = arith.mulf %parallel_loop3A_451#3, %mul3A_471 : vector<16xf32>
        %swap3A_473 = arith.index_cast %add3A_439 : i32 to index
        %swap3A_474 = arith.constant 48 : index
        %swap3A_475 = tpu.vector_load %arg15[%swap3A_473, %swap3A_474] {strides = array<i32>} : memref<32x64xf32, #tpu.memory_space<vmem>>, vector<16xf32>,
        tpu.vector_store %arg15[%swap3A_473, %swap3A_474], %mul3A_472 {strides = array<i32>} : memref<32x64xf32, #tpu.memory_space<vmem>>, vector<16xf32>,
        %add3A_476 = arith.constant 8 : i32
        %add3A_477 = arith.addi %add3A_439, %add3A_476 : i32
        %sub3A_478 = arith.constant 1 : i32
        %sub3A_479 = arith.subi %add3A_477, %sub3A_478 : i32
        %lt3A_480 = arith.constant 32 : i32
        %lt3A_481 = arith.cmpi slt, %sub3A_479, %lt3A_480 : i32
        %convert_element_type3A_482 = arith.extui %lt3A_481 : i1 to i32
        %cond3A_483 = arith.constant 0 : i32
        %cond3A_484 = arith.cmpi ne, %convert_element_type3A_482, %cond3A_483 : i32
        scf.if %cond3A_484 {
          %mul3A_730 = arith.constant 200 : i32
          %mul3A_731 = arith.muli %sub3A_479, %mul3A_730 : i32
          %multiple_of3A_732 = tpu.assume_multiple %mul3A_731, 8 : i32
          %dma_start3A_733 = arith.constant 0 : i32
          %dma_start3A_734 = arith.constant 0 : i32
          %dma_start3A_735 = tpu.memref_slice %arg8[%dma_start3A_733, %dma_start3A_734] : memref<200x64xbf16, #tpu.memory_space<vmem>> -> memref<128x64xbf16, #tpu.memory_space<vmem>>
          %dma_start3A_736 = tpu.memref_slice %arg5[%multiple_of3A_732] : memref<6400xi32, #tpu.memory_space<vmem>> -> memref<128xi32, #tpu.memory_space<vmem>>
          %dma_start3A_737 = arith.constant 0 : i32
          %dma_start3A_738 = arith.constant 0 : i32
          %dma_start3A_739 = tpu.memref_slice %arg17[%dma_start3A_737, %dma_start3A_738] : memref<10000x64xbf16, #tpu.memory_space<vmem_shared>> -> memref<10000x64xbf16, #tpu.memory_space<vmem_shared>>
          tpu.enqueue_indirect_dma source(%dma_start3A_739 : memref<10000x64xbf16, #tpu.memory_space<vmem_shared>>) target(%dma_start3A_735 : memref<128x64xbf16, #tpu.memory_space<vmem>>) offsets(%dma_start3A_736 : memref<128xi32, #tpu.memory_space<vmem>>) semaphore(%arg19 : memref<!tpu.dma_semaphore, #tpu.memory_space<semaphore_mem>>)
          %add3A_740 = arith.constant 128 : i32
          %add3A_741 = arith.addi %multiple_of3A_732, %add3A_740 : i32
          %dma_start3A_742 = arith.constant 128 : i32
          %dma_start3A_743 = arith.constant 0 : i32
          %dma_start3A_744 = tpu.memref_slice %arg8[%dma_start3A_742, %dma_start3A_743] : memref<200x64xbf16, #tpu.memory_space<vmem>> -> memref<72x64xbf16, #tpu.memory_space<vmem>>
          %dma_start3A_745 = tpu.memref_slice %arg5[%add3A_741] : memref<6400xi32, #tpu.memory_space<vmem>> -> memref<72xi32, #tpu.memory_space<vmem>>
          %dma_start3A_746 = arith.constant 0 : i32
          %dma_start3A_747 = arith.constant 0 : i32
          %dma_start3A_748 = tpu.memref_slice %arg17[%dma_start3A_746, %dma_start3A_747] : memref<10000x64xbf16, #tpu.memory_space<vmem_shared>> -> memref<10000x64xbf16, #tpu.memory_space<vmem_shared>>
          tpu.enqueue_indirect_dma source(%dma_start3A_748 : memref<10000x64xbf16, #tpu.memory_space<vmem_shared>>) target(%dma_start3A_744 : memref<72x64xbf16, #tpu.memory_space<vmem>>) offsets(%dma_start3A_745 : memref<72xi32, #tpu.memory_space<vmem>>) semaphore(%arg19 : memref<!tpu.dma_semaphore, #tpu.memory_space<semaphore_mem>>)
        } else {
        }
        %mul3A_485 = arith.constant 8 : i32
        %mul3A_486 = arith.muli %scan3A_341, %mul3A_485 : i32
        %add3A_487 = arith.constant 3 : i32
        %add3A_488 = arith.addi %mul3A_486, %add3A_487 : i32
        %dma_wait3A_489 = arith.constant 0 : i32
        %dma_wait3A_490 = arith.constant 0 : i32
        %dma_wait3A_491 = tpu.memref_slice %arg3[%dma_wait3A_489, %dma_wait3A_490] : memref<10000x64xbf16, #tpu.memory_space<hbm>> -> memref<200x64xbf16, #tpu.memory_space<hbm>>
        %dma_wait3A_492 = arith.constant 0 : i32
        %dma_wait3A_493 = arith.constant 0 : i32
        %dma_wait3A_494 = tpu.memref_slice %arg3[%dma_wait3A_492, %dma_wait3A_493] : memref<10000x64xbf16, #tpu.memory_space<hbm>> -> memref<200x64xbf16, #tpu.memory_space<hbm>>
        tpu.wait_dma2 semaphore(%arg21 : memref<!tpu.dma_semaphore, #tpu.memory_space<semaphore_mem>>) src(%dma_wait3A_494 : memref<200x64xbf16, #tpu.memory_space<hbm>>) dst(%arg10 : memref<200x64xbf16, #tpu.memory_space<vmem>>)
        %broadcast_in_dim3A_495 = arith.constant 0.000000e+00 : f32
        %broadcast_in_dim3A_496 = vector.broadcast %broadcast_in_dim3A_495 : f32 to vector<16xf32>
        %parallel_loop3A_497 = arith.constant 0 : i32
        %parallel_loop3A_498 = arith.constant 200 : i32
        %parallel_loop3A_499 = arith.constant 1 : i32
        %parallel_loop3A_500:4 = scf.for %parallel_loop3A_730 = %parallel_loop3A_497 to %parallel_loop3A_498 step %parallel_loop3A_499 iter_args(%parallel_loop3A_731 = %broadcast_in_dim3A_496, %parallel_loop3A_732 = %broadcast_in_dim3A_496, %parallel_loop3A_733 = %broadcast_in_dim3A_496, %parallel_loop3A_734 = %broadcast_in_dim3A_496) -> (vector<16xf32>, vector<16xf32>, vector<16xf32>, vector<16xf32>)  : i32 {
          %parallel_loop3A_735 = arith.index_cast %parallel_loop3A_730 : i32 to index
          %parallel_loop3A_736 = arith.constant 0 : index
          %parallel_loop3A_737 = tpu.vector_load %arg10[%parallel_loop3A_735, %parallel_loop3A_736] {strides = array<i32>} : memref<200x64xbf16, #tpu.memory_space<vmem>>, vector<32xbf16>,
          %parallel_loop3A_738 = tpu.unpack_subelements %parallel_loop3A_737, 0 {pack_format = #tpu.pack_format<interleaved>} : vector<32xbf16> -> vector<16xf32>
          %parallel_loop3A_739 = tpu.unpack_subelements %parallel_loop3A_737, 1 {pack_format = #tpu.pack_format<interleaved>} : vector<32xbf16> -> vector<16xf32>
          %parallel_loop3A_740 = arith.index_cast %parallel_loop3A_730 : i32 to index
          %parallel_loop3A_741 = arith.constant 32 : index
          %parallel_loop3A_742 = tpu.vector_load %arg10[%parallel_loop3A_740, %parallel_loop3A_741] {strides = array<i32>} : memref<200x64xbf16, #tpu.memory_space<vmem>>, vector<32xbf16>,
          %parallel_loop3A_743 = tpu.unpack_subelements %parallel_loop3A_742, 0 {pack_format = #tpu.pack_format<interleaved>} : vector<32xbf16> -> vector<16xf32>
          %parallel_loop3A_744 = tpu.unpack_subelements %parallel_loop3A_742, 1 {pack_format = #tpu.pack_format<interleaved>} : vector<32xbf16> -> vector<16xf32>
          %parallel_loop3A_745 = arith.addf %parallel_loop3A_731, %parallel_loop3A_738 : vector<16xf32>
          %parallel_loop3A_746 = arith.addf %parallel_loop3A_732, %parallel_loop3A_739 : vector<16xf32>
          %parallel_loop3A_747 = arith.addf %parallel_loop3A_733, %parallel_loop3A_743 : vector<16xf32>
          %parallel_loop3A_748 = arith.addf %parallel_loop3A_734, %parallel_loop3A_744 : vector<16xf32>
          scf.yield %parallel_loop3A_745, %parallel_loop3A_746, %parallel_loop3A_747, %parallel_loop3A_748 : vector<16xf32>, vector<16xf32>, vector<16xf32>, vector<16xf32>
        } {sc.loop_unroll_factor = 8 : i64, sc.parallel_access}
        %mul3A_501 = arith.constant 5.000000e-03 : f32
        %mul3A_502 = vector.broadcast %mul3A_501 : f32 to vector<16xf32>
        %mul3A_503 = arith.mulf %parallel_loop3A_500#0, %mul3A_502 : vector<16xf32>
        %swap3A_504 = arith.index_cast %add3A_488 : i32 to index
        %swap3A_505 = arith.constant 0 : index
        %swap3A_506 = tpu.vector_load %arg15[%swap3A_504, %swap3A_505] {strides = array<i32>} : memref<32x64xf32, #tpu.memory_space<vmem>>, vector<16xf32>,
        tpu.vector_store %arg15[%swap3A_504, %swap3A_505], %mul3A_503 {strides = array<i32>} : memref<32x64xf32, #tpu.memory_space<vmem>>, vector<16xf32>,
        %mul3A_507 = arith.constant 5.000000e-03 : f32
        %mul3A_508 = vector.broadcast %mul3A_507 : f32 to vector<16xf32>
        %mul3A_509 = arith.mulf %parallel_loop3A_500#1, %mul3A_508 : vector<16xf32>
        %swap3A_510 = arith.index_cast %add3A_488 : i32 to index
        %swap3A_511 = arith.constant 16 : index
        %swap3A_512 = tpu.vector_load %arg15[%swap3A_510, %swap3A_511] {strides = array<i32>} : memref<32x64xf32, #tpu.memory_space<vmem>>, vector<16xf32>,
        tpu.vector_store %arg15[%swap3A_510, %swap3A_511], %mul3A_509 {strides = array<i32>} : memref<32x64xf32, #tpu.memory_space<vmem>>, vector<16xf32>,
        %mul3A_513 = arith.constant 5.000000e-03 : f32
        %mul3A_514 = vector.broadcast %mul3A_513 : f32 to vector<16xf32>
        %mul3A_515 = arith.mulf %parallel_loop3A_500#2, %mul3A_514 : vector<16xf32>
        %swap3A_516 = arith.index_cast %add3A_488 : i32 to index
        %swap3A_517 = arith.constant 32 : index
        %swap3A_518 = tpu.vector_load %arg15[%swap3A_516, %swap3A_517] {strides = array<i32>} : memref<32x64xf32, #tpu.memory_space<vmem>>, vector<16xf32>,
        tpu.vector_store %arg15[%swap3A_516, %swap3A_517], %mul3A_515 {strides = array<i32>} : memref<32x64xf32, #tpu.memory_space<vmem>>, vector<16xf32>,
        %mul3A_519 = arith.constant 5.000000e-03 : f32
        %mul3A_520 = vector.broadcast %mul3A_519 : f32 to vector<16xf32>
        %mul3A_521 = arith.mulf %parallel_loop3A_500#3, %mul3A_520 : vector<16xf32>
        %swap3A_522 = arith.index_cast %add3A_488 : i32 to index
        %swap3A_523 = arith.constant 48 : index
        %swap3A_524 = tpu.vector_load %arg15[%swap3A_522, %swap3A_523] {strides = array<i32>} : memref<32x64xf32, #tpu.memory_space<vmem>>, vector<16xf32>,
        tpu.vector_store %arg15[%swap3A_522, %swap3A_523], %mul3A_521 {strides = array<i32>} : memref<32x64xf32, #tpu.memory_space<vmem>>, vector<16xf32>,
        %add3A_525 = arith.constant 8 : i32
        %add3A_526 = arith.addi %add3A_488, %add3A_525 : i32
        %sub3A_527 = arith.constant 1 : i32
        %sub3A_528 = arith.subi %add3A_526, %sub3A_527 : i32
        %lt3A_529 = arith.constant 32 : i32
        %lt3A_530 = arith.cmpi slt, %sub3A_528, %lt3A_529 : i32
        %convert_element_type3A_531 = arith.extui %lt3A_530 : i1 to i32
        %cond3A_532 = arith.constant 0 : i32
        %cond3A_533 = arith.cmpi ne, %convert_element_type3A_531, %cond3A_532 : i32
        scf.if %cond3A_533 {
          %mul3A_730 = arith.constant 200 : i32
          %mul3A_731 = arith.muli %sub3A_528, %mul3A_730 : i32
          %multiple_of3A_732 = tpu.assume_multiple %mul3A_731, 8 : i32
          %dma_start3A_733 = arith.constant 0 : i32
          %dma_start3A_734 = arith.constant 0 : i32
          %dma_start3A_735 = tpu.memref_slice %arg9[%dma_start3A_733, %dma_start3A_734] : memref<200x64xbf16, #tpu.memory_space<vmem>> -> memref<128x64xbf16, #tpu.memory_space<vmem>>
          %dma_start3A_736 = tpu.memref_slice %arg5[%multiple_of3A_732] : memref<6400xi32, #tpu.memory_space<vmem>> -> memref<128xi32, #tpu.memory_space<vmem>>
          %dma_start3A_737 = arith.constant 0 : i32
          %dma_start3A_738 = arith.constant 0 : i32
          %dma_start3A_739 = tpu.memref_slice %arg17[%dma_start3A_737, %dma_start3A_738] : memref<10000x64xbf16, #tpu.memory_space<vmem_shared>> -> memref<10000x64xbf16, #tpu.memory_space<vmem_shared>>
          tpu.enqueue_indirect_dma source(%dma_start3A_739 : memref<10000x64xbf16, #tpu.memory_space<vmem_shared>>) target(%dma_start3A_735 : memref<128x64xbf16, #tpu.memory_space<vmem>>) offsets(%dma_start3A_736 : memref<128xi32, #tpu.memory_space<vmem>>) semaphore(%arg20 : memref<!tpu.dma_semaphore, #tpu.memory_space<semaphore_mem>>)
          %add3A_740 = arith.constant 128 : i32
          %add3A_741 = arith.addi %multiple_of3A_732, %add3A_740 : i32
          %dma_start3A_742 = arith.constant 128 : i32
          %dma_start3A_743 = arith.constant 0 : i32
          %dma_start3A_744 = tpu.memref_slice %arg9[%dma_start3A_742, %dma_start3A_743] : memref<200x64xbf16, #tpu.memory_space<vmem>> -> memref<72x64xbf16, #tpu.memory_space<vmem>>
          %dma_start3A_745 = tpu.memref_slice %arg5[%add3A_741] : memref<6400xi32, #tpu.memory_space<vmem>> -> memref<72xi32, #tpu.memory_space<vmem>>
          %dma_start3A_746 = arith.constant 0 : i32
          %dma_start3A_747 = arith.constant 0 : i32
          %dma_start3A_748 = tpu.memref_slice %arg17[%dma_start3A_746, %dma_start3A_747] : memref<10000x64xbf16, #tpu.memory_space<vmem_shared>> -> memref<10000x64xbf16, #tpu.memory_space<vmem_shared>>
          tpu.enqueue_indirect_dma source(%dma_start3A_748 : memref<10000x64xbf16, #tpu.memory_space<vmem_shared>>) target(%dma_start3A_744 : memref<72x64xbf16, #tpu.memory_space<vmem>>) offsets(%dma_start3A_745 : memref<72xi32, #tpu.memory_space<vmem>>) semaphore(%arg20 : memref<!tpu.dma_semaphore, #tpu.memory_space<semaphore_mem>>)
        } else {
        }
        %mul3A_534 = arith.constant 8 : i32
        %mul3A_535 = arith.muli %scan3A_341, %mul3A_534 : i32
        %add3A_536 = arith.constant 4 : i32
        %add3A_537 = arith.addi %mul3A_535, %add3A_536 : i32
        %dma_wait3A_538 = arith.constant 0 : i32
        %dma_wait3A_539 = arith.constant 0 : i32
        %dma_wait3A_540 = tpu.memref_slice %arg3[%dma_wait3A_538, %dma_wait3A_539] : memref<10000x64xbf16, #tpu.memory_space<hbm>> -> memref<200x64xbf16, #tpu.memory_space<hbm>>
        %dma_wait3A_541 = arith.constant 0 : i32
        %dma_wait3A_542 = arith.constant 0 : i32
        %dma_wait3A_543 = tpu.memref_slice %arg3[%dma_wait3A_541, %dma_wait3A_542] : memref<10000x64xbf16, #tpu.memory_space<hbm>> -> memref<200x64xbf16, #tpu.memory_space<hbm>>
        tpu.wait_dma2 semaphore(%arg22 : memref<!tpu.dma_semaphore, #tpu.memory_space<semaphore_mem>>) src(%dma_wait3A_543 : memref<200x64xbf16, #tpu.memory_space<hbm>>) dst(%arg11 : memref<200x64xbf16, #tpu.memory_space<vmem>>)
        %broadcast_in_dim3A_544 = arith.constant 0.000000e+00 : f32
        %broadcast_in_dim3A_545 = vector.broadcast %broadcast_in_dim3A_544 : f32 to vector<16xf32>
        %parallel_loop3A_546 = arith.constant 0 : i32
        %parallel_loop3A_547 = arith.constant 200 : i32
        %parallel_loop3A_548 = arith.constant 1 : i32
        %parallel_loop3A_549:4 = scf.for %parallel_loop3A_730 = %parallel_loop3A_546 to %parallel_loop3A_547 step %parallel_loop3A_548 iter_args(%parallel_loop3A_731 = %broadcast_in_dim3A_545, %parallel_loop3A_732 = %broadcast_in_dim3A_545, %parallel_loop3A_733 = %broadcast_in_dim3A_545, %parallel_loop3A_734 = %broadcast_in_dim3A_545) -> (vector<16xf32>, vector<16xf32>, vector<16xf32>, vector<16xf32>)  : i32 {
          %parallel_loop3A_735 = arith.index_cast %parallel_loop3A_730 : i32 to index
          %parallel_loop3A_736 = arith.constant 0 : index
          %parallel_loop3A_737 = tpu.vector_load %arg11[%parallel_loop3A_735, %parallel_loop3A_736] {strides = array<i32>} : memref<200x64xbf16, #tpu.memory_space<vmem>>, vector<32xbf16>,
          %parallel_loop3A_738 = tpu.unpack_subelements %parallel_loop3A_737, 0 {pack_format = #tpu.pack_format<interleaved>} : vector<32xbf16> -> vector<16xf32>
          %parallel_loop3A_739 = tpu.unpack_subelements %parallel_loop3A_737, 1 {pack_format = #tpu.pack_format<interleaved>} : vector<32xbf16> -> vector<16xf32>
          %parallel_loop3A_740 = arith.index_cast %parallel_loop3A_730 : i32 to index
          %parallel_loop3A_741 = arith.constant 32 : index
          %parallel_loop3A_742 = tpu.vector_load %arg11[%parallel_loop3A_740, %parallel_loop3A_741] {strides = array<i32>} : memref<200x64xbf16, #tpu.memory_space<vmem>>, vector<32xbf16>,
          %parallel_loop3A_743 = tpu.unpack_subelements %parallel_loop3A_742, 0 {pack_format = #tpu.pack_format<interleaved>} : vector<32xbf16> -> vector<16xf32>
          %parallel_loop3A_744 = tpu.unpack_subelements %parallel_loop3A_742, 1 {pack_format = #tpu.pack_format<interleaved>} : vector<32xbf16> -> vector<16xf32>
          %parallel_loop3A_745 = arith.addf %parallel_loop3A_731, %parallel_loop3A_738 : vector<16xf32>
          %parallel_loop3A_746 = arith.addf %parallel_loop3A_732, %parallel_loop3A_739 : vector<16xf32>
          %parallel_loop3A_747 = arith.addf %parallel_loop3A_733, %parallel_loop3A_743 : vector<16xf32>
          %parallel_loop3A_748 = arith.addf %parallel_loop3A_734, %parallel_loop3A_744 : vector<16xf32>
          scf.yield %parallel_loop3A_745, %parallel_loop3A_746, %parallel_loop3A_747, %parallel_loop3A_748 : vector<16xf32>, vector<16xf32>, vector<16xf32>, vector<16xf32>
        } {sc.loop_unroll_factor = 8 : i64, sc.parallel_access}
        %mul3A_550 = arith.constant 5.000000e-03 : f32
        %mul3A_551 = vector.broadcast %mul3A_550 : f32 to vector<16xf32>
        %mul3A_552 = arith.mulf %parallel_loop3A_549#0, %mul3A_551 : vector<16xf32>
        %swap3A_553 = arith.index_cast %add3A_537 : i32 to index
        %swap3A_554 = arith.constant 0 : index
        %swap3A_555 = tpu.vector_load %arg15[%swap3A_553, %swap3A_554] {strides = array<i32>} : memref<32x64xf32, #tpu.memory_space<vmem>>, vector<16xf32>,
        tpu.vector_store %arg15[%swap3A_553, %swap3A_554], %mul3A_552 {strides = array<i32>} : memref<32x64xf32, #tpu.memory_space<vmem>>, vector<16xf32>,
        %mul3A_556 = arith.constant 5.000000e-03 : f32
        %mul3A_557 = vector.broadcast %mul3A_556 : f32 to vector<16xf32>
        %mul3A_558 = arith.mulf %parallel_loop3A_549#1, %mul3A_557 : vector<16xf32>
        %swap3A_559 = arith.index_cast %add3A_537 : i32 to index
        %swap3A_560 = arith.constant 16 : index
        %swap3A_561 = tpu.vector_load %arg15[%swap3A_559, %swap3A_560] {strides = array<i32>} : memref<32x64xf32, #tpu.memory_space<vmem>>, vector<16xf32>,
        tpu.vector_store %arg15[%swap3A_559, %swap3A_560], %mul3A_558 {strides = array<i32>} : memref<32x64xf32, #tpu.memory_space<vmem>>, vector<16xf32>,
        %mul3A_562 = arith.constant 5.000000e-03 : f32
        %mul3A_563 = vector.broadcast %mul3A_562 : f32 to vector<16xf32>
        %mul3A_564 = arith.mulf %parallel_loop3A_549#2, %mul3A_563 : vector<16xf32>
        %swap3A_565 = arith.index_cast %add3A_537 : i32 to index
        %swap3A_566 = arith.constant 32 : index
        %swap3A_567 = tpu.vector_load %arg15[%swap3A_565, %swap3A_566] {strides = array<i32>} : memref<32x64xf32, #tpu.memory_space<vmem>>, vector<16xf32>,
        tpu.vector_store %arg15[%swap3A_565, %swap3A_566], %mul3A_564 {strides = array<i32>} : memref<32x64xf32, #tpu.memory_space<vmem>>, vector<16xf32>,
        %mul3A_568 = arith.constant 5.000000e-03 : f32
        %mul3A_569 = vector.broadcast %mul3A_568 : f32 to vector<16xf32>
        %mul3A_570 = arith.mulf %parallel_loop3A_549#3, %mul3A_569 : vector<16xf32>
        %swap3A_571 = arith.index_cast %add3A_537 : i32 to index
        %swap3A_572 = arith.constant 48 : index
        %swap3A_573 = tpu.vector_load %arg15[%swap3A_571, %swap3A_572] {strides = array<i32>} : memref<32x64xf32, #tpu.memory_space<vmem>>, vector<16xf32>,
        tpu.vector_store %arg15[%swap3A_571, %swap3A_572], %mul3A_570 {strides = array<i32>} : memref<32x64xf32, #tpu.memory_space<vmem>>, vector<16xf32>,
        %add3A_574 = arith.constant 8 : i32
        %add3A_575 = arith.addi %add3A_537, %add3A_574 : i32
        %sub3A_576 = arith.constant 1 : i32
        %sub3A_577 = arith.subi %add3A_575, %sub3A_576 : i32
        %lt3A_578 = arith.constant 32 : i32
        %lt3A_579 = arith.cmpi slt, %sub3A_577, %lt3A_578 : i32
        %convert_element_type3A_580 = arith.extui %lt3A_579 : i1 to i32
        %cond3A_581 = arith.constant 0 : i32
        %cond3A_582 = arith.cmpi ne, %convert_element_type3A_580, %cond3A_581 : i32
        scf.if %cond3A_582 {
          %mul3A_730 = arith.constant 200 : i32
          %mul3A_731 = arith.muli %sub3A_577, %mul3A_730 : i32
          %multiple_of3A_732 = tpu.assume_multiple %mul3A_731, 8 : i32
          %dma_start3A_733 = arith.constant 0 : i32
          %dma_start3A_734 = arith.constant 0 : i32
          %dma_start3A_735 = tpu.memref_slice %arg10[%dma_start3A_733, %dma_start3A_734] : memref<200x64xbf16, #tpu.memory_space<vmem>> -> memref<128x64xbf16, #tpu.memory_space<vmem>>
          %dma_start3A_736 = tpu.memref_slice %arg5[%multiple_of3A_732] : memref<6400xi32, #tpu.memory_space<vmem>> -> memref<128xi32, #tpu.memory_space<vmem>>
          %dma_start3A_737 = arith.constant 0 : i32
          %dma_start3A_738 = arith.constant 0 : i32
          %dma_start3A_739 = tpu.memref_slice %arg17[%dma_start3A_737, %dma_start3A_738] : memref<10000x64xbf16, #tpu.memory_space<vmem_shared>> -> memref<10000x64xbf16, #tpu.memory_space<vmem_shared>>
          tpu.enqueue_indirect_dma source(%dma_start3A_739 : memref<10000x64xbf16, #tpu.memory_space<vmem_shared>>) target(%dma_start3A_735 : memref<128x64xbf16, #tpu.memory_space<vmem>>) offsets(%dma_start3A_736 : memref<128xi32, #tpu.memory_space<vmem>>) semaphore(%arg21 : memref<!tpu.dma_semaphore, #tpu.memory_space<semaphore_mem>>)
          %add3A_740 = arith.constant 128 : i32
          %add3A_741 = arith.addi %multiple_of3A_732, %add3A_740 : i32
          %dma_start3A_742 = arith.constant 128 : i32
          %dma_start3A_743 = arith.constant 0 : i32
          %dma_start3A_744 = tpu.memref_slice %arg10[%dma_start3A_742, %dma_start3A_743] : memref<200x64xbf16, #tpu.memory_space<vmem>> -> memref<72x64xbf16, #tpu.memory_space<vmem>>
          %dma_start3A_745 = tpu.memref_slice %arg5[%add3A_741] : memref<6400xi32, #tpu.memory_space<vmem>> -> memref<72xi32, #tpu.memory_space<vmem>>
          %dma_start3A_746 = arith.constant 0 : i32
          %dma_start3A_747 = arith.constant 0 : i32
          %dma_start3A_748 = tpu.memref_slice %arg17[%dma_start3A_746, %dma_start3A_747] : memref<10000x64xbf16, #tpu.memory_space<vmem_shared>> -> memref<10000x64xbf16, #tpu.memory_space<vmem_shared>>
          tpu.enqueue_indirect_dma source(%dma_start3A_748 : memref<10000x64xbf16, #tpu.memory_space<vmem_shared>>) target(%dma_start3A_744 : memref<72x64xbf16, #tpu.memory_space<vmem>>) offsets(%dma_start3A_745 : memref<72xi32, #tpu.memory_space<vmem>>) semaphore(%arg21 : memref<!tpu.dma_semaphore, #tpu.memory_space<semaphore_mem>>)
        } else {
        }
        %mul3A_583 = arith.constant 8 : i32
        %mul3A_584 = arith.muli %scan3A_341, %mul3A_583 : i32
        %add3A_585 = arith.constant 5 : i32
        %add3A_586 = arith.addi %mul3A_584, %add3A_585 : i32
        %dma_wait3A_587 = arith.constant 0 : i32
        %dma_wait3A_588 = arith.constant 0 : i32
        %dma_wait3A_589 = tpu.memref_slice %arg3[%dma_wait3A_587, %dma_wait3A_588] : memref<10000x64xbf16, #tpu.memory_space<hbm>> -> memref<200x64xbf16, #tpu.memory_space<hbm>>
        %dma_wait3A_590 = arith.constant 0 : i32
        %dma_wait3A_591 = arith.constant 0 : i32
        %dma_wait3A_592 = tpu.memref_slice %arg3[%dma_wait3A_590, %dma_wait3A_591] : memref<10000x64xbf16, #tpu.memory_space<hbm>> -> memref<200x64xbf16, #tpu.memory_space<hbm>>
        tpu.wait_dma2 semaphore(%arg23 : memref<!tpu.dma_semaphore, #tpu.memory_space<semaphore_mem>>) src(%dma_wait3A_592 : memref<200x64xbf16, #tpu.memory_space<hbm>>) dst(%arg12 : memref<200x64xbf16, #tpu.memory_space<vmem>>)
        %broadcast_in_dim3A_593 = arith.constant 0.000000e+00 : f32
        %broadcast_in_dim3A_594 = vector.broadcast %broadcast_in_dim3A_593 : f32 to vector<16xf32>
        %parallel_loop3A_595 = arith.constant 0 : i32
        %parallel_loop3A_596 = arith.constant 200 : i32
        %parallel_loop3A_597 = arith.constant 1 : i32
        %parallel_loop3A_598:4 = scf.for %parallel_loop3A_730 = %parallel_loop3A_595 to %parallel_loop3A_596 step %parallel_loop3A_597 iter_args(%parallel_loop3A_731 = %broadcast_in_dim3A_594, %parallel_loop3A_732 = %broadcast_in_dim3A_594, %parallel_loop3A_733 = %broadcast_in_dim3A_594, %parallel_loop3A_734 = %broadcast_in_dim3A_594) -> (vector<16xf32>, vector<16xf32>, vector<16xf32>, vector<16xf32>)  : i32 {
          %parallel_loop3A_735 = arith.index_cast %parallel_loop3A_730 : i32 to index
          %parallel_loop3A_736 = arith.constant 0 : index
          %parallel_loop3A_737 = tpu.vector_load %arg12[%parallel_loop3A_735, %parallel_loop3A_736] {strides = array<i32>} : memref<200x64xbf16, #tpu.memory_space<vmem>>, vector<32xbf16>,
          %parallel_loop3A_738 = tpu.unpack_subelements %parallel_loop3A_737, 0 {pack_format = #tpu.pack_format<interleaved>} : vector<32xbf16> -> vector<16xf32>
          %parallel_loop3A_739 = tpu.unpack_subelements %parallel_loop3A_737, 1 {pack_format = #tpu.pack_format<interleaved>} : vector<32xbf16> -> vector<16xf32>
          %parallel_loop3A_740 = arith.index_cast %parallel_loop3A_730 : i32 to index
          %parallel_loop3A_741 = arith.constant 32 : index
          %parallel_loop3A_742 = tpu.vector_load %arg12[%parallel_loop3A_740, %parallel_loop3A_741] {strides = array<i32>} : memref<200x64xbf16, #tpu.memory_space<vmem>>, vector<32xbf16>,
          %parallel_loop3A_743 = tpu.unpack_subelements %parallel_loop3A_742, 0 {pack_format = #tpu.pack_format<interleaved>} : vector<32xbf16> -> vector<16xf32>
          %parallel_loop3A_744 = tpu.unpack_subelements %parallel_loop3A_742, 1 {pack_format = #tpu.pack_format<interleaved>} : vector<32xbf16> -> vector<16xf32>
          %parallel_loop3A_745 = arith.addf %parallel_loop3A_731, %parallel_loop3A_738 : vector<16xf32>
          %parallel_loop3A_746 = arith.addf %parallel_loop3A_732, %parallel_loop3A_739 : vector<16xf32>
          %parallel_loop3A_747 = arith.addf %parallel_loop3A_733, %parallel_loop3A_743 : vector<16xf32>
          %parallel_loop3A_748 = arith.addf %parallel_loop3A_734, %parallel_loop3A_744 : vector<16xf32>
          scf.yield %parallel_loop3A_745, %parallel_loop3A_746, %parallel_loop3A_747, %parallel_loop3A_748 : vector<16xf32>, vector<16xf32>, vector<16xf32>, vector<16xf32>
        } {sc.loop_unroll_factor = 8 : i64, sc.parallel_access}
        %mul3A_599 = arith.constant 5.000000e-03 : f32
        %mul3A_600 = vector.broadcast %mul3A_599 : f32 to vector<16xf32>
        %mul3A_601 = arith.mulf %parallel_loop3A_598#0, %mul3A_600 : vector<16xf32>
        %swap3A_602 = arith.index_cast %add3A_586 : i32 to index
        %swap3A_603 = arith.constant 0 : index
        %swap3A_604 = tpu.vector_load %arg15[%swap3A_602, %swap3A_603] {strides = array<i32>} : memref<32x64xf32, #tpu.memory_space<vmem>>, vector<16xf32>,
        tpu.vector_store %arg15[%swap3A_602, %swap3A_603], %mul3A_601 {strides = array<i32>} : memref<32x64xf32, #tpu.memory_space<vmem>>, vector<16xf32>,
        %mul3A_605 = arith.constant 5.000000e-03 : f32
        %mul3A_606 = vector.broadcast %mul3A_605 : f32 to vector<16xf32>
        %mul3A_607 = arith.mulf %parallel_loop3A_598#1, %mul3A_606 : vector<16xf32>
        %swap3A_608 = arith.index_cast %add3A_586 : i32 to index
        %swap3A_609 = arith.constant 16 : index
        %swap3A_610 = tpu.vector_load %arg15[%swap3A_608, %swap3A_609] {strides = array<i32>} : memref<32x64xf32, #tpu.memory_space<vmem>>, vector<16xf32>,
        tpu.vector_store %arg15[%swap3A_608, %swap3A_609], %mul3A_607 {strides = array<i32>} : memref<32x64xf32, #tpu.memory_space<vmem>>, vector<16xf32>,
        %mul3A_611 = arith.constant 5.000000e-03 : f32
        %mul3A_612 = vector.broadcast %mul3A_611 : f32 to vector<16xf32>
        %mul3A_613 = arith.mulf %parallel_loop3A_598#2, %mul3A_612 : vector<16xf32>
        %swap3A_614 = arith.index_cast %add3A_586 : i32 to index
        %swap3A_615 = arith.constant 32 : index
        %swap3A_616 = tpu.vector_load %arg15[%swap3A_614, %swap3A_615] {strides = array<i32>} : memref<32x64xf32, #tpu.memory_space<vmem>>, vector<16xf32>,
        tpu.vector_store %arg15[%swap3A_614, %swap3A_615], %mul3A_613 {strides = array<i32>} : memref<32x64xf32, #tpu.memory_space<vmem>>, vector<16xf32>,
        %mul3A_617 = arith.constant 5.000000e-03 : f32
        %mul3A_618 = vector.broadcast %mul3A_617 : f32 to vector<16xf32>
        %mul3A_619 = arith.mulf %parallel_loop3A_598#3, %mul3A_618 : vector<16xf32>
        %swap3A_620 = arith.index_cast %add3A_586 : i32 to index
        %swap3A_621 = arith.constant 48 : index
        %swap3A_622 = tpu.vector_load %arg15[%swap3A_620, %swap3A_621] {strides = array<i32>} : memref<32x64xf32, #tpu.memory_space<vmem>>, vector<16xf32>,
        tpu.vector_store %arg15[%swap3A_620, %swap3A_621], %mul3A_619 {strides = array<i32>} : memref<32x64xf32, #tpu.memory_space<vmem>>, vector<16xf32>,
        %add3A_623 = arith.constant 8 : i32
        %add3A_624 = arith.addi %add3A_586, %add3A_623 : i32
        %sub3A_625 = arith.constant 1 : i32
        %sub3A_626 = arith.subi %add3A_624, %sub3A_625 : i32
        %lt3A_627 = arith.constant 32 : i32
        %lt3A_628 = arith.cmpi slt, %sub3A_626, %lt3A_627 : i32
        %convert_element_type3A_629 = arith.extui %lt3A_628 : i1 to i32
        %cond3A_630 = arith.constant 0 : i32
        %cond3A_631 = arith.cmpi ne, %convert_element_type3A_629, %cond3A_630 : i32
        scf.if %cond3A_631 {
          %mul3A_730 = arith.constant 200 : i32
          %mul3A_731 = arith.muli %sub3A_626, %mul3A_730 : i32
          %multiple_of3A_732 = tpu.assume_multiple %mul3A_731, 8 : i32
          %dma_start3A_733 = arith.constant 0 : i32
          %dma_start3A_734 = arith.constant 0 : i32
          %dma_start3A_735 = tpu.memref_slice %arg11[%dma_start3A_733, %dma_start3A_734] : memref<200x64xbf16, #tpu.memory_space<vmem>> -> memref<128x64xbf16, #tpu.memory_space<vmem>>
          %dma_start3A_736 = tpu.memref_slice %arg5[%multiple_of3A_732] : memref<6400xi32, #tpu.memory_space<vmem>> -> memref<128xi32, #tpu.memory_space<vmem>>
          %dma_start3A_737 = arith.constant 0 : i32
          %dma_start3A_738 = arith.constant 0 : i32
          %dma_start3A_739 = tpu.memref_slice %arg17[%dma_start3A_737, %dma_start3A_738] : memref<10000x64xbf16, #tpu.memory_space<vmem_shared>> -> memref<10000x64xbf16, #tpu.memory_space<vmem_shared>>
          tpu.enqueue_indirect_dma source(%dma_start3A_739 : memref<10000x64xbf16, #tpu.memory_space<vmem_shared>>) target(%dma_start3A_735 : memref<128x64xbf16, #tpu.memory_space<vmem>>) offsets(%dma_start3A_736 : memref<128xi32, #tpu.memory_space<vmem>>) semaphore(%arg22 : memref<!tpu.dma_semaphore, #tpu.memory_space<semaphore_mem>>)
          %add3A_740 = arith.constant 128 : i32
          %add3A_741 = arith.addi %multiple_of3A_732, %add3A_740 : i32
          %dma_start3A_742 = arith.constant 128 : i32
          %dma_start3A_743 = arith.constant 0 : i32
          %dma_start3A_744 = tpu.memref_slice %arg11[%dma_start3A_742, %dma_start3A_743] : memref<200x64xbf16, #tpu.memory_space<vmem>> -> memref<72x64xbf16, #tpu.memory_space<vmem>>
          %dma_start3A_745 = tpu.memref_slice %arg5[%add3A_741] : memref<6400xi32, #tpu.memory_space<vmem>> -> memref<72xi32, #tpu.memory_space<vmem>>
          %dma_start3A_746 = arith.constant 0 : i32
          %dma_start3A_747 = arith.constant 0 : i32
          %dma_start3A_748 = tpu.memref_slice %arg17[%dma_start3A_746, %dma_start3A_747] : memref<10000x64xbf16, #tpu.memory_space<vmem_shared>> -> memref<10000x64xbf16, #tpu.memory_space<vmem_shared>>
          tpu.enqueue_indirect_dma source(%dma_start3A_748 : memref<10000x64xbf16, #tpu.memory_space<vmem_shared>>) target(%dma_start3A_744 : memref<72x64xbf16, #tpu.memory_space<vmem>>) offsets(%dma_start3A_745 : memref<72xi32, #tpu.memory_space<vmem>>) semaphore(%arg22 : memref<!tpu.dma_semaphore, #tpu.memory_space<semaphore_mem>>)
        } else {
        }
        %mul3A_632 = arith.constant 8 : i32
        %mul3A_633 = arith.muli %scan3A_341, %mul3A_632 : i32
        %add3A_634 = arith.constant 6 : i32
        %add3A_635 = arith.addi %mul3A_633, %add3A_634 : i32
        %dma_wait3A_636 = arith.constant 0 : i32
        %dma_wait3A_637 = arith.constant 0 : i32
        %dma_wait3A_638 = tpu.memref_slice %arg3[%dma_wait3A_636, %dma_wait3A_637] : memref<10000x64xbf16, #tpu.memory_space<hbm>> -> memref<200x64xbf16, #tpu.memory_space<hbm>>
        %dma_wait3A_639 = arith.constant 0 : i32
        %dma_wait3A_640 = arith.constant 0 : i32
        %dma_wait3A_641 = tpu.memref_slice %arg3[%dma_wait3A_639, %dma_wait3A_640] : memref<10000x64xbf16, #tpu.memory_space<hbm>> -> memref<200x64xbf16, #tpu.memory_space<hbm>>
        tpu.wait_dma2 semaphore(%arg24 : memref<!tpu.dma_semaphore, #tpu.memory_space<semaphore_mem>>) src(%dma_wait3A_641 : memref<200x64xbf16, #tpu.memory_space<hbm>>) dst(%arg13 : memref<200x64xbf16, #tpu.memory_space<vmem>>)
        %broadcast_in_dim3A_642 = arith.constant 0.000000e+00 : f32
        %broadcast_in_dim3A_643 = vector.broadcast %broadcast_in_dim3A_642 : f32 to vector<16xf32>
        %parallel_loop3A_644 = arith.constant 0 : i32
        %parallel_loop3A_645 = arith.constant 200 : i32
        %parallel_loop3A_646 = arith.constant 1 : i32
        %parallel_loop3A_647:4 = scf.for %parallel_loop3A_730 = %parallel_loop3A_644 to %parallel_loop3A_645 step %parallel_loop3A_646 iter_args(%parallel_loop3A_731 = %broadcast_in_dim3A_643, %parallel_loop3A_732 = %broadcast_in_dim3A_643, %parallel_loop3A_733 = %broadcast_in_dim3A_643, %parallel_loop3A_734 = %broadcast_in_dim3A_643) -> (vector<16xf32>, vector<16xf32>, vector<16xf32>, vector<16xf32>)  : i32 {
          %parallel_loop3A_735 = arith.index_cast %parallel_loop3A_730 : i32 to index
          %parallel_loop3A_736 = arith.constant 0 : index
          %parallel_loop3A_737 = tpu.vector_load %arg13[%parallel_loop3A_735, %parallel_loop3A_736] {strides = array<i32>} : memref<200x64xbf16, #tpu.memory_space<vmem>>, vector<32xbf16>,
          %parallel_loop3A_738 = tpu.unpack_subelements %parallel_loop3A_737, 0 {pack_format = #tpu.pack_format<interleaved>} : vector<32xbf16> -> vector<16xf32>
          %parallel_loop3A_739 = tpu.unpack_subelements %parallel_loop3A_737, 1 {pack_format = #tpu.pack_format<interleaved>} : vector<32xbf16> -> vector<16xf32>
          %parallel_loop3A_740 = arith.index_cast %parallel_loop3A_730 : i32 to index
          %parallel_loop3A_741 = arith.constant 32 : index
          %parallel_loop3A_742 = tpu.vector_load %arg13[%parallel_loop3A_740, %parallel_loop3A_741] {strides = array<i32>} : memref<200x64xbf16, #tpu.memory_space<vmem>>, vector<32xbf16>,
          %parallel_loop3A_743 = tpu.unpack_subelements %parallel_loop3A_742, 0 {pack_format = #tpu.pack_format<interleaved>} : vector<32xbf16> -> vector<16xf32>
          %parallel_loop3A_744 = tpu.unpack_subelements %parallel_loop3A_742, 1 {pack_format = #tpu.pack_format<interleaved>} : vector<32xbf16> -> vector<16xf32>
          %parallel_loop3A_745 = arith.addf %parallel_loop3A_731, %parallel_loop3A_738 : vector<16xf32>
          %parallel_loop3A_746 = arith.addf %parallel_loop3A_732, %parallel_loop3A_739 : vector<16xf32>
          %parallel_loop3A_747 = arith.addf %parallel_loop3A_733, %parallel_loop3A_743 : vector<16xf32>
          %parallel_loop3A_748 = arith.addf %parallel_loop3A_734, %parallel_loop3A_744 : vector<16xf32>
          scf.yield %parallel_loop3A_745, %parallel_loop3A_746, %parallel_loop3A_747, %parallel_loop3A_748 : vector<16xf32>, vector<16xf32>, vector<16xf32>, vector<16xf32>
        } {sc.loop_unroll_factor = 8 : i64, sc.parallel_access}
        %mul3A_648 = arith.constant 5.000000e-03 : f32
        %mul3A_649 = vector.broadcast %mul3A_648 : f32 to vector<16xf32>
        %mul3A_650 = arith.mulf %parallel_loop3A_647#0, %mul3A_649 : vector<16xf32>
        %swap3A_651 = arith.index_cast %add3A_635 : i32 to index
        %swap3A_652 = arith.constant 0 : index
        %swap3A_653 = tpu.vector_load %arg15[%swap3A_651, %swap3A_652] {strides = array<i32>} : memref<32x64xf32, #tpu.memory_space<vmem>>, vector<16xf32>,
        tpu.vector_store %arg15[%swap3A_651, %swap3A_652], %mul3A_650 {strides = array<i32>} : memref<32x64xf32, #tpu.memory_space<vmem>>, vector<16xf32>,
        %mul3A_654 = arith.constant 5.000000e-03 : f32
        %mul3A_655 = vector.broadcast %mul3A_654 : f32 to vector<16xf32>
        %mul3A_656 = arith.mulf %parallel_loop3A_647#1, %mul3A_655 : vector<16xf32>
        %swap3A_657 = arith.index_cast %add3A_635 : i32 to index
        %swap3A_658 = arith.constant 16 : index
        %swap3A_659 = tpu.vector_load %arg15[%swap3A_657, %swap3A_658] {strides = array<i32>} : memref<32x64xf32, #tpu.memory_space<vmem>>, vector<16xf32>,
        tpu.vector_store %arg15[%swap3A_657, %swap3A_658], %mul3A_656 {strides = array<i32>} : memref<32x64xf32, #tpu.memory_space<vmem>>, vector<16xf32>,
        %mul3A_660 = arith.constant 5.000000e-03 : f32
        %mul3A_661 = vector.broadcast %mul3A_660 : f32 to vector<16xf32>
        %mul3A_662 = arith.mulf %parallel_loop3A_647#2, %mul3A_661 : vector<16xf32>
        %swap3A_663 = arith.index_cast %add3A_635 : i32 to index
        %swap3A_664 = arith.constant 32 : index
        %swap3A_665 = tpu.vector_load %arg15[%swap3A_663, %swap3A_664] {strides = array<i32>} : memref<32x64xf32, #tpu.memory_space<vmem>>, vector<16xf32>,
        tpu.vector_store %arg15[%swap3A_663, %swap3A_664], %mul3A_662 {strides = array<i32>} : memref<32x64xf32, #tpu.memory_space<vmem>>, vector<16xf32>,
        %mul3A_666 = arith.constant 5.000000e-03 : f32
        %mul3A_667 = vector.broadcast %mul3A_666 : f32 to vector<16xf32>
        %mul3A_668 = arith.mulf %parallel_loop3A_647#3, %mul3A_667 : vector<16xf32>
        %swap3A_669 = arith.index_cast %add3A_635 : i32 to index
        %swap3A_670 = arith.constant 48 : index
        %swap3A_671 = tpu.vector_load %arg15[%swap3A_669, %swap3A_670] {strides = array<i32>} : memref<32x64xf32, #tpu.memory_space<vmem>>, vector<16xf32>,
        tpu.vector_store %arg15[%swap3A_669, %swap3A_670], %mul3A_668 {strides = array<i32>} : memref<32x64xf32, #tpu.memory_space<vmem>>, vector<16xf32>,
        %add3A_672 = arith.constant 8 : i32
        %add3A_673 = arith.addi %add3A_635, %add3A_672 : i32
        %sub3A_674 = arith.constant 1 : i32
        %sub3A_675 = arith.subi %add3A_673, %sub3A_674 : i32
        %lt3A_676 = arith.constant 32 : i32
        %lt3A_677 = arith.cmpi slt, %sub3A_675, %lt3A_676 : i32
        %convert_element_type3A_678 = arith.extui %lt3A_677 : i1 to i32
        %cond3A_679 = arith.constant 0 : i32
        %cond3A_680 = arith.cmpi ne, %convert_element_type3A_678, %cond3A_679 : i32
        scf.if %cond3A_680 {
          %mul3A_730 = arith.constant 200 : i32
          %mul3A_731 = arith.muli %sub3A_675, %mul3A_730 : i32
          %multiple_of3A_732 = tpu.assume_multiple %mul3A_731, 8 : i32
          %dma_start3A_733 = arith.constant 0 : i32
          %dma_start3A_734 = arith.constant 0 : i32
          %dma_start3A_735 = tpu.memref_slice %arg12[%dma_start3A_733, %dma_start3A_734] : memref<200x64xbf16, #tpu.memory_space<vmem>> -> memref<128x64xbf16, #tpu.memory_space<vmem>>
          %dma_start3A_736 = tpu.memref_slice %arg5[%multiple_of3A_732] : memref<6400xi32, #tpu.memory_space<vmem>> -> memref<128xi32, #tpu.memory_space<vmem>>
          %dma_start3A_737 = arith.constant 0 : i32
          %dma_start3A_738 = arith.constant 0 : i32
          %dma_start3A_739 = tpu.memref_slice %arg17[%dma_start3A_737, %dma_start3A_738] : memref<10000x64xbf16, #tpu.memory_space<vmem_shared>> -> memref<10000x64xbf16, #tpu.memory_space<vmem_shared>>
          tpu.enqueue_indirect_dma source(%dma_start3A_739 : memref<10000x64xbf16, #tpu.memory_space<vmem_shared>>) target(%dma_start3A_735 : memref<128x64xbf16, #tpu.memory_space<vmem>>) offsets(%dma_start3A_736 : memref<128xi32, #tpu.memory_space<vmem>>) semaphore(%arg23 : memref<!tpu.dma_semaphore, #tpu.memory_space<semaphore_mem>>)
          %add3A_740 = arith.constant 128 : i32
          %add3A_741 = arith.addi %multiple_of3A_732, %add3A_740 : i32
          %dma_start3A_742 = arith.constant 128 : i32
          %dma_start3A_743 = arith.constant 0 : i32
          %dma_start3A_744 = tpu.memref_slice %arg12[%dma_start3A_742, %dma_start3A_743] : memref<200x64xbf16, #tpu.memory_space<vmem>> -> memref<72x64xbf16, #tpu.memory_space<vmem>>
          %dma_start3A_745 = tpu.memref_slice %arg5[%add3A_741] : memref<6400xi32, #tpu.memory_space<vmem>> -> memref<72xi32, #tpu.memory_space<vmem>>
          %dma_start3A_746 = arith.constant 0 : i32
          %dma_start3A_747 = arith.constant 0 : i32
          %dma_start3A_748 = tpu.memref_slice %arg17[%dma_start3A_746, %dma_start3A_747] : memref<10000x64xbf16, #tpu.memory_space<vmem_shared>> -> memref<10000x64xbf16, #tpu.memory_space<vmem_shared>>
          tpu.enqueue_indirect_dma source(%dma_start3A_748 : memref<10000x64xbf16, #tpu.memory_space<vmem_shared>>) target(%dma_start3A_744 : memref<72x64xbf16, #tpu.memory_space<vmem>>) offsets(%dma_start3A_745 : memref<72xi32, #tpu.memory_space<vmem>>) semaphore(%arg23 : memref<!tpu.dma_semaphore, #tpu.memory_space<semaphore_mem>>)
        } else {
        }
        %mul3A_681 = arith.constant 8 : i32
        %mul3A_682 = arith.muli %scan3A_341, %mul3A_681 : i32
        %add3A_683 = arith.constant 7 : i32
        %add3A_684 = arith.addi %mul3A_682, %add3A_683 : i32
        %dma_wait3A_685 = arith.constant 0 : i32
        %dma_wait3A_686 = arith.constant 0 : i32
        %dma_wait3A_687 = tpu.memref_slice %arg3[%dma_wait3A_685, %dma_wait3A_686] : memref<10000x64xbf16, #tpu.memory_space<hbm>> -> memref<200x64xbf16, #tpu.memory_space<hbm>>
        %dma_wait3A_688 = arith.constant 0 : i32
        %dma_wait3A_689 = arith.constant 0 : i32
        %dma_wait3A_690 = tpu.memref_slice %arg3[%dma_wait3A_688, %dma_wait3A_689] : memref<10000x64xbf16, #tpu.memory_space<hbm>> -> memref<200x64xbf16, #tpu.memory_space<hbm>>
        tpu.wait_dma2 semaphore(%arg25 : memref<!tpu.dma_semaphore, #tpu.memory_space<semaphore_mem>>) src(%dma_wait3A_690 : memref<200x64xbf16, #tpu.memory_space<hbm>>) dst(%arg14 : memref<200x64xbf16, #tpu.memory_space<vmem>>)
        %broadcast_in_dim3A_691 = arith.constant 0.000000e+00 : f32
        %broadcast_in_dim3A_692 = vector.broadcast %broadcast_in_dim3A_691 : f32 to vector<16xf32>
        %parallel_loop3A_693 = arith.constant 0 : i32
        %parallel_loop3A_694 = arith.constant 200 : i32
        %parallel_loop3A_695 = arith.constant 1 : i32
        %parallel_loop3A_696:4 = scf.for %parallel_loop3A_730 = %parallel_loop3A_693 to %parallel_loop3A_694 step %parallel_loop3A_695 iter_args(%parallel_loop3A_731 = %broadcast_in_dim3A_692, %parallel_loop3A_732 = %broadcast_in_dim3A_692, %parallel_loop3A_733 = %broadcast_in_dim3A_692, %parallel_loop3A_734 = %broadcast_in_dim3A_692) -> (vector<16xf32>, vector<16xf32>, vector<16xf32>, vector<16xf32>)  : i32 {
          %parallel_loop3A_735 = arith.index_cast %parallel_loop3A_730 : i32 to index
          %parallel_loop3A_736 = arith.constant 0 : index
          %parallel_loop3A_737 = tpu.vector_load %arg14[%parallel_loop3A_735, %parallel_loop3A_736] {strides = array<i32>} : memref<200x64xbf16, #tpu.memory_space<vmem>>, vector<32xbf16>,
          %parallel_loop3A_738 = tpu.unpack_subelements %parallel_loop3A_737, 0 {pack_format = #tpu.pack_format<interleaved>} : vector<32xbf16> -> vector<16xf32>
          %parallel_loop3A_739 = tpu.unpack_subelements %parallel_loop3A_737, 1 {pack_format = #tpu.pack_format<interleaved>} : vector<32xbf16> -> vector<16xf32>
          %parallel_loop3A_740 = arith.index_cast %parallel_loop3A_730 : i32 to index
          %parallel_loop3A_741 = arith.constant 32 : index
          %parallel_loop3A_742 = tpu.vector_load %arg14[%parallel_loop3A_740, %parallel_loop3A_741] {strides = array<i32>} : memref<200x64xbf16, #tpu.memory_space<vmem>>, vector<32xbf16>,
          %parallel_loop3A_743 = tpu.unpack_subelements %parallel_loop3A_742, 0 {pack_format = #tpu.pack_format<interleaved>} : vector<32xbf16> -> vector<16xf32>
          %parallel_loop3A_744 = tpu.unpack_subelements %parallel_loop3A_742, 1 {pack_format = #tpu.pack_format<interleaved>} : vector<32xbf16> -> vector<16xf32>
          %parallel_loop3A_745 = arith.addf %parallel_loop3A_731, %parallel_loop3A_738 : vector<16xf32>
          %parallel_loop3A_746 = arith.addf %parallel_loop3A_732, %parallel_loop3A_739 : vector<16xf32>
          %parallel_loop3A_747 = arith.addf %parallel_loop3A_733, %parallel_loop3A_743 : vector<16xf32>
          %parallel_loop3A_748 = arith.addf %parallel_loop3A_734, %parallel_loop3A_744 : vector<16xf32>
          scf.yield %parallel_loop3A_745, %parallel_loop3A_746, %parallel_loop3A_747, %parallel_loop3A_748 : vector<16xf32>, vector<16xf32>, vector<16xf32>, vector<16xf32>
        } {sc.loop_unroll_factor = 8 : i64, sc.parallel_access}
        %mul3A_697 = arith.constant 5.000000e-03 : f32
        %mul3A_698 = vector.broadcast %mul3A_697 : f32 to vector<16xf32>
        %mul3A_699 = arith.mulf %parallel_loop3A_696#0, %mul3A_698 : vector<16xf32>
        %swap3A_700 = arith.index_cast %add3A_684 : i32 to index
        %swap3A_701 = arith.constant 0 : index
        %swap3A_702 = tpu.vector_load %arg15[%swap3A_700, %swap3A_701] {strides = array<i32>} : memref<32x64xf32, #tpu.memory_space<vmem>>, vector<16xf32>,
        tpu.vector_store %arg15[%swap3A_700, %swap3A_701], %mul3A_699 {strides = array<i32>} : memref<32x64xf32, #tpu.memory_space<vmem>>, vector<16xf32>,
        %mul3A_703 = arith.constant 5.000000e-03 : f32
        %mul3A_704 = vector.broadcast %mul3A_703 : f32 to vector<16xf32>
        %mul3A_705 = arith.mulf %parallel_loop3A_696#1, %mul3A_704 : vector<16xf32>
        %swap3A_706 = arith.index_cast %add3A_684 : i32 to index
        %swap3A_707 = arith.constant 16 : index
        %swap3A_708 = tpu.vector_load %arg15[%swap3A_706, %swap3A_707] {strides = array<i32>} : memref<32x64xf32, #tpu.memory_space<vmem>>, vector<16xf32>,
        tpu.vector_store %arg15[%swap3A_706, %swap3A_707], %mul3A_705 {strides = array<i32>} : memref<32x64xf32, #tpu.memory_space<vmem>>, vector<16xf32>,
        %mul3A_709 = arith.constant 5.000000e-03 : f32
        %mul3A_710 = vector.broadcast %mul3A_709 : f32 to vector<16xf32>
        %mul3A_711 = arith.mulf %parallel_loop3A_696#2, %mul3A_710 : vector<16xf32>
        %swap3A_712 = arith.index_cast %add3A_684 : i32 to index
        %swap3A_713 = arith.constant 32 : index
        %swap3A_714 = tpu.vector_load %arg15[%swap3A_712, %swap3A_713] {strides = array<i32>} : memref<32x64xf32, #tpu.memory_space<vmem>>, vector<16xf32>,
        tpu.vector_store %arg15[%swap3A_712, %swap3A_713], %mul3A_711 {strides = array<i32>} : memref<32x64xf32, #tpu.memory_space<vmem>>, vector<16xf32>,
        %mul3A_715 = arith.constant 5.000000e-03 : f32
        %mul3A_716 = vector.broadcast %mul3A_715 : f32 to vector<16xf32>
        %mul3A_717 = arith.mulf %parallel_loop3A_696#3, %mul3A_716 : vector<16xf32>
        %swap3A_718 = arith.index_cast %add3A_684 : i32 to index
        %swap3A_719 = arith.constant 48 : index
        %swap3A_720 = tpu.vector_load %arg15[%swap3A_718, %swap3A_719] {strides = array<i32>} : memref<32x64xf32, #tpu.memory_space<vmem>>, vector<16xf32>,
        tpu.vector_store %arg15[%swap3A_718, %swap3A_719], %mul3A_717 {strides = array<i32>} : memref<32x64xf32, #tpu.memory_space<vmem>>, vector<16xf32>,
        %add3A_721 = arith.constant 8 : i32
        %add3A_722 = arith.addi %add3A_684, %add3A_721 : i32
        %sub3A_723 = arith.constant 1 : i32
        %sub3A_724 = arith.subi %add3A_722, %sub3A_723 : i32
        %lt3A_725 = arith.constant 32 : i32
        %lt3A_726 = arith.cmpi slt, %sub3A_724, %lt3A_725 : i32
        %convert_element_type3A_727 = arith.extui %lt3A_726 : i1 to i32
        %cond3A_728 = arith.constant 0 : i32
        %cond3A_729 = arith.cmpi ne, %convert_element_type3A_727, %cond3A_728 : i32
        scf.if %cond3A_729 {
          %mul3A_730 = arith.constant 200 : i32
          %mul3A_731 = arith.muli %sub3A_724, %mul3A_730 : i32
          %multiple_of3A_732 = tpu.assume_multiple %mul3A_731, 8 : i32
          %dma_start3A_733 = arith.constant 0 : i32
          %dma_start3A_734 = arith.constant 0 : i32
          %dma_start3A_735 = tpu.memref_slice %arg13[%dma_start3A_733, %dma_start3A_734] : memref<200x64xbf16, #tpu.memory_space<vmem>> -> memref<128x64xbf16, #tpu.memory_space<vmem>>
          %dma_start3A_736 = tpu.memref_slice %arg5[%multiple_of3A_732] : memref<6400xi32, #tpu.memory_space<vmem>> -> memref<128xi32, #tpu.memory_space<vmem>>
          %dma_start3A_737 = arith.constant 0 : i32
          %dma_start3A_738 = arith.constant 0 : i32
          %dma_start3A_739 = tpu.memref_slice %arg17[%dma_start3A_737, %dma_start3A_738] : memref<10000x64xbf16, #tpu.memory_space<vmem_shared>> -> memref<10000x64xbf16, #tpu.memory_space<vmem_shared>>
          tpu.enqueue_indirect_dma source(%dma_start3A_739 : memref<10000x64xbf16, #tpu.memory_space<vmem_shared>>) target(%dma_start3A_735 : memref<128x64xbf16, #tpu.memory_space<vmem>>) offsets(%dma_start3A_736 : memref<128xi32, #tpu.memory_space<vmem>>) semaphore(%arg24 : memref<!tpu.dma_semaphore, #tpu.memory_space<semaphore_mem>>)
          %add3A_740 = arith.constant 128 : i32
          %add3A_741 = arith.addi %multiple_of3A_732, %add3A_740 : i32
          %dma_start3A_742 = arith.constant 128 : i32
          %dma_start3A_743 = arith.constant 0 : i32
          %dma_start3A_744 = tpu.memref_slice %arg13[%dma_start3A_742, %dma_start3A_743] : memref<200x64xbf16, #tpu.memory_space<vmem>> -> memref<72x64xbf16, #tpu.memory_space<vmem>>
          %dma_start3A_745 = tpu.memref_slice %arg5[%add3A_741] : memref<6400xi32, #tpu.memory_space<vmem>> -> memref<72xi32, #tpu.memory_space<vmem>>
          %dma_start3A_746 = arith.constant 0 : i32
          %dma_start3A_747 = arith.constant 0 : i32
          %dma_start3A_748 = tpu.memref_slice %arg17[%dma_start3A_746, %dma_start3A_747] : memref<10000x64xbf16, #tpu.memory_space<vmem_shared>> -> memref<10000x64xbf16, #tpu.memory_space<vmem_shared>>
          tpu.enqueue_indirect_dma source(%dma_start3A_748 : memref<10000x64xbf16, #tpu.memory_space<vmem_shared>>) target(%dma_start3A_744 : memref<72x64xbf16, #tpu.memory_space<vmem>>) offsets(%dma_start3A_745 : memref<72xi32, #tpu.memory_space<vmem>>) semaphore(%arg24 : memref<!tpu.dma_semaphore, #tpu.memory_space<semaphore_mem>>)
        } else {
        }
      }
      %scan3A_169 = arith.constant 4 : i32
      %dma_start3A_170 = arith.constant 0 : i32
      %dma_start3A_171 = tpu.memref_slice %arg4[%add3A_28, %dma_start3A_170] : memref<16384x64xf32, #tpu.memory_space<hbm>> -> memref<32x64xf32, #tpu.memory_space<hbm>>
      %dma_start3A_172 = arith.constant 0 : i32
      %dma_start3A_173 = tpu.memref_slice %arg4[%add3A_28, %dma_start3A_172] : memref<16384x64xf32, #tpu.memory_space<hbm>> -> memref<32x64xf32, #tpu.memory_space<hbm>>
      tpu.enqueue_dma source(%arg15 : memref<32x64xf32, #tpu.memory_space<vmem>>) target(%dma_start3A_173 : memref<32x64xf32, #tpu.memory_space<hbm>>) target_semaphore(%arg27 : memref<!tpu.dma_semaphore, #tpu.memory_space<semaphore_mem>>)
      %add3A_174 = arith.constant 1 : i32
      %add3A_175 = arith.addi %mul3A_25, %add3A_174 : i32
      %lt3A_176 = arith.constant 16 : i32
      %lt3A_177 = arith.cmpi slt, %add3A_175, %lt3A_176 : i32
      %convert_element_type3A_178 = arith.extui %lt3A_177 : i1 to i32
      %cond3A_179 = arith.constant 0 : i32
      %cond3A_180 = arith.cmpi ne, %convert_element_type3A_178, %cond3A_179 : i32
      scf.if %cond3A_180 {
        %dma_wait3A_341 = arith.constant 0 : i32
        %dma_wait3A_342 = tpu.memref_slice %arg2[%dma_wait3A_341] : memref<3276800xi32, #tpu.memory_space<hbm>> -> memref<6400xi32, #tpu.memory_space<hbm>>
        %dma_wait3A_343 = arith.constant 0 : i32
        %dma_wait3A_344 = tpu.memref_slice %arg2[%dma_wait3A_343] : memref<3276800xi32, #tpu.memory_space<hbm>> -> memref<6400xi32, #tpu.memory_space<hbm>>
        tpu.wait_dma2 semaphore(%arg26 : memref<!tpu.dma_semaphore, #tpu.memory_space<semaphore_mem>>) src(%dma_wait3A_344 : memref<6400xi32, #tpu.memory_space<hbm>>) dst(%arg6 : memref<6400xi32, #tpu.memory_space<vmem>>)
      } else {
      }
      %add3A_181 = arith.constant 1 : i32
      %add3A_182 = arith.addi %mul3A_25, %add3A_181 : i32
      %mul3A_183 = arith.constant 32 : i32
      %mul3A_184 = arith.muli %add3A_182, %mul3A_183 : i32
      %add3A_185 = arith.addi %mul3A_2, %mul3A_184 : i32
      %add3A_186 = arith.constant 1 : i32
      %add3A_187 = arith.addi %add3A_182, %add3A_186 : i32
      %lt3A_188 = arith.constant 16 : i32
      %lt3A_189 = arith.cmpi slt, %add3A_187, %lt3A_188 : i32
      %convert_element_type3A_190 = arith.extui %lt3A_189 : i1 to i32
      %cond3A_191 = arith.constant 0 : i32
      %cond3A_192 = arith.cmpi ne, %convert_element_type3A_190, %cond3A_191 : i32
      scf.if %cond3A_192 {
        %add3A_341 = arith.constant 32 : i32
        %add3A_342 = arith.addi %add3A_185, %add3A_341 : i32
        %mul3A_343 = arith.constant 200 : i32
        %mul3A_344 = arith.muli %add3A_342, %mul3A_343 : i32
        %multiple_of3A_345 = tpu.assume_multiple %mul3A_344, 8 : i32
        %dma_start3A_346 = tpu.memref_slice %arg2[%multiple_of3A_345] : memref<3276800xi32, #tpu.memory_space<hbm>> -> memref<6400xi32, #tpu.memory_space<hbm>>
        %dma_start3A_347 = tpu.memref_slice %arg2[%multiple_of3A_345] : memref<3276800xi32, #tpu.memory_space<hbm>> -> memref<6400xi32, #tpu.memory_space<hbm>>
        tpu.enqueue_dma source(%dma_start3A_347 : memref<6400xi32, #tpu.memory_space<hbm>>) target(%arg5 : memref<6400xi32, #tpu.memory_space<vmem>>) target_semaphore(%arg26 : memref<!tpu.dma_semaphore, #tpu.memory_space<semaphore_mem>>)
      } else {
      }
      %ge3A_193 = arith.constant 2 : i32
      %ge3A_194 = arith.cmpi sge, %add3A_182, %ge3A_193 : i32
      %convert_element_type3A_195 = arith.extui %ge3A_194 : i1 to i32
      %cond3A_196 = arith.constant 0 : i32
      %cond3A_197 = arith.cmpi ne, %convert_element_type3A_195, %cond3A_196 : i32
      scf.if %cond3A_197 {
        %dma_wait3A_341 = arith.constant 0 : i32
        %dma_wait3A_342 = arith.constant 0 : i32
        %dma_wait3A_343 = tpu.memref_slice %arg4[%dma_wait3A_341, %dma_wait3A_342] : memref<16384x64xf32, #tpu.memory_space<hbm>> -> memref<32x64xf32, #tpu.memory_space<hbm>>
        %dma_wait3A_344 = arith.constant 0 : i32
        %dma_wait3A_345 = arith.constant 0 : i32
        %dma_wait3A_346 = tpu.memref_slice %arg4[%dma_wait3A_344, %dma_wait3A_345] : memref<16384x64xf32, #tpu.memory_space<hbm>> -> memref<32x64xf32, #tpu.memory_space<hbm>>
        tpu.wait_dma2 semaphore(%arg28 : memref<!tpu.dma_semaphore, #tpu.memory_space<semaphore_mem>>) src(%arg16 : memref<32x64xf32, #tpu.memory_space<vmem>>) dst(%dma_wait3A_346 : memref<32x64xf32, #tpu.memory_space<hbm>>)
      } else {
      }
      %multiple_of3A_198 = arith.constant 0 : i32
      %multiple_of3A_199 = tpu.assume_multiple %multiple_of3A_198, 8 : i32
      %dma_start3A_200 = arith.constant 0 : i32
      %dma_start3A_201 = arith.constant 0 : i32
      %dma_start3A_202 = tpu.memref_slice %arg7[%dma_start3A_200, %dma_start3A_201] : memref<200x64xbf16, #tpu.memory_space<vmem>> -> memref<128x64xbf16, #tpu.memory_space<vmem>>
      %dma_start3A_203 = tpu.memref_slice %arg6[%multiple_of3A_199] : memref<6400xi32, #tpu.memory_space<vmem>> -> memref<128xi32, #tpu.memory_space<vmem>>
      %dma_start3A_204 = arith.constant 0 : i32
      %dma_start3A_205 = arith.constant 0 : i32
      %dma_start3A_206 = tpu.memref_slice %arg17[%dma_start3A_204, %dma_start3A_205] : memref<10000x64xbf16, #tpu.memory_space<vmem_shared>> -> memref<10000x64xbf16, #tpu.memory_space<vmem_shared>>
      tpu.enqueue_indirect_dma source(%dma_start3A_206 : memref<10000x64xbf16, #tpu.memory_space<vmem_shared>>) target(%dma_start3A_202 : memref<128x64xbf16, #tpu.memory_space<vmem>>) offsets(%dma_start3A_203 : memref<128xi32, #tpu.memory_space<vmem>>) semaphore(%arg18 : memref<!tpu.dma_semaphore, #tpu.memory_space<semaphore_mem>>)
      %add3A_207 = arith.constant 128 : i32
      %add3A_208 = arith.addi %multiple_of3A_199, %add3A_207 : i32
      %dma_start3A_209 = arith.constant 128 : i32
      %dma_start3A_210 = arith.constant 0 : i32
      %dma_start3A_211 = tpu.memref_slice %arg7[%dma_start3A_209, %dma_start3A_210] : memref<200x64xbf16, #tpu.memory_space<vmem>> -> memref<72x64xbf16, #tpu.memory_space<vmem>>
      %dma_start3A_212 = tpu.memref_slice %arg6[%add3A_208] : memref<6400xi32, #tpu.memory_space<vmem>> -> memref<72xi32, #tpu.memory_space<vmem>>
      %dma_start3A_213 = arith.constant 0 : i32
      %dma_start3A_214 = arith.constant 0 : i32
      %dma_start3A_215 = tpu.memref_slice %arg17[%dma_start3A_213, %dma_start3A_214] : memref<10000x64xbf16, #tpu.memory_space<vmem_shared>> -> memref<10000x64xbf16, #tpu.memory_space<vmem_shared>>
      tpu.enqueue_indirect_dma source(%dma_start3A_215 : memref<10000x64xbf16, #tpu.memory_space<vmem_shared>>) target(%dma_start3A_211 : memref<72x64xbf16, #tpu.memory_space<vmem>>) offsets(%dma_start3A_212 : memref<72xi32, #tpu.memory_space<vmem>>) semaphore(%arg18 : memref<!tpu.dma_semaphore, #tpu.memory_space<semaphore_mem>>)
      %multiple_of3A_216 = arith.constant 200 : i32
      %multiple_of3A_217 = tpu.assume_multiple %multiple_of3A_216, 8 : i32
      %dma_start3A_218 = arith.constant 0 : i32
      %dma_start3A_219 = arith.constant 0 : i32
      %dma_start3A_220 = tpu.memref_slice %arg8[%dma_start3A_218, %dma_start3A_219] : memref<200x64xbf16, #tpu.memory_space<vmem>> -> memref<128x64xbf16, #tpu.memory_space<vmem>>
      %dma_start3A_221 = tpu.memref_slice %arg6[%multiple_of3A_217] : memref<6400xi32, #tpu.memory_space<vmem>> -> memref<128xi32, #tpu.memory_space<vmem>>
      %dma_start3A_222 = arith.constant 0 : i32
      %dma_start3A_223 = arith.constant 0 : i32
      %dma_start3A_224 = tpu.memref_slice %arg17[%dma_start3A_222, %dma_start3A_223] : memref<10000x64xbf16, #tpu.memory_space<vmem_shared>> -> memref<10000x64xbf16, #tpu.memory_space<vmem_shared>>
      tpu.enqueue_indirect_dma source(%dma_start3A_224 : memref<10000x64xbf16, #tpu.memory_space<vmem_shared>>) target(%dma_start3A_220 : memref<128x64xbf16, #tpu.memory_space<vmem>>) offsets(%dma_start3A_221 : memref<128xi32, #tpu.memory_space<vmem>>) semaphore(%arg19 : memref<!tpu.dma_semaphore, #tpu.memory_space<semaphore_mem>>)
      %add3A_225 = arith.constant 128 : i32
      %add3A_226 = arith.addi %multiple_of3A_217, %add3A_225 : i32
      %dma_start3A_227 = arith.constant 128 : i32
      %dma_start3A_228 = arith.constant 0 : i32
      %dma_start3A_229 = tpu.memref_slice %arg8[%dma_start3A_227, %dma_start3A_228] : memref<200x64xbf16, #tpu.memory_space<vmem>> -> memref<72x64xbf16, #tpu.memory_space<vmem>>
      %dma_start3A_230 = tpu.memref_slice %arg6[%add3A_226] : memref<6400xi32, #tpu.memory_space<vmem>> -> memref<72xi32, #tpu.memory_space<vmem>>
      %dma_start3A_231 = arith.constant 0 : i32
      %dma_start3A_232 = arith.constant 0 : i32
      %dma_start3A_233 = tpu.memref_slice %arg17[%dma_start3A_231, %dma_start3A_232] : memref<10000x64xbf16, #tpu.memory_space<vmem_shared>> -> memref<10000x64xbf16, #tpu.memory_space<vmem_shared>>
      tpu.enqueue_indirect_dma source(%dma_start3A_233 : memref<10000x64xbf16, #tpu.memory_space<vmem_shared>>) target(%dma_start3A_229 : memref<72x64xbf16, #tpu.memory_space<vmem>>) offsets(%dma_start3A_230 : memref<72xi32, #tpu.memory_space<vmem>>) semaphore(%arg19 : memref<!tpu.dma_semaphore, #tpu.memory_space<semaphore_mem>>)
      %multiple_of3A_234 = arith.constant 400 : i32
      %multiple_of3A_235 = tpu.assume_multiple %multiple_of3A_234, 8 : i32
      %dma_start3A_236 = arith.constant 0 : i32
      %dma_start3A_237 = arith.constant 0 : i32
      %dma_start3A_238 = tpu.memref_slice %arg9[%dma_start3A_236, %dma_start3A_237] : memref<200x64xbf16, #tpu.memory_space<vmem>> -> memref<128x64xbf16, #tpu.memory_space<vmem>>
      %dma_start3A_239 = tpu.memref_slice %arg6[%multiple_of3A_235] : memref<6400xi32, #tpu.memory_space<vmem>> -> memref<128xi32, #tpu.memory_space<vmem>>
      %dma_start3A_240 = arith.constant 0 : i32
      %dma_start3A_241 = arith.constant 0 : i32
      %dma_start3A_242 = tpu.memref_slice %arg17[%dma_start3A_240, %dma_start3A_241] : memref<10000x64xbf16, #tpu.memory_space<vmem_shared>> -> memref<10000x64xbf16, #tpu.memory_space<vmem_shared>>
      tpu.enqueue_indirect_dma source(%dma_start3A_242 : memref<10000x64xbf16, #tpu.memory_space<vmem_shared>>) target(%dma_start3A_238 : memref<128x64xbf16, #tpu.memory_space<vmem>>) offsets(%dma_start3A_239 : memref<128xi32, #tpu.memory_space<vmem>>) semaphore(%arg20 : memref<!tpu.dma_semaphore, #tpu.memory_space<semaphore_mem>>)
      %add3A_243 = arith.constant 128 : i32
      %add3A_244 = arith.addi %multiple_of3A_235, %add3A_243 : i32
      %dma_start3A_245 = arith.constant 128 : i32
      %dma_start3A_246 = arith.constant 0 : i32
      %dma_start3A_247 = tpu.memref_slice %arg9[%dma_start3A_245, %dma_start3A_246] : memref<200x64xbf16, #tpu.memory_space<vmem>> -> memref<72x64xbf16, #tpu.memory_space<vmem>>
      %dma_start3A_248 = tpu.memref_slice %arg6[%add3A_244] : memref<6400xi32, #tpu.memory_space<vmem>> -> memref<72xi32, #tpu.memory_space<vmem>>
      %dma_start3A_249 = arith.constant 0 : i32
      %dma_start3A_250 = arith.constant 0 : i32
      %dma_start3A_251 = tpu.memref_slice %arg17[%dma_start3A_249, %dma_start3A_250] : memref<10000x64xbf16, #tpu.memory_space<vmem_shared>> -> memref<10000x64xbf16, #tpu.memory_space<vmem_shared>>
      tpu.enqueue_indirect_dma source(%dma_start3A_251 : memref<10000x64xbf16, #tpu.memory_space<vmem_shared>>) target(%dma_start3A_247 : memref<72x64xbf16, #tpu.memory_space<vmem>>) offsets(%dma_start3A_248 : memref<72xi32, #tpu.memory_space<vmem>>) semaphore(%arg20 : memref<!tpu.dma_semaphore, #tpu.memory_space<semaphore_mem>>)
      %multiple_of3A_252 = arith.constant 600 : i32
      %multiple_of3A_253 = tpu.assume_multiple %multiple_of3A_252, 8 : i32
      %dma_start3A_254 = arith.constant 0 : i32
      %dma_start3A_255 = arith.constant 0 : i32
      %dma_start3A_256 = tpu.memref_slice %arg10[%dma_start3A_254, %dma_start3A_255] : memref<200x64xbf16, #tpu.memory_space<vmem>> -> memref<128x64xbf16, #tpu.memory_space<vmem>>
      %dma_start3A_257 = tpu.memref_slice %arg6[%multiple_of3A_253] : memref<6400xi32, #tpu.memory_space<vmem>> -> memref<128xi32, #tpu.memory_space<vmem>>
      %dma_start3A_258 = arith.constant 0 : i32
      %dma_start3A_259 = arith.constant 0 : i32
      %dma_start3A_260 = tpu.memref_slice %arg17[%dma_start3A_258, %dma_start3A_259] : memref<10000x64xbf16, #tpu.memory_space<vmem_shared>> -> memref<10000x64xbf16, #tpu.memory_space<vmem_shared>>
      tpu.enqueue_indirect_dma source(%dma_start3A_260 : memref<10000x64xbf16, #tpu.memory_space<vmem_shared>>) target(%dma_start3A_256 : memref<128x64xbf16, #tpu.memory_space<vmem>>) offsets(%dma_start3A_257 : memref<128xi32, #tpu.memory_space<vmem>>) semaphore(%arg21 : memref<!tpu.dma_semaphore, #tpu.memory_space<semaphore_mem>>)
      %add3A_261 = arith.constant 128 : i32
      %add3A_262 = arith.addi %multiple_of3A_253, %add3A_261 : i32
      %dma_start3A_263 = arith.constant 128 : i32
      %dma_start3A_264 = arith.constant 0 : i32
      %dma_start3A_265 = tpu.memref_slice %arg10[%dma_start3A_263, %dma_start3A_264] : memref<200x64xbf16, #tpu.memory_space<vmem>> -> memref<72x64xbf16, #tpu.memory_space<vmem>>
      %dma_start3A_266 = tpu.memref_slice %arg6[%add3A_262] : memref<6400xi32, #tpu.memory_space<vmem>> -> memref<72xi32, #tpu.memory_space<vmem>>
      %dma_start3A_267 = arith.constant 0 : i32
      %dma_start3A_268 = arith.constant 0 : i32
      %dma_start3A_269 = tpu.memref_slice %arg17[%dma_start3A_267, %dma_start3A_268] : memref<10000x64xbf16, #tpu.memory_space<vmem_shared>> -> memref<10000x64xbf16, #tpu.memory_space<vmem_shared>>
      tpu.enqueue_indirect_dma source(%dma_start3A_269 : memref<10000x64xbf16, #tpu.memory_space<vmem_shared>>) target(%dma_start3A_265 : memref<72x64xbf16, #tpu.memory_space<vmem>>) offsets(%dma_start3A_266 : memref<72xi32, #tpu.memory_space<vmem>>) semaphore(%arg21 : memref<!tpu.dma_semaphore, #tpu.memory_space<semaphore_mem>>)
      %multiple_of3A_270 = arith.constant 800 : i32
      %multiple_of3A_271 = tpu.assume_multiple %multiple_of3A_270, 8 : i32
      %dma_start3A_272 = arith.constant 0 : i32
      %dma_start3A_273 = arith.constant 0 : i32
      %dma_start3A_274 = tpu.memref_slice %arg11[%dma_start3A_272, %dma_start3A_273] : memref<200x64xbf16, #tpu.memory_space<vmem>> -> memref<128x64xbf16, #tpu.memory_space<vmem>>
      %dma_start3A_275 = tpu.memref_slice %arg6[%multiple_of3A_271] : memref<6400xi32, #tpu.memory_space<vmem>> -> memref<128xi32, #tpu.memory_space<vmem>>
      %dma_start3A_276 = arith.constant 0 : i32
      %dma_start3A_277 = arith.constant 0 : i32
      %dma_start3A_278 = tpu.memref_slice %arg17[%dma_start3A_276, %dma_start3A_277] : memref<10000x64xbf16, #tpu.memory_space<vmem_shared>> -> memref<10000x64xbf16, #tpu.memory_space<vmem_shared>>
      tpu.enqueue_indirect_dma source(%dma_start3A_278 : memref<10000x64xbf16, #tpu.memory_space<vmem_shared>>) target(%dma_start3A_274 : memref<128x64xbf16, #tpu.memory_space<vmem>>) offsets(%dma_start3A_275 : memref<128xi32, #tpu.memory_space<vmem>>) semaphore(%arg22 : memref<!tpu.dma_semaphore, #tpu.memory_space<semaphore_mem>>)
      %add3A_279 = arith.constant 128 : i32
      %add3A_280 = arith.addi %multiple_of3A_271, %add3A_279 : i32
      %dma_start3A_281 = arith.constant 128 : i32
      %dma_start3A_282 = arith.constant 0 : i32
      %dma_start3A_283 = tpu.memref_slice %arg11[%dma_start3A_281, %dma_start3A_282] : memref<200x64xbf16, #tpu.memory_space<vmem>> -> memref<72x64xbf16, #tpu.memory_space<vmem>>
      %dma_start3A_284 = tpu.memref_slice %arg6[%add3A_280] : memref<6400xi32, #tpu.memory_space<vmem>> -> memref<72xi32, #tpu.memory_space<vmem>>
      %dma_start3A_285 = arith.constant 0 : i32
      %dma_start3A_286 = arith.constant 0 : i32
      %dma_start3A_287 = tpu.memref_slice %arg17[%dma_start3A_285, %dma_start3A_286] : memref<10000x64xbf16, #tpu.memory_space<vmem_shared>> -> memref<10000x64xbf16, #tpu.memory_space<vmem_shared>>
      tpu.enqueue_indirect_dma source(%dma_start3A_287 : memref<10000x64xbf16, #tpu.memory_space<vmem_shared>>) target(%dma_start3A_283 : memref<72x64xbf16, #tpu.memory_space<vmem>>) offsets(%dma_start3A_284 : memref<72xi32, #tpu.memory_space<vmem>>) semaphore(%arg22 : memref<!tpu.dma_semaphore, #tpu.memory_space<semaphore_mem>>)
      %multiple_of3A_288 = arith.constant 1000 : i32
      %multiple_of3A_289 = tpu.assume_multiple %multiple_of3A_288, 8 : i32
      %dma_start3A_290 = arith.constant 0 : i32
      %dma_start3A_291 = arith.constant 0 : i32
      %dma_start3A_292 = tpu.memref_slice %arg12[%dma_start3A_290, %dma_start3A_291] : memref<200x64xbf16, #tpu.memory_space<vmem>> -> memref<128x64xbf16, #tpu.memory_space<vmem>>
      %dma_start3A_293 = tpu.memref_slice %arg6[%multiple_of3A_289] : memref<6400xi32, #tpu.memory_space<vmem>> -> memref<128xi32, #tpu.memory_space<vmem>>
      %dma_start3A_294 = arith.constant 0 : i32
      %dma_start3A_295 = arith.constant 0 : i32
      %dma_start3A_296 = tpu.memref_slice %arg17[%dma_start3A_294, %dma_start3A_295] : memref<10000x64xbf16, #tpu.memory_space<vmem_shared>> -> memref<10000x64xbf16, #tpu.memory_space<vmem_shared>>
      tpu.enqueue_indirect_dma source(%dma_start3A_296 : memref<10000x64xbf16, #tpu.memory_space<vmem_shared>>) target(%dma_start3A_292 : memref<128x64xbf16, #tpu.memory_space<vmem>>) offsets(%dma_start3A_293 : memref<128xi32, #tpu.memory_space<vmem>>) semaphore(%arg23 : memref<!tpu.dma_semaphore, #tpu.memory_space<semaphore_mem>>)
      %add3A_297 = arith.constant 128 : i32
      %add3A_298 = arith.addi %multiple_of3A_289, %add3A_297 : i32
      %dma_start3A_299 = arith.constant 128 : i32
      %dma_start3A_300 = arith.constant 0 : i32
      %dma_start3A_301 = tpu.memref_slice %arg12[%dma_start3A_299, %dma_start3A_300] : memref<200x64xbf16, #tpu.memory_space<vmem>> -> memref<72x64xbf16, #tpu.memory_space<vmem>>
      %dma_start3A_302 = tpu.memref_slice %arg6[%add3A_298] : memref<6400xi32, #tpu.memory_space<vmem>> -> memref<72xi32, #tpu.memory_space<vmem>>
      %dma_start3A_303 = arith.constant 0 : i32
      %dma_start3A_304 = arith.constant 0 : i32
      %dma_start3A_305 = tpu.memref_slice %arg17[%dma_start3A_303, %dma_start3A_304] : memref<10000x64xbf16, #tpu.memory_space<vmem_shared>> -> memref<10000x64xbf16, #tpu.memory_space<vmem_shared>>
      tpu.enqueue_indirect_dma source(%dma_start3A_305 : memref<10000x64xbf16, #tpu.memory_space<vmem_shared>>) target(%dma_start3A_301 : memref<72x64xbf16, #tpu.memory_space<vmem>>) offsets(%dma_start3A_302 : memref<72xi32, #tpu.memory_space<vmem>>) semaphore(%arg23 : memref<!tpu.dma_semaphore, #tpu.memory_space<semaphore_mem>>)
      %multiple_of3A_306 = arith.constant 1200 : i32
      %multiple_of3A_307 = tpu.assume_multiple %multiple_of3A_306, 8 : i32
      %dma_start3A_308 = arith.constant 0 : i32
      %dma_start3A_309 = arith.constant 0 : i32
      %dma_start3A_310 = tpu.memref_slice %arg13[%dma_start3A_308, %dma_start3A_309] : memref<200x64xbf16, #tpu.memory_space<vmem>> -> memref<128x64xbf16, #tpu.memory_space<vmem>>
      %dma_start3A_311 = tpu.memref_slice %arg6[%multiple_of3A_307] : memref<6400xi32, #tpu.memory_space<vmem>> -> memref<128xi32, #tpu.memory_space<vmem>>
      %dma_start3A_312 = arith.constant 0 : i32
      %dma_start3A_313 = arith.constant 0 : i32
      %dma_start3A_314 = tpu.memref_slice %arg17[%dma_start3A_312, %dma_start3A_313] : memref<10000x64xbf16, #tpu.memory_space<vmem_shared>> -> memref<10000x64xbf16, #tpu.memory_space<vmem_shared>>
      tpu.enqueue_indirect_dma source(%dma_start3A_314 : memref<10000x64xbf16, #tpu.memory_space<vmem_shared>>) target(%dma_start3A_310 : memref<128x64xbf16, #tpu.memory_space<vmem>>) offsets(%dma_start3A_311 : memref<128xi32, #tpu.memory_space<vmem>>) semaphore(%arg24 : memref<!tpu.dma_semaphore, #tpu.memory_space<semaphore_mem>>)
      %add3A_315 = arith.constant 128 : i32
      %add3A_316 = arith.addi %multiple_of3A_307, %add3A_315 : i32
      %dma_start3A_317 = arith.constant 128 : i32
      %dma_start3A_318 = arith.constant 0 : i32
      %dma_start3A_319 = tpu.memref_slice %arg13[%dma_start3A_317, %dma_start3A_318] : memref<200x64xbf16, #tpu.memory_space<vmem>> -> memref<72x64xbf16, #tpu.memory_space<vmem>>
      %dma_start3A_320 = tpu.memref_slice %arg6[%add3A_316] : memref<6400xi32, #tpu.memory_space<vmem>> -> memref<72xi32, #tpu.memory_space<vmem>>
      %dma_start3A_321 = arith.constant 0 : i32
      %dma_start3A_322 = arith.constant 0 : i32
      %dma_start3A_323 = tpu.memref_slice %arg17[%dma_start3A_321, %dma_start3A_322] : memref<10000x64xbf16, #tpu.memory_space<vmem_shared>> -> memref<10000x64xbf16, #tpu.memory_space<vmem_shared>>
      tpu.enqueue_indirect_dma source(%dma_start3A_323 : memref<10000x64xbf16, #tpu.memory_space<vmem_shared>>) target(%dma_start3A_319 : memref<72x64xbf16, #tpu.memory_space<vmem>>) offsets(%dma_start3A_320 : memref<72xi32, #tpu.memory_space<vmem>>) semaphore(%arg24 : memref<!tpu.dma_semaphore, #tpu.memory_space<semaphore_mem>>)
      %scan3A_324 = arith.constant 0 : i32
      %scan3A_325 = arith.constant 0 : i32
      %scan3A_326 = arith.constant 4 : i32
      %scan3A_327 = arith.addi %scan3A_325, %scan3A_326 : i32
      %scan3A_328 = arith.constant 1 : i32
      scf.for %scan3A_341 = %scan3A_325 to %scan3A_327 step %scan3A_328  : i32 {
        %mul3A_342 = arith.constant 8 : i32
        %mul3A_343 = arith.muli %scan3A_341, %mul3A_342 : i32
        %add3A_344 = arith.constant 0 : i32
        %add3A_345 = arith.addi %mul3A_343, %add3A_344 : i32
        %dma_wait3A_346 = arith.constant 0 : i32
        %dma_wait3A_347 = arith.constant 0 : i32
        %dma_wait3A_348 = tpu.memref_slice %arg3[%dma_wait3A_346, %dma_wait3A_347] : memref<10000x64xbf16, #tpu.memory_space<hbm>> -> memref<200x64xbf16, #tpu.memory_space<hbm>>
        %dma_wait3A_349 = arith.constant 0 : i32
        %dma_wait3A_350 = arith.constant 0 : i32
        %dma_wait3A_351 = tpu.memref_slice %arg3[%dma_wait3A_349, %dma_wait3A_350] : memref<10000x64xbf16, #tpu.memory_space<hbm>> -> memref<200x64xbf16, #tpu.memory_space<hbm>>
        tpu.wait_dma2 semaphore(%arg18 : memref<!tpu.dma_semaphore, #tpu.memory_space<semaphore_mem>>) src(%dma_wait3A_351 : memref<200x64xbf16, #tpu.memory_space<hbm>>) dst(%arg7 : memref<200x64xbf16, #tpu.memory_space<vmem>>)
        %broadcast_in_dim3A = arith.constant 0.000000e+00 : f32
        %broadcast_in_dim3A_352 = vector.broadcast %broadcast_in_dim3A : f32 to vector<16xf32>
        %parallel_loop3A = arith.constant 0 : i32
        %parallel_loop3A_353 = arith.constant 200 : i32
        %parallel_loop3A_354 = arith.constant 1 : i32
        %parallel_loop3A_355:4 = scf.for %parallel_loop3A_730 = %parallel_loop3A to %parallel_loop3A_353 step %parallel_loop3A_354 iter_args(%parallel_loop3A_731 = %broadcast_in_dim3A_352, %parallel_loop3A_732 = %broadcast_in_dim3A_352, %parallel_loop3A_733 = %broadcast_in_dim3A_352, %parallel_loop3A_734 = %broadcast_in_dim3A_352) -> (vector<16xf32>, vector<16xf32>, vector<16xf32>, vector<16xf32>)  : i32 {
          %parallel_loop3A_735 = arith.index_cast %parallel_loop3A_730 : i32 to index
          %parallel_loop3A_736 = arith.constant 0 : index
          %parallel_loop3A_737 = tpu.vector_load %arg7[%parallel_loop3A_735, %parallel_loop3A_736] {strides = array<i32>} : memref<200x64xbf16, #tpu.memory_space<vmem>>, vector<32xbf16>,
          %parallel_loop3A_738 = tpu.unpack_subelements %parallel_loop3A_737, 0 {pack_format = #tpu.pack_format<interleaved>} : vector<32xbf16> -> vector<16xf32>
          %parallel_loop3A_739 = tpu.unpack_subelements %parallel_loop3A_737, 1 {pack_format = #tpu.pack_format<interleaved>} : vector<32xbf16> -> vector<16xf32>
          %parallel_loop3A_740 = arith.index_cast %parallel_loop3A_730 : i32 to index
          %parallel_loop3A_741 = arith.constant 32 : index
          %parallel_loop3A_742 = tpu.vector_load %arg7[%parallel_loop3A_740, %parallel_loop3A_741] {strides = array<i32>} : memref<200x64xbf16, #tpu.memory_space<vmem>>, vector<32xbf16>,
          %parallel_loop3A_743 = tpu.unpack_subelements %parallel_loop3A_742, 0 {pack_format = #tpu.pack_format<interleaved>} : vector<32xbf16> -> vector<16xf32>
          %parallel_loop3A_744 = tpu.unpack_subelements %parallel_loop3A_742, 1 {pack_format = #tpu.pack_format<interleaved>} : vector<32xbf16> -> vector<16xf32>
          %parallel_loop3A_745 = arith.addf %parallel_loop3A_731, %parallel_loop3A_738 : vector<16xf32>
          %parallel_loop3A_746 = arith.addf %parallel_loop3A_732, %parallel_loop3A_739 : vector<16xf32>
          %parallel_loop3A_747 = arith.addf %parallel_loop3A_733, %parallel_loop3A_743 : vector<16xf32>
          %parallel_loop3A_748 = arith.addf %parallel_loop3A_734, %parallel_loop3A_744 : vector<16xf32>
          scf.yield %parallel_loop3A_745, %parallel_loop3A_746, %parallel_loop3A_747, %parallel_loop3A_748 : vector<16xf32>, vector<16xf32>, vector<16xf32>, vector<16xf32>
        } {sc.loop_unroll_factor = 8 : i64, sc.parallel_access}
        %mul3A_356 = arith.constant 5.000000e-03 : f32
        %mul3A_357 = vector.broadcast %mul3A_356 : f32 to vector<16xf32>
        %mul3A_358 = arith.mulf %parallel_loop3A_355#0, %mul3A_357 : vector<16xf32>
        %swap3A = arith.index_cast %add3A_345 : i32 to index
        %swap3A_359 = arith.constant 0 : index
        %swap3A_360 = tpu.vector_load %arg16[%swap3A, %swap3A_359] {strides = array<i32>} : memref<32x64xf32, #tpu.memory_space<vmem>>, vector<16xf32>,
        tpu.vector_store %arg16[%swap3A, %swap3A_359], %mul3A_358 {strides = array<i32>} : memref<32x64xf32, #tpu.memory_space<vmem>>, vector<16xf32>,
        %mul3A_361 = arith.constant 5.000000e-03 : f32
        %mul3A_362 = vector.broadcast %mul3A_361 : f32 to vector<16xf32>
        %mul3A_363 = arith.mulf %parallel_loop3A_355#1, %mul3A_362 : vector<16xf32>
        %swap3A_364 = arith.index_cast %add3A_345 : i32 to index
        %swap3A_365 = arith.constant 16 : index
        %swap3A_366 = tpu.vector_load %arg16[%swap3A_364, %swap3A_365] {strides = array<i32>} : memref<32x64xf32, #tpu.memory_space<vmem>>, vector<16xf32>,
        tpu.vector_store %arg16[%swap3A_364, %swap3A_365], %mul3A_363 {strides = array<i32>} : memref<32x64xf32, #tpu.memory_space<vmem>>, vector<16xf32>,
        %mul3A_367 = arith.constant 5.000000e-03 : f32
        %mul3A_368 = vector.broadcast %mul3A_367 : f32 to vector<16xf32>
        %mul3A_369 = arith.mulf %parallel_loop3A_355#2, %mul3A_368 : vector<16xf32>
        %swap3A_370 = arith.index_cast %add3A_345 : i32 to index
        %swap3A_371 = arith.constant 32 : index
        %swap3A_372 = tpu.vector_load %arg16[%swap3A_370, %swap3A_371] {strides = array<i32>} : memref<32x64xf32, #tpu.memory_space<vmem>>, vector<16xf32>,
        tpu.vector_store %arg16[%swap3A_370, %swap3A_371], %mul3A_369 {strides = array<i32>} : memref<32x64xf32, #tpu.memory_space<vmem>>, vector<16xf32>,
        %mul3A_373 = arith.constant 5.000000e-03 : f32
        %mul3A_374 = vector.broadcast %mul3A_373 : f32 to vector<16xf32>
        %mul3A_375 = arith.mulf %parallel_loop3A_355#3, %mul3A_374 : vector<16xf32>
        %swap3A_376 = arith.index_cast %add3A_345 : i32 to index
        %swap3A_377 = arith.constant 48 : index
        %swap3A_378 = tpu.vector_load %arg16[%swap3A_376, %swap3A_377] {strides = array<i32>} : memref<32x64xf32, #tpu.memory_space<vmem>>, vector<16xf32>,
        tpu.vector_store %arg16[%swap3A_376, %swap3A_377], %mul3A_375 {strides = array<i32>} : memref<32x64xf32, #tpu.memory_space<vmem>>, vector<16xf32>,
        %add3A_379 = arith.constant 8 : i32
        %add3A_380 = arith.addi %add3A_345, %add3A_379 : i32
        %sub3A = arith.constant 1 : i32
        %sub3A_381 = arith.subi %add3A_380, %sub3A : i32
        %lt3A_382 = arith.constant 32 : i32
        %lt3A_383 = arith.cmpi slt, %sub3A_381, %lt3A_382 : i32
        %convert_element_type3A_384 = arith.extui %lt3A_383 : i1 to i32
        %cond3A_385 = arith.constant 0 : i32
        %cond3A_386 = arith.cmpi ne, %convert_element_type3A_384, %cond3A_385 : i32
        scf.if %cond3A_386 {
          %mul3A_730 = arith.constant 200 : i32
          %mul3A_731 = arith.muli %sub3A_381, %mul3A_730 : i32
          %multiple_of3A_732 = tpu.assume_multiple %mul3A_731, 8 : i32
          %dma_start3A_733 = arith.constant 0 : i32
          %dma_start3A_734 = arith.constant 0 : i32
          %dma_start3A_735 = tpu.memref_slice %arg14[%dma_start3A_733, %dma_start3A_734] : memref<200x64xbf16, #tpu.memory_space<vmem>> -> memref<128x64xbf16, #tpu.memory_space<vmem>>
          %dma_start3A_736 = tpu.memref_slice %arg6[%multiple_of3A_732] : memref<6400xi32, #tpu.memory_space<vmem>> -> memref<128xi32, #tpu.memory_space<vmem>>
          %dma_start3A_737 = arith.constant 0 : i32
          %dma_start3A_738 = arith.constant 0 : i32
          %dma_start3A_739 = tpu.memref_slice %arg17[%dma_start3A_737, %dma_start3A_738] : memref<10000x64xbf16, #tpu.memory_space<vmem_shared>> -> memref<10000x64xbf16, #tpu.memory_space<vmem_shared>>
          tpu.enqueue_indirect_dma source(%dma_start3A_739 : memref<10000x64xbf16, #tpu.memory_space<vmem_shared>>) target(%dma_start3A_735 : memref<128x64xbf16, #tpu.memory_space<vmem>>) offsets(%dma_start3A_736 : memref<128xi32, #tpu.memory_space<vmem>>) semaphore(%arg25 : memref<!tpu.dma_semaphore, #tpu.memory_space<semaphore_mem>>)
          %add3A_740 = arith.constant 128 : i32
          %add3A_741 = arith.addi %multiple_of3A_732, %add3A_740 : i32
          %dma_start3A_742 = arith.constant 128 : i32
          %dma_start3A_743 = arith.constant 0 : i32
          %dma_start3A_744 = tpu.memref_slice %arg14[%dma_start3A_742, %dma_start3A_743] : memref<200x64xbf16, #tpu.memory_space<vmem>> -> memref<72x64xbf16, #tpu.memory_space<vmem>>
          %dma_start3A_745 = tpu.memref_slice %arg6[%add3A_741] : memref<6400xi32, #tpu.memory_space<vmem>> -> memref<72xi32, #tpu.memory_space<vmem>>
          %dma_start3A_746 = arith.constant 0 : i32
          %dma_start3A_747 = arith.constant 0 : i32
          %dma_start3A_748 = tpu.memref_slice %arg17[%dma_start3A_746, %dma_start3A_747] : memref<10000x64xbf16, #tpu.memory_space<vmem_shared>> -> memref<10000x64xbf16, #tpu.memory_space<vmem_shared>>
          tpu.enqueue_indirect_dma source(%dma_start3A_748 : memref<10000x64xbf16, #tpu.memory_space<vmem_shared>>) target(%dma_start3A_744 : memref<72x64xbf16, #tpu.memory_space<vmem>>) offsets(%dma_start3A_745 : memref<72xi32, #tpu.memory_space<vmem>>) semaphore(%arg25 : memref<!tpu.dma_semaphore, #tpu.memory_space<semaphore_mem>>)
        } else {
        }
        %mul3A_387 = arith.constant 8 : i32
        %mul3A_388 = arith.muli %scan3A_341, %mul3A_387 : i32
        %add3A_389 = arith.constant 1 : i32
        %add3A_390 = arith.addi %mul3A_388, %add3A_389 : i32
        %dma_wait3A_391 = arith.constant 0 : i32
        %dma_wait3A_392 = arith.constant 0 : i32
        %dma_wait3A_393 = tpu.memref_slice %arg3[%dma_wait3A_391, %dma_wait3A_392] : memref<10000x64xbf16, #tpu.memory_space<hbm>> -> memref<200x64xbf16, #tpu.memory_space<hbm>>
        %dma_wait3A_394 = arith.constant 0 : i32
        %dma_wait3A_395 = arith.constant 0 : i32
        %dma_wait3A_396 = tpu.memref_slice %arg3[%dma_wait3A_394, %dma_wait3A_395] : memref<10000x64xbf16, #tpu.memory_space<hbm>> -> memref<200x64xbf16, #tpu.memory_space<hbm>>
        tpu.wait_dma2 semaphore(%arg19 : memref<!tpu.dma_semaphore, #tpu.memory_space<semaphore_mem>>) src(%dma_wait3A_396 : memref<200x64xbf16, #tpu.memory_space<hbm>>) dst(%arg8 : memref<200x64xbf16, #tpu.memory_space<vmem>>)
        %broadcast_in_dim3A_397 = arith.constant 0.000000e+00 : f32
        %broadcast_in_dim3A_398 = vector.broadcast %broadcast_in_dim3A_397 : f32 to vector<16xf32>
        %parallel_loop3A_399 = arith.constant 0 : i32
        %parallel_loop3A_400 = arith.constant 200 : i32
        %parallel_loop3A_401 = arith.constant 1 : i32
        %parallel_loop3A_402:4 = scf.for %parallel_loop3A_730 = %parallel_loop3A_399 to %parallel_loop3A_400 step %parallel_loop3A_401 iter_args(%parallel_loop3A_731 = %broadcast_in_dim3A_398, %parallel_loop3A_732 = %broadcast_in_dim3A_398, %parallel_loop3A_733 = %broadcast_in_dim3A_398, %parallel_loop3A_734 = %broadcast_in_dim3A_398) -> (vector<16xf32>, vector<16xf32>, vector<16xf32>, vector<16xf32>)  : i32 {
          %parallel_loop3A_735 = arith.index_cast %parallel_loop3A_730 : i32 to index
          %parallel_loop3A_736 = arith.constant 0 : index
          %parallel_loop3A_737 = tpu.vector_load %arg8[%parallel_loop3A_735, %parallel_loop3A_736] {strides = array<i32>} : memref<200x64xbf16, #tpu.memory_space<vmem>>, vector<32xbf16>,
          %parallel_loop3A_738 = tpu.unpack_subelements %parallel_loop3A_737, 0 {pack_format = #tpu.pack_format<interleaved>} : vector<32xbf16> -> vector<16xf32>
          %parallel_loop3A_739 = tpu.unpack_subelements %parallel_loop3A_737, 1 {pack_format = #tpu.pack_format<interleaved>} : vector<32xbf16> -> vector<16xf32>
          %parallel_loop3A_740 = arith.index_cast %parallel_loop3A_730 : i32 to index
          %parallel_loop3A_741 = arith.constant 32 : index
          %parallel_loop3A_742 = tpu.vector_load %arg8[%parallel_loop3A_740, %parallel_loop3A_741] {strides = array<i32>} : memref<200x64xbf16, #tpu.memory_space<vmem>>, vector<32xbf16>,
          %parallel_loop3A_743 = tpu.unpack_subelements %parallel_loop3A_742, 0 {pack_format = #tpu.pack_format<interleaved>} : vector<32xbf16> -> vector<16xf32>
          %parallel_loop3A_744 = tpu.unpack_subelements %parallel_loop3A_742, 1 {pack_format = #tpu.pack_format<interleaved>} : vector<32xbf16> -> vector<16xf32>
          %parallel_loop3A_745 = arith.addf %parallel_loop3A_731, %parallel_loop3A_738 : vector<16xf32>
          %parallel_loop3A_746 = arith.addf %parallel_loop3A_732, %parallel_loop3A_739 : vector<16xf32>
          %parallel_loop3A_747 = arith.addf %parallel_loop3A_733, %parallel_loop3A_743 : vector<16xf32>
          %parallel_loop3A_748 = arith.addf %parallel_loop3A_734, %parallel_loop3A_744 : vector<16xf32>
          scf.yield %parallel_loop3A_745, %parallel_loop3A_746, %parallel_loop3A_747, %parallel_loop3A_748 : vector<16xf32>, vector<16xf32>, vector<16xf32>, vector<16xf32>
        } {sc.loop_unroll_factor = 8 : i64, sc.parallel_access}
        %mul3A_403 = arith.constant 5.000000e-03 : f32
        %mul3A_404 = vector.broadcast %mul3A_403 : f32 to vector<16xf32>
        %mul3A_405 = arith.mulf %parallel_loop3A_402#0, %mul3A_404 : vector<16xf32>
        %swap3A_406 = arith.index_cast %add3A_390 : i32 to index
        %swap3A_407 = arith.constant 0 : index
        %swap3A_408 = tpu.vector_load %arg16[%swap3A_406, %swap3A_407] {strides = array<i32>} : memref<32x64xf32, #tpu.memory_space<vmem>>, vector<16xf32>,
        tpu.vector_store %arg16[%swap3A_406, %swap3A_407], %mul3A_405 {strides = array<i32>} : memref<32x64xf32, #tpu.memory_space<vmem>>, vector<16xf32>,
        %mul3A_409 = arith.constant 5.000000e-03 : f32
        %mul3A_410 = vector.broadcast %mul3A_409 : f32 to vector<16xf32>
        %mul3A_411 = arith.mulf %parallel_loop3A_402#1, %mul3A_410 : vector<16xf32>
        %swap3A_412 = arith.index_cast %add3A_390 : i32 to index
        %swap3A_413 = arith.constant 16 : index
        %swap3A_414 = tpu.vector_load %arg16[%swap3A_412, %swap3A_413] {strides = array<i32>} : memref<32x64xf32, #tpu.memory_space<vmem>>, vector<16xf32>,
        tpu.vector_store %arg16[%swap3A_412, %swap3A_413], %mul3A_411 {strides = array<i32>} : memref<32x64xf32, #tpu.memory_space<vmem>>, vector<16xf32>,
        %mul3A_415 = arith.constant 5.000000e-03 : f32
        %mul3A_416 = vector.broadcast %mul3A_415 : f32 to vector<16xf32>
        %mul3A_417 = arith.mulf %parallel_loop3A_402#2, %mul3A_416 : vector<16xf32>
        %swap3A_418 = arith.index_cast %add3A_390 : i32 to index
        %swap3A_419 = arith.constant 32 : index
        %swap3A_420 = tpu.vector_load %arg16[%swap3A_418, %swap3A_419] {strides = array<i32>} : memref<32x64xf32, #tpu.memory_space<vmem>>, vector<16xf32>,
        tpu.vector_store %arg16[%swap3A_418, %swap3A_419], %mul3A_417 {strides = array<i32>} : memref<32x64xf32, #tpu.memory_space<vmem>>, vector<16xf32>,
        %mul3A_421 = arith.constant 5.000000e-03 : f32
        %mul3A_422 = vector.broadcast %mul3A_421 : f32 to vector<16xf32>
        %mul3A_423 = arith.mulf %parallel_loop3A_402#3, %mul3A_422 : vector<16xf32>
        %swap3A_424 = arith.index_cast %add3A_390 : i32 to index
        %swap3A_425 = arith.constant 48 : index
        %swap3A_426 = tpu.vector_load %arg16[%swap3A_424, %swap3A_425] {strides = array<i32>} : memref<32x64xf32, #tpu.memory_space<vmem>>, vector<16xf32>,
        tpu.vector_store %arg16[%swap3A_424, %swap3A_425], %mul3A_423 {strides = array<i32>} : memref<32x64xf32, #tpu.memory_space<vmem>>, vector<16xf32>,
        %add3A_427 = arith.constant 8 : i32
        %add3A_428 = arith.addi %add3A_390, %add3A_427 : i32
        %sub3A_429 = arith.constant 1 : i32
        %sub3A_430 = arith.subi %add3A_428, %sub3A_429 : i32
        %lt3A_431 = arith.constant 32 : i32
        %lt3A_432 = arith.cmpi slt, %sub3A_430, %lt3A_431 : i32
        %convert_element_type3A_433 = arith.extui %lt3A_432 : i1 to i32
        %cond3A_434 = arith.constant 0 : i32
        %cond3A_435 = arith.cmpi ne, %convert_element_type3A_433, %cond3A_434 : i32
        scf.if %cond3A_435 {
          %mul3A_730 = arith.constant 200 : i32
          %mul3A_731 = arith.muli %sub3A_430, %mul3A_730 : i32
          %multiple_of3A_732 = tpu.assume_multiple %mul3A_731, 8 : i32
          %dma_start3A_733 = arith.constant 0 : i32
          %dma_start3A_734 = arith.constant 0 : i32
          %dma_start3A_735 = tpu.memref_slice %arg7[%dma_start3A_733, %dma_start3A_734] : memref<200x64xbf16, #tpu.memory_space<vmem>> -> memref<128x64xbf16, #tpu.memory_space<vmem>>
          %dma_start3A_736 = tpu.memref_slice %arg6[%multiple_of3A_732] : memref<6400xi32, #tpu.memory_space<vmem>> -> memref<128xi32, #tpu.memory_space<vmem>>
          %dma_start3A_737 = arith.constant 0 : i32
          %dma_start3A_738 = arith.constant 0 : i32
          %dma_start3A_739 = tpu.memref_slice %arg17[%dma_start3A_737, %dma_start3A_738] : memref<10000x64xbf16, #tpu.memory_space<vmem_shared>> -> memref<10000x64xbf16, #tpu.memory_space<vmem_shared>>
          tpu.enqueue_indirect_dma source(%dma_start3A_739 : memref<10000x64xbf16, #tpu.memory_space<vmem_shared>>) target(%dma_start3A_735 : memref<128x64xbf16, #tpu.memory_space<vmem>>) offsets(%dma_start3A_736 : memref<128xi32, #tpu.memory_space<vmem>>) semaphore(%arg18 : memref<!tpu.dma_semaphore, #tpu.memory_space<semaphore_mem>>)
          %add3A_740 = arith.constant 128 : i32
          %add3A_741 = arith.addi %multiple_of3A_732, %add3A_740 : i32
          %dma_start3A_742 = arith.constant 128 : i32
          %dma_start3A_743 = arith.constant 0 : i32
          %dma_start3A_744 = tpu.memref_slice %arg7[%dma_start3A_742, %dma_start3A_743] : memref<200x64xbf16, #tpu.memory_space<vmem>> -> memref<72x64xbf16, #tpu.memory_space<vmem>>
          %dma_start3A_745 = tpu.memref_slice %arg6[%add3A_741] : memref<6400xi32, #tpu.memory_space<vmem>> -> memref<72xi32, #tpu.memory_space<vmem>>
          %dma_start3A_746 = arith.constant 0 : i32
          %dma_start3A_747 = arith.constant 0 : i32
          %dma_start3A_748 = tpu.memref_slice %arg17[%dma_start3A_746, %dma_start3A_747] : memref<10000x64xbf16, #tpu.memory_space<vmem_shared>> -> memref<10000x64xbf16, #tpu.memory_space<vmem_shared>>
          tpu.enqueue_indirect_dma source(%dma_start3A_748 : memref<10000x64xbf16, #tpu.memory_space<vmem_shared>>) target(%dma_start3A_744 : memref<72x64xbf16, #tpu.memory_space<vmem>>) offsets(%dma_start3A_745 : memref<72xi32, #tpu.memory_space<vmem>>) semaphore(%arg18 : memref<!tpu.dma_semaphore, #tpu.memory_space<semaphore_mem>>)
        } else {
        }
        %mul3A_436 = arith.constant 8 : i32
        %mul3A_437 = arith.muli %scan3A_341, %mul3A_436 : i32
        %add3A_438 = arith.constant 2 : i32
        %add3A_439 = arith.addi %mul3A_437, %add3A_438 : i32
        %dma_wait3A_440 = arith.constant 0 : i32
        %dma_wait3A_441 = arith.constant 0 : i32
        %dma_wait3A_442 = tpu.memref_slice %arg3[%dma_wait3A_440, %dma_wait3A_441] : memref<10000x64xbf16, #tpu.memory_space<hbm>> -> memref<200x64xbf16, #tpu.memory_space<hbm>>
        %dma_wait3A_443 = arith.constant 0 : i32
        %dma_wait3A_444 = arith.constant 0 : i32
        %dma_wait3A_445 = tpu.memref_slice %arg3[%dma_wait3A_443, %dma_wait3A_444] : memref<10000x64xbf16, #tpu.memory_space<hbm>> -> memref<200x64xbf16, #tpu.memory_space<hbm>>
        tpu.wait_dma2 semaphore(%arg20 : memref<!tpu.dma_semaphore, #tpu.memory_space<semaphore_mem>>) src(%dma_wait3A_445 : memref<200x64xbf16, #tpu.memory_space<hbm>>) dst(%arg9 : memref<200x64xbf16, #tpu.memory_space<vmem>>)
        %broadcast_in_dim3A_446 = arith.constant 0.000000e+00 : f32
        %broadcast_in_dim3A_447 = vector.broadcast %broadcast_in_dim3A_446 : f32 to vector<16xf32>
        %parallel_loop3A_448 = arith.constant 0 : i32
        %parallel_loop3A_449 = arith.constant 200 : i32
        %parallel_loop3A_450 = arith.constant 1 : i32
        %parallel_loop3A_451:4 = scf.for %parallel_loop3A_730 = %parallel_loop3A_448 to %parallel_loop3A_449 step %parallel_loop3A_450 iter_args(%parallel_loop3A_731 = %broadcast_in_dim3A_447, %parallel_loop3A_732 = %broadcast_in_dim3A_447, %parallel_loop3A_733 = %broadcast_in_dim3A_447, %parallel_loop3A_734 = %broadcast_in_dim3A_447) -> (vector<16xf32>, vector<16xf32>, vector<16xf32>, vector<16xf32>)  : i32 {
          %parallel_loop3A_735 = arith.index_cast %parallel_loop3A_730 : i32 to index
          %parallel_loop3A_736 = arith.constant 0 : index
          %parallel_loop3A_737 = tpu.vector_load %arg9[%parallel_loop3A_735, %parallel_loop3A_736] {strides = array<i32>} : memref<200x64xbf16, #tpu.memory_space<vmem>>, vector<32xbf16>,
          %parallel_loop3A_738 = tpu.unpack_subelements %parallel_loop3A_737, 0 {pack_format = #tpu.pack_format<interleaved>} : vector<32xbf16> -> vector<16xf32>
          %parallel_loop3A_739 = tpu.unpack_subelements %parallel_loop3A_737, 1 {pack_format = #tpu.pack_format<interleaved>} : vector<32xbf16> -> vector<16xf32>
          %parallel_loop3A_740 = arith.index_cast %parallel_loop3A_730 : i32 to index
          %parallel_loop3A_741 = arith.constant 32 : index
          %parallel_loop3A_742 = tpu.vector_load %arg9[%parallel_loop3A_740, %parallel_loop3A_741] {strides = array<i32>} : memref<200x64xbf16, #tpu.memory_space<vmem>>, vector<32xbf16>,
          %parallel_loop3A_743 = tpu.unpack_subelements %parallel_loop3A_742, 0 {pack_format = #tpu.pack_format<interleaved>} : vector<32xbf16> -> vector<16xf32>
          %parallel_loop3A_744 = tpu.unpack_subelements %parallel_loop3A_742, 1 {pack_format = #tpu.pack_format<interleaved>} : vector<32xbf16> -> vector<16xf32>
          %parallel_loop3A_745 = arith.addf %parallel_loop3A_731, %parallel_loop3A_738 : vector<16xf32>
          %parallel_loop3A_746 = arith.addf %parallel_loop3A_732, %parallel_loop3A_739 : vector<16xf32>
          %parallel_loop3A_747 = arith.addf %parallel_loop3A_733, %parallel_loop3A_743 : vector<16xf32>
          %parallel_loop3A_748 = arith.addf %parallel_loop3A_734, %parallel_loop3A_744 : vector<16xf32>
          scf.yield %parallel_loop3A_745, %parallel_loop3A_746, %parallel_loop3A_747, %parallel_loop3A_748 : vector<16xf32>, vector<16xf32>, vector<16xf32>, vector<16xf32>
        } {sc.loop_unroll_factor = 8 : i64, sc.parallel_access}
        %mul3A_452 = arith.constant 5.000000e-03 : f32
        %mul3A_453 = vector.broadcast %mul3A_452 : f32 to vector<16xf32>
        %mul3A_454 = arith.mulf %parallel_loop3A_451#0, %mul3A_453 : vector<16xf32>
        %swap3A_455 = arith.index_cast %add3A_439 : i32 to index
        %swap3A_456 = arith.constant 0 : index
        %swap3A_457 = tpu.vector_load %arg16[%swap3A_455, %swap3A_456] {strides = array<i32>} : memref<32x64xf32, #tpu.memory_space<vmem>>, vector<16xf32>,
        tpu.vector_store %arg16[%swap3A_455, %swap3A_456], %mul3A_454 {strides = array<i32>} : memref<32x64xf32, #tpu.memory_space<vmem>>, vector<16xf32>,
        %mul3A_458 = arith.constant 5.000000e-03 : f32
        %mul3A_459 = vector.broadcast %mul3A_458 : f32 to vector<16xf32>
        %mul3A_460 = arith.mulf %parallel_loop3A_451#1, %mul3A_459 : vector<16xf32>
        %swap3A_461 = arith.index_cast %add3A_439 : i32 to index
        %swap3A_462 = arith.constant 16 : index
        %swap3A_463 = tpu.vector_load %arg16[%swap3A_461, %swap3A_462] {strides = array<i32>} : memref<32x64xf32, #tpu.memory_space<vmem>>, vector<16xf32>,
        tpu.vector_store %arg16[%swap3A_461, %swap3A_462], %mul3A_460 {strides = array<i32>} : memref<32x64xf32, #tpu.memory_space<vmem>>, vector<16xf32>,
        %mul3A_464 = arith.constant 5.000000e-03 : f32
        %mul3A_465 = vector.broadcast %mul3A_464 : f32 to vector<16xf32>
        %mul3A_466 = arith.mulf %parallel_loop3A_451#2, %mul3A_465 : vector<16xf32>
        %swap3A_467 = arith.index_cast %add3A_439 : i32 to index
        %swap3A_468 = arith.constant 32 : index
        %swap3A_469 = tpu.vector_load %arg16[%swap3A_467, %swap3A_468] {strides = array<i32>} : memref<32x64xf32, #tpu.memory_space<vmem>>, vector<16xf32>,
        tpu.vector_store %arg16[%swap3A_467, %swap3A_468], %mul3A_466 {strides = array<i32>} : memref<32x64xf32, #tpu.memory_space<vmem>>, vector<16xf32>,
        %mul3A_470 = arith.constant 5.000000e-03 : f32
        %mul3A_471 = vector.broadcast %mul3A_470 : f32 to vector<16xf32>
        %mul3A_472 = arith.mulf %parallel_loop3A_451#3, %mul3A_471 : vector<16xf32>
        %swap3A_473 = arith.index_cast %add3A_439 : i32 to index
        %swap3A_474 = arith.constant 48 : index
        %swap3A_475 = tpu.vector_load %arg16[%swap3A_473, %swap3A_474] {strides = array<i32>} : memref<32x64xf32, #tpu.memory_space<vmem>>, vector<16xf32>,
        tpu.vector_store %arg16[%swap3A_473, %swap3A_474], %mul3A_472 {strides = array<i32>} : memref<32x64xf32, #tpu.memory_space<vmem>>, vector<16xf32>,
        %add3A_476 = arith.constant 8 : i32
        %add3A_477 = arith.addi %add3A_439, %add3A_476 : i32
        %sub3A_478 = arith.constant 1 : i32
        %sub3A_479 = arith.subi %add3A_477, %sub3A_478 : i32
        %lt3A_480 = arith.constant 32 : i32
        %lt3A_481 = arith.cmpi slt, %sub3A_479, %lt3A_480 : i32
        %convert_element_type3A_482 = arith.extui %lt3A_481 : i1 to i32
        %cond3A_483 = arith.constant 0 : i32
        %cond3A_484 = arith.cmpi ne, %convert_element_type3A_482, %cond3A_483 : i32
        scf.if %cond3A_484 {
          %mul3A_730 = arith.constant 200 : i32
          %mul3A_731 = arith.muli %sub3A_479, %mul3A_730 : i32
          %multiple_of3A_732 = tpu.assume_multiple %mul3A_731, 8 : i32
          %dma_start3A_733 = arith.constant 0 : i32
          %dma_start3A_734 = arith.constant 0 : i32
          %dma_start3A_735 = tpu.memref_slice %arg8[%dma_start3A_733, %dma_start3A_734] : memref<200x64xbf16, #tpu.memory_space<vmem>> -> memref<128x64xbf16, #tpu.memory_space<vmem>>
          %dma_start3A_736 = tpu.memref_slice %arg6[%multiple_of3A_732] : memref<6400xi32, #tpu.memory_space<vmem>> -> memref<128xi32, #tpu.memory_space<vmem>>
          %dma_start3A_737 = arith.constant 0 : i32
          %dma_start3A_738 = arith.constant 0 : i32
          %dma_start3A_739 = tpu.memref_slice %arg17[%dma_start3A_737, %dma_start3A_738] : memref<10000x64xbf16, #tpu.memory_space<vmem_shared>> -> memref<10000x64xbf16, #tpu.memory_space<vmem_shared>>
          tpu.enqueue_indirect_dma source(%dma_start3A_739 : memref<10000x64xbf16, #tpu.memory_space<vmem_shared>>) target(%dma_start3A_735 : memref<128x64xbf16, #tpu.memory_space<vmem>>) offsets(%dma_start3A_736 : memref<128xi32, #tpu.memory_space<vmem>>) semaphore(%arg19 : memref<!tpu.dma_semaphore, #tpu.memory_space<semaphore_mem>>)
          %add3A_740 = arith.constant 128 : i32
          %add3A_741 = arith.addi %multiple_of3A_732, %add3A_740 : i32
          %dma_start3A_742 = arith.constant 128 : i32
          %dma_start3A_743 = arith.constant 0 : i32
          %dma_start3A_744 = tpu.memref_slice %arg8[%dma_start3A_742, %dma_start3A_743] : memref<200x64xbf16, #tpu.memory_space<vmem>> -> memref<72x64xbf16, #tpu.memory_space<vmem>>
          %dma_start3A_745 = tpu.memref_slice %arg6[%add3A_741] : memref<6400xi32, #tpu.memory_space<vmem>> -> memref<72xi32, #tpu.memory_space<vmem>>
          %dma_start3A_746 = arith.constant 0 : i32
          %dma_start3A_747 = arith.constant 0 : i32
          %dma_start3A_748 = tpu.memref_slice %arg17[%dma_start3A_746, %dma_start3A_747] : memref<10000x64xbf16, #tpu.memory_space<vmem_shared>> -> memref<10000x64xbf16, #tpu.memory_space<vmem_shared>>
          tpu.enqueue_indirect_dma source(%dma_start3A_748 : memref<10000x64xbf16, #tpu.memory_space<vmem_shared>>) target(%dma_start3A_744 : memref<72x64xbf16, #tpu.memory_space<vmem>>) offsets(%dma_start3A_745 : memref<72xi32, #tpu.memory_space<vmem>>) semaphore(%arg19 : memref<!tpu.dma_semaphore, #tpu.memory_space<semaphore_mem>>)
        } else {
        }
        %mul3A_485 = arith.constant 8 : i32
        %mul3A_486 = arith.muli %scan3A_341, %mul3A_485 : i32
        %add3A_487 = arith.constant 3 : i32
        %add3A_488 = arith.addi %mul3A_486, %add3A_487 : i32
        %dma_wait3A_489 = arith.constant 0 : i32
        %dma_wait3A_490 = arith.constant 0 : i32
        %dma_wait3A_491 = tpu.memref_slice %arg3[%dma_wait3A_489, %dma_wait3A_490] : memref<10000x64xbf16, #tpu.memory_space<hbm>> -> memref<200x64xbf16, #tpu.memory_space<hbm>>
        %dma_wait3A_492 = arith.constant 0 : i32
        %dma_wait3A_493 = arith.constant 0 : i32
        %dma_wait3A_494 = tpu.memref_slice %arg3[%dma_wait3A_492, %dma_wait3A_493] : memref<10000x64xbf16, #tpu.memory_space<hbm>> -> memref<200x64xbf16, #tpu.memory_space<hbm>>
        tpu.wait_dma2 semaphore(%arg21 : memref<!tpu.dma_semaphore, #tpu.memory_space<semaphore_mem>>) src(%dma_wait3A_494 : memref<200x64xbf16, #tpu.memory_space<hbm>>) dst(%arg10 : memref<200x64xbf16, #tpu.memory_space<vmem>>)
        %broadcast_in_dim3A_495 = arith.constant 0.000000e+00 : f32
        %broadcast_in_dim3A_496 = vector.broadcast %broadcast_in_dim3A_495 : f32 to vector<16xf32>
        %parallel_loop3A_497 = arith.constant 0 : i32
        %parallel_loop3A_498 = arith.constant 200 : i32
        %parallel_loop3A_499 = arith.constant 1 : i32
        %parallel_loop3A_500:4 = scf.for %parallel_loop3A_730 = %parallel_loop3A_497 to %parallel_loop3A_498 step %parallel_loop3A_499 iter_args(%parallel_loop3A_731 = %broadcast_in_dim3A_496, %parallel_loop3A_732 = %broadcast_in_dim3A_496, %parallel_loop3A_733 = %broadcast_in_dim3A_496, %parallel_loop3A_734 = %broadcast_in_dim3A_496) -> (vector<16xf32>, vector<16xf32>, vector<16xf32>, vector<16xf32>)  : i32 {
          %parallel_loop3A_735 = arith.index_cast %parallel_loop3A_730 : i32 to index
          %parallel_loop3A_736 = arith.constant 0 : index
          %parallel_loop3A_737 = tpu.vector_load %arg10[%parallel_loop3A_735, %parallel_loop3A_736] {strides = array<i32>} : memref<200x64xbf16, #tpu.memory_space<vmem>>, vector<32xbf16>,
          %parallel_loop3A_738 = tpu.unpack_subelements %parallel_loop3A_737, 0 {pack_format = #tpu.pack_format<interleaved>} : vector<32xbf16> -> vector<16xf32>
          %parallel_loop3A_739 = tpu.unpack_subelements %parallel_loop3A_737, 1 {pack_format = #tpu.pack_format<interleaved>} : vector<32xbf16> -> vector<16xf32>
          %parallel_loop3A_740 = arith.index_cast %parallel_loop3A_730 : i32 to index
          %parallel_loop3A_741 = arith.constant 32 : index
          %parallel_loop3A_742 = tpu.vector_load %arg10[%parallel_loop3A_740, %parallel_loop3A_741] {strides = array<i32>} : memref<200x64xbf16, #tpu.memory_space<vmem>>, vector<32xbf16>,
          %parallel_loop3A_743 = tpu.unpack_subelements %parallel_loop3A_742, 0 {pack_format = #tpu.pack_format<interleaved>} : vector<32xbf16> -> vector<16xf32>
          %parallel_loop3A_744 = tpu.unpack_subelements %parallel_loop3A_742, 1 {pack_format = #tpu.pack_format<interleaved>} : vector<32xbf16> -> vector<16xf32>
          %parallel_loop3A_745 = arith.addf %parallel_loop3A_731, %parallel_loop3A_738 : vector<16xf32>
          %parallel_loop3A_746 = arith.addf %parallel_loop3A_732, %parallel_loop3A_739 : vector<16xf32>
          %parallel_loop3A_747 = arith.addf %parallel_loop3A_733, %parallel_loop3A_743 : vector<16xf32>
          %parallel_loop3A_748 = arith.addf %parallel_loop3A_734, %parallel_loop3A_744 : vector<16xf32>
          scf.yield %parallel_loop3A_745, %parallel_loop3A_746, %parallel_loop3A_747, %parallel_loop3A_748 : vector<16xf32>, vector<16xf32>, vector<16xf32>, vector<16xf32>
        } {sc.loop_unroll_factor = 8 : i64, sc.parallel_access}
        %mul3A_501 = arith.constant 5.000000e-03 : f32
        %mul3A_502 = vector.broadcast %mul3A_501 : f32 to vector<16xf32>
        %mul3A_503 = arith.mulf %parallel_loop3A_500#0, %mul3A_502 : vector<16xf32>
        %swap3A_504 = arith.index_cast %add3A_488 : i32 to index
        %swap3A_505 = arith.constant 0 : index
        %swap3A_506 = tpu.vector_load %arg16[%swap3A_504, %swap3A_505] {strides = array<i32>} : memref<32x64xf32, #tpu.memory_space<vmem>>, vector<16xf32>,
        tpu.vector_store %arg16[%swap3A_504, %swap3A_505], %mul3A_503 {strides = array<i32>} : memref<32x64xf32, #tpu.memory_space<vmem>>, vector<16xf32>,
        %mul3A_507 = arith.constant 5.000000e-03 : f32
        %mul3A_508 = vector.broadcast %mul3A_507 : f32 to vector<16xf32>
        %mul3A_509 = arith.mulf %parallel_loop3A_500#1, %mul3A_508 : vector<16xf32>
        %swap3A_510 = arith.index_cast %add3A_488 : i32 to index
        %swap3A_511 = arith.constant 16 : index
        %swap3A_512 = tpu.vector_load %arg16[%swap3A_510, %swap3A_511] {strides = array<i32>} : memref<32x64xf32, #tpu.memory_space<vmem>>, vector<16xf32>,
        tpu.vector_store %arg16[%swap3A_510, %swap3A_511], %mul3A_509 {strides = array<i32>} : memref<32x64xf32, #tpu.memory_space<vmem>>, vector<16xf32>,
        %mul3A_513 = arith.constant 5.000000e-03 : f32
        %mul3A_514 = vector.broadcast %mul3A_513 : f32 to vector<16xf32>
        %mul3A_515 = arith.mulf %parallel_loop3A_500#2, %mul3A_514 : vector<16xf32>
        %swap3A_516 = arith.index_cast %add3A_488 : i32 to index
        %swap3A_517 = arith.constant 32 : index
        %swap3A_518 = tpu.vector_load %arg16[%swap3A_516, %swap3A_517] {strides = array<i32>} : memref<32x64xf32, #tpu.memory_space<vmem>>, vector<16xf32>,
        tpu.vector_store %arg16[%swap3A_516, %swap3A_517], %mul3A_515 {strides = array<i32>} : memref<32x64xf32, #tpu.memory_space<vmem>>, vector<16xf32>,
        %mul3A_519 = arith.constant 5.000000e-03 : f32
        %mul3A_520 = vector.broadcast %mul3A_519 : f32 to vector<16xf32>
        %mul3A_521 = arith.mulf %parallel_loop3A_500#3, %mul3A_520 : vector<16xf32>
        %swap3A_522 = arith.index_cast %add3A_488 : i32 to index
        %swap3A_523 = arith.constant 48 : index
        %swap3A_524 = tpu.vector_load %arg16[%swap3A_522, %swap3A_523] {strides = array<i32>} : memref<32x64xf32, #tpu.memory_space<vmem>>, vector<16xf32>,
        tpu.vector_store %arg16[%swap3A_522, %swap3A_523], %mul3A_521 {strides = array<i32>} : memref<32x64xf32, #tpu.memory_space<vmem>>, vector<16xf32>,
        %add3A_525 = arith.constant 8 : i32
        %add3A_526 = arith.addi %add3A_488, %add3A_525 : i32
        %sub3A_527 = arith.constant 1 : i32
        %sub3A_528 = arith.subi %add3A_526, %sub3A_527 : i32
        %lt3A_529 = arith.constant 32 : i32
        %lt3A_530 = arith.cmpi slt, %sub3A_528, %lt3A_529 : i32
        %convert_element_type3A_531 = arith.extui %lt3A_530 : i1 to i32
        %cond3A_532 = arith.constant 0 : i32
        %cond3A_533 = arith.cmpi ne, %convert_element_type3A_531, %cond3A_532 : i32
        scf.if %cond3A_533 {
          %mul3A_730 = arith.constant 200 : i32
          %mul3A_731 = arith.muli %sub3A_528, %mul3A_730 : i32
          %multiple_of3A_732 = tpu.assume_multiple %mul3A_731, 8 : i32
          %dma_start3A_733 = arith.constant 0 : i32
          %dma_start3A_734 = arith.constant 0 : i32
          %dma_start3A_735 = tpu.memref_slice %arg9[%dma_start3A_733, %dma_start3A_734] : memref<200x64xbf16, #tpu.memory_space<vmem>> -> memref<128x64xbf16, #tpu.memory_space<vmem>>
          %dma_start3A_736 = tpu.memref_slice %arg6[%multiple_of3A_732] : memref<6400xi32, #tpu.memory_space<vmem>> -> memref<128xi32, #tpu.memory_space<vmem>>
          %dma_start3A_737 = arith.constant 0 : i32
          %dma_start3A_738 = arith.constant 0 : i32
          %dma_start3A_739 = tpu.memref_slice %arg17[%dma_start3A_737, %dma_start3A_738] : memref<10000x64xbf16, #tpu.memory_space<vmem_shared>> -> memref<10000x64xbf16, #tpu.memory_space<vmem_shared>>
          tpu.enqueue_indirect_dma source(%dma_start3A_739 : memref<10000x64xbf16, #tpu.memory_space<vmem_shared>>) target(%dma_start3A_735 : memref<128x64xbf16, #tpu.memory_space<vmem>>) offsets(%dma_start3A_736 : memref<128xi32, #tpu.memory_space<vmem>>) semaphore(%arg20 : memref<!tpu.dma_semaphore, #tpu.memory_space<semaphore_mem>>)
          %add3A_740 = arith.constant 128 : i32
          %add3A_741 = arith.addi %multiple_of3A_732, %add3A_740 : i32
          %dma_start3A_742 = arith.constant 128 : i32
          %dma_start3A_743 = arith.constant 0 : i32
          %dma_start3A_744 = tpu.memref_slice %arg9[%dma_start3A_742, %dma_start3A_743] : memref<200x64xbf16, #tpu.memory_space<vmem>> -> memref<72x64xbf16, #tpu.memory_space<vmem>>
          %dma_start3A_745 = tpu.memref_slice %arg6[%add3A_741] : memref<6400xi32, #tpu.memory_space<vmem>> -> memref<72xi32, #tpu.memory_space<vmem>>
          %dma_start3A_746 = arith.constant 0 : i32
          %dma_start3A_747 = arith.constant 0 : i32
          %dma_start3A_748 = tpu.memref_slice %arg17[%dma_start3A_746, %dma_start3A_747] : memref<10000x64xbf16, #tpu.memory_space<vmem_shared>> -> memref<10000x64xbf16, #tpu.memory_space<vmem_shared>>
          tpu.enqueue_indirect_dma source(%dma_start3A_748 : memref<10000x64xbf16, #tpu.memory_space<vmem_shared>>) target(%dma_start3A_744 : memref<72x64xbf16, #tpu.memory_space<vmem>>) offsets(%dma_start3A_745 : memref<72xi32, #tpu.memory_space<vmem>>) semaphore(%arg20 : memref<!tpu.dma_semaphore, #tpu.memory_space<semaphore_mem>>)
        } else {
        }
        %mul3A_534 = arith.constant 8 : i32
        %mul3A_535 = arith.muli %scan3A_341, %mul3A_534 : i32
        %add3A_536 = arith.constant 4 : i32
        %add3A_537 = arith.addi %mul3A_535, %add3A_536 : i32
        %dma_wait3A_538 = arith.constant 0 : i32
        %dma_wait3A_539 = arith.constant 0 : i32
        %dma_wait3A_540 = tpu.memref_slice %arg3[%dma_wait3A_538, %dma_wait3A_539] : memref<10000x64xbf16, #tpu.memory_space<hbm>> -> memref<200x64xbf16, #tpu.memory_space<hbm>>
        %dma_wait3A_541 = arith.constant 0 : i32
        %dma_wait3A_542 = arith.constant 0 : i32
        %dma_wait3A_543 = tpu.memref_slice %arg3[%dma_wait3A_541, %dma_wait3A_542] : memref<10000x64xbf16, #tpu.memory_space<hbm>> -> memref<200x64xbf16, #tpu.memory_space<hbm>>
        tpu.wait_dma2 semaphore(%arg22 : memref<!tpu.dma_semaphore, #tpu.memory_space<semaphore_mem>>) src(%dma_wait3A_543 : memref<200x64xbf16, #tpu.memory_space<hbm>>) dst(%arg11 : memref<200x64xbf16, #tpu.memory_space<vmem>>)
        %broadcast_in_dim3A_544 = arith.constant 0.000000e+00 : f32
        %broadcast_in_dim3A_545 = vector.broadcast %broadcast_in_dim3A_544 : f32 to vector<16xf32>
        %parallel_loop3A_546 = arith.constant 0 : i32
        %parallel_loop3A_547 = arith.constant 200 : i32
        %parallel_loop3A_548 = arith.constant 1 : i32
        %parallel_loop3A_549:4 = scf.for %parallel_loop3A_730 = %parallel_loop3A_546 to %parallel_loop3A_547 step %parallel_loop3A_548 iter_args(%parallel_loop3A_731 = %broadcast_in_dim3A_545, %parallel_loop3A_732 = %broadcast_in_dim3A_545, %parallel_loop3A_733 = %broadcast_in_dim3A_545, %parallel_loop3A_734 = %broadcast_in_dim3A_545) -> (vector<16xf32>, vector<16xf32>, vector<16xf32>, vector<16xf32>)  : i32 {
          %parallel_loop3A_735 = arith.index_cast %parallel_loop3A_730 : i32 to index
          %parallel_loop3A_736 = arith.constant 0 : index
          %parallel_loop3A_737 = tpu.vector_load %arg11[%parallel_loop3A_735, %parallel_loop3A_736] {strides = array<i32>} : memref<200x64xbf16, #tpu.memory_space<vmem>>, vector<32xbf16>,
          %parallel_loop3A_738 = tpu.unpack_subelements %parallel_loop3A_737, 0 {pack_format = #tpu.pack_format<interleaved>} : vector<32xbf16> -> vector<16xf32>
          %parallel_loop3A_739 = tpu.unpack_subelements %parallel_loop3A_737, 1 {pack_format = #tpu.pack_format<interleaved>} : vector<32xbf16> -> vector<16xf32>
          %parallel_loop3A_740 = arith.index_cast %parallel_loop3A_730 : i32 to index
          %parallel_loop3A_741 = arith.constant 32 : index
          %parallel_loop3A_742 = tpu.vector_load %arg11[%parallel_loop3A_740, %parallel_loop3A_741] {strides = array<i32>} : memref<200x64xbf16, #tpu.memory_space<vmem>>, vector<32xbf16>,
          %parallel_loop3A_743 = tpu.unpack_subelements %parallel_loop3A_742, 0 {pack_format = #tpu.pack_format<interleaved>} : vector<32xbf16> -> vector<16xf32>
          %parallel_loop3A_744 = tpu.unpack_subelements %parallel_loop3A_742, 1 {pack_format = #tpu.pack_format<interleaved>} : vector<32xbf16> -> vector<16xf32>
          %parallel_loop3A_745 = arith.addf %parallel_loop3A_731, %parallel_loop3A_738 : vector<16xf32>
          %parallel_loop3A_746 = arith.addf %parallel_loop3A_732, %parallel_loop3A_739 : vector<16xf32>
          %parallel_loop3A_747 = arith.addf %parallel_loop3A_733, %parallel_loop3A_743 : vector<16xf32>
          %parallel_loop3A_748 = arith.addf %parallel_loop3A_734, %parallel_loop3A_744 : vector<16xf32>
          scf.yield %parallel_loop3A_745, %parallel_loop3A_746, %parallel_loop3A_747, %parallel_loop3A_748 : vector<16xf32>, vector<16xf32>, vector<16xf32>, vector<16xf32>
        } {sc.loop_unroll_factor = 8 : i64, sc.parallel_access}
        %mul3A_550 = arith.constant 5.000000e-03 : f32
        %mul3A_551 = vector.broadcast %mul3A_550 : f32 to vector<16xf32>
        %mul3A_552 = arith.mulf %parallel_loop3A_549#0, %mul3A_551 : vector<16xf32>
        %swap3A_553 = arith.index_cast %add3A_537 : i32 to index
        %swap3A_554 = arith.constant 0 : index
        %swap3A_555 = tpu.vector_load %arg16[%swap3A_553, %swap3A_554] {strides = array<i32>} : memref<32x64xf32, #tpu.memory_space<vmem>>, vector<16xf32>,
        tpu.vector_store %arg16[%swap3A_553, %swap3A_554], %mul3A_552 {strides = array<i32>} : memref<32x64xf32, #tpu.memory_space<vmem>>, vector<16xf32>,
        %mul3A_556 = arith.constant 5.000000e-03 : f32
        %mul3A_557 = vector.broadcast %mul3A_556 : f32 to vector<16xf32>
        %mul3A_558 = arith.mulf %parallel_loop3A_549#1, %mul3A_557 : vector<16xf32>
        %swap3A_559 = arith.index_cast %add3A_537 : i32 to index
        %swap3A_560 = arith.constant 16 : index
        %swap3A_561 = tpu.vector_load %arg16[%swap3A_559, %swap3A_560] {strides = array<i32>} : memref<32x64xf32, #tpu.memory_space<vmem>>, vector<16xf32>,
        tpu.vector_store %arg16[%swap3A_559, %swap3A_560], %mul3A_558 {strides = array<i32>} : memref<32x64xf32, #tpu.memory_space<vmem>>, vector<16xf32>,
        %mul3A_562 = arith.constant 5.000000e-03 : f32
        %mul3A_563 = vector.broadcast %mul3A_562 : f32 to vector<16xf32>
        %mul3A_564 = arith.mulf %parallel_loop3A_549#2, %mul3A_563 : vector<16xf32>
        %swap3A_565 = arith.index_cast %add3A_537 : i32 to index
        %swap3A_566 = arith.constant 32 : index
        %swap3A_567 = tpu.vector_load %arg16[%swap3A_565, %swap3A_566] {strides = array<i32>} : memref<32x64xf32, #tpu.memory_space<vmem>>, vector<16xf32>,
        tpu.vector_store %arg16[%swap3A_565, %swap3A_566], %mul3A_564 {strides = array<i32>} : memref<32x64xf32, #tpu.memory_space<vmem>>, vector<16xf32>,
        %mul3A_568 = arith.constant 5.000000e-03 : f32
        %mul3A_569 = vector.broadcast %mul3A_568 : f32 to vector<16xf32>
        %mul3A_570 = arith.mulf %parallel_loop3A_549#3, %mul3A_569 : vector<16xf32>
        %swap3A_571 = arith.index_cast %add3A_537 : i32 to index
        %swap3A_572 = arith.constant 48 : index
        %swap3A_573 = tpu.vector_load %arg16[%swap3A_571, %swap3A_572] {strides = array<i32>} : memref<32x64xf32, #tpu.memory_space<vmem>>, vector<16xf32>,
        tpu.vector_store %arg16[%swap3A_571, %swap3A_572], %mul3A_570 {strides = array<i32>} : memref<32x64xf32, #tpu.memory_space<vmem>>, vector<16xf32>,
        %add3A_574 = arith.constant 8 : i32
        %add3A_575 = arith.addi %add3A_537, %add3A_574 : i32
        %sub3A_576 = arith.constant 1 : i32
        %sub3A_577 = arith.subi %add3A_575, %sub3A_576 : i32
        %lt3A_578 = arith.constant 32 : i32
        %lt3A_579 = arith.cmpi slt, %sub3A_577, %lt3A_578 : i32
        %convert_element_type3A_580 = arith.extui %lt3A_579 : i1 to i32
        %cond3A_581 = arith.constant 0 : i32
        %cond3A_582 = arith.cmpi ne, %convert_element_type3A_580, %cond3A_581 : i32
        scf.if %cond3A_582 {
          %mul3A_730 = arith.constant 200 : i32
          %mul3A_731 = arith.muli %sub3A_577, %mul3A_730 : i32
          %multiple_of3A_732 = tpu.assume_multiple %mul3A_731, 8 : i32
          %dma_start3A_733 = arith.constant 0 : i32
          %dma_start3A_734 = arith.constant 0 : i32
          %dma_start3A_735 = tpu.memref_slice %arg10[%dma_start3A_733, %dma_start3A_734] : memref<200x64xbf16, #tpu.memory_space<vmem>> -> memref<128x64xbf16, #tpu.memory_space<vmem>>
          %dma_start3A_736 = tpu.memref_slice %arg6[%multiple_of3A_732] : memref<6400xi32, #tpu.memory_space<vmem>> -> memref<128xi32, #tpu.memory_space<vmem>>
          %dma_start3A_737 = arith.constant 0 : i32
          %dma_start3A_738 = arith.constant 0 : i32
          %dma_start3A_739 = tpu.memref_slice %arg17[%dma_start3A_737, %dma_start3A_738] : memref<10000x64xbf16, #tpu.memory_space<vmem_shared>> -> memref<10000x64xbf16, #tpu.memory_space<vmem_shared>>
          tpu.enqueue_indirect_dma source(%dma_start3A_739 : memref<10000x64xbf16, #tpu.memory_space<vmem_shared>>) target(%dma_start3A_735 : memref<128x64xbf16, #tpu.memory_space<vmem>>) offsets(%dma_start3A_736 : memref<128xi32, #tpu.memory_space<vmem>>) semaphore(%arg21 : memref<!tpu.dma_semaphore, #tpu.memory_space<semaphore_mem>>)
          %add3A_740 = arith.constant 128 : i32
          %add3A_741 = arith.addi %multiple_of3A_732, %add3A_740 : i32
          %dma_start3A_742 = arith.constant 128 : i32
          %dma_start3A_743 = arith.constant 0 : i32
          %dma_start3A_744 = tpu.memref_slice %arg10[%dma_start3A_742, %dma_start3A_743] : memref<200x64xbf16, #tpu.memory_space<vmem>> -> memref<72x64xbf16, #tpu.memory_space<vmem>>
          %dma_start3A_745 = tpu.memref_slice %arg6[%add3A_741] : memref<6400xi32, #tpu.memory_space<vmem>> -> memref<72xi32, #tpu.memory_space<vmem>>
          %dma_start3A_746 = arith.constant 0 : i32
          %dma_start3A_747 = arith.constant 0 : i32
          %dma_start3A_748 = tpu.memref_slice %arg17[%dma_start3A_746, %dma_start3A_747] : memref<10000x64xbf16, #tpu.memory_space<vmem_shared>> -> memref<10000x64xbf16, #tpu.memory_space<vmem_shared>>
          tpu.enqueue_indirect_dma source(%dma_start3A_748 : memref<10000x64xbf16, #tpu.memory_space<vmem_shared>>) target(%dma_start3A_744 : memref<72x64xbf16, #tpu.memory_space<vmem>>) offsets(%dma_start3A_745 : memref<72xi32, #tpu.memory_space<vmem>>) semaphore(%arg21 : memref<!tpu.dma_semaphore, #tpu.memory_space<semaphore_mem>>)
        } else {
        }
        %mul3A_583 = arith.constant 8 : i32
        %mul3A_584 = arith.muli %scan3A_341, %mul3A_583 : i32
        %add3A_585 = arith.constant 5 : i32
        %add3A_586 = arith.addi %mul3A_584, %add3A_585 : i32
        %dma_wait3A_587 = arith.constant 0 : i32
        %dma_wait3A_588 = arith.constant 0 : i32
        %dma_wait3A_589 = tpu.memref_slice %arg3[%dma_wait3A_587, %dma_wait3A_588] : memref<10000x64xbf16, #tpu.memory_space<hbm>> -> memref<200x64xbf16, #tpu.memory_space<hbm>>
        %dma_wait3A_590 = arith.constant 0 : i32
        %dma_wait3A_591 = arith.constant 0 : i32
        %dma_wait3A_592 = tpu.memref_slice %arg3[%dma_wait3A_590, %dma_wait3A_591] : memref<10000x64xbf16, #tpu.memory_space<hbm>> -> memref<200x64xbf16, #tpu.memory_space<hbm>>
        tpu.wait_dma2 semaphore(%arg23 : memref<!tpu.dma_semaphore, #tpu.memory_space<semaphore_mem>>) src(%dma_wait3A_592 : memref<200x64xbf16, #tpu.memory_space<hbm>>) dst(%arg12 : memref<200x64xbf16, #tpu.memory_space<vmem>>)
        %broadcast_in_dim3A_593 = arith.constant 0.000000e+00 : f32
        %broadcast_in_dim3A_594 = vector.broadcast %broadcast_in_dim3A_593 : f32 to vector<16xf32>
        %parallel_loop3A_595 = arith.constant 0 : i32
        %parallel_loop3A_596 = arith.constant 200 : i32
        %parallel_loop3A_597 = arith.constant 1 : i32
        %parallel_loop3A_598:4 = scf.for %parallel_loop3A_730 = %parallel_loop3A_595 to %parallel_loop3A_596 step %parallel_loop3A_597 iter_args(%parallel_loop3A_731 = %broadcast_in_dim3A_594, %parallel_loop3A_732 = %broadcast_in_dim3A_594, %parallel_loop3A_733 = %broadcast_in_dim3A_594, %parallel_loop3A_734 = %broadcast_in_dim3A_594) -> (vector<16xf32>, vector<16xf32>, vector<16xf32>, vector<16xf32>)  : i32 {
          %parallel_loop3A_735 = arith.index_cast %parallel_loop3A_730 : i32 to index
          %parallel_loop3A_736 = arith.constant 0 : index
          %parallel_loop3A_737 = tpu.vector_load %arg12[%parallel_loop3A_735, %parallel_loop3A_736] {strides = array<i32>} : memref<200x64xbf16, #tpu.memory_space<vmem>>, vector<32xbf16>,
          %parallel_loop3A_738 = tpu.unpack_subelements %parallel_loop3A_737, 0 {pack_format = #tpu.pack_format<interleaved>} : vector<32xbf16> -> vector<16xf32>
          %parallel_loop3A_739 = tpu.unpack_subelements %parallel_loop3A_737, 1 {pack_format = #tpu.pack_format<interleaved>} : vector<32xbf16> -> vector<16xf32>
          %parallel_loop3A_740 = arith.index_cast %parallel_loop3A_730 : i32 to index
          %parallel_loop3A_741 = arith.constant 32 : index
          %parallel_loop3A_742 = tpu.vector_load %arg12[%parallel_loop3A_740, %parallel_loop3A_741] {strides = array<i32>} : memref<200x64xbf16, #tpu.memory_space<vmem>>, vector<32xbf16>,
          %parallel_loop3A_743 = tpu.unpack_subelements %parallel_loop3A_742, 0 {pack_format = #tpu.pack_format<interleaved>} : vector<32xbf16> -> vector<16xf32>
          %parallel_loop3A_744 = tpu.unpack_subelements %parallel_loop3A_742, 1 {pack_format = #tpu.pack_format<interleaved>} : vector<32xbf16> -> vector<16xf32>
          %parallel_loop3A_745 = arith.addf %parallel_loop3A_731, %parallel_loop3A_738 : vector<16xf32>
          %parallel_loop3A_746 = arith.addf %parallel_loop3A_732, %parallel_loop3A_739 : vector<16xf32>
          %parallel_loop3A_747 = arith.addf %parallel_loop3A_733, %parallel_loop3A_743 : vector<16xf32>
          %parallel_loop3A_748 = arith.addf %parallel_loop3A_734, %parallel_loop3A_744 : vector<16xf32>
          scf.yield %parallel_loop3A_745, %parallel_loop3A_746, %parallel_loop3A_747, %parallel_loop3A_748 : vector<16xf32>, vector<16xf32>, vector<16xf32>, vector<16xf32>
        } {sc.loop_unroll_factor = 8 : i64, sc.parallel_access}
        %mul3A_599 = arith.constant 5.000000e-03 : f32
        %mul3A_600 = vector.broadcast %mul3A_599 : f32 to vector<16xf32>
        %mul3A_601 = arith.mulf %parallel_loop3A_598#0, %mul3A_600 : vector<16xf32>
        %swap3A_602 = arith.index_cast %add3A_586 : i32 to index
        %swap3A_603 = arith.constant 0 : index
        %swap3A_604 = tpu.vector_load %arg16[%swap3A_602, %swap3A_603] {strides = array<i32>} : memref<32x64xf32, #tpu.memory_space<vmem>>, vector<16xf32>,
        tpu.vector_store %arg16[%swap3A_602, %swap3A_603], %mul3A_601 {strides = array<i32>} : memref<32x64xf32, #tpu.memory_space<vmem>>, vector<16xf32>,
        %mul3A_605 = arith.constant 5.000000e-03 : f32
        %mul3A_606 = vector.broadcast %mul3A_605 : f32 to vector<16xf32>
        %mul3A_607 = arith.mulf %parallel_loop3A_598#1, %mul3A_606 : vector<16xf32>
        %swap3A_608 = arith.index_cast %add3A_586 : i32 to index
        %swap3A_609 = arith.constant 16 : index
        %swap3A_610 = tpu.vector_load %arg16[%swap3A_608, %swap3A_609] {strides = array<i32>} : memref<32x64xf32, #tpu.memory_space<vmem>>, vector<16xf32>,
        tpu.vector_store %arg16[%swap3A_608, %swap3A_609], %mul3A_607 {strides = array<i32>} : memref<32x64xf32, #tpu.memory_space<vmem>>, vector<16xf32>,
        %mul3A_611 = arith.constant 5.000000e-03 : f32
        %mul3A_612 = vector.broadcast %mul3A_611 : f32 to vector<16xf32>
        %mul3A_613 = arith.mulf %parallel_loop3A_598#2, %mul3A_612 : vector<16xf32>
        %swap3A_614 = arith.index_cast %add3A_586 : i32 to index
        %swap3A_615 = arith.constant 32 : index
        %swap3A_616 = tpu.vector_load %arg16[%swap3A_614, %swap3A_615] {strides = array<i32>} : memref<32x64xf32, #tpu.memory_space<vmem>>, vector<16xf32>,
        tpu.vector_store %arg16[%swap3A_614, %swap3A_615], %mul3A_613 {strides = array<i32>} : memref<32x64xf32, #tpu.memory_space<vmem>>, vector<16xf32>,
        %mul3A_617 = arith.constant 5.000000e-03 : f32
        %mul3A_618 = vector.broadcast %mul3A_617 : f32 to vector<16xf32>
        %mul3A_619 = arith.mulf %parallel_loop3A_598#3, %mul3A_618 : vector<16xf32>
        %swap3A_620 = arith.index_cast %add3A_586 : i32 to index
        %swap3A_621 = arith.constant 48 : index
        %swap3A_622 = tpu.vector_load %arg16[%swap3A_620, %swap3A_621] {strides = array<i32>} : memref<32x64xf32, #tpu.memory_space<vmem>>, vector<16xf32>,
        tpu.vector_store %arg16[%swap3A_620, %swap3A_621], %mul3A_619 {strides = array<i32>} : memref<32x64xf32, #tpu.memory_space<vmem>>, vector<16xf32>,
        %add3A_623 = arith.constant 8 : i32
        %add3A_624 = arith.addi %add3A_586, %add3A_623 : i32
        %sub3A_625 = arith.constant 1 : i32
        %sub3A_626 = arith.subi %add3A_624, %sub3A_625 : i32
        %lt3A_627 = arith.constant 32 : i32
        %lt3A_628 = arith.cmpi slt, %sub3A_626, %lt3A_627 : i32
        %convert_element_type3A_629 = arith.extui %lt3A_628 : i1 to i32
        %cond3A_630 = arith.constant 0 : i32
        %cond3A_631 = arith.cmpi ne, %convert_element_type3A_629, %cond3A_630 : i32
        scf.if %cond3A_631 {
          %mul3A_730 = arith.constant 200 : i32
          %mul3A_731 = arith.muli %sub3A_626, %mul3A_730 : i32
          %multiple_of3A_732 = tpu.assume_multiple %mul3A_731, 8 : i32
          %dma_start3A_733 = arith.constant 0 : i32
          %dma_start3A_734 = arith.constant 0 : i32
          %dma_start3A_735 = tpu.memref_slice %arg11[%dma_start3A_733, %dma_start3A_734] : memref<200x64xbf16, #tpu.memory_space<vmem>> -> memref<128x64xbf16, #tpu.memory_space<vmem>>
          %dma_start3A_736 = tpu.memref_slice %arg6[%multiple_of3A_732] : memref<6400xi32, #tpu.memory_space<vmem>> -> memref<128xi32, #tpu.memory_space<vmem>>
          %dma_start3A_737 = arith.constant 0 : i32
          %dma_start3A_738 = arith.constant 0 : i32
          %dma_start3A_739 = tpu.memref_slice %arg17[%dma_start3A_737, %dma_start3A_738] : memref<10000x64xbf16, #tpu.memory_space<vmem_shared>> -> memref<10000x64xbf16, #tpu.memory_space<vmem_shared>>
          tpu.enqueue_indirect_dma source(%dma_start3A_739 : memref<10000x64xbf16, #tpu.memory_space<vmem_shared>>) target(%dma_start3A_735 : memref<128x64xbf16, #tpu.memory_space<vmem>>) offsets(%dma_start3A_736 : memref<128xi32, #tpu.memory_space<vmem>>) semaphore(%arg22 : memref<!tpu.dma_semaphore, #tpu.memory_space<semaphore_mem>>)
          %add3A_740 = arith.constant 128 : i32
          %add3A_741 = arith.addi %multiple_of3A_732, %add3A_740 : i32
          %dma_start3A_742 = arith.constant 128 : i32
          %dma_start3A_743 = arith.constant 0 : i32
          %dma_start3A_744 = tpu.memref_slice %arg11[%dma_start3A_742, %dma_start3A_743] : memref<200x64xbf16, #tpu.memory_space<vmem>> -> memref<72x64xbf16, #tpu.memory_space<vmem>>
          %dma_start3A_745 = tpu.memref_slice %arg6[%add3A_741] : memref<6400xi32, #tpu.memory_space<vmem>> -> memref<72xi32, #tpu.memory_space<vmem>>
          %dma_start3A_746 = arith.constant 0 : i32
          %dma_start3A_747 = arith.constant 0 : i32
          %dma_start3A_748 = tpu.memref_slice %arg17[%dma_start3A_746, %dma_start3A_747] : memref<10000x64xbf16, #tpu.memory_space<vmem_shared>> -> memref<10000x64xbf16, #tpu.memory_space<vmem_shared>>
          tpu.enqueue_indirect_dma source(%dma_start3A_748 : memref<10000x64xbf16, #tpu.memory_space<vmem_shared>>) target(%dma_start3A_744 : memref<72x64xbf16, #tpu.memory_space<vmem>>) offsets(%dma_start3A_745 : memref<72xi32, #tpu.memory_space<vmem>>) semaphore(%arg22 : memref<!tpu.dma_semaphore, #tpu.memory_space<semaphore_mem>>)
        } else {
        }
        %mul3A_632 = arith.constant 8 : i32
        %mul3A_633 = arith.muli %scan3A_341, %mul3A_632 : i32
        %add3A_634 = arith.constant 6 : i32
        %add3A_635 = arith.addi %mul3A_633, %add3A_634 : i32
        %dma_wait3A_636 = arith.constant 0 : i32
        %dma_wait3A_637 = arith.constant 0 : i32
        %dma_wait3A_638 = tpu.memref_slice %arg3[%dma_wait3A_636, %dma_wait3A_637] : memref<10000x64xbf16, #tpu.memory_space<hbm>> -> memref<200x64xbf16, #tpu.memory_space<hbm>>
        %dma_wait3A_639 = arith.constant 0 : i32
        %dma_wait3A_640 = arith.constant 0 : i32
        %dma_wait3A_641 = tpu.memref_slice %arg3[%dma_wait3A_639, %dma_wait3A_640] : memref<10000x64xbf16, #tpu.memory_space<hbm>> -> memref<200x64xbf16, #tpu.memory_space<hbm>>
        tpu.wait_dma2 semaphore(%arg24 : memref<!tpu.dma_semaphore, #tpu.memory_space<semaphore_mem>>) src(%dma_wait3A_641 : memref<200x64xbf16, #tpu.memory_space<hbm>>) dst(%arg13 : memref<200x64xbf16, #tpu.memory_space<vmem>>)
        %broadcast_in_dim3A_642 = arith.constant 0.000000e+00 : f32
        %broadcast_in_dim3A_643 = vector.broadcast %broadcast_in_dim3A_642 : f32 to vector<16xf32>
        %parallel_loop3A_644 = arith.constant 0 : i32
        %parallel_loop3A_645 = arith.constant 200 : i32
        %parallel_loop3A_646 = arith.constant 1 : i32
        %parallel_loop3A_647:4 = scf.for %parallel_loop3A_730 = %parallel_loop3A_644 to %parallel_loop3A_645 step %parallel_loop3A_646 iter_args(%parallel_loop3A_731 = %broadcast_in_dim3A_643, %parallel_loop3A_732 = %broadcast_in_dim3A_643, %parallel_loop3A_733 = %broadcast_in_dim3A_643, %parallel_loop3A_734 = %broadcast_in_dim3A_643) -> (vector<16xf32>, vector<16xf32>, vector<16xf32>, vector<16xf32>)  : i32 {
          %parallel_loop3A_735 = arith.index_cast %parallel_loop3A_730 : i32 to index
          %parallel_loop3A_736 = arith.constant 0 : index
          %parallel_loop3A_737 = tpu.vector_load %arg13[%parallel_loop3A_735, %parallel_loop3A_736] {strides = array<i32>} : memref<200x64xbf16, #tpu.memory_space<vmem>>, vector<32xbf16>,
          %parallel_loop3A_738 = tpu.unpack_subelements %parallel_loop3A_737, 0 {pack_format = #tpu.pack_format<interleaved>} : vector<32xbf16> -> vector<16xf32>
          %parallel_loop3A_739 = tpu.unpack_subelements %parallel_loop3A_737, 1 {pack_format = #tpu.pack_format<interleaved>} : vector<32xbf16> -> vector<16xf32>
          %parallel_loop3A_740 = arith.index_cast %parallel_loop3A_730 : i32 to index
          %parallel_loop3A_741 = arith.constant 32 : index
          %parallel_loop3A_742 = tpu.vector_load %arg13[%parallel_loop3A_740, %parallel_loop3A_741] {strides = array<i32>} : memref<200x64xbf16, #tpu.memory_space<vmem>>, vector<32xbf16>,
          %parallel_loop3A_743 = tpu.unpack_subelements %parallel_loop3A_742, 0 {pack_format = #tpu.pack_format<interleaved>} : vector<32xbf16> -> vector<16xf32>
          %parallel_loop3A_744 = tpu.unpack_subelements %parallel_loop3A_742, 1 {pack_format = #tpu.pack_format<interleaved>} : vector<32xbf16> -> vector<16xf32>
          %parallel_loop3A_745 = arith.addf %parallel_loop3A_731, %parallel_loop3A_738 : vector<16xf32>
          %parallel_loop3A_746 = arith.addf %parallel_loop3A_732, %parallel_loop3A_739 : vector<16xf32>
          %parallel_loop3A_747 = arith.addf %parallel_loop3A_733, %parallel_loop3A_743 : vector<16xf32>
          %parallel_loop3A_748 = arith.addf %parallel_loop3A_734, %parallel_loop3A_744 : vector<16xf32>
          scf.yield %parallel_loop3A_745, %parallel_loop3A_746, %parallel_loop3A_747, %parallel_loop3A_748 : vector<16xf32>, vector<16xf32>, vector<16xf32>, vector<16xf32>
        } {sc.loop_unroll_factor = 8 : i64, sc.parallel_access}
        %mul3A_648 = arith.constant 5.000000e-03 : f32
        %mul3A_649 = vector.broadcast %mul3A_648 : f32 to vector<16xf32>
        %mul3A_650 = arith.mulf %parallel_loop3A_647#0, %mul3A_649 : vector<16xf32>
        %swap3A_651 = arith.index_cast %add3A_635 : i32 to index
        %swap3A_652 = arith.constant 0 : index
        %swap3A_653 = tpu.vector_load %arg16[%swap3A_651, %swap3A_652] {strides = array<i32>} : memref<32x64xf32, #tpu.memory_space<vmem>>, vector<16xf32>,
        tpu.vector_store %arg16[%swap3A_651, %swap3A_652], %mul3A_650 {strides = array<i32>} : memref<32x64xf32, #tpu.memory_space<vmem>>, vector<16xf32>,
        %mul3A_654 = arith.constant 5.000000e-03 : f32
        %mul3A_655 = vector.broadcast %mul3A_654 : f32 to vector<16xf32>
        %mul3A_656 = arith.mulf %parallel_loop3A_647#1, %mul3A_655 : vector<16xf32>
        %swap3A_657 = arith.index_cast %add3A_635 : i32 to index
        %swap3A_658 = arith.constant 16 : index
        %swap3A_659 = tpu.vector_load %arg16[%swap3A_657, %swap3A_658] {strides = array<i32>} : memref<32x64xf32, #tpu.memory_space<vmem>>, vector<16xf32>,
        tpu.vector_store %arg16[%swap3A_657, %swap3A_658], %mul3A_656 {strides = array<i32>} : memref<32x64xf32, #tpu.memory_space<vmem>>, vector<16xf32>,
        %mul3A_660 = arith.constant 5.000000e-03 : f32
        %mul3A_661 = vector.broadcast %mul3A_660 : f32 to vector<16xf32>
        %mul3A_662 = arith.mulf %parallel_loop3A_647#2, %mul3A_661 : vector<16xf32>
        %swap3A_663 = arith.index_cast %add3A_635 : i32 to index
        %swap3A_664 = arith.constant 32 : index
        %swap3A_665 = tpu.vector_load %arg16[%swap3A_663, %swap3A_664] {strides = array<i32>} : memref<32x64xf32, #tpu.memory_space<vmem>>, vector<16xf32>,
        tpu.vector_store %arg16[%swap3A_663, %swap3A_664], %mul3A_662 {strides = array<i32>} : memref<32x64xf32, #tpu.memory_space<vmem>>, vector<16xf32>,
        %mul3A_666 = arith.constant 5.000000e-03 : f32
        %mul3A_667 = vector.broadcast %mul3A_666 : f32 to vector<16xf32>
        %mul3A_668 = arith.mulf %parallel_loop3A_647#3, %mul3A_667 : vector<16xf32>
        %swap3A_669 = arith.index_cast %add3A_635 : i32 to index
        %swap3A_670 = arith.constant 48 : index
        %swap3A_671 = tpu.vector_load %arg16[%swap3A_669, %swap3A_670] {strides = array<i32>} : memref<32x64xf32, #tpu.memory_space<vmem>>, vector<16xf32>,
        tpu.vector_store %arg16[%swap3A_669, %swap3A_670], %mul3A_668 {strides = array<i32>} : memref<32x64xf32, #tpu.memory_space<vmem>>, vector<16xf32>,
        %add3A_672 = arith.constant 8 : i32
        %add3A_673 = arith.addi %add3A_635, %add3A_672 : i32
        %sub3A_674 = arith.constant 1 : i32
        %sub3A_675 = arith.subi %add3A_673, %sub3A_674 : i32
        %lt3A_676 = arith.constant 32 : i32
        %lt3A_677 = arith.cmpi slt, %sub3A_675, %lt3A_676 : i32
        %convert_element_type3A_678 = arith.extui %lt3A_677 : i1 to i32
        %cond3A_679 = arith.constant 0 : i32
        %cond3A_680 = arith.cmpi ne, %convert_element_type3A_678, %cond3A_679 : i32
        scf.if %cond3A_680 {
          %mul3A_730 = arith.constant 200 : i32
          %mul3A_731 = arith.muli %sub3A_675, %mul3A_730 : i32
          %multiple_of3A_732 = tpu.assume_multiple %mul3A_731, 8 : i32
          %dma_start3A_733 = arith.constant 0 : i32
          %dma_start3A_734 = arith.constant 0 : i32
          %dma_start3A_735 = tpu.memref_slice %arg12[%dma_start3A_733, %dma_start3A_734] : memref<200x64xbf16, #tpu.memory_space<vmem>> -> memref<128x64xbf16, #tpu.memory_space<vmem>>
          %dma_start3A_736 = tpu.memref_slice %arg6[%multiple_of3A_732] : memref<6400xi32, #tpu.memory_space<vmem>> -> memref<128xi32, #tpu.memory_space<vmem>>
          %dma_start3A_737 = arith.constant 0 : i32
          %dma_start3A_738 = arith.constant 0 : i32
          %dma_start3A_739 = tpu.memref_slice %arg17[%dma_start3A_737, %dma_start3A_738] : memref<10000x64xbf16, #tpu.memory_space<vmem_shared>> -> memref<10000x64xbf16, #tpu.memory_space<vmem_shared>>
          tpu.enqueue_indirect_dma source(%dma_start3A_739 : memref<10000x64xbf16, #tpu.memory_space<vmem_shared>>) target(%dma_start3A_735 : memref<128x64xbf16, #tpu.memory_space<vmem>>) offsets(%dma_start3A_736 : memref<128xi32, #tpu.memory_space<vmem>>) semaphore(%arg23 : memref<!tpu.dma_semaphore, #tpu.memory_space<semaphore_mem>>)
          %add3A_740 = arith.constant 128 : i32
          %add3A_741 = arith.addi %multiple_of3A_732, %add3A_740 : i32
          %dma_start3A_742 = arith.constant 128 : i32
          %dma_start3A_743 = arith.constant 0 : i32
          %dma_start3A_744 = tpu.memref_slice %arg12[%dma_start3A_742, %dma_start3A_743] : memref<200x64xbf16, #tpu.memory_space<vmem>> -> memref<72x64xbf16, #tpu.memory_space<vmem>>
          %dma_start3A_745 = tpu.memref_slice %arg6[%add3A_741] : memref<6400xi32, #tpu.memory_space<vmem>> -> memref<72xi32, #tpu.memory_space<vmem>>
          %dma_start3A_746 = arith.constant 0 : i32
          %dma_start3A_747 = arith.constant 0 : i32
          %dma_start3A_748 = tpu.memref_slice %arg17[%dma_start3A_746, %dma_start3A_747] : memref<10000x64xbf16, #tpu.memory_space<vmem_shared>> -> memref<10000x64xbf16, #tpu.memory_space<vmem_shared>>
          tpu.enqueue_indirect_dma source(%dma_start3A_748 : memref<10000x64xbf16, #tpu.memory_space<vmem_shared>>) target(%dma_start3A_744 : memref<72x64xbf16, #tpu.memory_space<vmem>>) offsets(%dma_start3A_745 : memref<72xi32, #tpu.memory_space<vmem>>) semaphore(%arg23 : memref<!tpu.dma_semaphore, #tpu.memory_space<semaphore_mem>>)
        } else {
        }
        %mul3A_681 = arith.constant 8 : i32
        %mul3A_682 = arith.muli %scan3A_341, %mul3A_681 : i32
        %add3A_683 = arith.constant 7 : i32
        %add3A_684 = arith.addi %mul3A_682, %add3A_683 : i32
        %dma_wait3A_685 = arith.constant 0 : i32
        %dma_wait3A_686 = arith.constant 0 : i32
        %dma_wait3A_687 = tpu.memref_slice %arg3[%dma_wait3A_685, %dma_wait3A_686] : memref<10000x64xbf16, #tpu.memory_space<hbm>> -> memref<200x64xbf16, #tpu.memory_space<hbm>>
        %dma_wait3A_688 = arith.constant 0 : i32
        %dma_wait3A_689 = arith.constant 0 : i32
        %dma_wait3A_690 = tpu.memref_slice %arg3[%dma_wait3A_688, %dma_wait3A_689] : memref<10000x64xbf16, #tpu.memory_space<hbm>> -> memref<200x64xbf16, #tpu.memory_space<hbm>>
        tpu.wait_dma2 semaphore(%arg25 : memref<!tpu.dma_semaphore, #tpu.memory_space<semaphore_mem>>) src(%dma_wait3A_690 : memref<200x64xbf16, #tpu.memory_space<hbm>>) dst(%arg14 : memref<200x64xbf16, #tpu.memory_space<vmem>>)
        %broadcast_in_dim3A_691 = arith.constant 0.000000e+00 : f32
        %broadcast_in_dim3A_692 = vector.broadcast %broadcast_in_dim3A_691 : f32 to vector<16xf32>
        %parallel_loop3A_693 = arith.constant 0 : i32
        %parallel_loop3A_694 = arith.constant 200 : i32
        %parallel_loop3A_695 = arith.constant 1 : i32
        %parallel_loop3A_696:4 = scf.for %parallel_loop3A_730 = %parallel_loop3A_693 to %parallel_loop3A_694 step %parallel_loop3A_695 iter_args(%parallel_loop3A_731 = %broadcast_in_dim3A_692, %parallel_loop3A_732 = %broadcast_in_dim3A_692, %parallel_loop3A_733 = %broadcast_in_dim3A_692, %parallel_loop3A_734 = %broadcast_in_dim3A_692) -> (vector<16xf32>, vector<16xf32>, vector<16xf32>, vector<16xf32>)  : i32 {
          %parallel_loop3A_735 = arith.index_cast %parallel_loop3A_730 : i32 to index
          %parallel_loop3A_736 = arith.constant 0 : index
          %parallel_loop3A_737 = tpu.vector_load %arg14[%parallel_loop3A_735, %parallel_loop3A_736] {strides = array<i32>} : memref<200x64xbf16, #tpu.memory_space<vmem>>, vector<32xbf16>,
          %parallel_loop3A_738 = tpu.unpack_subelements %parallel_loop3A_737, 0 {pack_format = #tpu.pack_format<interleaved>} : vector<32xbf16> -> vector<16xf32>
          %parallel_loop3A_739 = tpu.unpack_subelements %parallel_loop3A_737, 1 {pack_format = #tpu.pack_format<interleaved>} : vector<32xbf16> -> vector<16xf32>
          %parallel_loop3A_740 = arith.index_cast %parallel_loop3A_730 : i32 to index
          %parallel_loop3A_741 = arith.constant 32 : index
          %parallel_loop3A_742 = tpu.vector_load %arg14[%parallel_loop3A_740, %parallel_loop3A_741] {strides = array<i32>} : memref<200x64xbf16, #tpu.memory_space<vmem>>, vector<32xbf16>,
          %parallel_loop3A_743 = tpu.unpack_subelements %parallel_loop3A_742, 0 {pack_format = #tpu.pack_format<interleaved>} : vector<32xbf16> -> vector<16xf32>
          %parallel_loop3A_744 = tpu.unpack_subelements %parallel_loop3A_742, 1 {pack_format = #tpu.pack_format<interleaved>} : vector<32xbf16> -> vector<16xf32>
          %parallel_loop3A_745 = arith.addf %parallel_loop3A_731, %parallel_loop3A_738 : vector<16xf32>
          %parallel_loop3A_746 = arith.addf %parallel_loop3A_732, %parallel_loop3A_739 : vector<16xf32>
          %parallel_loop3A_747 = arith.addf %parallel_loop3A_733, %parallel_loop3A_743 : vector<16xf32>
          %parallel_loop3A_748 = arith.addf %parallel_loop3A_734, %parallel_loop3A_744 : vector<16xf32>
          scf.yield %parallel_loop3A_745, %parallel_loop3A_746, %parallel_loop3A_747, %parallel_loop3A_748 : vector<16xf32>, vector<16xf32>, vector<16xf32>, vector<16xf32>
        } {sc.loop_unroll_factor = 8 : i64, sc.parallel_access}
        %mul3A_697 = arith.constant 5.000000e-03 : f32
        %mul3A_698 = vector.broadcast %mul3A_697 : f32 to vector<16xf32>
        %mul3A_699 = arith.mulf %parallel_loop3A_696#0, %mul3A_698 : vector<16xf32>
        %swap3A_700 = arith.index_cast %add3A_684 : i32 to index
        %swap3A_701 = arith.constant 0 : index
        %swap3A_702 = tpu.vector_load %arg16[%swap3A_700, %swap3A_701] {strides = array<i32>} : memref<32x64xf32, #tpu.memory_space<vmem>>, vector<16xf32>,
        tpu.vector_store %arg16[%swap3A_700, %swap3A_701], %mul3A_699 {strides = array<i32>} : memref<32x64xf32, #tpu.memory_space<vmem>>, vector<16xf32>,
        %mul3A_703 = arith.constant 5.000000e-03 : f32
        %mul3A_704 = vector.broadcast %mul3A_703 : f32 to vector<16xf32>
        %mul3A_705 = arith.mulf %parallel_loop3A_696#1, %mul3A_704 : vector<16xf32>
        %swap3A_706 = arith.index_cast %add3A_684 : i32 to index
        %swap3A_707 = arith.constant 16 : index
        %swap3A_708 = tpu.vector_load %arg16[%swap3A_706, %swap3A_707] {strides = array<i32>} : memref<32x64xf32, #tpu.memory_space<vmem>>, vector<16xf32>,
        tpu.vector_store %arg16[%swap3A_706, %swap3A_707], %mul3A_705 {strides = array<i32>} : memref<32x64xf32, #tpu.memory_space<vmem>>, vector<16xf32>,
        %mul3A_709 = arith.constant 5.000000e-03 : f32
        %mul3A_710 = vector.broadcast %mul3A_709 : f32 to vector<16xf32>
        %mul3A_711 = arith.mulf %parallel_loop3A_696#2, %mul3A_710 : vector<16xf32>
        %swap3A_712 = arith.index_cast %add3A_684 : i32 to index
        %swap3A_713 = arith.constant 32 : index
        %swap3A_714 = tpu.vector_load %arg16[%swap3A_712, %swap3A_713] {strides = array<i32>} : memref<32x64xf32, #tpu.memory_space<vmem>>, vector<16xf32>,
        tpu.vector_store %arg16[%swap3A_712, %swap3A_713], %mul3A_711 {strides = array<i32>} : memref<32x64xf32, #tpu.memory_space<vmem>>, vector<16xf32>,
        %mul3A_715 = arith.constant 5.000000e-03 : f32
        %mul3A_716 = vector.broadcast %mul3A_715 : f32 to vector<16xf32>
        %mul3A_717 = arith.mulf %parallel_loop3A_696#3, %mul3A_716 : vector<16xf32>
        %swap3A_718 = arith.index_cast %add3A_684 : i32 to index
        %swap3A_719 = arith.constant 48 : index
        %swap3A_720 = tpu.vector_load %arg16[%swap3A_718, %swap3A_719] {strides = array<i32>} : memref<32x64xf32, #tpu.memory_space<vmem>>, vector<16xf32>,
        tpu.vector_store %arg16[%swap3A_718, %swap3A_719], %mul3A_717 {strides = array<i32>} : memref<32x64xf32, #tpu.memory_space<vmem>>, vector<16xf32>,
        %add3A_721 = arith.constant 8 : i32
        %add3A_722 = arith.addi %add3A_684, %add3A_721 : i32
        %sub3A_723 = arith.constant 1 : i32
        %sub3A_724 = arith.subi %add3A_722, %sub3A_723 : i32
        %lt3A_725 = arith.constant 32 : i32
        %lt3A_726 = arith.cmpi slt, %sub3A_724, %lt3A_725 : i32
        %convert_element_type3A_727 = arith.extui %lt3A_726 : i1 to i32
        %cond3A_728 = arith.constant 0 : i32
        %cond3A_729 = arith.cmpi ne, %convert_element_type3A_727, %cond3A_728 : i32
        scf.if %cond3A_729 {
          %mul3A_730 = arith.constant 200 : i32
          %mul3A_731 = arith.muli %sub3A_724, %mul3A_730 : i32
          %multiple_of3A_732 = tpu.assume_multiple %mul3A_731, 8 : i32
          %dma_start3A_733 = arith.constant 0 : i32
          %dma_start3A_734 = arith.constant 0 : i32
          %dma_start3A_735 = tpu.memref_slice %arg13[%dma_start3A_733, %dma_start3A_734] : memref<200x64xbf16, #tpu.memory_space<vmem>> -> memref<128x64xbf16, #tpu.memory_space<vmem>>
          %dma_start3A_736 = tpu.memref_slice %arg6[%multiple_of3A_732] : memref<6400xi32, #tpu.memory_space<vmem>> -> memref<128xi32, #tpu.memory_space<vmem>>
          %dma_start3A_737 = arith.constant 0 : i32
          %dma_start3A_738 = arith.constant 0 : i32
          %dma_start3A_739 = tpu.memref_slice %arg17[%dma_start3A_737, %dma_start3A_738] : memref<10000x64xbf16, #tpu.memory_space<vmem_shared>> -> memref<10000x64xbf16, #tpu.memory_space<vmem_shared>>
          tpu.enqueue_indirect_dma source(%dma_start3A_739 : memref<10000x64xbf16, #tpu.memory_space<vmem_shared>>) target(%dma_start3A_735 : memref<128x64xbf16, #tpu.memory_space<vmem>>) offsets(%dma_start3A_736 : memref<128xi32, #tpu.memory_space<vmem>>) semaphore(%arg24 : memref<!tpu.dma_semaphore, #tpu.memory_space<semaphore_mem>>)
          %add3A_740 = arith.constant 128 : i32
          %add3A_741 = arith.addi %multiple_of3A_732, %add3A_740 : i32
          %dma_start3A_742 = arith.constant 128 : i32
          %dma_start3A_743 = arith.constant 0 : i32
          %dma_start3A_744 = tpu.memref_slice %arg13[%dma_start3A_742, %dma_start3A_743] : memref<200x64xbf16, #tpu.memory_space<vmem>> -> memref<72x64xbf16, #tpu.memory_space<vmem>>
          %dma_start3A_745 = tpu.memref_slice %arg6[%add3A_741] : memref<6400xi32, #tpu.memory_space<vmem>> -> memref<72xi32, #tpu.memory_space<vmem>>
          %dma_start3A_746 = arith.constant 0 : i32
          %dma_start3A_747 = arith.constant 0 : i32
          %dma_start3A_748 = tpu.memref_slice %arg17[%dma_start3A_746, %dma_start3A_747] : memref<10000x64xbf16, #tpu.memory_space<vmem_shared>> -> memref<10000x64xbf16, #tpu.memory_space<vmem_shared>>
          tpu.enqueue_indirect_dma source(%dma_start3A_748 : memref<10000x64xbf16, #tpu.memory_space<vmem_shared>>) target(%dma_start3A_744 : memref<72x64xbf16, #tpu.memory_space<vmem>>) offsets(%dma_start3A_745 : memref<72xi32, #tpu.memory_space<vmem>>) semaphore(%arg24 : memref<!tpu.dma_semaphore, #tpu.memory_space<semaphore_mem>>)
        } else {
        }
      }
      %scan3A_329 = arith.constant 4 : i32
      %dma_start3A_330 = arith.constant 0 : i32
      %dma_start3A_331 = tpu.memref_slice %arg4[%add3A_185, %dma_start3A_330] : memref<16384x64xf32, #tpu.memory_space<hbm>> -> memref<32x64xf32, #tpu.memory_space<hbm>>
      %dma_start3A_332 = arith.constant 0 : i32
      %dma_start3A_333 = tpu.memref_slice %arg4[%add3A_185, %dma_start3A_332] : memref<16384x64xf32, #tpu.memory_space<hbm>> -> memref<32x64xf32, #tpu.memory_space<hbm>>
      tpu.enqueue_dma source(%arg16 : memref<32x64xf32, #tpu.memory_space<vmem>>) target(%dma_start3A_333 : memref<32x64xf32, #tpu.memory_space<hbm>>) target_semaphore(%arg28 : memref<!tpu.dma_semaphore, #tpu.memory_space<semaphore_mem>>)
      %add3A_334 = arith.constant 1 : i32
      %add3A_335 = arith.addi %add3A_182, %add3A_334 : i32
      %lt3A_336 = arith.constant 16 : i32
      %lt3A_337 = arith.cmpi slt, %add3A_335, %lt3A_336 : i32
      %convert_element_type3A_338 = arith.extui %lt3A_337 : i1 to i32
      %cond3A_339 = arith.constant 0 : i32
      %cond3A_340 = arith.cmpi ne, %convert_element_type3A_338, %cond3A_339 : i32
      scf.if %cond3A_340 {
        %dma_wait3A_341 = arith.constant 0 : i32
        %dma_wait3A_342 = tpu.memref_slice %arg2[%dma_wait3A_341] : memref<3276800xi32, #tpu.memory_space<hbm>> -> memref<6400xi32, #tpu.memory_space<hbm>>
        %dma_wait3A_343 = arith.constant 0 : i32
        %dma_wait3A_344 = tpu.memref_slice %arg2[%dma_wait3A_343] : memref<3276800xi32, #tpu.memory_space<hbm>> -> memref<6400xi32, #tpu.memory_space<hbm>>
        tpu.wait_dma2 semaphore(%arg26 : memref<!tpu.dma_semaphore, #tpu.memory_space<semaphore_mem>>) src(%dma_wait3A_344 : memref<6400xi32, #tpu.memory_space<hbm>>) dst(%arg5 : memref<6400xi32, #tpu.memory_space<vmem>>)
      } else {
      }
    }
    %scan3A_11 = arith.constant 8 : i32
    %dma_wait3A = arith.constant 0 : i32
    %dma_wait3A_12 = arith.constant 0 : i32
    %dma_wait3A_13 = tpu.memref_slice %arg4[%dma_wait3A, %dma_wait3A_12] : memref<16384x64xf32, #tpu.memory_space<hbm>> -> memref<32x64xf32, #tpu.memory_space<hbm>>
    %dma_wait3A_14 = arith.constant 0 : i32
    %dma_wait3A_15 = arith.constant 0 : i32
    %dma_wait3A_16 = tpu.memref_slice %arg4[%dma_wait3A_14, %dma_wait3A_15] : memref<16384x64xf32, #tpu.memory_space<hbm>> -> memref<32x64xf32, #tpu.memory_space<hbm>>
    tpu.wait_dma2 semaphore(%arg27 : memref<!tpu.dma_semaphore, #tpu.memory_space<semaphore_mem>>) src(%arg15 : memref<32x64xf32, #tpu.memory_space<vmem>>) dst(%dma_wait3A_16 : memref<32x64xf32, #tpu.memory_space<hbm>>)
    %dma_wait3A_17 = arith.constant 0 : i32
    %dma_wait3A_18 = arith.constant 0 : i32
    %dma_wait3A_19 = tpu.memref_slice %arg4[%dma_wait3A_17, %dma_wait3A_18] : memref<16384x64xf32, #tpu.memory_space<hbm>> -> memref<32x64xf32, #tpu.memory_space<hbm>>
    %dma_wait3A_20 = arith.constant 0 : i32
    %dma_wait3A_21 = arith.constant 0 : i32
    %dma_wait3A_22 = tpu.memref_slice %arg4[%dma_wait3A_20, %dma_wait3A_21] : memref<16384x64xf32, #tpu.memory_space<hbm>> -> memref<32x64xf32, #tpu.memory_space<hbm>>
    tpu.wait_dma2 semaphore(%arg28 : memref<!tpu.dma_semaphore, #tpu.memory_space<semaphore_mem>>) src(%arg16 : memref<32x64xf32, #tpu.memory_space<vmem>>) dst(%dma_wait3A_22 : memref<32x64xf32, #tpu.memory_space<hbm>>)
    return
  }
}

</mosaic_0001>

<sc_bundles>
// kernel: kernel.3.cloned.1.call-start
scs
__scs_entry_jumppad:
0x0: {  	(pc) =	sbr.rel $0x88, $3  }
0x1: {  	(tag) =	ssettag $0x0;
	lr =	simm.s32 $0x1  }
0x2: {  	[smem:$0x3F9F] =	sst lr;
	_ =	strace $0xD0000000  }
0x3: {  	_ = 	snop  }
0x4: {  	_ = 	snop  }
0x5: {  	_ = 	snop  }
0x6: {  	_ = 	snop  }
0x7: {  	_ = 	snop  }
__scs_overlays_trampoline_lowered:
0x8: {  	[smem:$0x3FAE] =	sst s0  }
0x9: {  	[smem:$0x3FAF] =	sst s1  }
0xa: {  	[smem:$0x3FB0] =	sst s2  }
0xb: {  	[smem:$0x3FB1] =	sst s3  }
0xc: {  	[smem:$0x3FB2] =	sst s4  }
0xd: {  	[smem:$0x3FB3] =	sst s5  }
0xe: {  	[smem:$0x3FB4] =	sst s6  }
0xf: {  	[smem:$0x3FB5] =	sst s7  }
0x10: {  	[smem:$0x3FB6] =	sst s8  }
0x11: {  	[smem:$0x3FB7] =	sst s9;
	s0 =	simm.s32 @!p0 $0x0  }
0x12: {  	s1 =	sld [smem:$0x3F9D];
	s0 =	simm.s32 @p0 $0x1  }
0x13: {  	[smem:$0x3FB8] =	sst s0;
	s0 =	simm.s32 @!p1 $0x0  }
0x14: {  	s2 =	sld [smem:$0x3F9C];
	s0 =	simm.s32 @p1 $0x1  }
0x15: {  	[smem:$0x3FB9] =	sst s0;
	s0 =	simm.s32 @!p2 $0x0  }
0x16: {  	s3 =	sld [smem:$0x3FDB];
	s0 =	simm.s32 @p2 $0x1  }
0x17: {  	s4 =	simm.s32 $0x1BF5;
	[smem:$0x3FBB] =	sst s0  }
0x18: {  	s0 =	sld [smem:$0x3F9E];
	_ =	swait.ge [sflag:s4], $0x0  }
0x19: {  	s7 =	sld [smem:$0x3F9F]  }
0x1a: {  	s8 =	sadd.s32 $0xFFFFE003, lr  }
0x1b: {  	s9 =	sadd.s32 $0xFFFFFEF7, lr;
	s5 =	simm.s32 $0xFFFFFFFF;
	p2 =	slt.u32 s8, $0xFFFFF086  }
0x1c: {  	p1 =	slt.u32 s9, $0xF7A;
	s5 =	simm.s32 @!p2 $0x0  }
0x1d: {  	s5 =	simm.s32 @p1 $0x1;
	p0 =	seq.s32 s7, s2  }
0x1e: {  	s7 =	smul.u32 @!p0 $0xF7A, s2;
	p2 =	seq.s32 @!p0 s5, $0x0  }
0x1f: {  	s9 =	smul.u32 $0xF7A, s1;
	s8 =	simm.s32 @!p0 $0x1BF5;
	p2 =	por !p2, p0  }
0x20: {  	[sflag:s8] =	ssyncset.s32 @!p0 $0xFFFFF086;
	s6 =	sadd.s32 @!p0 s3, s7;
	s7 =	simm.s32 @!p0 $0x108  }
0x21: {  	s3 =	sadd.s32 s3, s9;
	s6 =	sadd.s32 @!p0 $0x88, s6;
	s7 =	simm.s32 @p2 $0x1082  }
0x22: {  	[simem:s7], [sflag:s8] =	dma.local @!p0 [hbm:s6], $0xF7A  }
0x23: {  	s9 =	sor.u32 $0xD0000000, s2;
	s6 =	simm.s32 $0x108;
	_ =	swait.ge @!p0 [sflag:s8], $0x0  }
0x24: {  	s3 =	sadd.s32 $0x88, s3;
	s6 =	simm.s32 @!p1 $0x1082;
	[sflag:s4] =	ssyncset.s32 $0xFFFFF086  }
0x25: {  	[simem:s6], [sflag:s4] =	dma.local [hbm:s3], $0xF7A  }
0x26: {  	[smem:$0x3F9F] =	sst s1;
	(tag) =	ssettag s2;
	_ =	strace s9  }
0x27: {  	s1 =	sld [smem:$0x3FAF]  }
0x28: {  	s2 =	sld [smem:$0x3FB0]  }
0x29: {  	s4 =	sld [smem:$0x3FB2]  }
0x2a: {  	p0 =	seq.s32 s5, $0x0;
	s5 =	sld [smem:$0x3FB3]  }
0x2b: {  	s6 =	sld [smem:$0x3FB4]  }
0x2c: {  	s7 =	sld [smem:$0x3FB5]  }
0x2d: {  	s3 =	simm.s32 $0x108;
	s8 =	sld [smem:$0x3FB6]  }
0x2e: {  	s3 =	simm.s32 @!p0 $0x1082;
	s9 =	sld [smem:$0x3FB7]  }
0x2f: {  	lr =	sadd.s32 s0, s3;
	s0 =	sld [smem:$0x3FAE]  }
0x30: {  	s3 =	sld [smem:$0x3FB1]  }
0x31: {  	[smem:$0x3FBA] =	sst s10  }
0x32: {  	s10 =	sld [smem:$0x3FB8];
	_ =	sdelay $0x3  }
0x33: {  	p0 =	seq.s32 s10, $0x1;
	s10 =	sld [smem:$0x3FBA];
	_ =	sdelay $0x3  }
0x34: {  	[smem:$0x3FBA] =	sst s10  }
0x35: {  	s10 =	sld [smem:$0x3FB9];
	_ =	sdelay $0x3  }
0x36: {  	p1 =	seq.s32 s10, $0x1;
	s10 =	sld [smem:$0x3FBA];
	_ =	sdelay $0x3  }
0x37: {  	[smem:$0x3FBA] =	sst s10  }
0x38: {  	s10 =	sld [smem:$0x3FBB]  }
0x39: {  	_ = 	snop;
	(pc) =	sbr.ind lr, $3  }
0x3a: {  	_ = 	snop  }
0x3b: {  	_ = 	snop  }
0x3c: {  	p2 =	seq.s32 s10, $0x1;
	s10 =	sld [smem:$0x3FBA]  }
0x3d: {  	_ =	shalt  }
0x3e: {  	_ =	shalt  }
0x3f: {  	_ =	shalt  }
0x40: {  	_ =	shalt  }
0x41: {  	_ =	shalt  }
0x42: {  	_ =	shalt  }
0x43: {  	_ =	shalt  }
0x44: {  	_ =	shalt  }
0x45: {  	_ =	shalt  }
0x46: {  	_ =	shalt  }
0x47: {  	_ =	shalt  }
0x48: {  	_ =	shalt  }
0x49: {  	_ =	shalt  }
0x4a: {  	_ =	shalt  }
0x4b: {  	_ =	shalt  }
0x4c: {  	_ =	shalt  }
0x4d: {  	_ =	shalt  }
0x4e: {  	_ =	shalt  }
0x4f: {  	_ =	shalt  }
0x50: {  	_ =	shalt  }
0x51: {  	_ =	shalt  }
0x52: {  	_ =	shalt  }
0x53: {  	_ =	shalt  }
0x54: {  	_ =	shalt  }
0x55: {  	_ =	shalt  }
0x56: {  	_ =	shalt  }
0x57: {  	_ =	shalt  }
0x58: {  	_ =	shalt  }
0x59: {  	_ =	shalt  }
0x5a: {  	_ =	shalt  }
0x5b: {  	_ =	shalt  }
0x5c: {  	_ =	shalt  }
0x5d: {  	_ =	shalt  }
0x5e: {  	_ =	shalt  }
0x5f: {  	_ =	shalt  }
0x60: {  	_ =	shalt  }
0x61: {  	_ =	shalt  }
0x62: {  	_ =	shalt  }
0x63: {  	_ =	shalt  }
0x64: {  	_ =	shalt  }
0x65: {  	_ =	shalt  }
0x66: {  	_ =	shalt  }
0x67: {  	_ =	shalt  }
0x68: {  	_ =	shalt  }
0x69: {  	_ =	shalt  }
0x6a: {  	_ =	shalt  }
0x6b: {  	_ =	shalt  }
0x6c: {  	_ =	shalt  }
0x6d: {  	_ =	shalt  }
0x6e: {  	_ =	shalt  }
0x6f: {  	_ =	shalt  }
0x70: {  	_ =	shalt  }
0x71: {  	_ =	shalt  }
0x72: {  	_ =	shalt  }
0x73: {  	_ =	shalt  }
0x74: {  	_ =	shalt  }
0x75: {  	_ =	shalt  }
0x76: {  	_ =	shalt  }
0x77: {  	_ =	shalt  }
0x78: {  	_ =	shalt  }
0x79: {  	_ =	shalt  }
0x7a: {  	_ =	shalt  }
0x7b: {  	_ =	shalt  }
0x7c: {  	_ =	shalt  }
0x7d: {  	_ =	shalt  }
0x7e: {  	_ =	shalt  }
0x7f: {  	_ =	shalt  }
0x80: {  	_ =	shalt  }
0x81: {  	_ =	shalt  }
0x82: {  	_ =	shalt  }
0x83: {  	_ =	shalt  }
0x84: {  	_ =	shalt  }
0x85: {  	_ =	shalt  }
0x86: {  	_ =	shalt  }
0x87: {  	_ =	shalt  }
.Lfunc_end0:
.L_simem_size_0:
called_computation_lowered:
.L_overlay_start_0:
0x88: {  	s2 =	sld [smem:$0x3FD9]  }
0x89: {  	s3 =	sld [smem:$0x3FFE];
	_ =	sdelay $0x1  }
0x8a: {  	s1 =	srdreg.scid  }
0x8b: {  	s0 =	sand.u32 $0x1, s1  }
0x8c: {  	s17 =	sshll.u32 s0, $0xA;
	s2 =	sadd.s32 s3, s2  }
0x8d: {  	s2 =	sadd.s32 s2, s17  }
0x8e: {  	[smem:$0x3FC6] =	sst s2  }
0x8f: {  	_ = 	snop  }
0x90: {  	s2 =	sld [smem:$0x3FD0];
	(tm) =	ssettm $0x1  }
0x91: {  	s18 =	sld [smem:$0x3FFB];
	_ =	sdelay $0x3  }
0x92: {  	_ =	strace s18  }
0x93: {  	s3 =	sld [smem:$0x3FFC];
	_ =	sdelay $0x3  }
0x94: {  	_ =	strace s3  }
0x95: {  	s3 =	sld [smem:$0x3FFD];
	_ =	sdelay $0x3  }
0x96: {  	_ =	strace s3  }
0x97: {  	_ =	strace $0x8FFFFFFF  }
0x98: {  	s19 =	sld [smem:$0x3FDB];
	_ =	sdelay $0x1  }
0x99: {  	s4 =	simm.s32 $_scs_section_size  }
0x9a: {  	s5 =	simm.s32 $_size__tile_overlayer_lowered;
	s6 =	simm.s32 $_tile_overlayer_lowered  }
0x9b: {  	s22 =	simm.s32 $0x1BFF;
	s21 =	sshll.u32 s6, $0x1;
	s3 =	sadd.s32 s4, s19  }
0x9c: {  	s7 =	simm.s32 $0x0;
	s20 =	sshll.u32 s5, $0x1;
	s5 =	sadd.s32 s21, s3  }
0x9d: {  	[timem:s7], [sflag:s22] =	dma.local [hbm:s5], s20  }
0x9e: {  	_ =	swait.ge [sflag:s22], s20  }
0x9f: {  	s4 =	ssub.s32 $0x0, s20;
	[sflag:s22] =	ssyncset.done $0x0  }
0xa0: {  	[sflag:s22] =	ssyncadd.s32 s4;
	_ =	sdelay $0x1  }
0xa1: {  	s23 =	simm.s32 $0x1B8B  }
0xa2: {  	_ =	swait.ge [sflag:s23], $0x1  }
0xa3: {  	[sflag:s23] =	ssyncset.done $0x0  }
0xa4: {  	s25 =	simm.s32 $0x1B8E;
	s24 =	sld [smem:$0x3FFE];
	[sflag:s23] =	ssyncadd.s32 $0xFFFFFFFF  }
0xa5: {  	s26 =	simm.s32 $execute0_lowered;
	[smem:$0x3FD2] =	sst s25  }
0xa6: {  	s5 =	sshll.u32 s26, $0x1;
	_ =	strace $0x80000046;
	[dreg:$0x1] =	wrdreg $0xFFFFFFFF  }
0xa7: {  	s28 =	simm.s32 $_size_execute0_lowered;
	s3 =	sadd.s32 s3, s5;
	[dreg:$0x0] =	wrdreg $0x0  }
0xa8: {  	s5 =	sshll.u32 s28, $0x1;
	[dreg:$0x2] =	wrdreg s3  }
0xa9: {  	[dreg:$0x3] =	wrdreg s5  }
0xaa: {  	[dreg:$0x4] =	wrdreg $0xC0  }
0xab: {  	_ =	task [dreg:s7], $0x5FFFF  }
0xac: {  	[dreg:$0x1] =	wrdreg $0xFFFFFFFF  }
0xad: {  	[dreg:$0x0] =	wrdreg $0x60  }
0xae: {  	[dreg:$0x2] =	wrdreg s24  }
0xaf: {  	[dreg:$0x3] =	wrdreg s2  }
0xb0: {  	[dreg:$0x4] =	wrdreg $0x10A000  }
0xb1: {  	[dreg:$0x5] =	wrdreg $0x9  }
0xb2: {  	_ =	task.clear_ibuf [dreg:s7], $0x6FFFF;
	_ =	strace $0x90000046  }
0xb3: {  	s29 =	simm.s32 $0x9;
	_ =	strace $0x80000048  }
0xb4: {  	_ =	swait.ge [sflag:s29], $0x1  }
0xb5: {  	[sflag:s29] =	ssyncadd.s32 $0xFFFFFFFF  }
0xb6: {  	_ =	strace $0x90000048  }
0xb7: {  	_ =	sfence  }
0xb8: {  	s30 =	sld [smem:$0x0];
	_ =	sdelay $0x2  }
0xb9: {  	s31 =	sshll.u32 s1, $0xD;
	s1 =	sshrl.u32 s1, $0x2  }
0xba: {  	s3 =	sand.u32 $0x4000, s31;
	s1 =	sadd.s32 s1, s30  }
0xbb: {  	s0 =	sor.u32 s3, s0;
	s1 =	sshll.u32 s1, $0x11  }
0xbc: {  	s0 =	sor.u32 s1, s0  }
0xbd: {  	s0 =	sadd.s32 $0x8F2B, s0  }
0xbe: {  	[sflag:s0] =	ssyncadd.remote.s32 $0x1  }
0xbf: {  	_ =	sfence.sel $0xFFFF  }
0xc0: {  	[dreg:$0x0] =	wrdreg $0xFFFFFFFF;
	(pc) =	sbr.abs _section_cstart, $3  }
0xc1: {  	[dreg:$0x1] =	wrdreg $0xFFFFFFFF  }
0xc2: {  	_ =	task.clear_ibuf [dreg:s7], $0x2FFFF;
	_ =	strace $0x9FFFFFFF  }
0xc3: {  	(tm) =	ssettm $0x7FFFFFFF  }
tec
execute0_lowered:
.L_overlay_start_1:
0x0: {  	(tag) =	ssettag $0x1  }
0x1: {  	s0 =	rddreg [dreg:$0x0]  }
0x2: {  	s2 =	rddreg [dreg:$0x2]  }
0x3: {  	s3 =	simm.s32 $0x0;
	s1 =	srdreg.scid;
	s5 =	stileid.u32  }
0x4: {  	s12 =	simm.s32 $0x80;
	s14 =	simm.s32 $0x48;
	s30 =	simm.s32 $0x9600  }
0x5: {  	s9 =	simm.s32 $0xBF00;
	s16 =	simm.s32 $0xC800;
	s20 =	simm.s32 $0xD800  }
0x6: {  	s22 =	simm.s32 $0x1;
	s24 =	simm.s32 $0xE100;
	s29 =	simm.s32 $0x2  }
0x7: {  	s31 =	simm.s32 $0x3;
	s10 =	simm.s32 $0x6;
	s18 =	simm.s32 $0x7  }
0x8: {  	s15 =	simm.s32 $0x0;
	[smem:$0x7FF] =	sst s3;
	s1 =	sand.u32 $0x1, s1  }
0x9: {  	s4 =	sshll.u32 s5, $0x1;
	p0 =	sne.s32 s5, $0x0;
	s5 =	simm.s32 $0x4  }
0xa: {  	_ =	strace $0x80000047;
	s6 =	ssub.s32 $0x2, s1;
	s1 =	sor.u32 s1, s4  }
0xb: {  	s4 =	sadd.s32 $0xA00, s0;
	s0 =	sadd.s32 $0x64A00, s0;
	s7 =	sshrl.u32 s6, $0x1  }
0xc: {  	s8 =	smul.u32 $0x3200, s1;
	[dreg:$0x4] =	wrdreg s0;
	s1 =	sshll.u32 s1, $0x9  }
.Ltmp0:
0xd: {  	s26 =	ssub.s32 s6, s7;
	[dreg:$0x5] =	wrdreg s1;
	(pc) =	sbr.rel .LBB2_1-.Ltmp0, $4  }
0xe: {  	s7 =	simm.s32 $0xAF00;
	s1 =	simm.s32 $0x8;
	s28 =	sadd.s32 s4, s8  }
0xf: {  	s6 =	simm.s32 $0x9;
	s0 =	smax.u32 s26, $0x1;
	[dreg:$0x6] =	wrdreg s28  }
0x10: {  	s26 =	simm.s32 $0xF100;
	[dreg:$0x7] =	wrdreg s0;
	s0 =	sshrl.u32 @!p0 s2, $0x3  }
0x11: {  	s8 =	simm.s32 $0x5;
	[dreg:$0x8] =	wrdreg s0;
	s0 =	simm.s32 $0xA600  }
.LBB2_42:
0x12: {  	s11 =	simm.s32 $0xA  }
0x13: {  	_ =	swait.ge [sflag:s11], $0x800  }
0x14: {  	[sflag:s11] =	ssyncset.done $0x0  }
0x15: {  	s13 =	simm.s32 $0xB;
	[sflag:s11] =	ssyncadd.s32 $0xFFFFF800  }
0x16: {  	_ =	swait.ge [sflag:s13], $0x800  }
0x17: {  	s15 =	rddreg [dreg:$0x9]  }
0x18: {  	s28 =	rddreg [dreg:$0x7];
	s15 =	sadd.s32 $0x1, s15  }
0x19: {  	p1 =	sne.s32 s15, s28  }
.Ltmp1:
0x1a: {  	_ = 	snop;
	(pc) =	sbr.rel @!p1 .LBB2_43-.Ltmp1, $3  }
0x1b: {  	_ =	sdelay $0x1  }
0x1c: {  	[sflag:s13] =	ssyncset.done $0x0  }
0x1d: {  	[sflag:s13] =	ssyncadd.s32 $0xFFFFF800  }
.LBB2_1:
0x1e: {  	[dreg:$0x9] =	wrdreg s15  }
0x1f: {  	s13 =	rddreg [dreg:$0x4]  }
0x20: {  	s11 =	simm.s32 @!p0 $0x1C0C;
	s15 =	rddreg [dreg:$0x8]  }
0x21: {  	[spmem:s15], [sflag:s11] =	dma.local @!p0 [hbm:s13], $0x9C40  }
0x22: {  	s11 =	simm.s32 @!p0 $0xC  }
0x23: {  	_ =	swait.ge @!p0 [sflag:s11], $0x9C40  }
0x24: {  	[sflag:s11] =	ssyncset.done @!p0 $0x0  }
0x25: {  	[sflag:s11] =	ssyncadd.s32 @!p0 $0xFFFF63C0  }
0x26: {  	[bflag:$0x0] =	sbarrier.arrive $0xFFFF  }
0x27: {  	s28 =	simm.s32 $0xC;
	s25 =	rddreg [dreg:$0x6]  }
0x28: {  	[tilespmem:s3], [sflag:$0xC] =	stream.linear.gather [hbm4b:s25+s3], $0x1900, $0x38;
	[tilespmem:$0x15820] =	vst v63  }
0x29: {  	_ =	swait.ge [sflag:s28], $0x1900  }
0x2a: {  	[sflag:s28] =	ssyncset.done $0x0  }
0x2b: {  	s11 =	simm.s32 $0x0;
	[sflag:s28] =	ssyncadd.s32 $0xFFFFE700  }
.LBB2_2:
0x2c: {  	s13 =	sshll.u32 s11, $0x6;
	s15 =	rddreg [dreg:$0x5]  }
0x2d: {  	s13 =	sor.u32 s15, s13  }
0x2e: {  	s15 =	smul.u32 $0xC8, s13;
	_ =	sdelay $0x1  }
0x2f: {  	s15 =	sshrl.u32 s15, $0x3  }
0x30: {  	s15 =	sadd.s32 s4, s15  }
0x31: {  	s17 =	simm.s32 $0x1900;
	p1 =	seq.s32 s11, $0x0;
	s15 =	sadd.s32 $0x320, s15  }
0x32: {  	[tilespmem:s17], [sflag:$0x9] =	stream.linear.gather [hbm4b:s15+s3], $0x1900, $0x38;
	[tilespmem:$0x15820] =	vst v63  }
0x33: {  	s15 =	simm.s32 @!p1 $0xA  }
0x34: {  	_ =	swait.ge @!p1 [sflag:s15], $0x800  }
0x35: {  	[sflag:s15] =	ssyncset.done @!p1 $0x0  }
0x36: {  	s19 =	simm.s32 $0x3200;
	[sflag:s15] =	ssyncadd.s32 @!p1 $0xFFFFF800;
	s15 =	simm.s32 $0x0  }
0x37: {  	[tilespmem:s19], [sflag:$0x1] =	stream.indirect.gather [spmem:s2], $0x20, s15, s12, $0xb8;
	[tilespmem:$0x15820] =	vst v63  }
0x38: {  	s21 =	simm.s32 $0x4200  }
0x39: {  	[tilespmem:s21], [sflag:$0x1] =	stream.indirect.gather [spmem:s2], $0x20, s12, s14, $0xb8;
	[tilespmem:$0x15820] =	vst v63  }
0x3a: {  	s23 =	simm.s32 $0xC8;
	s19 =	simm.s32 $0x4B00  }
0x3b: {  	[tilespmem:s19], [sflag:$0x2] =	stream.indirect.gather [spmem:s2], $0x20, s23, s12, $0xb8;
	[tilespmem:$0x15820] =	vst v63  }
0x3c: {  	s25 =	simm.s32 $0x148;
	s28 =	simm.s32 $0x5B00  }
0x3d: {  	[tilespmem:s28], [sflag:$0x2] =	stream.indirect.gather [spmem:s2], $0x20, s25, s14, $0xb8;
	[tilespmem:$0x15820] =	vst v63  }
0x3e: {  	s21 =	simm.s32 $0x190;
	s23 =	simm.s32 $0x6400  }
0x3f: {  	[tilespmem:s23], [sflag:$0x3] =	stream.indirect.gather [spmem:s2], $0x20, s21, s12, $0xb8;
	[tilespmem:$0x15820] =	vst v63  }
0x40: {  	s25 =	simm.s32 $0x210;
	s28 =	simm.s32 $0x7400  }
0x41: {  	[tilespmem:s28], [sflag:$0x3] =	stream.indirect.gather [spmem:s2], $0x20, s25, s14, $0xb8;
	[tilespmem:$0x15820] =	vst v63  }
0x42: {  	s19 =	simm.s32 $0x258;
	s21 =	simm.s32 $0x7D00  }
0x43: {  	[tilespmem:s21], [sflag:$0x4] =	stream.indirect.gather [spmem:s2], $0x20, s19, s12, $0xb8;
	[tilespmem:$0x15820] =	vst v63  }
0x44: {  	s23 =	simm.s32 $0x2D8;
	s25 =	simm.s32 $0x8D00  }
0x45: {  	[tilespmem:s25], [sflag:$0x4] =	stream.indirect.gather [spmem:s2], $0x20, s23, s14, $0xb8;
	[tilespmem:$0x15820] =	vst v63  }
0x46: {  	s28 =	simm.s32 $0x320  }
0x47: {  	[tilespmem:s30], [sflag:$0x5] =	stream.indirect.gather [spmem:s2], $0x20, s28, s12, $0xb8;
	[tilespmem:$0x15820] =	vst v63  }
0x48: {  	s19 =	simm.s32 $0x3A0  }
0x49: {  	[tilespmem:s0], [sflag:$0x5] =	stream.indirect.gather [spmem:s2], $0x20, s19, s14, $0xb8;
	[tilespmem:$0x15820] =	vst v63  }
0x4a: {  	s21 =	simm.s32 $0x3E8  }
0x4b: {  	[tilespmem:s7], [sflag:$0x6] =	stream.indirect.gather [spmem:s2], $0x20, s21, s12, $0xb8;
	[tilespmem:$0x15820] =	vst v63  }
0x4c: {  	s23 =	simm.s32 $0x468  }
0x4d: {  	[tilespmem:s9], [sflag:$0x6] =	stream.indirect.gather [spmem:s2], $0x20, s23, s14, $0xb8;
	[tilespmem:$0x15820] =	vst v63  }
0x4e: {  	s25 =	simm.s32 $0x4B0  }
0x4f: {  	[tilespmem:s16], [sflag:$0x7] =	stream.indirect.gather [spmem:s2], $0x20, s25, s12, $0xb8;
	[tilespmem:$0x15820] =	vst v63  }
0x50: {  	s28 =	simm.s32 $0x530  }
0x51: {  	[tilespmem:s20], [sflag:$0x7] =	stream.indirect.gather [spmem:s2], $0x20, s28, s14, $0xb8;
	[tilespmem:$0x15820] =	vst v63  }
.LBB2_3:
0x52: {  	_ =	swait.ge [sflag:s22], $0x1900  }
0x53: {  	[sflag:s22] =	ssyncset.done $0x0  }
0x54: {  	s17 =	simm.s32 $0x3280;
	[sflag:s22] =	ssyncadd.s32 $0xFFFFE700  }
0x55: {  	v1 =	vld [tilespmem:s17+$0x60]  }
0x56: {  	v3 =	vld [tilespmem:s17+$0x40]  }
0x57: {  	v5 =	vld [tilespmem:s17+$0x20]  }
0x58: {  	v7 =	vld [tilespmem:s17+$0x0]  }
0x59: {  	v8 =	vld [tilespmem:s17+$0xFFFFFFE0]  }
0x5a: {  	v9 =	vld [tilespmem:s17+$0xFFFFFFC0]  }
0x5b: {  	v10 =	vld [tilespmem:s17+$0xFFFFFFA0]  }
0x5c: {  	v11 =	vld [tilespmem:s17+$0xFFFFFF80]  }
0x5d: {  	v12 =	vimm.f32 $0.0e+00;
	v13 =	vld [tilespmem:s17+$0xFFFFFF90];
	v0 =	vunpack.i.u.bf16.f32 v1;
	v1 =	vunpack.i.l.bf16.f32 v1  }
0x5e: {  	v4 =	vunpack.i.u.bf16.f32 v5;
	v2 =	vunpack.i.u.bf16.f32 v3;
	v3 =	vunpack.i.l.bf16.f32 v3  }
0x5f: {  	v14 =	vld [tilespmem:s17+$0xFFFFFFB0];
	v6 =	vunpack.i.u.bf16.f32 v7;
	v7 =	vunpack.i.l.bf16.f32 v7;
	v5 =	vunpack.i.l.bf16.f32 v5  }
0x60: {  	v15 =	vunpack.i.u.bf16.f32 v9;
	v17 =	vunpack.i.u.bf16.f32 v8;
	v18 =	vunpack.i.l.bf16.f32 v8  }
0x61: {  	v16 =	vld [tilespmem:s17+$0xFFFFFFD0];
	v8 =	vunpack.i.u.bf16.f32 v10;
	v10 =	vunpack.i.l.bf16.f32 v10;
	v9 =	vunpack.i.l.bf16.f32 v9  }
0x62: {  	v19 =	vunpack.i.u.bf16.f32 v11;
	v11 =	vunpack.i.l.bf16.f32 v11;
	v20 =	vunpack.i.u.bf16.f32 v13  }
0x63: {  	v21 =	vld [tilespmem:s17+$0xFFFFFFF0];
	v13 =	vunpack.i.l.bf16.f32 v13;
	v11 =	vadd.f32 v11, v12;
	v19 =	vadd.f32 v19, v12  }
0x64: {  	v62 =	vunpack.i.u.bf16.f32 v14;
	v13 =	vadd.f32 v13, v12;
	v12 =	vadd.f32 v20, v12  }
0x65: {  	v14 =	vunpack.i.l.bf16.f32 v14;
	v11 =	vadd.f32 v10, v11;
	v8 =	vadd.f32 v8, v19;
	v10 =	vld [tilespmem:s17+$0x10]  }
0x66: {  	v13 =	vadd.f32 v14, v13;
	v14 =	vadd.f32 v62, v12;
	v19 =	vunpack.i.u.bf16.f32 v16  }
0x67: {  	v12 =	vunpack.i.l.bf16.f32 v16;
	v9 =	vadd.f32 v9, v11;
	v63 =	vadd.f32 v15, v8;
	v8 =	vld [tilespmem:s17+$0x30]  }
0x68: {  	v16 =	vunpack.i.l.bf16.f32 v21;
	v12 =	vadd.f32 v12, v13;
	v11 =	vadd.f32 v19, v14  }
0x69: {  	s19 =	simm.s32 $0x0;
	s21 =	simm.s32 $0x3380;
	v13 =	vunpack.i.u.bf16.f32 v21;
	v15 =	vadd.f32 v18, v9;
	v14 =	vadd.f32 v17, v63;
	v9 =	vld [tilespmem:s17+$0x50]  }
.LBB2_4:
0x6a: {  	v17 =	vld [tilespmem:s21+$0x60];
	v12 =	vadd.f32 v16, v12;
	v11 =	vadd.f32 v13, v11;
	v13 =	vunpack.i.u.bf16.f32 v10  }
0x6b: {  	v10 =	vunpack.i.l.bf16.f32 v10;
	v7 =	vadd.f32 v7, v15;
	v6 =	vadd.f32 v6, v14;
	v14 =	vld [tilespmem:s17+$0x70];
	s17 =	smov.u32 s21  }
0x6c: {  	v15 =	vld [tilespmem:s21+$0x40];
	v10 =	vadd.f32 v10, v12;
	v11 =	vadd.f32 v13, v11;
	v12 =	vunpack.i.u.bf16.f32 v8  }
0x6d: {  	v8 =	vunpack.i.l.bf16.f32 v8;
	v13 =	vld [tilespmem:s21+$0x20];
	v5 =	vadd.f32 v5, v7;
	v4 =	vadd.f32 v4, v6  }
0x6e: {  	v7 =	vld [tilespmem:s21+$0x0];
	v6 =	vadd.f32 v8, v10;
	v8 =	vadd.f32 v12, v11;
	v10 =	vunpack.i.u.bf16.f32 v9  }
0x6f: {  	v9 =	vunpack.i.l.bf16.f32 v9;
	v11 =	vld [tilespmem:s21+$0xFFFFFFE0];
	v3 =	vadd.f32 v3, v5;
	v2 =	vadd.f32 v2, v4  }
0x70: {  	v12 =	vld [tilespmem:s21+$0xFFFFFFC0];
	v4 =	vadd.f32 v9, v6;
	v5 =	vadd.f32 v10, v8;
	v6 =	vunpack.i.u.bf16.f32 v14  }
0x71: {  	v9 =	vunpack.i.l.bf16.f32 v14;
	v8 =	vld [tilespmem:s21+$0xFFFFFFA0];
	v10 =	vadd.f32 v1, v3;
	v14 =	vadd.f32 v0, v2  }
0x72: {  	v16 =	vld [tilespmem:s21+$0xFFFFFF80];
	v9 =	vadd.f32 v9, v4;
	v18 =	vadd.f32 v6, v5  }
0x73: {  	v0 =	vunpack.i.u.bf16.f32 v17;
	v1 =	vunpack.i.l.bf16.f32 v17;
	v19 =	vld [tilespmem:s21+$0xFFFFFF90]  }
0x74: {  	s19 =	sadd.s32 $0x8, s19;
	v2 =	vunpack.i.u.bf16.f32 v15;
	v3 =	vunpack.i.l.bf16.f32 v15;
	v4 =	vunpack.i.u.bf16.f32 v13  }
0x75: {  	p1 =	slt.u32 s19, $0xC0;
	v5 =	vunpack.i.l.bf16.f32 v13;
	v6 =	vunpack.i.u.bf16.f32 v7;
	v7 =	vunpack.i.l.bf16.f32 v7;
	v15 =	vld [tilespmem:s21+$0xFFFFFFB0]  }
0x76: {  	v17 =	vunpack.i.u.bf16.f32 v11;
	v20 =	vunpack.i.l.bf16.f32 v11;
	v13 =	vunpack.i.u.bf16.f32 v12  }
0x77: {  	v12 =	vunpack.i.l.bf16.f32 v12;
	v11 =	vunpack.i.u.bf16.f32 v8;
	v8 =	vunpack.i.l.bf16.f32 v8;
	v21 =	vld [tilespmem:s21+$0xFFFFFFD0]  }
0x78: {  	v22 =	vunpack.i.u.bf16.f32 v16;
	v16 =	vunpack.i.l.bf16.f32 v16;
	v23 =	vunpack.i.u.bf16.f32 v19  }
0x79: {  	v19 =	vunpack.i.l.bf16.f32 v19;
	v10 =	vadd.f32 v16, v10;
	v14 =	vadd.f32 v22, v14;
	v16 =	vld [tilespmem:s21+$0xFFFFFFF0]  }
0x7a: {  	v9 =	vadd.f32 v19, v9;
	v18 =	vadd.f32 v23, v18;
	v19 =	vunpack.i.u.bf16.f32 v15  }
.Ltmp2:
0x7b: {  	v15 =	vunpack.i.l.bf16.f32 v15;
	v8 =	vadd.f32 v8, v10;
	v11 =	vadd.f32 v11, v14;
	v10 =	vld [tilespmem:s21+$0x10];
	(pc) =	sbr.rel @p1 .LBB2_4-.Ltmp2, $4  }
0x7c: {  	v9 =	vadd.f32 v15, v9;
	v14 =	vadd.f32 v19, v18;
	v15 =	vunpack.i.u.bf16.f32 v21  }
0x7d: {  	v18 =	vunpack.i.l.bf16.f32 v21;
	v19 =	vadd.f32 v12, v8;
	v21 =	vadd.f32 v13, v11;
	v8 =	vld [tilespmem:s21+$0x30]  }
0x7e: {  	v12 =	vadd.f32 v18, v9;
	v11 =	vadd.f32 v15, v14;
	v13 =	vunpack.i.u.bf16.f32 v16  }
0x7f: {  	s21 =	sadd.s32 $0x100, s21;
	v16 =	vunpack.i.l.bf16.f32 v16;
	v15 =	vadd.f32 v20, v19;
	v14 =	vadd.f32 v17, v21;
	v9 =	vld [tilespmem:s17+$0x50]  }
0x80: {  	_ = 	snop  }
0x81: {  	v12 =	vadd.f32 v16, v12;
	v7 =	vadd.f32 v7, v15  }
0x82: {  	v11 =	vadd.f32 v13, v11;
	v13 =	vunpack.i.l.bf16.f32 v10;
	v6 =	vadd.f32 v6, v14  }
0x83: {  	v10 =	vunpack.i.u.bf16.f32 v10;
	v14 =	vld [tilespmem:s17+$0x70];
	v12 =	vadd.f32 v13, v12;
	v5 =	vadd.f32 v5, v7  }
0x84: {  	v7 =	vadd.f32 v10, v11;
	v10 =	vunpack.i.l.bf16.f32 v8;
	v4 =	vadd.f32 v4, v6  }
0x85: {  	v6 =	vunpack.i.u.bf16.f32 v8;
	v8 =	vadd.f32 v10, v12;
	v3 =	vadd.f32 v3, v5  }
0x86: {  	v5 =	vadd.f32 v6, v7;
	v6 =	vunpack.i.l.bf16.f32 v9;
	v2 =	vadd.f32 v2, v4  }
0x87: {  	v4 =	vunpack.i.u.bf16.f32 v9;
	v6 =	vadd.f32 v6, v8;
	v1 =	vadd.f32 v1, v3  }
0x88: {  	v3 =	vadd.f32 v4, v5;
	v4 =	vunpack.i.l.bf16.f32 v14;
	v0 =	vadd.f32 v0, v2  }
0x89: {  	s28 =	sshll.u32 s15, $0x9;
	v2 =	vunpack.i.u.bf16.f32 v14;
	v4 =	vadd.f32 v4, v6;
	v1 =	vmul.f32 $4.999999890e-03, v1  }
0x8a: {  	s19 =	sand.u32 $0x3FFFFE00, s28;
	v2 =	vadd.f32 v2, v3;
	v0 =	vmul.f32 $4.999999890e-03, v0  }
0x8b: {  	s17 =	sshllo.u32 s15, $0x3;
	[tilespmem:s19+$0xFA00] =	vst v1;
	v1 =	vmul.f32 $4.999999890e-03, v4  }
0x8c: {  	s21 =	smul.u32 $0x320, s17;
	[tilespmem:s19+$0xFA10] =	vst v0;
	v0 =	vmul.f32 $4.999999890e-03, v2  }
0x8d: {  	[tilespmem:s19+$0xFA20] =	vst v1  }
0x8e: {  	s21 =	sshra.s32 s21, $0x2;
	[tilespmem:s19+$0xFA30] =	vst v0  }
0x8f: {  	[tilespmem:s24], [sflag:$0x8] =	stream.indirect.gather [spmem:s2], $0x20, s21, s12, $0xb8;
	[tilespmem:$0x15820] =	vst v63  }
0x90: {  	s21 =	sadd.s32 $0x80, s21  }
0x91: {  	[tilespmem:s26], [sflag:$0x8] =	stream.indirect.gather [spmem:s2], $0x20, s21, s14, $0xb8;
	[tilespmem:$0x15820] =	vst v63  }
0x92: {  	_ =	swait.ge [sflag:s29], $0x1900  }
0x93: {  	[sflag:s29] =	ssyncset.done $0x0  }
0x94: {  	s21 =	simm.s32 $0x4B80;
	[sflag:s29] =	ssyncadd.s32 $0xFFFFE700  }
0x95: {  	v1 =	vld [tilespmem:s21+$0x60]  }
0x96: {  	v3 =	vld [tilespmem:s21+$0x40]  }
0x97: {  	v5 =	vld [tilespmem:s21+$0x20]  }
0x98: {  	v7 =	vld [tilespmem:s21+$0x0]  }
0x99: {  	v8 =	vld [tilespmem:s21+$0xFFFFFFE0]  }
0x9a: {  	v9 =	vld [tilespmem:s21+$0xFFFFFFC0]  }
0x9b: {  	v10 =	vld [tilespmem:s21+$0xFFFFFFA0]  }
0x9c: {  	v11 =	vld [tilespmem:s21+$0xFFFFFF80]  }
0x9d: {  	v12 =	vimm.f32 $0.0e+00;
	v13 =	vld [tilespmem:s21+$0xFFFFFF90];
	v0 =	vunpack.i.u.bf16.f32 v1;
	v1 =	vunpack.i.l.bf16.f32 v1  }
0x9e: {  	v4 =	vunpack.i.u.bf16.f32 v5;
	v2 =	vunpack.i.u.bf16.f32 v3;
	v3 =	vunpack.i.l.bf16.f32 v3  }
0x9f: {  	v14 =	vld [tilespmem:s21+$0xFFFFFFB0];
	v6 =	vunpack.i.u.bf16.f32 v7;
	v7 =	vunpack.i.l.bf16.f32 v7;
	v5 =	vunpack.i.l.bf16.f32 v5  }
0xa0: {  	v15 =	vunpack.i.u.bf16.f32 v9;
	v17 =	vunpack.i.u.bf16.f32 v8;
	v18 =	vunpack.i.l.bf16.f32 v8  }
0xa1: {  	v16 =	vld [tilespmem:s21+$0xFFFFFFD0];
	v8 =	vunpack.i.u.bf16.f32 v10;
	v10 =	vunpack.i.l.bf16.f32 v10;
	v9 =	vunpack.i.l.bf16.f32 v9  }
0xa2: {  	v19 =	vunpack.i.u.bf16.f32 v11;
	v11 =	vunpack.i.l.bf16.f32 v11;
	v20 =	vunpack.i.u.bf16.f32 v13  }
0xa3: {  	v21 =	vld [tilespmem:s21+$0xFFFFFFF0];
	v13 =	vunpack.i.l.bf16.f32 v13;
	v11 =	vadd.f32 v11, v12;
	v19 =	vadd.f32 v19, v12  }
0xa4: {  	v62 =	vunpack.i.u.bf16.f32 v14;
	v13 =	vadd.f32 v13, v12;
	v12 =	vadd.f32 v20, v12  }
0xa5: {  	v14 =	vunpack.i.l.bf16.f32 v14;
	v11 =	vadd.f32 v10, v11;
	v8 =	vadd.f32 v8, v19;
	v10 =	vld [tilespmem:s21+$0x10]  }
0xa6: {  	v13 =	vadd.f32 v14, v13;
	v14 =	vadd.f32 v62, v12;
	v19 =	vunpack.i.u.bf16.f32 v16  }
0xa7: {  	v12 =	vunpack.i.l.bf16.f32 v16;
	v9 =	vadd.f32 v9, v11;
	v63 =	vadd.f32 v15, v8;
	v8 =	vld [tilespmem:s21+$0x30]  }
0xa8: {  	v16 =	vunpack.i.l.bf16.f32 v21;
	v12 =	vadd.f32 v12, v13;
	v11 =	vadd.f32 v19, v14  }
0xa9: {  	s23 =	simm.s32 $0x0;
	s25 =	simm.s32 $0x4C80;
	v13 =	vunpack.i.u.bf16.f32 v21;
	v15 =	vadd.f32 v18, v9;
	v14 =	vadd.f32 v17, v63;
	v9 =	vld [tilespmem:s21+$0x50]  }
.LBB2_6:
0xaa: {  	v17 =	vld [tilespmem:s25+$0x60];
	v12 =	vadd.f32 v16, v12;
	v11 =	vadd.f32 v13, v11;
	v13 =	vunpack.i.u.bf16.f32 v10  }
0xab: {  	v10 =	vunpack.i.l.bf16.f32 v10;
	v7 =	vadd.f32 v7, v15;
	v6 =	vadd.f32 v6, v14;
	v14 =	vld [tilespmem:s21+$0x70];
	s21 =	smov.u32 s25  }
0xac: {  	v15 =	vld [tilespmem:s25+$0x40];
	v10 =	vadd.f32 v10, v12;
	v11 =	vadd.f32 v13, v11;
	v12 =	vunpack.i.u.bf16.f32 v8  }
0xad: {  	v8 =	vunpack.i.l.bf16.f32 v8;
	v13 =	vld [tilespmem:s25+$0x20];
	v5 =	vadd.f32 v5, v7;
	v4 =	vadd.f32 v4, v6  }
0xae: {  	v7 =	vld [tilespmem:s25+$0x0];
	v6 =	vadd.f32 v8, v10;
	v8 =	vadd.f32 v12, v11;
	v10 =	vunpack.i.u.bf16.f32 v9  }
0xaf: {  	v9 =	vunpack.i.l.bf16.f32 v9;
	v11 =	vld [tilespmem:s25+$0xFFFFFFE0];
	v3 =	vadd.f32 v3, v5;
	v2 =	vadd.f32 v2, v4  }
0xb0: {  	v12 =	vld [tilespmem:s25+$0xFFFFFFC0];
	v4 =	vadd.f32 v9, v6;
	v5 =	vadd.f32 v10, v8;
	v6 =	vunpack.i.u.bf16.f32 v14  }
0xb1: {  	v9 =	vunpack.i.l.bf16.f32 v14;
	v8 =	vld [tilespmem:s25+$0xFFFFFFA0];
	v10 =	vadd.f32 v1, v3;
	v14 =	vadd.f32 v0, v2  }
0xb2: {  	v16 =	vld [tilespmem:s25+$0xFFFFFF80];
	v9 =	vadd.f32 v9, v4;
	v18 =	vadd.f32 v6, v5  }
0xb3: {  	v0 =	vunpack.i.u.bf16.f32 v17;
	v1 =	vunpack.i.l.bf16.f32 v17;
	v19 =	vld [tilespmem:s25+$0xFFFFFF90]  }
0xb4: {  	s23 =	sadd.s32 $0x8, s23;
	v2 =	vunpack.i.u.bf16.f32 v15;
	v3 =	vunpack.i.l.bf16.f32 v15;
	v4 =	vunpack.i.u.bf16.f32 v13  }
0xb5: {  	p1 =	slt.u32 s23, $0xC0;
	v5 =	vunpack.i.l.bf16.f32 v13;
	v6 =	vunpack.i.u.bf16.f32 v7;
	v7 =	vunpack.i.l.bf16.f32 v7;
	v15 =	vld [tilespmem:s25+$0xFFFFFFB0]  }
0xb6: {  	v17 =	vunpack.i.u.bf16.f32 v11;
	v20 =	vunpack.i.l.bf16.f32 v11;
	v13 =	vunpack.i.u.bf16.f32 v12  }
0xb7: {  	v12 =	vunpack.i.l.bf16.f32 v12;
	v11 =	vunpack.i.u.bf16.f32 v8;
	v8 =	vunpack.i.l.bf16.f32 v8;
	v21 =	vld [tilespmem:s25+$0xFFFFFFD0]  }
0xb8: {  	v22 =	vunpack.i.u.bf16.f32 v16;
	v16 =	vunpack.i.l.bf16.f32 v16;
	v23 =	vunpack.i.u.bf16.f32 v19  }
0xb9: {  	v19 =	vunpack.i.l.bf16.f32 v19;
	v10 =	vadd.f32 v16, v10;
	v14 =	vadd.f32 v22, v14;
	v16 =	vld [tilespmem:s25+$0xFFFFFFF0]  }
0xba: {  	v9 =	vadd.f32 v19, v9;
	v18 =	vadd.f32 v23, v18;
	v19 =	vunpack.i.u.bf16.f32 v15  }
.Ltmp3:
0xbb: {  	v15 =	vunpack.i.l.bf16.f32 v15;
	v8 =	vadd.f32 v8, v10;
	v11 =	vadd.f32 v11, v14;
	v10 =	vld [tilespmem:s25+$0x10];
	(pc) =	sbr.rel @p1 .LBB2_6-.Ltmp3, $4  }
0xbc: {  	v9 =	vadd.f32 v15, v9;
	v14 =	vadd.f32 v19, v18;
	v15 =	vunpack.i.u.bf16.f32 v21  }
0xbd: {  	v18 =	vunpack.i.l.bf16.f32 v21;
	v19 =	vadd.f32 v12, v8;
	v21 =	vadd.f32 v13, v11;
	v8 =	vld [tilespmem:s25+$0x30]  }
0xbe: {  	v12 =	vadd.f32 v18, v9;
	v11 =	vadd.f32 v15, v14;
	v13 =	vunpack.i.u.bf16.f32 v16  }
0xbf: {  	s25 =	sadd.s32 $0x100, s25;
	v16 =	vunpack.i.l.bf16.f32 v16;
	v15 =	vadd.f32 v20, v19;
	v14 =	vadd.f32 v17, v21;
	v9 =	vld [tilespmem:s21+$0x50]  }
0xc0: {  	_ = 	snop  }
0xc1: {  	v12 =	vadd.f32 v16, v12;
	v7 =	vadd.f32 v7, v15  }
0xc2: {  	v11 =	vadd.f32 v13, v11;
	v13 =	vunpack.i.l.bf16.f32 v10;
	v6 =	vadd.f32 v6, v14  }
0xc3: {  	v10 =	vunpack.i.u.bf16.f32 v10;
	v14 =	vld [tilespmem:s21+$0x70];
	v12 =	vadd.f32 v13, v12;
	v5 =	vadd.f32 v5, v7  }
0xc4: {  	v7 =	vadd.f32 v10, v11;
	v10 =	vunpack.i.l.bf16.f32 v8;
	v4 =	vadd.f32 v4, v6  }
0xc5: {  	v6 =	vunpack.i.u.bf16.f32 v8;
	v8 =	vadd.f32 v10, v12;
	v3 =	vadd.f32 v3, v5  }
0xc6: {  	v5 =	vadd.f32 v6, v7;
	v6 =	vunpack.i.l.bf16.f32 v9;
	v2 =	vadd.f32 v2, v4  }
0xc7: {  	v4 =	vunpack.i.u.bf16.f32 v9;
	v6 =	vadd.f32 v6, v8;
	v1 =	vadd.f32 v1, v3  }
0xc8: {  	v3 =	vadd.f32 v4, v5;
	v4 =	vunpack.i.l.bf16.f32 v14;
	v0 =	vadd.f32 v0, v2  }
0xc9: {  	v2 =	vunpack.i.u.bf16.f32 v14;
	v4 =	vadd.f32 v4, v6;
	v1 =	vmul.f32 $4.999999890e-03, v1  }
0xca: {  	p1 =	seq.s32 s15, $0x3;
	v2 =	vadd.f32 v2, v3;
	v0 =	vmul.f32 $4.999999890e-03, v0  }
0xcb: {  	s21 =	smul.u32 @!p1 $0x1900, s15;
	[tilespmem:s19+$0xFA40] =	vst v1;
	v1 =	vmul.f32 $4.999999890e-03, v4  }
0xcc: {  	[tilespmem:s19+$0xFA50] =	vst v0;
	v0 =	vmul.f32 $4.999999890e-03, v2  }
0xcd: {  	s21 =	sshra.s32 @!p1 s21, $0x2;
	[tilespmem:s19+$0xFA60] =	vst v1  }
0xce: {  	s25 =	simm.s32 @!p1 $0x80;
	s28 =	simm.s32 @!p1 $0x3200;
	s23 =	sadd.s32 @!p1 $0x640, s21;
	[tilespmem:s19+$0xFA70] =	vst v0  }
0xcf: {  	[tilespmem:s28], [sflag:$0x1] =	stream.indirect.gather @!p1 [spmem:s2], $0x20, s23, s25, $0xb8;
	[tilespmem:$0x15820] =	vst v63  }
0xd0: {  	s23 =	sadd.s32 @!p1 $0x6C0, s21;
	s25 =	simm.s32 @!p1 $0x48;
	s28 =	simm.s32 @!p1 $0x4200  }
0xd1: {  	[tilespmem:s28], [sflag:$0x1] =	stream.indirect.gather @!p1 [spmem:s2], $0x20, s23, s25, $0xb8;
	[tilespmem:$0x15820] =	vst v63  }
0xd2: {  	_ =	swait.ge [sflag:s31], $0x1900  }
0xd3: {  	[sflag:s31] =	ssyncset.done $0x0  }
0xd4: {  	s23 =	simm.s32 $0x6480;
	[sflag:s31] =	ssyncadd.s32 $0xFFFFE700  }
0xd5: {  	v1 =	vld [tilespmem:s23+$0x60]  }
0xd6: {  	v3 =	vld [tilespmem:s23+$0x40]  }
0xd7: {  	v5 =	vld [tilespmem:s23+$0x20]  }
0xd8: {  	v7 =	vld [tilespmem:s23+$0x0]  }
0xd9: {  	v8 =	vld [tilespmem:s23+$0xFFFFFFE0]  }
0xda: {  	v9 =	vld [tilespmem:s23+$0xFFFFFFC0]  }
0xdb: {  	v10 =	vld [tilespmem:s23+$0xFFFFFFA0]  }
0xdc: {  	v11 =	vld [tilespmem:s23+$0xFFFFFF80]  }
0xdd: {  	v12 =	vimm.f32 $0.0e+00;
	v13 =	vld [tilespmem:s23+$0xFFFFFF90];
	v0 =	vunpack.i.u.bf16.f32 v1;
	v1 =	vunpack.i.l.bf16.f32 v1  }
0xde: {  	v4 =	vunpack.i.u.bf16.f32 v5;
	v2 =	vunpack.i.u.bf16.f32 v3;
	v3 =	vunpack.i.l.bf16.f32 v3  }
0xdf: {  	v14 =	vld [tilespmem:s23+$0xFFFFFFB0];
	v6 =	vunpack.i.u.bf16.f32 v7;
	v7 =	vunpack.i.l.bf16.f32 v7;
	v5 =	vunpack.i.l.bf16.f32 v5  }
0xe0: {  	v15 =	vunpack.i.u.bf16.f32 v9;
	v17 =	vunpack.i.u.bf16.f32 v8;
	v18 =	vunpack.i.l.bf16.f32 v8  }
0xe1: {  	v16 =	vld [tilespmem:s23+$0xFFFFFFD0];
	v8 =	vunpack.i.u.bf16.f32 v10;
	v10 =	vunpack.i.l.bf16.f32 v10;
	v9 =	vunpack.i.l.bf16.f32 v9  }
0xe2: {  	v19 =	vunpack.i.u.bf16.f32 v11;
	v11 =	vunpack.i.l.bf16.f32 v11;
	v20 =	vunpack.i.u.bf16.f32 v13  }
0xe3: {  	v21 =	vld [tilespmem:s23+$0xFFFFFFF0];
	v13 =	vunpack.i.l.bf16.f32 v13;
	v11 =	vadd.f32 v11, v12;
	v19 =	vadd.f32 v19, v12  }
0xe4: {  	v62 =	vunpack.i.u.bf16.f32 v14;
	v13 =	vadd.f32 v13, v12;
	v12 =	vadd.f32 v20, v12  }
0xe5: {  	v14 =	vunpack.i.l.bf16.f32 v14;
	v11 =	vadd.f32 v10, v11;
	v8 =	vadd.f32 v8, v19;
	v10 =	vld [tilespmem:s23+$0x10]  }
0xe6: {  	v13 =	vadd.f32 v14, v13;
	v14 =	vadd.f32 v62, v12;
	v19 =	vunpack.i.u.bf16.f32 v16  }
0xe7: {  	v12 =	vunpack.i.l.bf16.f32 v16;
	v9 =	vadd.f32 v9, v11;
	v63 =	vadd.f32 v15, v8;
	v8 =	vld [tilespmem:s23+$0x30]  }
0xe8: {  	v16 =	vunpack.i.l.bf16.f32 v21;
	v12 =	vadd.f32 v12, v13;
	v11 =	vadd.f32 v19, v14  }
0xe9: {  	s25 =	simm.s32 $0x0;
	s28 =	simm.s32 $0x6580;
	v13 =	vunpack.i.u.bf16.f32 v21;
	v15 =	vadd.f32 v18, v9;
	v14 =	vadd.f32 v17, v63;
	v9 =	vld [tilespmem:s23+$0x50]  }
.LBB2_8:
0xea: {  	v17 =	vld [tilespmem:s28+$0x60];
	v12 =	vadd.f32 v16, v12;
	v11 =	vadd.f32 v13, v11;
	v13 =	vunpack.i.u.bf16.f32 v10  }
0xeb: {  	v10 =	vunpack.i.l.bf16.f32 v10;
	v7 =	vadd.f32 v7, v15;
	v6 =	vadd.f32 v6, v14;
	v14 =	vld [tilespmem:s23+$0x70];
	s23 =	smov.u32 s28  }
0xec: {  	v15 =	vld [tilespmem:s28+$0x40];
	v10 =	vadd.f32 v10, v12;
	v11 =	vadd.f32 v13, v11;
	v12 =	vunpack.i.u.bf16.f32 v8  }
0xed: {  	v8 =	vunpack.i.l.bf16.f32 v8;
	v13 =	vld [tilespmem:s28+$0x20];
	v5 =	vadd.f32 v5, v7;
	v4 =	vadd.f32 v4, v6  }
0xee: {  	v7 =	vld [tilespmem:s28+$0x0];
	v6 =	vadd.f32 v8, v10;
	v8 =	vadd.f32 v12, v11;
	v10 =	vunpack.i.u.bf16.f32 v9  }
0xef: {  	v9 =	vunpack.i.l.bf16.f32 v9;
	v11 =	vld [tilespmem:s28+$0xFFFFFFE0];
	v3 =	vadd.f32 v3, v5;
	v2 =	vadd.f32 v2, v4  }
0xf0: {  	v12 =	vld [tilespmem:s28+$0xFFFFFFC0];
	v4 =	vadd.f32 v9, v6;
	v5 =	vadd.f32 v10, v8;
	v6 =	vunpack.i.u.bf16.f32 v14  }
0xf1: {  	v9 =	vunpack.i.l.bf16.f32 v14;
	v8 =	vld [tilespmem:s28+$0xFFFFFFA0];
	v10 =	vadd.f32 v1, v3;
	v14 =	vadd.f32 v0, v2  }
0xf2: {  	v16 =	vld [tilespmem:s28+$0xFFFFFF80];
	v9 =	vadd.f32 v9, v4;
	v18 =	vadd.f32 v6, v5  }
0xf3: {  	v0 =	vunpack.i.u.bf16.f32 v17;
	v1 =	vunpack.i.l.bf16.f32 v17;
	v19 =	vld [tilespmem:s28+$0xFFFFFF90]  }
0xf4: {  	s25 =	sadd.s32 $0x8, s25;
	v2 =	vunpack.i.u.bf16.f32 v15;
	v3 =	vunpack.i.l.bf16.f32 v15;
	v4 =	vunpack.i.u.bf16.f32 v13  }
0xf5: {  	p2 =	slt.u32 s25, $0xC0;
	v5 =	vunpack.i.l.bf16.f32 v13;
	v6 =	vunpack.i.u.bf16.f32 v7;
	v7 =	vunpack.i.l.bf16.f32 v7;
	v15 =	vld [tilespmem:s28+$0xFFFFFFB0]  }
0xf6: {  	v17 =	vunpack.i.u.bf16.f32 v11;
	v20 =	vunpack.i.l.bf16.f32 v11;
	v13 =	vunpack.i.u.bf16.f32 v12  }
0xf7: {  	v12 =	vunpack.i.l.bf16.f32 v12;
	v11 =	vunpack.i.u.bf16.f32 v8;
	v8 =	vunpack.i.l.bf16.f32 v8;
	v21 =	vld [tilespmem:s28+$0xFFFFFFD0]  }
0xf8: {  	v22 =	vunpack.i.u.bf16.f32 v16;
	v16 =	vunpack.i.l.bf16.f32 v16;
	v23 =	vunpack.i.u.bf16.f32 v19  }
0xf9: {  	v19 =	vunpack.i.l.bf16.f32 v19;
	v10 =	vadd.f32 v16, v10;
	v14 =	vadd.f32 v22, v14;
	v16 =	vld [tilespmem:s28+$0xFFFFFFF0]  }
0xfa: {  	v9 =	vadd.f32 v19, v9;
	v18 =	vadd.f32 v23, v18;
	v19 =	vunpack.i.u.bf16.f32 v15  }
.Ltmp4:
0xfb: {  	v15 =	vunpack.i.l.bf16.f32 v15;
	v8 =	vadd.f32 v8, v10;
	v11 =	vadd.f32 v11, v14;
	v10 =	vld [tilespmem:s28+$0x10];
	(pc) =	sbr.rel @p2 .LBB2_8-.Ltmp4, $4  }
0xfc: {  	v9 =	vadd.f32 v15, v9;
	v14 =	vadd.f32 v19, v18;
	v15 =	vunpack.i.u.bf16.f32 v21  }
0xfd: {  	v18 =	vunpack.i.l.bf16.f32 v21;
	v19 =	vadd.f32 v12, v8;
	v21 =	vadd.f32 v13, v11;
	v8 =	vld [tilespmem:s28+$0x30]  }
0xfe: {  	v12 =	vadd.f32 v18, v9;
	v11 =	vadd.f32 v15, v14;
	v13 =	vunpack.i.u.bf16.f32 v16  }
0xff: {  	s28 =	sadd.s32 $0x100, s28;
	v16 =	vunpack.i.l.bf16.f32 v16;
	v15 =	vadd.f32 v20, v19;
	v14 =	vadd.f32 v17, v21;
	v9 =	vld [tilespmem:s23+$0x50]  }
0x100: {  	_ = 	snop  }
0x101: {  	v12 =	vadd.f32 v16, v12;
	v7 =	vadd.f32 v7, v15  }
0x102: {  	v11 =	vadd.f32 v13, v11;
	v13 =	vunpack.i.l.bf16.f32 v10;
	v6 =	vadd.f32 v6, v14  }
0x103: {  	v10 =	vunpack.i.u.bf16.f32 v10;
	v14 =	vld [tilespmem:s23+$0x70];
	v12 =	vadd.f32 v13, v12;
	v5 =	vadd.f32 v5, v7  }
0x104: {  	v7 =	vadd.f32 v10, v11;
	v10 =	vunpack.i.l.bf16.f32 v8;
	v4 =	vadd.f32 v4, v6  }
0x105: {  	v6 =	vunpack.i.u.bf16.f32 v8;
	v8 =	vadd.f32 v10, v12;
	v3 =	vadd.f32 v3, v5  }
0x106: {  	v5 =	vadd.f32 v6, v7;
	v6 =	vunpack.i.l.bf16.f32 v9;
	v2 =	vadd.f32 v2, v4  }
0x107: {  	v4 =	vunpack.i.u.bf16.f32 v9;
	v6 =	vadd.f32 v6, v8;
	v1 =	vadd.f32 v1, v3  }
0x108: {  	v3 =	vadd.f32 v4, v5;
	v4 =	vunpack.i.l.bf16.f32 v14;
	v0 =	vadd.f32 v0, v2  }
0x109: {  	v2 =	vunpack.i.u.bf16.f32 v14;
	v4 =	vadd.f32 v4, v6;
	v1 =	vmul.f32 $4.999999890e-03, v1  }
0x10a: {  	v2 =	vadd.f32 v2, v3;
	v0 =	vmul.f32 $4.999999890e-03, v0  }
0x10b: {  	[tilespmem:s19+$0xFA80] =	vst v1;
	v1 =	vmul.f32 $4.999999890e-03, v4  }
0x10c: {  	[tilespmem:s19+$0xFA90] =	vst v0;
	v0 =	vmul.f32 $4.999999890e-03, v2  }
0x10d: {  	[tilespmem:s19+$0xFAA0] =	vst v1  }
0x10e: {  	s25 =	simm.s32 @!p1 $0x80;
	s28 =	simm.s32 @!p1 $0x4B00;
	s23 =	sadd.s32 @!p1 $0x708, s21;
	[tilespmem:s19+$0xFAB0] =	vst v0  }
0x10f: {  	[tilespmem:s28], [sflag:$0x2] =	stream.indirect.gather @!p1 [spmem:s2], $0x20, s23, s25, $0xb8;
	[tilespmem:$0x15820] =	vst v63  }
0x110: {  	s23 =	sadd.s32 @!p1 $0x788, s21;
	s25 =	simm.s32 @!p1 $0x48;
	s28 =	simm.s32 @!p1 $0x5B00  }
0x111: {  	[tilespmem:s28], [sflag:$0x2] =	stream.indirect.gather @!p1 [spmem:s2], $0x20, s23, s25, $0xb8;
	[tilespmem:$0x15820] =	vst v63  }
0x112: {  	_ =	swait.ge [sflag:s5], $0x1900  }
0x113: {  	[sflag:s5] =	ssyncset.done $0x0  }
0x114: {  	s23 =	simm.s32 $0x7D80;
	[sflag:s5] =	ssyncadd.s32 $0xFFFFE700  }
0x115: {  	v1 =	vld [tilespmem:s23+$0x60]  }
0x116: {  	v3 =	vld [tilespmem:s23+$0x40]  }
0x117: {  	v5 =	vld [tilespmem:s23+$0x20]  }
0x118: {  	v7 =	vld [tilespmem:s23+$0x0]  }
0x119: {  	v8 =	vld [tilespmem:s23+$0xFFFFFFE0]  }
0x11a: {  	v9 =	vld [tilespmem:s23+$0xFFFFFFC0]  }
0x11b: {  	v10 =	vld [tilespmem:s23+$0xFFFFFFA0]  }
0x11c: {  	v11 =	vld [tilespmem:s23+$0xFFFFFF80]  }
0x11d: {  	v12 =	vimm.f32 $0.0e+00;
	v13 =	vld [tilespmem:s23+$0xFFFFFF90];
	v0 =	vunpack.i.u.bf16.f32 v1;
	v1 =	vunpack.i.l.bf16.f32 v1  }
0x11e: {  	v4 =	vunpack.i.u.bf16.f32 v5;
	v2 =	vunpack.i.u.bf16.f32 v3;
	v3 =	vunpack.i.l.bf16.f32 v3  }
0x11f: {  	v14 =	vld [tilespmem:s23+$0xFFFFFFB0];
	v6 =	vunpack.i.u.bf16.f32 v7;
	v7 =	vunpack.i.l.bf16.f32 v7;
	v5 =	vunpack.i.l.bf16.f32 v5  }
0x120: {  	v15 =	vunpack.i.u.bf16.f32 v9;
	v17 =	vunpack.i.u.bf16.f32 v8;
	v18 =	vunpack.i.l.bf16.f32 v8  }
0x121: {  	v16 =	vld [tilespmem:s23+$0xFFFFFFD0];
	v8 =	vunpack.i.u.bf16.f32 v10;
	v10 =	vunpack.i.l.bf16.f32 v10;
	v9 =	vunpack.i.l.bf16.f32 v9  }
0x122: {  	v19 =	vunpack.i.u.bf16.f32 v11;
	v11 =	vunpack.i.l.bf16.f32 v11;
	v20 =	vunpack.i.u.bf16.f32 v13  }
0x123: {  	v21 =	vld [tilespmem:s23+$0xFFFFFFF0];
	v13 =	vunpack.i.l.bf16.f32 v13;
	v11 =	vadd.f32 v11, v12;
	v19 =	vadd.f32 v19, v12  }
0x124: {  	v62 =	vunpack.i.u.bf16.f32 v14;
	v13 =	vadd.f32 v13, v12;
	v12 =	vadd.f32 v20, v12  }
0x125: {  	v14 =	vunpack.i.l.bf16.f32 v14;
	v11 =	vadd.f32 v10, v11;
	v8 =	vadd.f32 v8, v19;
	v10 =	vld [tilespmem:s23+$0x10]  }
0x126: {  	v13 =	vadd.f32 v14, v13;
	v14 =	vadd.f32 v62, v12;
	v19 =	vunpack.i.u.bf16.f32 v16  }
0x127: {  	v12 =	vunpack.i.l.bf16.f32 v16;
	v9 =	vadd.f32 v9, v11;
	v63 =	vadd.f32 v15, v8;
	v8 =	vld [tilespmem:s23+$0x30]  }
0x128: {  	v16 =	vunpack.i.l.bf16.f32 v21;
	v12 =	vadd.f32 v12, v13;
	v11 =	vadd.f32 v19, v14  }
0x129: {  	s25 =	simm.s32 $0x0;
	s28 =	simm.s32 $0x7E80;
	v13 =	vunpack.i.u.bf16.f32 v21;
	v15 =	vadd.f32 v18, v9;
	v14 =	vadd.f32 v17, v63;
	v9 =	vld [tilespmem:s23+$0x50]  }
.LBB2_10:
0x12a: {  	v17 =	vld [tilespmem:s28+$0x60];
	v12 =	vadd.f32 v16, v12;
	v11 =	vadd.f32 v13, v11;
	v13 =	vunpack.i.u.bf16.f32 v10  }
0x12b: {  	v10 =	vunpack.i.l.bf16.f32 v10;
	v7 =	vadd.f32 v7, v15;
	v6 =	vadd.f32 v6, v14;
	v14 =	vld [tilespmem:s23+$0x70];
	s23 =	smov.u32 s28  }
0x12c: {  	v15 =	vld [tilespmem:s28+$0x40];
	v10 =	vadd.f32 v10, v12;
	v11 =	vadd.f32 v13, v11;
	v12 =	vunpack.i.u.bf16.f32 v8  }
0x12d: {  	v8 =	vunpack.i.l.bf16.f32 v8;
	v13 =	vld [tilespmem:s28+$0x20];
	v5 =	vadd.f32 v5, v7;
	v4 =	vadd.f32 v4, v6  }
0x12e: {  	v7 =	vld [tilespmem:s28+$0x0];
	v6 =	vadd.f32 v8, v10;
	v8 =	vadd.f32 v12, v11;
	v10 =	vunpack.i.u.bf16.f32 v9  }
0x12f: {  	v9 =	vunpack.i.l.bf16.f32 v9;
	v11 =	vld [tilespmem:s28+$0xFFFFFFE0];
	v3 =	vadd.f32 v3, v5;
	v2 =	vadd.f32 v2, v4  }
0x130: {  	v12 =	vld [tilespmem:s28+$0xFFFFFFC0];
	v4 =	vadd.f32 v9, v6;
	v5 =	vadd.f32 v10, v8;
	v6 =	vunpack.i.u.bf16.f32 v14  }
0x131: {  	v9 =	vunpack.i.l.bf16.f32 v14;
	v8 =	vld [tilespmem:s28+$0xFFFFFFA0];
	v10 =	vadd.f32 v1, v3;
	v14 =	vadd.f32 v0, v2  }
0x132: {  	v16 =	vld [tilespmem:s28+$0xFFFFFF80];
	v9 =	vadd.f32 v9, v4;
	v18 =	vadd.f32 v6, v5  }
0x133: {  	v0 =	vunpack.i.u.bf16.f32 v17;
	v1 =	vunpack.i.l.bf16.f32 v17;
	v19 =	vld [tilespmem:s28+$0xFFFFFF90]  }
0x134: {  	s25 =	sadd.s32 $0x8, s25;
	v2 =	vunpack.i.u.bf16.f32 v15;
	v3 =	vunpack.i.l.bf16.f32 v15;
	v4 =	vunpack.i.u.bf16.f32 v13  }
0x135: {  	p2 =	slt.u32 s25, $0xC0;
	v5 =	vunpack.i.l.bf16.f32 v13;
	v6 =	vunpack.i.u.bf16.f32 v7;
	v7 =	vunpack.i.l.bf16.f32 v7;
	v15 =	vld [tilespmem:s28+$0xFFFFFFB0]  }
0x136: {  	v17 =	vunpack.i.u.bf16.f32 v11;
	v20 =	vunpack.i.l.bf16.f32 v11;
	v13 =	vunpack.i.u.bf16.f32 v12  }
0x137: {  	v12 =	vunpack.i.l.bf16.f32 v12;
	v11 =	vunpack.i.u.bf16.f32 v8;
	v8 =	vunpack.i.l.bf16.f32 v8;
	v21 =	vld [tilespmem:s28+$0xFFFFFFD0]  }
0x138: {  	v22 =	vunpack.i.u.bf16.f32 v16;
	v16 =	vunpack.i.l.bf16.f32 v16;
	v23 =	vunpack.i.u.bf16.f32 v19  }
0x139: {  	v19 =	vunpack.i.l.bf16.f32 v19;
	v10 =	vadd.f32 v16, v10;
	v14 =	vadd.f32 v22, v14;
	v16 =	vld [tilespmem:s28+$0xFFFFFFF0]  }
0x13a: {  	v9 =	vadd.f32 v19, v9;
	v18 =	vadd.f32 v23, v18;
	v19 =	vunpack.i.u.bf16.f32 v15  }
.Ltmp5:
0x13b: {  	v15 =	vunpack.i.l.bf16.f32 v15;
	v8 =	vadd.f32 v8, v10;
	v11 =	vadd.f32 v11, v14;
	v10 =	vld [tilespmem:s28+$0x10];
	(pc) =	sbr.rel @p2 .LBB2_10-.Ltmp5, $4  }
0x13c: {  	v9 =	vadd.f32 v15, v9;
	v14 =	vadd.f32 v19, v18;
	v15 =	vunpack.i.u.bf16.f32 v21  }
0x13d: {  	v18 =	vunpack.i.l.bf16.f32 v21;
	v19 =	vadd.f32 v12, v8;
	v21 =	vadd.f32 v13, v11;
	v8 =	vld [tilespmem:s28+$0x30]  }
0x13e: {  	v12 =	vadd.f32 v18, v9;
	v11 =	vadd.f32 v15, v14;
	v13 =	vunpack.i.u.bf16.f32 v16  }
0x13f: {  	s28 =	sadd.s32 $0x100, s28;
	v16 =	vunpack.i.l.bf16.f32 v16;
	v15 =	vadd.f32 v20, v19;
	v14 =	vadd.f32 v17, v21;
	v9 =	vld [tilespmem:s23+$0x50]  }
0x140: {  	_ = 	snop  }
0x141: {  	v12 =	vadd.f32 v16, v12;
	v7 =	vadd.f32 v7, v15  }
0x142: {  	v11 =	vadd.f32 v13, v11;
	v13 =	vunpack.i.l.bf16.f32 v10;
	v6 =	vadd.f32 v6, v14  }
0x143: {  	v10 =	vunpack.i.u.bf16.f32 v10;
	v14 =	vld [tilespmem:s23+$0x70];
	v12 =	vadd.f32 v13, v12;
	v5 =	vadd.f32 v5, v7  }
0x144: {  	v7 =	vadd.f32 v10, v11;
	v10 =	vunpack.i.l.bf16.f32 v8;
	v4 =	vadd.f32 v4, v6  }
0x145: {  	v6 =	vunpack.i.u.bf16.f32 v8;
	v8 =	vadd.f32 v10, v12;
	v3 =	vadd.f32 v3, v5  }
0x146: {  	v5 =	vadd.f32 v6, v7;
	v6 =	vunpack.i.l.bf16.f32 v9;
	v2 =	vadd.f32 v2, v4  }
0x147: {  	v4 =	vunpack.i.u.bf16.f32 v9;
	v6 =	vadd.f32 v6, v8;
	v1 =	vadd.f32 v1, v3  }
0x148: {  	v3 =	vadd.f32 v4, v5;
	v4 =	vunpack.i.l.bf16.f32 v14;
	v0 =	vadd.f32 v0, v2  }
0x149: {  	v2 =	vunpack.i.u.bf16.f32 v14;
	v4 =	vadd.f32 v4, v6;
	v1 =	vmul.f32 $4.999999890e-03, v1  }
0x14a: {  	v2 =	vadd.f32 v2, v3;
	v0 =	vmul.f32 $4.999999890e-03, v0  }
0x14b: {  	[tilespmem:s19+$0xFAC0] =	vst v1;
	v1 =	vmul.f32 $4.999999890e-03, v4  }
0x14c: {  	[tilespmem:s19+$0xFAD0] =	vst v0;
	v0 =	vmul.f32 $4.999999890e-03, v2  }
0x14d: {  	[tilespmem:s19+$0xFAE0] =	vst v1  }
0x14e: {  	s25 =	simm.s32 @!p1 $0x80;
	s28 =	simm.s32 @!p1 $0x6400;
	s23 =	sadd.s32 @!p1 $0x7D0, s21;
	[tilespmem:s19+$0xFAF0] =	vst v0  }
0x14f: {  	[tilespmem:s28], [sflag:$0x3] =	stream.indirect.gather @!p1 [spmem:s2], $0x20, s23, s25, $0xb8;
	[tilespmem:$0x15820] =	vst v63  }
0x150: {  	s23 =	sadd.s32 @!p1 $0x850, s21;
	s25 =	simm.s32 @!p1 $0x48;
	s28 =	simm.s32 @!p1 $0x7400  }
0x151: {  	[tilespmem:s28], [sflag:$0x3] =	stream.indirect.gather @!p1 [spmem:s2], $0x20, s23, s25, $0xb8;
	[tilespmem:$0x15820] =	vst v63  }
0x152: {  	_ =	swait.ge [sflag:s8], $0x1900  }
0x153: {  	[sflag:s8] =	ssyncset.done $0x0  }
0x154: {  	s23 =	simm.s32 $0x9680;
	[sflag:s8] =	ssyncadd.s32 $0xFFFFE700  }
0x155: {  	v1 =	vld [tilespmem:s23+$0x60]  }
0x156: {  	v3 =	vld [tilespmem:s23+$0x40]  }
0x157: {  	v5 =	vld [tilespmem:s23+$0x20]  }
0x158: {  	v7 =	vld [tilespmem:s23+$0x0]  }
0x159: {  	v8 =	vld [tilespmem:s23+$0xFFFFFFE0]  }
0x15a: {  	v9 =	vld [tilespmem:s23+$0xFFFFFFC0]  }
0x15b: {  	v10 =	vld [tilespmem:s23+$0xFFFFFFA0]  }
0x15c: {  	v11 =	vld [tilespmem:s23+$0xFFFFFF80]  }
0x15d: {  	v12 =	vimm.f32 $0.0e+00;
	v13 =	vld [tilespmem:s23+$0xFFFFFF90];
	v0 =	vunpack.i.u.bf16.f32 v1;
	v1 =	vunpack.i.l.bf16.f32 v1  }
0x15e: {  	v4 =	vunpack.i.u.bf16.f32 v5;
	v2 =	vunpack.i.u.bf16.f32 v3;
	v3 =	vunpack.i.l.bf16.f32 v3  }
0x15f: {  	v14 =	vld [tilespmem:s23+$0xFFFFFFB0];
	v6 =	vunpack.i.u.bf16.f32 v7;
	v7 =	vunpack.i.l.bf16.f32 v7;
	v5 =	vunpack.i.l.bf16.f32 v5  }
0x160: {  	v15 =	vunpack.i.u.bf16.f32 v9;
	v17 =	vunpack.i.u.bf16.f32 v8;
	v18 =	vunpack.i.l.bf16.f32 v8  }
0x161: {  	v16 =	vld [tilespmem:s23+$0xFFFFFFD0];
	v8 =	vunpack.i.u.bf16.f32 v10;
	v10 =	vunpack.i.l.bf16.f32 v10;
	v9 =	vunpack.i.l.bf16.f32 v9  }
0x162: {  	v19 =	vunpack.i.u.bf16.f32 v11;
	v11 =	vunpack.i.l.bf16.f32 v11;
	v20 =	vunpack.i.u.bf16.f32 v13  }
0x163: {  	v21 =	vld [tilespmem:s23+$0xFFFFFFF0];
	v13 =	vunpack.i.l.bf16.f32 v13;
	v11 =	vadd.f32 v11, v12;
	v19 =	vadd.f32 v19, v12  }
0x164: {  	v62 =	vunpack.i.u.bf16.f32 v14;
	v13 =	vadd.f32 v13, v12;
	v12 =	vadd.f32 v20, v12  }
0x165: {  	v14 =	vunpack.i.l.bf16.f32 v14;
	v11 =	vadd.f32 v10, v11;
	v8 =	vadd.f32 v8, v19;
	v10 =	vld [tilespmem:s23+$0x10]  }
0x166: {  	v13 =	vadd.f32 v14, v13;
	v14 =	vadd.f32 v62, v12;
	v19 =	vunpack.i.u.bf16.f32 v16  }
0x167: {  	v12 =	vunpack.i.l.bf16.f32 v16;
	v9 =	vadd.f32 v9, v11;
	v63 =	vadd.f32 v15, v8;
	v8 =	vld [tilespmem:s23+$0x30]  }
0x168: {  	v16 =	vunpack.i.l.bf16.f32 v21;
	v12 =	vadd.f32 v12, v13;
	v11 =	vadd.f32 v19, v14  }
0x169: {  	s25 =	simm.s32 $0x0;
	s28 =	simm.s32 $0x9780;
	v13 =	vunpack.i.u.bf16.f32 v21;
	v15 =	vadd.f32 v18, v9;
	v14 =	vadd.f32 v17, v63;
	v9 =	vld [tilespmem:s23+$0x50]  }
.LBB2_12:
0x16a: {  	v17 =	vld [tilespmem:s28+$0x60];
	v12 =	vadd.f32 v16, v12;
	v11 =	vadd.f32 v13, v11;
	v13 =	vunpack.i.u.bf16.f32 v10  }
0x16b: {  	v10 =	vunpack.i.l.bf16.f32 v10;
	v7 =	vadd.f32 v7, v15;
	v6 =	vadd.f32 v6, v14;
	v14 =	vld [tilespmem:s23+$0x70];
	s23 =	smov.u32 s28  }
0x16c: {  	v15 =	vld [tilespmem:s28+$0x40];
	v10 =	vadd.f32 v10, v12;
	v11 =	vadd.f32 v13, v11;
	v12 =	vunpack.i.u.bf16.f32 v8  }
0x16d: {  	v8 =	vunpack.i.l.bf16.f32 v8;
	v13 =	vld [tilespmem:s28+$0x20];
	v5 =	vadd.f32 v5, v7;
	v4 =	vadd.f32 v4, v6  }
0x16e: {  	v7 =	vld [tilespmem:s28+$0x0];
	v6 =	vadd.f32 v8, v10;
	v8 =	vadd.f32 v12, v11;
	v10 =	vunpack.i.u.bf16.f32 v9  }
0x16f: {  	v9 =	vunpack.i.l.bf16.f32 v9;
	v11 =	vld [tilespmem:s28+$0xFFFFFFE0];
	v3 =	vadd.f32 v3, v5;
	v2 =	vadd.f32 v2, v4  }
0x170: {  	v12 =	vld [tilespmem:s28+$0xFFFFFFC0];
	v4 =	vadd.f32 v9, v6;
	v5 =	vadd.f32 v10, v8;
	v6 =	vunpack.i.u.bf16.f32 v14  }
0x171: {  	v9 =	vunpack.i.l.bf16.f32 v14;
	v8 =	vld [tilespmem:s28+$0xFFFFFFA0];
	v10 =	vadd.f32 v1, v3;
	v14 =	vadd.f32 v0, v2  }
0x172: {  	v16 =	vld [tilespmem:s28+$0xFFFFFF80];
	v9 =	vadd.f32 v9, v4;
	v18 =	vadd.f32 v6, v5  }
0x173: {  	v0 =	vunpack.i.u.bf16.f32 v17;
	v1 =	vunpack.i.l.bf16.f32 v17;
	v19 =	vld [tilespmem:s28+$0xFFFFFF90]  }
0x174: {  	s25 =	sadd.s32 $0x8, s25;
	v2 =	vunpack.i.u.bf16.f32 v15;
	v3 =	vunpack.i.l.bf16.f32 v15;
	v4 =	vunpack.i.u.bf16.f32 v13  }
0x175: {  	p2 =	slt.u32 s25, $0xC0;
	v5 =	vunpack.i.l.bf16.f32 v13;
	v6 =	vunpack.i.u.bf16.f32 v7;
	v7 =	vunpack.i.l.bf16.f32 v7;
	v15 =	vld [tilespmem:s28+$0xFFFFFFB0]  }
0x176: {  	v17 =	vunpack.i.u.bf16.f32 v11;
	v20 =	vunpack.i.l.bf16.f32 v11;
	v13 =	vunpack.i.u.bf16.f32 v12  }
0x177: {  	v12 =	vunpack.i.l.bf16.f32 v12;
	v11 =	vunpack.i.u.bf16.f32 v8;
	v8 =	vunpack.i.l.bf16.f32 v8;
	v21 =	vld [tilespmem:s28+$0xFFFFFFD0]  }
0x178: {  	v22 =	vunpack.i.u.bf16.f32 v16;
	v16 =	vunpack.i.l.bf16.f32 v16;
	v23 =	vunpack.i.u.bf16.f32 v19  }
0x179: {  	v19 =	vunpack.i.l.bf16.f32 v19;
	v10 =	vadd.f32 v16, v10;
	v14 =	vadd.f32 v22, v14;
	v16 =	vld [tilespmem:s28+$0xFFFFFFF0]  }
0x17a: {  	v9 =	vadd.f32 v19, v9;
	v18 =	vadd.f32 v23, v18;
	v19 =	vunpack.i.u.bf16.f32 v15  }
.Ltmp6:
0x17b: {  	v15 =	vunpack.i.l.bf16.f32 v15;
	v8 =	vadd.f32 v8, v10;
	v11 =	vadd.f32 v11, v14;
	v10 =	vld [tilespmem:s28+$0x10];
	(pc) =	sbr.rel @p2 .LBB2_12-.Ltmp6, $4  }
0x17c: {  	v9 =	vadd.f32 v15, v9;
	v14 =	vadd.f32 v19, v18;
	v15 =	vunpack.i.u.bf16.f32 v21  }
0x17d: {  	v18 =	vunpack.i.l.bf16.f32 v21;
	v19 =	vadd.f32 v12, v8;
	v21 =	vadd.f32 v13, v11;
	v8 =	vld [tilespmem:s28+$0x30]  }
0x17e: {  	v12 =	vadd.f32 v18, v9;
	v11 =	vadd.f32 v15, v14;
	v13 =	vunpack.i.u.bf16.f32 v16  }
0x17f: {  	s28 =	sadd.s32 $0x100, s28;
	v16 =	vunpack.i.l.bf16.f32 v16;
	v15 =	vadd.f32 v20, v19;
	v14 =	vadd.f32 v17, v21;
	v9 =	vld [tilespmem:s23+$0x50]  }
0x180: {  	_ = 	snop  }
0x181: {  	v12 =	vadd.f32 v16, v12;
	v7 =	vadd.f32 v7, v15  }
0x182: {  	v11 =	vadd.f32 v13, v11;
	v13 =	vunpack.i.l.bf16.f32 v10;
	v6 =	vadd.f32 v6, v14  }
0x183: {  	v10 =	vunpack.i.u.bf16.f32 v10;
	v14 =	vld [tilespmem:s23+$0x70];
	v12 =	vadd.f32 v13, v12;
	v5 =	vadd.f32 v5, v7  }
0x184: {  	v7 =	vadd.f32 v10, v11;
	v10 =	vunpack.i.l.bf16.f32 v8;
	v4 =	vadd.f32 v4, v6  }
0x185: {  	v6 =	vunpack.i.u.bf16.f32 v8;
	v8 =	vadd.f32 v10, v12;
	v3 =	vadd.f32 v3, v5  }
0x186: {  	v5 =	vadd.f32 v6, v7;
	v6 =	vunpack.i.l.bf16.f32 v9;
	v2 =	vadd.f32 v2, v4  }
0x187: {  	v4 =	vunpack.i.u.bf16.f32 v9;
	v6 =	vadd.f32 v6, v8;
	v1 =	vadd.f32 v1, v3  }
0x188: {  	v3 =	vadd.f32 v4, v5;
	v4 =	vunpack.i.l.bf16.f32 v14;
	v0 =	vadd.f32 v0, v2  }
0x189: {  	v2 =	vunpack.i.u.bf16.f32 v14;
	v4 =	vadd.f32 v4, v6;
	v1 =	vmul.f32 $4.999999890e-03, v1  }
0x18a: {  	v2 =	vadd.f32 v2, v3;
	v0 =	vmul.f32 $4.999999890e-03, v0  }
0x18b: {  	[tilespmem:s19+$0xFB00] =	vst v1;
	v1 =	vmul.f32 $4.999999890e-03, v4  }
0x18c: {  	[tilespmem:s19+$0xFB10] =	vst v0;
	v0 =	vmul.f32 $4.999999890e-03, v2  }
0x18d: {  	[tilespmem:s19+$0xFB20] =	vst v1  }
0x18e: {  	s25 =	simm.s32 @!p1 $0x80;
	s28 =	simm.s32 @!p1 $0x7D00;
	s23 =	sadd.s32 @!p1 $0x898, s21;
	[tilespmem:s19+$0xFB30] =	vst v0  }
0x18f: {  	[tilespmem:s28], [sflag:$0x4] =	stream.indirect.gather @!p1 [spmem:s2], $0x20, s23, s25, $0xb8;
	[tilespmem:$0x15820] =	vst v63  }
0x190: {  	s23 =	sadd.s32 @!p1 $0x918, s21;
	s25 =	simm.s32 @!p1 $0x48;
	s28 =	simm.s32 @!p1 $0x8D00  }
0x191: {  	[tilespmem:s28], [sflag:$0x4] =	stream.indirect.gather @!p1 [spmem:s2], $0x20, s23, s25, $0xb8;
	[tilespmem:$0x15820] =	vst v63  }
0x192: {  	_ =	swait.ge [sflag:s10], $0x1900  }
0x193: {  	[sflag:s10] =	ssyncset.done $0x0  }
0x194: {  	s23 =	simm.s32 $0xAF80;
	[sflag:s10] =	ssyncadd.s32 $0xFFFFE700  }
0x195: {  	v1 =	vld [tilespmem:s23+$0x60]  }
0x196: {  	v3 =	vld [tilespmem:s23+$0x40]  }
0x197: {  	v5 =	vld [tilespmem:s23+$0x20]  }
0x198: {  	v7 =	vld [tilespmem:s23+$0x0]  }
0x199: {  	v8 =	vld [tilespmem:s23+$0xFFFFFFE0]  }
0x19a: {  	v9 =	vld [tilespmem:s23+$0xFFFFFFC0]  }
0x19b: {  	v10 =	vld [tilespmem:s23+$0xFFFFFFA0]  }
0x19c: {  	v11 =	vld [tilespmem:s23+$0xFFFFFF80]  }
0x19d: {  	v12 =	vimm.f32 $0.0e+00;
	v13 =	vld [tilespmem:s23+$0xFFFFFF90];
	v0 =	vunpack.i.u.bf16.f32 v1;
	v1 =	vunpack.i.l.bf16.f32 v1  }
0x19e: {  	v4 =	vunpack.i.u.bf16.f32 v5;
	v2 =	vunpack.i.u.bf16.f32 v3;
	v3 =	vunpack.i.l.bf16.f32 v3  }
0x19f: {  	v14 =	vld [tilespmem:s23+$0xFFFFFFB0];
	v6 =	vunpack.i.u.bf16.f32 v7;
	v7 =	vunpack.i.l.bf16.f32 v7;
	v5 =	vunpack.i.l.bf16.f32 v5  }
0x1a0: {  	v15 =	vunpack.i.u.bf16.f32 v9;
	v17 =	vunpack.i.u.bf16.f32 v8;
	v18 =	vunpack.i.l.bf16.f32 v8  }
0x1a1: {  	v16 =	vld [tilespmem:s23+$0xFFFFFFD0];
	v8 =	vunpack.i.u.bf16.f32 v10;
	v10 =	vunpack.i.l.bf16.f32 v10;
	v9 =	vunpack.i.l.bf16.f32 v9  }
0x1a2: {  	v19 =	vunpack.i.u.bf16.f32 v11;
	v11 =	vunpack.i.l.bf16.f32 v11;
	v20 =	vunpack.i.u.bf16.f32 v13  }
0x1a3: {  	v21 =	vld [tilespmem:s23+$0xFFFFFFF0];
	v13 =	vunpack.i.l.bf16.f32 v13;
	v11 =	vadd.f32 v11, v12;
	v19 =	vadd.f32 v19, v12  }
0x1a4: {  	v62 =	vunpack.i.u.bf16.f32 v14;
	v13 =	vadd.f32 v13, v12;
	v12 =	vadd.f32 v20, v12  }
0x1a5: {  	v14 =	vunpack.i.l.bf16.f32 v14;
	v11 =	vadd.f32 v10, v11;
	v8 =	vadd.f32 v8, v19;
	v10 =	vld [tilespmem:s23+$0x10]  }
0x1a6: {  	v13 =	vadd.f32 v14, v13;
	v14 =	vadd.f32 v62, v12;
	v19 =	vunpack.i.u.bf16.f32 v16  }
0x1a7: {  	v12 =	vunpack.i.l.bf16.f32 v16;
	v9 =	vadd.f32 v9, v11;
	v63 =	vadd.f32 v15, v8;
	v8 =	vld [tilespmem:s23+$0x30]  }
0x1a8: {  	v16 =	vunpack.i.l.bf16.f32 v21;
	v12 =	vadd.f32 v12, v13;
	v11 =	vadd.f32 v19, v14  }
0x1a9: {  	s25 =	simm.s32 $0x0;
	s28 =	simm.s32 $0xB080;
	v13 =	vunpack.i.u.bf16.f32 v21;
	v15 =	vadd.f32 v18, v9;
	v14 =	vadd.f32 v17, v63;
	v9 =	vld [tilespmem:s23+$0x50]  }
.LBB2_14:
0x1aa: {  	v17 =	vld [tilespmem:s28+$0x60];
	v12 =	vadd.f32 v16, v12;
	v11 =	vadd.f32 v13, v11;
	v13 =	vunpack.i.u.bf16.f32 v10  }
0x1ab: {  	v10 =	vunpack.i.l.bf16.f32 v10;
	v7 =	vadd.f32 v7, v15;
	v6 =	vadd.f32 v6, v14;
	v14 =	vld [tilespmem:s23+$0x70];
	s23 =	smov.u32 s28  }
0x1ac: {  	v15 =	vld [tilespmem:s28+$0x40];
	v10 =	vadd.f32 v10, v12;
	v11 =	vadd.f32 v13, v11;
	v12 =	vunpack.i.u.bf16.f32 v8  }
0x1ad: {  	v8 =	vunpack.i.l.bf16.f32 v8;
	v13 =	vld [tilespmem:s28+$0x20];
	v5 =	vadd.f32 v5, v7;
	v4 =	vadd.f32 v4, v6  }
0x1ae: {  	v7 =	vld [tilespmem:s28+$0x0];
	v6 =	vadd.f32 v8, v10;
	v8 =	vadd.f32 v12, v11;
	v10 =	vunpack.i.u.bf16.f32 v9  }
0x1af: {  	v9 =	vunpack.i.l.bf16.f32 v9;
	v11 =	vld [tilespmem:s28+$0xFFFFFFE0];
	v3 =	vadd.f32 v3, v5;
	v2 =	vadd.f32 v2, v4  }
0x1b0: {  	v12 =	vld [tilespmem:s28+$0xFFFFFFC0];
	v4 =	vadd.f32 v9, v6;
	v5 =	vadd.f32 v10, v8;
	v6 =	vunpack.i.u.bf16.f32 v14  }
0x1b1: {  	v9 =	vunpack.i.l.bf16.f32 v14;
	v8 =	vld [tilespmem:s28+$0xFFFFFFA0];
	v10 =	vadd.f32 v1, v3;
	v14 =	vadd.f32 v0, v2  }
0x1b2: {  	v16 =	vld [tilespmem:s28+$0xFFFFFF80];
	v9 =	vadd.f32 v9, v4;
	v18 =	vadd.f32 v6, v5  }
0x1b3: {  	v0 =	vunpack.i.u.bf16.f32 v17;
	v1 =	vunpack.i.l.bf16.f32 v17;
	v19 =	vld [tilespmem:s28+$0xFFFFFF90]  }
0x1b4: {  	s25 =	sadd.s32 $0x8, s25;
	v2 =	vunpack.i.u.bf16.f32 v15;
	v3 =	vunpack.i.l.bf16.f32 v15;
	v4 =	vunpack.i.u.bf16.f32 v13  }
0x1b5: {  	p2 =	slt.u32 s25, $0xC0;
	v5 =	vunpack.i.l.bf16.f32 v13;
	v6 =	vunpack.i.u.bf16.f32 v7;
	v7 =	vunpack.i.l.bf16.f32 v7;
	v15 =	vld [tilespmem:s28+$0xFFFFFFB0]  }
0x1b6: {  	v17 =	vunpack.i.u.bf16.f32 v11;
	v20 =	vunpack.i.l.bf16.f32 v11;
	v13 =	vunpack.i.u.bf16.f32 v12  }
0x1b7: {  	v12 =	vunpack.i.l.bf16.f32 v12;
	v11 =	vunpack.i.u.bf16.f32 v8;
	v8 =	vunpack.i.l.bf16.f32 v8;
	v21 =	vld [tilespmem:s28+$0xFFFFFFD0]  }
0x1b8: {  	v22 =	vunpack.i.u.bf16.f32 v16;
	v16 =	vunpack.i.l.bf16.f32 v16;
	v23 =	vunpack.i.u.bf16.f32 v19  }
0x1b9: {  	v19 =	vunpack.i.l.bf16.f32 v19;
	v10 =	vadd.f32 v16, v10;
	v14 =	vadd.f32 v22, v14;
	v16 =	vld [tilespmem:s28+$0xFFFFFFF0]  }
0x1ba: {  	v9 =	vadd.f32 v19, v9;
	v18 =	vadd.f32 v23, v18;
	v19 =	vunpack.i.u.bf16.f32 v15  }
.Ltmp7:
0x1bb: {  	v15 =	vunpack.i.l.bf16.f32 v15;
	v8 =	vadd.f32 v8, v10;
	v11 =	vadd.f32 v11, v14;
	v10 =	vld [tilespmem:s28+$0x10];
	(pc) =	sbr.rel @p2 .LBB2_14-.Ltmp7, $4  }
0x1bc: {  	v9 =	vadd.f32 v15, v9;
	v14 =	vadd.f32 v19, v18;
	v15 =	vunpack.i.u.bf16.f32 v21  }
0x1bd: {  	v18 =	vunpack.i.l.bf16.f32 v21;
	v19 =	vadd.f32 v12, v8;
	v21 =	vadd.f32 v13, v11;
	v8 =	vld [tilespmem:s28+$0x30]  }
0x1be: {  	v12 =	vadd.f32 v18, v9;
	v11 =	vadd.f32 v15, v14;
	v13 =	vunpack.i.u.bf16.f32 v16  }
0x1bf: {  	s28 =	sadd.s32 $0x100, s28;
	v16 =	vunpack.i.l.bf16.f32 v16;
	v15 =	vadd.f32 v20, v19;
	v14 =	vadd.f32 v17, v21;
	v9 =	vld [tilespmem:s23+$0x50]  }
0x1c0: {  	_ = 	snop  }
0x1c1: {  	v12 =	vadd.f32 v16, v12;
	v7 =	vadd.f32 v7, v15  }
0x1c2: {  	v11 =	vadd.f32 v13, v11;
	v13 =	vunpack.i.l.bf16.f32 v10;
	v6 =	vadd.f32 v6, v14  }
0x1c3: {  	v10 =	vunpack.i.u.bf16.f32 v10;
	v14 =	vld [tilespmem:s23+$0x70];
	v12 =	vadd.f32 v13, v12;
	v5 =	vadd.f32 v5, v7  }
0x1c4: {  	v7 =	vadd.f32 v10, v11;
	v10 =	vunpack.i.l.bf16.f32 v8;
	v4 =	vadd.f32 v4, v6  }
0x1c5: {  	v6 =	vunpack.i.u.bf16.f32 v8;
	v8 =	vadd.f32 v10, v12;
	v3 =	vadd.f32 v3, v5  }
0x1c6: {  	v5 =	vadd.f32 v6, v7;
	v6 =	vunpack.i.l.bf16.f32 v9;
	v2 =	vadd.f32 v2, v4  }
0x1c7: {  	v4 =	vunpack.i.u.bf16.f32 v9;
	v6 =	vadd.f32 v6, v8;
	v1 =	vadd.f32 v1, v3  }
0x1c8: {  	v3 =	vadd.f32 v4, v5;
	v4 =	vunpack.i.l.bf16.f32 v14;
	v0 =	vadd.f32 v0, v2  }
0x1c9: {  	v2 =	vunpack.i.u.bf16.f32 v14;
	v4 =	vadd.f32 v4, v6;
	v1 =	vmul.f32 $4.999999890e-03, v1  }
0x1ca: {  	v2 =	vadd.f32 v2, v3;
	v0 =	vmul.f32 $4.999999890e-03, v0  }
0x1cb: {  	[tilespmem:s19+$0xFB40] =	vst v1;
	v1 =	vmul.f32 $4.999999890e-03, v4  }
0x1cc: {  	[tilespmem:s19+$0xFB50] =	vst v0;
	v0 =	vmul.f32 $4.999999890e-03, v2  }
0x1cd: {  	[tilespmem:s19+$0xFB60] =	vst v1  }
0x1ce: {  	s25 =	simm.s32 @!p1 $0x80;
	s28 =	simm.s32 @!p1 $0x9600;
	s23 =	sadd.s32 @!p1 $0x960, s21;
	[tilespmem:s19+$0xFB70] =	vst v0  }
0x1cf: {  	[tilespmem:s28], [sflag:$0x5] =	stream.indirect.gather @!p1 [spmem:s2], $0x20, s23, s25, $0xb8;
	[tilespmem:$0x15820] =	vst v63  }
0x1d0: {  	s23 =	sadd.s32 @!p1 $0x9E0, s21;
	s25 =	simm.s32 @!p1 $0x48;
	s28 =	simm.s32 @!p1 $0xA600  }
0x1d1: {  	[tilespmem:s28], [sflag:$0x5] =	stream.indirect.gather @!p1 [spmem:s2], $0x20, s23, s25, $0xb8;
	[tilespmem:$0x15820] =	vst v63  }
0x1d2: {  	_ =	swait.ge [sflag:s18], $0x1900  }
0x1d3: {  	[sflag:s18] =	ssyncset.done $0x0  }
0x1d4: {  	s23 =	simm.s32 $0xC880;
	[sflag:s18] =	ssyncadd.s32 $0xFFFFE700  }
0x1d5: {  	v1 =	vld [tilespmem:s23+$0x60]  }
0x1d6: {  	v3 =	vld [tilespmem:s23+$0x40]  }
0x1d7: {  	v5 =	vld [tilespmem:s23+$0x20]  }
0x1d8: {  	v7 =	vld [tilespmem:s23+$0x0]  }
0x1d9: {  	v8 =	vld [tilespmem:s23+$0xFFFFFFE0]  }
0x1da: {  	v9 =	vld [tilespmem:s23+$0xFFFFFFC0]  }
0x1db: {  	v10 =	vld [tilespmem:s23+$0xFFFFFFA0]  }
0x1dc: {  	v11 =	vld [tilespmem:s23+$0xFFFFFF80]  }
0x1dd: {  	v12 =	vimm.f32 $0.0e+00;
	v13 =	vld [tilespmem:s23+$0xFFFFFF90];
	v0 =	vunpack.i.u.bf16.f32 v1;
	v1 =	vunpack.i.l.bf16.f32 v1  }
0x1de: {  	v4 =	vunpack.i.u.bf16.f32 v5;
	v2 =	vunpack.i.u.bf16.f32 v3;
	v3 =	vunpack.i.l.bf16.f32 v3  }
0x1df: {  	v14 =	vld [tilespmem:s23+$0xFFFFFFB0];
	v6 =	vunpack.i.u.bf16.f32 v7;
	v7 =	vunpack.i.l.bf16.f32 v7;
	v5 =	vunpack.i.l.bf16.f32 v5  }
0x1e0: {  	v15 =	vunpack.i.u.bf16.f32 v9;
	v17 =	vunpack.i.u.bf16.f32 v8;
	v18 =	vunpack.i.l.bf16.f32 v8  }
0x1e1: {  	v16 =	vld [tilespmem:s23+$0xFFFFFFD0];
	v8 =	vunpack.i.u.bf16.f32 v10;
	v10 =	vunpack.i.l.bf16.f32 v10;
	v9 =	vunpack.i.l.bf16.f32 v9  }
0x1e2: {  	v19 =	vunpack.i.u.bf16.f32 v11;
	v11 =	vunpack.i.l.bf16.f32 v11;
	v20 =	vunpack.i.u.bf16.f32 v13  }
0x1e3: {  	v21 =	vld [tilespmem:s23+$0xFFFFFFF0];
	v13 =	vunpack.i.l.bf16.f32 v13;
	v11 =	vadd.f32 v11, v12;
	v19 =	vadd.f32 v19, v12  }
0x1e4: {  	v62 =	vunpack.i.u.bf16.f32 v14;
	v13 =	vadd.f32 v13, v12;
	v12 =	vadd.f32 v20, v12  }
0x1e5: {  	v14 =	vunpack.i.l.bf16.f32 v14;
	v11 =	vadd.f32 v10, v11;
	v8 =	vadd.f32 v8, v19;
	v10 =	vld [tilespmem:s23+$0x10]  }
0x1e6: {  	v13 =	vadd.f32 v14, v13;
	v14 =	vadd.f32 v62, v12;
	v19 =	vunpack.i.u.bf16.f32 v16  }
0x1e7: {  	v12 =	vunpack.i.l.bf16.f32 v16;
	v9 =	vadd.f32 v9, v11;
	v63 =	vadd.f32 v15, v8;
	v8 =	vld [tilespmem:s23+$0x30]  }
0x1e8: {  	v16 =	vunpack.i.l.bf16.f32 v21;
	v12 =	vadd.f32 v12, v13;
	v11 =	vadd.f32 v19, v14  }
0x1e9: {  	s25 =	simm.s32 $0x0;
	s28 =	simm.s32 $0xC980;
	v13 =	vunpack.i.u.bf16.f32 v21;
	v15 =	vadd.f32 v18, v9;
	v14 =	vadd.f32 v17, v63;
	v9 =	vld [tilespmem:s23+$0x50]  }
.LBB2_16:
0x1ea: {  	v17 =	vld [tilespmem:s28+$0x60];
	v12 =	vadd.f32 v16, v12;
	v11 =	vadd.f32 v13, v11;
	v13 =	vunpack.i.u.bf16.f32 v10  }
0x1eb: {  	v10 =	vunpack.i.l.bf16.f32 v10;
	v7 =	vadd.f32 v7, v15;
	v6 =	vadd.f32 v6, v14;
	v14 =	vld [tilespmem:s23+$0x70];
	s23 =	smov.u32 s28  }
0x1ec: {  	v15 =	vld [tilespmem:s28+$0x40];
	v10 =	vadd.f32 v10, v12;
	v11 =	vadd.f32 v13, v11;
	v12 =	vunpack.i.u.bf16.f32 v8  }
0x1ed: {  	v8 =	vunpack.i.l.bf16.f32 v8;
	v13 =	vld [tilespmem:s28+$0x20];
	v5 =	vadd.f32 v5, v7;
	v4 =	vadd.f32 v4, v6  }
0x1ee: {  	v7 =	vld [tilespmem:s28+$0x0];
	v6 =	vadd.f32 v8, v10;
	v8 =	vadd.f32 v12, v11;
	v10 =	vunpack.i.u.bf16.f32 v9  }
0x1ef: {  	v9 =	vunpack.i.l.bf16.f32 v9;
	v11 =	vld [tilespmem:s28+$0xFFFFFFE0];
	v3 =	vadd.f32 v3, v5;
	v2 =	vadd.f32 v2, v4  }
0x1f0: {  	v12 =	vld [tilespmem:s28+$0xFFFFFFC0];
	v4 =	vadd.f32 v9, v6;
	v5 =	vadd.f32 v10, v8;
	v6 =	vunpack.i.u.bf16.f32 v14  }
0x1f1: {  	v9 =	vunpack.i.l.bf16.f32 v14;
	v8 =	vld [tilespmem:s28+$0xFFFFFFA0];
	v10 =	vadd.f32 v1, v3;
	v14 =	vadd.f32 v0, v2  }
0x1f2: {  	v16 =	vld [tilespmem:s28+$0xFFFFFF80];
	v9 =	vadd.f32 v9, v4;
	v18 =	vadd.f32 v6, v5  }
0x1f3: {  	v0 =	vunpack.i.u.bf16.f32 v17;
	v1 =	vunpack.i.l.bf16.f32 v17;
	v19 =	vld [tilespmem:s28+$0xFFFFFF90]  }
0x1f4: {  	s25 =	sadd.s32 $0x8, s25;
	v2 =	vunpack.i.u.bf16.f32 v15;
	v3 =	vunpack.i.l.bf16.f32 v15;
	v4 =	vunpack.i.u.bf16.f32 v13  }
0x1f5: {  	p2 =	slt.u32 s25, $0xC0;
	v5 =	vunpack.i.l.bf16.f32 v13;
	v6 =	vunpack.i.u.bf16.f32 v7;
	v7 =	vunpack.i.l.bf16.f32 v7;
	v15 =	vld [tilespmem:s28+$0xFFFFFFB0]  }
0x1f6: {  	v17 =	vunpack.i.u.bf16.f32 v11;
	v20 =	vunpack.i.l.bf16.f32 v11;
	v13 =	vunpack.i.u.bf16.f32 v12  }
0x1f7: {  	v12 =	vunpack.i.l.bf16.f32 v12;
	v11 =	vunpack.i.u.bf16.f32 v8;
	v8 =	vunpack.i.l.bf16.f32 v8;
	v21 =	vld [tilespmem:s28+$0xFFFFFFD0]  }
0x1f8: {  	v22 =	vunpack.i.u.bf16.f32 v16;
	v16 =	vunpack.i.l.bf16.f32 v16;
	v23 =	vunpack.i.u.bf16.f32 v19  }
0x1f9: {  	v19 =	vunpack.i.l.bf16.f32 v19;
	v10 =	vadd.f32 v16, v10;
	v14 =	vadd.f32 v22, v14;
	v16 =	vld [tilespmem:s28+$0xFFFFFFF0]  }
0x1fa: {  	v9 =	vadd.f32 v19, v9;
	v18 =	vadd.f32 v23, v18;
	v19 =	vunpack.i.u.bf16.f32 v15  }
.Ltmp8:
0x1fb: {  	v15 =	vunpack.i.l.bf16.f32 v15;
	v8 =	vadd.f32 v8, v10;
	v11 =	vadd.f32 v11, v14;
	v10 =	vld [tilespmem:s28+$0x10];
	(pc) =	sbr.rel @p2 .LBB2_16-.Ltmp8, $4  }
0x1fc: {  	v9 =	vadd.f32 v15, v9;
	v14 =	vadd.f32 v19, v18;
	v15 =	vunpack.i.u.bf16.f32 v21  }
0x1fd: {  	v18 =	vunpack.i.l.bf16.f32 v21;
	v19 =	vadd.f32 v12, v8;
	v21 =	vadd.f32 v13, v11;
	v8 =	vld [tilespmem:s28+$0x30]  }
0x1fe: {  	v12 =	vadd.f32 v18, v9;
	v11 =	vadd.f32 v15, v14;
	v13 =	vunpack.i.u.bf16.f32 v16  }
0x1ff: {  	s28 =	sadd.s32 $0x100, s28;
	v16 =	vunpack.i.l.bf16.f32 v16;
	v15 =	vadd.f32 v20, v19;
	v14 =	vadd.f32 v17, v21;
	v9 =	vld [tilespmem:s23+$0x50]  }
0x200: {  	_ = 	snop  }
0x201: {  	v12 =	vadd.f32 v16, v12;
	v7 =	vadd.f32 v7, v15  }
0x202: {  	v11 =	vadd.f32 v13, v11;
	v13 =	vunpack.i.l.bf16.f32 v10;
	v6 =	vadd.f32 v6, v14  }
0x203: {  	v10 =	vunpack.i.u.bf16.f32 v10;
	v14 =	vld [tilespmem:s23+$0x70];
	v12 =	vadd.f32 v13, v12;
	v5 =	vadd.f32 v5, v7  }
0x204: {  	v7 =	vadd.f32 v10, v11;
	v10 =	vunpack.i.l.bf16.f32 v8;
	v4 =	vadd.f32 v4, v6  }
0x205: {  	v6 =	vunpack.i.u.bf16.f32 v8;
	v8 =	vadd.f32 v10, v12;
	v3 =	vadd.f32 v3, v5  }
0x206: {  	v5 =	vadd.f32 v6, v7;
	v6 =	vunpack.i.l.bf16.f32 v9;
	v2 =	vadd.f32 v2, v4  }
0x207: {  	v4 =	vunpack.i.u.bf16.f32 v9;
	v6 =	vadd.f32 v6, v8;
	v1 =	vadd.f32 v1, v3  }
0x208: {  	v3 =	vadd.f32 v4, v5;
	v4 =	vunpack.i.l.bf16.f32 v14;
	v0 =	vadd.f32 v0, v2  }
0x209: {  	v2 =	vunpack.i.u.bf16.f32 v14;
	v4 =	vadd.f32 v4, v6;
	v1 =	vmul.f32 $4.999999890e-03, v1  }
0x20a: {  	v2 =	vadd.f32 v2, v3;
	v0 =	vmul.f32 $4.999999890e-03, v0  }
0x20b: {  	[tilespmem:s19+$0xFB80] =	vst v1;
	v1 =	vmul.f32 $4.999999890e-03, v4  }
0x20c: {  	[tilespmem:s19+$0xFB90] =	vst v0;
	v0 =	vmul.f32 $4.999999890e-03, v2  }
0x20d: {  	[tilespmem:s19+$0xFBA0] =	vst v1  }
0x20e: {  	s25 =	simm.s32 @!p1 $0xAF00;
	s23 =	simm.s32 @!p1 $0x80;
	[tilespmem:s19+$0xFBB0] =	vst v0;
	s19 =	sadd.s32 @!p1 $0xA28, s21  }
0x20f: {  	[tilespmem:s25], [sflag:$0x6] =	stream.indirect.gather @!p1 [spmem:s2], $0x20, s19, s23, $0xb8;
	[tilespmem:$0x15820] =	vst v63  }
0x210: {  	s19 =	sadd.s32 @!p1 $0xAA8, s21;
	s21 =	simm.s32 @!p1 $0x48;
	s23 =	simm.s32 @!p1 $0xBF00  }
0x211: {  	[tilespmem:s23], [sflag:$0x6] =	stream.indirect.gather @!p1 [spmem:s2], $0x20, s19, s21, $0xb8;
	[tilespmem:$0x15820] =	vst v63  }
0x212: {  	_ =	swait.ge [sflag:s1], $0x1900  }
0x213: {  	[sflag:s1] =	ssyncset.done $0x0  }
0x214: {  	s19 =	simm.s32 $0xE180;
	[sflag:s1] =	ssyncadd.s32 $0xFFFFE700  }
0x215: {  	v1 =	vld [tilespmem:s19+$0x60]  }
0x216: {  	v3 =	vld [tilespmem:s19+$0x40]  }
0x217: {  	v5 =	vld [tilespmem:s19+$0x20]  }
0x218: {  	v7 =	vld [tilespmem:s19+$0x0]  }
0x219: {  	v8 =	vld [tilespmem:s19+$0xFFFFFFE0]  }
0x21a: {  	v9 =	vld [tilespmem:s19+$0xFFFFFFC0]  }
0x21b: {  	v10 =	vld [tilespmem:s19+$0xFFFFFFA0]  }
0x21c: {  	v11 =	vld [tilespmem:s19+$0xFFFFFF80]  }
0x21d: {  	v12 =	vimm.f32 $0.0e+00;
	v13 =	vld [tilespmem:s19+$0xFFFFFF90];
	v0 =	vunpack.i.u.bf16.f32 v1;
	v1 =	vunpack.i.l.bf16.f32 v1  }
0x21e: {  	v4 =	vunpack.i.u.bf16.f32 v5;
	v2 =	vunpack.i.u.bf16.f32 v3;
	v3 =	vunpack.i.l.bf16.f32 v3  }
0x21f: {  	v14 =	vld [tilespmem:s19+$0xFFFFFFB0];
	v6 =	vunpack.i.u.bf16.f32 v7;
	v7 =	vunpack.i.l.bf16.f32 v7;
	v5 =	vunpack.i.l.bf16.f32 v5  }
0x220: {  	v15 =	vunpack.i.u.bf16.f32 v9;
	v17 =	vunpack.i.u.bf16.f32 v8;
	v18 =	vunpack.i.l.bf16.f32 v8  }
0x221: {  	v16 =	vld [tilespmem:s19+$0xFFFFFFD0];
	v8 =	vunpack.i.u.bf16.f32 v10;
	v10 =	vunpack.i.l.bf16.f32 v10;
	v9 =	vunpack.i.l.bf16.f32 v9  }
0x222: {  	v19 =	vunpack.i.u.bf16.f32 v11;
	v11 =	vunpack.i.l.bf16.f32 v11;
	v20 =	vunpack.i.u.bf16.f32 v13  }
0x223: {  	v21 =	vld [tilespmem:s19+$0xFFFFFFF0];
	v13 =	vunpack.i.l.bf16.f32 v13;
	v11 =	vadd.f32 v11, v12;
	v19 =	vadd.f32 v19, v12  }
0x224: {  	v62 =	vunpack.i.u.bf16.f32 v14;
	v13 =	vadd.f32 v13, v12;
	v12 =	vadd.f32 v20, v12  }
0x225: {  	v14 =	vunpack.i.l.bf16.f32 v14;
	v11 =	vadd.f32 v10, v11;
	v8 =	vadd.f32 v8, v19;
	v10 =	vld [tilespmem:s19+$0x10]  }
0x226: {  	v13 =	vadd.f32 v14, v13;
	v14 =	vadd.f32 v62, v12;
	v19 =	vunpack.i.u.bf16.f32 v16  }
0x227: {  	v12 =	vunpack.i.l.bf16.f32 v16;
	v9 =	vadd.f32 v9, v11;
	v63 =	vadd.f32 v15, v8;
	v8 =	vld [tilespmem:s19+$0x30]  }
0x228: {  	v16 =	vunpack.i.l.bf16.f32 v21;
	v12 =	vadd.f32 v12, v13;
	v11 =	vadd.f32 v19, v14  }
0x229: {  	s21 =	simm.s32 $0x0;
	s23 =	simm.s32 $0xE280;
	v13 =	vunpack.i.u.bf16.f32 v21;
	v15 =	vadd.f32 v18, v9;
	v14 =	vadd.f32 v17, v63;
	v9 =	vld [tilespmem:s19+$0x50]  }
.LBB2_18:
0x22a: {  	v17 =	vld [tilespmem:s23+$0x60];
	v12 =	vadd.f32 v16, v12;
	v11 =	vadd.f32 v13, v11;
	v13 =	vunpack.i.u.bf16.f32 v10  }
0x22b: {  	v10 =	vunpack.i.l.bf16.f32 v10;
	v7 =	vadd.f32 v7, v15;
	v6 =	vadd.f32 v6, v14;
	v14 =	vld [tilespmem:s19+$0x70];
	s19 =	smov.u32 s23  }
0x22c: {  	v15 =	vld [tilespmem:s23+$0x40];
	v10 =	vadd.f32 v10, v12;
	v11 =	vadd.f32 v13, v11;
	v12 =	vunpack.i.u.bf16.f32 v8  }
0x22d: {  	v8 =	vunpack.i.l.bf16.f32 v8;
	v13 =	vld [tilespmem:s23+$0x20];
	v5 =	vadd.f32 v5, v7;
	v4 =	vadd.f32 v4, v6  }
0x22e: {  	v7 =	vld [tilespmem:s23+$0x0];
	v6 =	vadd.f32 v8, v10;
	v8 =	vadd.f32 v12, v11;
	v10 =	vunpack.i.u.bf16.f32 v9  }
0x22f: {  	v9 =	vunpack.i.l.bf16.f32 v9;
	v11 =	vld [tilespmem:s23+$0xFFFFFFE0];
	v3 =	vadd.f32 v3, v5;
	v2 =	vadd.f32 v2, v4  }
0x230: {  	v12 =	vld [tilespmem:s23+$0xFFFFFFC0];
	v4 =	vadd.f32 v9, v6;
	v5 =	vadd.f32 v10, v8;
	v6 =	vunpack.i.u.bf16.f32 v14  }
0x231: {  	v9 =	vunpack.i.l.bf16.f32 v14;
	v8 =	vld [tilespmem:s23+$0xFFFFFFA0];
	v10 =	vadd.f32 v1, v3;
	v14 =	vadd.f32 v0, v2  }
0x232: {  	v16 =	vld [tilespmem:s23+$0xFFFFFF80];
	v9 =	vadd.f32 v9, v4;
	v18 =	vadd.f32 v6, v5  }
0x233: {  	v0 =	vunpack.i.u.bf16.f32 v17;
	v1 =	vunpack.i.l.bf16.f32 v17;
	v19 =	vld [tilespmem:s23+$0xFFFFFF90]  }
0x234: {  	s21 =	sadd.s32 $0x8, s21;
	v2 =	vunpack.i.u.bf16.f32 v15;
	v3 =	vunpack.i.l.bf16.f32 v15;
	v4 =	vunpack.i.u.bf16.f32 v13  }
0x235: {  	p2 =	slt.u32 s21, $0xC0;
	v5 =	vunpack.i.l.bf16.f32 v13;
	v6 =	vunpack.i.u.bf16.f32 v7;
	v7 =	vunpack.i.l.bf16.f32 v7;
	v15 =	vld [tilespmem:s23+$0xFFFFFFB0]  }
0x236: {  	v17 =	vunpack.i.u.bf16.f32 v11;
	v20 =	vunpack.i.l.bf16.f32 v11;
	v13 =	vunpack.i.u.bf16.f32 v12  }
0x237: {  	v12 =	vunpack.i.l.bf16.f32 v12;
	v11 =	vunpack.i.u.bf16.f32 v8;
	v8 =	vunpack.i.l.bf16.f32 v8;
	v21 =	vld [tilespmem:s23+$0xFFFFFFD0]  }
0x238: {  	v22 =	vunpack.i.u.bf16.f32 v16;
	v16 =	vunpack.i.l.bf16.f32 v16;
	v23 =	vunpack.i.u.bf16.f32 v19  }
0x239: {  	v19 =	vunpack.i.l.bf16.f32 v19;
	v10 =	vadd.f32 v16, v10;
	v14 =	vadd.f32 v22, v14;
	v16 =	vld [tilespmem:s23+$0xFFFFFFF0]  }
0x23a: {  	v9 =	vadd.f32 v19, v9;
	v18 =	vadd.f32 v23, v18;
	v19 =	vunpack.i.u.bf16.f32 v15  }
.Ltmp9:
0x23b: {  	v15 =	vunpack.i.l.bf16.f32 v15;
	v8 =	vadd.f32 v8, v10;
	v11 =	vadd.f32 v11, v14;
	v10 =	vld [tilespmem:s23+$0x10];
	(pc) =	sbr.rel @p2 .LBB2_18-.Ltmp9, $4  }
0x23c: {  	v9 =	vadd.f32 v15, v9;
	v14 =	vadd.f32 v19, v18;
	v15 =	vunpack.i.u.bf16.f32 v21  }
0x23d: {  	v18 =	vunpack.i.l.bf16.f32 v21;
	v19 =	vadd.f32 v12, v8;
	v21 =	vadd.f32 v13, v11;
	v8 =	vld [tilespmem:s23+$0x30]  }
0x23e: {  	v12 =	vadd.f32 v18, v9;
	v11 =	vadd.f32 v15, v14;
	v13 =	vunpack.i.u.bf16.f32 v16  }
0x23f: {  	s23 =	sadd.s32 $0x100, s23;
	v16 =	vunpack.i.l.bf16.f32 v16;
	v15 =	vadd.f32 v20, v19;
	v14 =	vadd.f32 v17, v21;
	v9 =	vld [tilespmem:s19+$0x50]  }
0x240: {  	_ = 	snop  }
0x241: {  	v12 =	vadd.f32 v16, v12;
	v7 =	vadd.f32 v7, v15  }
0x242: {  	v11 =	vadd.f32 v13, v11;
	v49 =	vunpack.i.l.bf16.f32 v10;
	v6 =	vadd.f32 v6, v14  }
0x243: {  	v50 =	vunpack.i.u.bf16.f32 v10;
	v51 =	vld [tilespmem:s19+$0x70];
	v12 =	vadd.f32 v49, v12;
	v5 =	vadd.f32 v5, v7  }
0x244: {  	v52 =	vadd.f32 v50, v11;
	v53 =	vunpack.i.l.bf16.f32 v8;
	v4 =	vadd.f32 v4, v6  }
0x245: {  	v54 =	vunpack.i.u.bf16.f32 v8;
	v55 =	vadd.f32 v53, v12;
	v3 =	vadd.f32 v3, v5  }
0x246: {  	v56 =	vadd.f32 v54, v52;
	v57 =	vunpack.i.l.bf16.f32 v9;
	v2 =	vadd.f32 v2, v4  }
0x247: {  	v58 =	vunpack.i.u.bf16.f32 v9;
	v6 =	vadd.f32 v57, v55;
	v1 =	vadd.f32 v1, v3  }
0x248: {  	v60 =	vunpack.i.l.bf16.f32 v51;
	v59 =	vadd.f32 v58, v56;
	v0 =	vadd.f32 v0, v2  }
0x249: {  	s17 =	sshll.u32 s17, $0x6;
	v61 =	vunpack.i.u.bf16.f32 v51;
	v4 =	vadd.f32 v60, v6;
	v1 =	vmul.f32 $4.999999890e-03, v1  }
.Ltmp10:
0x24a: {  	s17 =	sand.u32 $0x3FFFFFC0, s17;
	v2 =	vadd.f32 v61, v59;
	v0 =	vmul.f32 $4.999999890e-03, v0;
	(pc) =	sbr.rel @p1 .LBB2_21-.Ltmp10, $4  }
0x24b: {  	v62 =	vmul.f32 $4.999999890e-03, v4;
	[tilespmem:s17+$0xFA00] =	vst v1  }
0x24c: {  	v63 =	vmul.f32 $4.999999890e-03, v2;
	[tilespmem:s17+$0xFA10] =	vst v0  }
0x24d: {  	[tilespmem:s17+$0xFA20] =	vst v62  }
0x24e: {  	[tilespmem:s17+$0xFA30] =	vst v63  }
0x24f: {  	s17 =	smul.u32 $0x1900, s15;
	_ =	sdelay $0x1  }
.Ltmp11:
0x250: {  	s17 =	sshra.s32 s17, $0x2;
	(pc) =	sbr.rel .LBB2_3-.Ltmp11, $4  }
0x251: {  	s19 =	sadd.s32 $0xAF0, s17  }
0x252: {  	[tilespmem:s16], [sflag:$0x7] =	stream.indirect.gather [spmem:s2], $0x20, s19, s12, $0xb8;
	[tilespmem:$0x15820] =	vst v63  }
0x253: {  	s15 =	sadd.s32 $0x1, s15;
	s17 =	sadd.s32 $0xB70, s17  }
0x254: {  	[tilespmem:s20], [sflag:$0x7] =	stream.indirect.gather [spmem:s2], $0x20, s17, s14, $0xb8;
	[tilespmem:$0x15820] =	vst v63  }
.LBB2_21:
0x255: {  	s15 =	sshll.u32 s13, $0x3;
	s17 =	rddreg [dreg:$0x1];
	s19 =	simm.s32 $0xFA00  }
0x256: {  	s13 =	sor.u32 $0x20, s13;
	p1 =	seq.s32 s11, $0x7;
	s15 =	sadd.s32 s17, s15  }
0x257: {  	[hbm4b:s15+s3] =	stream.linear.scatter [tilespmem:s19], [sflag:$0xA], $0x800, $0x38;
	[tilespmem:$0x15820] =	vst v63  }
0x258: {  	s15 =	smul.u32 @!p1 $0xC8, s13;
	_ =	sdelay $0x1  }
0x259: {  	p2 =	seq.s32 @!p1 s11, $0x0;
	_ =	swait.ge [sflag:s6], $0x1900;
	s15 =	sshrl.u32 @!p1 s15, $0x3  }
0x25a: {  	s17 =	simm.s32 @!p1 $0x0;
	[sflag:s6] =	ssyncset.done $0x0;
	s15 =	sadd.s32 @!p1 s4, s15  }
0x25b: {  	p2 =	por p1, !p2;
	[sflag:s6] =	ssyncadd.s32 $0xFFFFE700;
	s15 =	sadd.s32 @!p1 $0x320, s15  }
0x25c: {  	[tilespmem:s17], [sflag:$0x9] =	stream.linear.gather @!p1 [hbm4b:s15+s17], $0x1900, $0x38;
	[tilespmem:$0x15820] =	vst v63  }
0x25d: {  	s15 =	simm.s32 @p2 $0xB  }
0x25e: {  	_ =	swait.ge @p2 [sflag:s15], $0x800  }
0x25f: {  	[sflag:s15] =	ssyncset.done @p2 $0x0  }
0x260: {  	s21 =	simm.s32 $0x1900;
	s23 =	simm.s32 $0x3200;
	[sflag:s15] =	ssyncadd.s32 @p2 $0xFFFFF800  }
0x261: {  	[tilespmem:s23], [sflag:$0x1] =	stream.indirect.gather [spmem:s2], $0x20, s21, s12, $0xb8;
	[tilespmem:$0x15820] =	vst v63  }
0x262: {  	s25 =	simm.s32 $0x4200;
	s28 =	simm.s32 $0x1980  }
0x263: {  	[tilespmem:s25], [sflag:$0x1] =	stream.indirect.gather [spmem:s2], $0x20, s28, s14, $0xb8;
	[tilespmem:$0x15820] =	vst v63  }
0x264: {  	s19 =	simm.s32 $0x19C8;
	s17 =	simm.s32 $0x4B00  }
0x265: {  	[tilespmem:s17], [sflag:$0x2] =	stream.indirect.gather [spmem:s2], $0x20, s19, s12, $0xb8;
	[tilespmem:$0x15820] =	vst v63  }
0x266: {  	s21 =	simm.s32 $0x5B00;
	s23 =	simm.s32 $0x1A48  }
0x267: {  	[tilespmem:s21], [sflag:$0x2] =	stream.indirect.gather [spmem:s2], $0x20, s23, s14, $0xb8;
	[tilespmem:$0x15820] =	vst v63  }
0x268: {  	s25 =	simm.s32 $0x6400;
	s28 =	simm.s32 $0x1A90  }
0x269: {  	[tilespmem:s25], [sflag:$0x3] =	stream.indirect.gather [spmem:s2], $0x20, s28, s12, $0xb8;
	[tilespmem:$0x15820] =	vst v63  }
0x26a: {  	s17 =	simm.s32 $0x7400;
	s19 =	simm.s32 $0x1B10  }
0x26b: {  	[tilespmem:s17], [sflag:$0x3] =	stream.indirect.gather [spmem:s2], $0x20, s19, s14, $0xb8;
	[tilespmem:$0x15820] =	vst v63  }
0x26c: {  	s21 =	simm.s32 $0x7D00;
	s23 =	simm.s32 $0x1B58  }
0x26d: {  	[tilespmem:s21], [sflag:$0x4] =	stream.indirect.gather [spmem:s2], $0x20, s23, s12, $0xb8;
	[tilespmem:$0x15820] =	vst v63  }
0x26e: {  	s25 =	simm.s32 $0x8D00;
	s28 =	simm.s32 $0x1BD8  }
0x26f: {  	[tilespmem:s25], [sflag:$0x4] =	stream.indirect.gather [spmem:s2], $0x20, s28, s14, $0xb8;
	[tilespmem:$0x15820] =	vst v63  }
0x270: {  	s17 =	simm.s32 $0x1C20  }
0x271: {  	[tilespmem:s30], [sflag:$0x5] =	stream.indirect.gather [spmem:s2], $0x20, s17, s12, $0xb8;
	[tilespmem:$0x15820] =	vst v63  }
0x272: {  	s19 =	simm.s32 $0x1CA0  }
0x273: {  	[tilespmem:s0], [sflag:$0x5] =	stream.indirect.gather [spmem:s2], $0x20, s19, s14, $0xb8;
	[tilespmem:$0x15820] =	vst v63  }
0x274: {  	s21 =	simm.s32 $0x1CE8  }
0x275: {  	[tilespmem:s7], [sflag:$0x6] =	stream.indirect.gather [spmem:s2], $0x20, s21, s12, $0xb8;
	[tilespmem:$0x15820] =	vst v63  }
0x276: {  	s23 =	simm.s32 $0x1D68  }
0x277: {  	[tilespmem:s9], [sflag:$0x6] =	stream.indirect.gather [spmem:s2], $0x20, s23, s14, $0xb8;
	[tilespmem:$0x15820] =	vst v63  }
0x278: {  	s25 =	simm.s32 $0x1DB0  }
0x279: {  	[tilespmem:s16], [sflag:$0x7] =	stream.indirect.gather [spmem:s2], $0x20, s25, s12, $0xb8;
	[tilespmem:$0x15820] =	vst v63  }
0x27a: {  	s15 =	simm.s32 $0x0;
	s28 =	simm.s32 $0x1E30  }
0x27b: {  	[tilespmem:s20], [sflag:$0x7] =	stream.indirect.gather [spmem:s2], $0x20, s28, s14, $0xb8;
	[tilespmem:$0x15820] =	vst v63  }
.LBB2_22:
0x27c: {  	_ =	swait.ge [sflag:s22], $0x1900  }
0x27d: {  	[sflag:s22] =	ssyncset.done $0x0  }
0x27e: {  	s17 =	simm.s32 $0x3280;
	[sflag:s22] =	ssyncadd.s32 $0xFFFFE700  }
0x27f: {  	v1 =	vld [tilespmem:s17+$0x60]  }
0x280: {  	v3 =	vld [tilespmem:s17+$0x40]  }
0x281: {  	v5 =	vld [tilespmem:s17+$0x20]  }
0x282: {  	v7 =	vld [tilespmem:s17+$0x0]  }
0x283: {  	v8 =	vld [tilespmem:s17+$0xFFFFFFE0]  }
0x284: {  	v9 =	vld [tilespmem:s17+$0xFFFFFFC0]  }
0x285: {  	v10 =	vld [tilespmem:s17+$0xFFFFFFA0]  }
0x286: {  	v11 =	vld [tilespmem:s17+$0xFFFFFF80]  }
0x287: {  	v12 =	vimm.f32 $0.0e+00;
	v13 =	vld [tilespmem:s17+$0xFFFFFF90];
	v0 =	vunpack.i.u.bf16.f32 v1;
	v1 =	vunpack.i.l.bf16.f32 v1  }
0x288: {  	v4 =	vunpack.i.u.bf16.f32 v5;
	v2 =	vunpack.i.u.bf16.f32 v3;
	v3 =	vunpack.i.l.bf16.f32 v3  }
0x289: {  	v14 =	vld [tilespmem:s17+$0xFFFFFFB0];
	v6 =	vunpack.i.u.bf16.f32 v7;
	v7 =	vunpack.i.l.bf16.f32 v7;
	v5 =	vunpack.i.l.bf16.f32 v5  }
0x28a: {  	v15 =	vunpack.i.u.bf16.f32 v9;
	v17 =	vunpack.i.u.bf16.f32 v8;
	v18 =	vunpack.i.l.bf16.f32 v8  }
0x28b: {  	v16 =	vld [tilespmem:s17+$0xFFFFFFD0];
	v8 =	vunpack.i.u.bf16.f32 v10;
	v10 =	vunpack.i.l.bf16.f32 v10;
	v9 =	vunpack.i.l.bf16.f32 v9  }
0x28c: {  	v19 =	vunpack.i.u.bf16.f32 v11;
	v11 =	vunpack.i.l.bf16.f32 v11;
	v20 =	vunpack.i.u.bf16.f32 v13  }
0x28d: {  	v21 =	vld [tilespmem:s17+$0xFFFFFFF0];
	v13 =	vunpack.i.l.bf16.f32 v13;
	v11 =	vadd.f32 v11, v12;
	v19 =	vadd.f32 v19, v12  }
0x28e: {  	v62 =	vunpack.i.u.bf16.f32 v14;
	v13 =	vadd.f32 v13, v12;
	v12 =	vadd.f32 v20, v12  }
0x28f: {  	v14 =	vunpack.i.l.bf16.f32 v14;
	v11 =	vadd.f32 v10, v11;
	v8 =	vadd.f32 v8, v19;
	v10 =	vld [tilespmem:s17+$0x10]  }
0x290: {  	v13 =	vadd.f32 v14, v13;
	v14 =	vadd.f32 v62, v12;
	v19 =	vunpack.i.u.bf16.f32 v16  }
0x291: {  	v12 =	vunpack.i.l.bf16.f32 v16;
	v9 =	vadd.f32 v9, v11;
	v63 =	vadd.f32 v15, v8;
	v8 =	vld [tilespmem:s17+$0x30]  }
0x292: {  	v16 =	vunpack.i.l.bf16.f32 v21;
	v12 =	vadd.f32 v12, v13;
	v11 =	vadd.f32 v19, v14  }
0x293: {  	s19 =	simm.s32 $0x0;
	s21 =	simm.s32 $0x3380;
	v13 =	vunpack.i.u.bf16.f32 v21;
	v15 =	vadd.f32 v18, v9;
	v14 =	vadd.f32 v17, v63;
	v9 =	vld [tilespmem:s17+$0x50]  }
.LBB2_23:
0x294: {  	v17 =	vld [tilespmem:s21+$0x60];
	v12 =	vadd.f32 v16, v12;
	v11 =	vadd.f32 v13, v11;
	v13 =	vunpack.i.u.bf16.f32 v10  }
0x295: {  	v10 =	vunpack.i.l.bf16.f32 v10;
	v7 =	vadd.f32 v7, v15;
	v6 =	vadd.f32 v6, v14;
	v14 =	vld [tilespmem:s17+$0x70];
	s17 =	smov.u32 s21  }
0x296: {  	v15 =	vld [tilespmem:s21+$0x40];
	v10 =	vadd.f32 v10, v12;
	v11 =	vadd.f32 v13, v11;
	v12 =	vunpack.i.u.bf16.f32 v8  }
0x297: {  	v8 =	vunpack.i.l.bf16.f32 v8;
	v13 =	vld [tilespmem:s21+$0x20];
	v5 =	vadd.f32 v5, v7;
	v4 =	vadd.f32 v4, v6  }
0x298: {  	v7 =	vld [tilespmem:s21+$0x0];
	v6 =	vadd.f32 v8, v10;
	v8 =	vadd.f32 v12, v11;
	v10 =	vunpack.i.u.bf16.f32 v9  }
0x299: {  	v9 =	vunpack.i.l.bf16.f32 v9;
	v11 =	vld [tilespmem:s21+$0xFFFFFFE0];
	v3 =	vadd.f32 v3, v5;
	v2 =	vadd.f32 v2, v4  }
0x29a: {  	v12 =	vld [tilespmem:s21+$0xFFFFFFC0];
	v4 =	vadd.f32 v9, v6;
	v5 =	vadd.f32 v10, v8;
	v6 =	vunpack.i.u.bf16.f32 v14  }
0x29b: {  	v9 =	vunpack.i.l.bf16.f32 v14;
	v8 =	vld [tilespmem:s21+$0xFFFFFFA0];
	v10 =	vadd.f32 v1, v3;
	v14 =	vadd.f32 v0, v2  }
0x29c: {  	v16 =	vld [tilespmem:s21+$0xFFFFFF80];
	v9 =	vadd.f32 v9, v4;
	v18 =	vadd.f32 v6, v5  }
0x29d: {  	v0 =	vunpack.i.u.bf16.f32 v17;
	v1 =	vunpack.i.l.bf16.f32 v17;
	v19 =	vld [tilespmem:s21+$0xFFFFFF90]  }
0x29e: {  	s19 =	sadd.s32 $0x8, s19;
	v2 =	vunpack.i.u.bf16.f32 v15;
	v3 =	vunpack.i.l.bf16.f32 v15;
	v4 =	vunpack.i.u.bf16.f32 v13  }
0x29f: {  	p2 =	slt.u32 s19, $0xC0;
	v5 =	vunpack.i.l.bf16.f32 v13;
	v6 =	vunpack.i.u.bf16.f32 v7;
	v7 =	vunpack.i.l.bf16.f32 v7;
	v15 =	vld [tilespmem:s21+$0xFFFFFFB0]  }
0x2a0: {  	v17 =	vunpack.i.u.bf16.f32 v11;
	v20 =	vunpack.i.l.bf16.f32 v11;
	v13 =	vunpack.i.u.bf16.f32 v12  }
0x2a1: {  	v12 =	vunpack.i.l.bf16.f32 v12;
	v11 =	vunpack.i.u.bf16.f32 v8;
	v8 =	vunpack.i.l.bf16.f32 v8;
	v21 =	vld [tilespmem:s21+$0xFFFFFFD0]  }
0x2a2: {  	v22 =	vunpack.i.u.bf16.f32 v16;
	v16 =	vunpack.i.l.bf16.f32 v16;
	v23 =	vunpack.i.u.bf16.f32 v19  }
0x2a3: {  	v19 =	vunpack.i.l.bf16.f32 v19;
	v10 =	vadd.f32 v16, v10;
	v14 =	vadd.f32 v22, v14;
	v16 =	vld [tilespmem:s21+$0xFFFFFFF0]  }
0x2a4: {  	v9 =	vadd.f32 v19, v9;
	v18 =	vadd.f32 v23, v18;
	v19 =	vunpack.i.u.bf16.f32 v15  }
.Ltmp12:
0x2a5: {  	v15 =	vunpack.i.l.bf16.f32 v15;
	v8 =	vadd.f32 v8, v10;
	v11 =	vadd.f32 v11, v14;
	v10 =	vld [tilespmem:s21+$0x10];
	(pc) =	sbr.rel @p2 .LBB2_23-.Ltmp12, $4  }
0x2a6: {  	v9 =	vadd.f32 v15, v9;
	v14 =	vadd.f32 v19, v18;
	v15 =	vunpack.i.u.bf16.f32 v21  }
0x2a7: {  	v18 =	vunpack.i.l.bf16.f32 v21;
	v19 =	vadd.f32 v12, v8;
	v21 =	vadd.f32 v13, v11;
	v8 =	vld [tilespmem:s21+$0x30]  }
0x2a8: {  	v12 =	vadd.f32 v18, v9;
	v11 =	vadd.f32 v15, v14;
	v13 =	vunpack.i.u.bf16.f32 v16  }
0x2a9: {  	s21 =	sadd.s32 $0x100, s21;
	v16 =	vunpack.i.l.bf16.f32 v16;
	v15 =	vadd.f32 v20, v19;
	v14 =	vadd.f32 v17, v21;
	v9 =	vld [tilespmem:s17+$0x50]  }
0x2aa: {  	_ = 	snop  }
0x2ab: {  	v12 =	vadd.f32 v16, v12;
	v7 =	vadd.f32 v7, v15  }
0x2ac: {  	v11 =	vadd.f32 v13, v11;
	v13 =	vunpack.i.l.bf16.f32 v10;
	v6 =	vadd.f32 v6, v14  }
0x2ad: {  	v10 =	vunpack.i.u.bf16.f32 v10;
	v14 =	vld [tilespmem:s17+$0x70];
	v12 =	vadd.f32 v13, v12;
	v5 =	vadd.f32 v5, v7  }
0x2ae: {  	v7 =	vadd.f32 v10, v11;
	v10 =	vunpack.i.l.bf16.f32 v8;
	v4 =	vadd.f32 v4, v6  }
0x2af: {  	v6 =	vunpack.i.u.bf16.f32 v8;
	v8 =	vadd.f32 v10, v12;
	v3 =	vadd.f32 v3, v5  }
0x2b0: {  	v5 =	vadd.f32 v6, v7;
	v6 =	vunpack.i.l.bf16.f32 v9;
	v2 =	vadd.f32 v2, v4  }
0x2b1: {  	v4 =	vunpack.i.u.bf16.f32 v9;
	v6 =	vadd.f32 v6, v8;
	v1 =	vadd.f32 v1, v3  }
0x2b2: {  	v3 =	vadd.f32 v4, v5;
	v4 =	vunpack.i.l.bf16.f32 v14;
	v0 =	vadd.f32 v0, v2  }
0x2b3: {  	s28 =	sshll.u32 s15, $0x9;
	v2 =	vunpack.i.u.bf16.f32 v14;
	v4 =	vadd.f32 v4, v6;
	v1 =	vmul.f32 $4.999999890e-03, v1  }
0x2b4: {  	s19 =	sand.u32 $0x3FFFFE00, s28;
	s17 =	sshllo.u32 s15, $0x3;
	v2 =	vadd.f32 v2, v3;
	v0 =	vmul.f32 $4.999999890e-03, v0  }
0x2b5: {  	s21 =	smul.u32 $0x320, s17;
	[tilespmem:s19+$0x10200] =	vst v1;
	v1 =	vmul.f32 $4.999999890e-03, v4  }
0x2b6: {  	[tilespmem:s19+$0x10210] =	vst v0;
	v0 =	vmul.f32 $4.999999890e-03, v2  }
0x2b7: {  	s21 =	sshra.s32 s21, $0x2;
	[tilespmem:s19+$0x10220] =	vst v1  }
0x2b8: {  	s23 =	sadd.s32 $0x1900, s21;
	[tilespmem:s19+$0x10230] =	vst v0  }
0x2b9: {  	[tilespmem:s24], [sflag:$0x8] =	stream.indirect.gather [spmem:s2], $0x20, s23, s12, $0xb8;
	[tilespmem:$0x15820] =	vst v63  }
0x2ba: {  	s21 =	sadd.s32 $0x1980, s21  }
0x2bb: {  	[tilespmem:s26], [sflag:$0x8] =	stream.indirect.gather [spmem:s2], $0x20, s21, s14, $0xb8;
	[tilespmem:$0x15820] =	vst v63  }
0x2bc: {  	_ =	swait.ge [sflag:s29], $0x1900  }
0x2bd: {  	[sflag:s29] =	ssyncset.done $0x0  }
0x2be: {  	s21 =	simm.s32 $0x4B80;
	[sflag:s29] =	ssyncadd.s32 $0xFFFFE700  }
0x2bf: {  	v1 =	vld [tilespmem:s21+$0x60]  }
0x2c0: {  	v3 =	vld [tilespmem:s21+$0x40]  }
0x2c1: {  	v5 =	vld [tilespmem:s21+$0x20]  }
0x2c2: {  	v7 =	vld [tilespmem:s21+$0x0]  }
0x2c3: {  	v8 =	vld [tilespmem:s21+$0xFFFFFFE0]  }
0x2c4: {  	v9 =	vld [tilespmem:s21+$0xFFFFFFC0]  }
0x2c5: {  	v10 =	vld [tilespmem:s21+$0xFFFFFFA0]  }
0x2c6: {  	v11 =	vld [tilespmem:s21+$0xFFFFFF80]  }
0x2c7: {  	v12 =	vimm.f32 $0.0e+00;
	v13 =	vld [tilespmem:s21+$0xFFFFFF90];
	v0 =	vunpack.i.u.bf16.f32 v1;
	v1 =	vunpack.i.l.bf16.f32 v1  }
0x2c8: {  	v4 =	vunpack.i.u.bf16.f32 v5;
	v2 =	vunpack.i.u.bf16.f32 v3;
	v3 =	vunpack.i.l.bf16.f32 v3  }
0x2c9: {  	v14 =	vld [tilespmem:s21+$0xFFFFFFB0];
	v6 =	vunpack.i.u.bf16.f32 v7;
	v7 =	vunpack.i.l.bf16.f32 v7;
	v5 =	vunpack.i.l.bf16.f32 v5  }
0x2ca: {  	v15 =	vunpack.i.u.bf16.f32 v9;
	v17 =	vunpack.i.u.bf16.f32 v8;
	v18 =	vunpack.i.l.bf16.f32 v8  }
0x2cb: {  	v16 =	vld [tilespmem:s21+$0xFFFFFFD0];
	v8 =	vunpack.i.u.bf16.f32 v10;
	v10 =	vunpack.i.l.bf16.f32 v10;
	v9 =	vunpack.i.l.bf16.f32 v9  }
0x2cc: {  	v19 =	vunpack.i.u.bf16.f32 v11;
	v11 =	vunpack.i.l.bf16.f32 v11;
	v20 =	vunpack.i.u.bf16.f32 v13  }
0x2cd: {  	v21 =	vld [tilespmem:s21+$0xFFFFFFF0];
	v13 =	vunpack.i.l.bf16.f32 v13;
	v11 =	vadd.f32 v11, v12;
	v19 =	vadd.f32 v19, v12  }
0x2ce: {  	v62 =	vunpack.i.u.bf16.f32 v14;
	v13 =	vadd.f32 v13, v12;
	v12 =	vadd.f32 v20, v12  }
0x2cf: {  	v14 =	vunpack.i.l.bf16.f32 v14;
	v11 =	vadd.f32 v10, v11;
	v8 =	vadd.f32 v8, v19;
	v10 =	vld [tilespmem:s21+$0x10]  }
0x2d0: {  	v13 =	vadd.f32 v14, v13;
	v14 =	vadd.f32 v62, v12;
	v19 =	vunpack.i.u.bf16.f32 v16  }
0x2d1: {  	v12 =	vunpack.i.l.bf16.f32 v16;
	v9 =	vadd.f32 v9, v11;
	v63 =	vadd.f32 v15, v8;
	v8 =	vld [tilespmem:s21+$0x30]  }
0x2d2: {  	v16 =	vunpack.i.l.bf16.f32 v21;
	v12 =	vadd.f32 v12, v13;
	v11 =	vadd.f32 v19, v14  }
0x2d3: {  	s25 =	simm.s32 $0x4C80;
	s23 =	simm.s32 $0x0;
	v13 =	vunpack.i.u.bf16.f32 v21;
	v15 =	vadd.f32 v18, v9;
	v14 =	vadd.f32 v17, v63;
	v9 =	vld [tilespmem:s21+$0x50]  }
.LBB2_25:
0x2d4: {  	v17 =	vld [tilespmem:s25+$0x60];
	v12 =	vadd.f32 v16, v12;
	v11 =	vadd.f32 v13, v11;
	v13 =	vunpack.i.u.bf16.f32 v10  }
0x2d5: {  	v10 =	vunpack.i.l.bf16.f32 v10;
	v7 =	vadd.f32 v7, v15;
	v6 =	vadd.f32 v6, v14;
	v14 =	vld [tilespmem:s21+$0x70];
	s21 =	smov.u32 s25  }
0x2d6: {  	v15 =	vld [tilespmem:s25+$0x40];
	v10 =	vadd.f32 v10, v12;
	v11 =	vadd.f32 v13, v11;
	v12 =	vunpack.i.u.bf16.f32 v8  }
0x2d7: {  	v8 =	vunpack.i.l.bf16.f32 v8;
	v13 =	vld [tilespmem:s25+$0x20];
	v5 =	vadd.f32 v5, v7;
	v4 =	vadd.f32 v4, v6  }
0x2d8: {  	v7 =	vld [tilespmem:s25+$0x0];
	v6 =	vadd.f32 v8, v10;
	v8 =	vadd.f32 v12, v11;
	v10 =	vunpack.i.u.bf16.f32 v9  }
0x2d9: {  	v9 =	vunpack.i.l.bf16.f32 v9;
	v11 =	vld [tilespmem:s25+$0xFFFFFFE0];
	v3 =	vadd.f32 v3, v5;
	v2 =	vadd.f32 v2, v4  }
0x2da: {  	v12 =	vld [tilespmem:s25+$0xFFFFFFC0];
	v4 =	vadd.f32 v9, v6;
	v5 =	vadd.f32 v10, v8;
	v6 =	vunpack.i.u.bf16.f32 v14  }
0x2db: {  	v9 =	vunpack.i.l.bf16.f32 v14;
	v8 =	vld [tilespmem:s25+$0xFFFFFFA0];
	v10 =	vadd.f32 v1, v3;
	v14 =	vadd.f32 v0, v2  }
0x2dc: {  	v16 =	vld [tilespmem:s25+$0xFFFFFF80];
	v9 =	vadd.f32 v9, v4;
	v18 =	vadd.f32 v6, v5  }
0x2dd: {  	v0 =	vunpack.i.u.bf16.f32 v17;
	v1 =	vunpack.i.l.bf16.f32 v17;
	v19 =	vld [tilespmem:s25+$0xFFFFFF90]  }
0x2de: {  	s23 =	sadd.s32 $0x8, s23;
	v2 =	vunpack.i.u.bf16.f32 v15;
	v3 =	vunpack.i.l.bf16.f32 v15;
	v4 =	vunpack.i.u.bf16.f32 v13  }
0x2df: {  	p2 =	slt.u32 s23, $0xC0;
	v5 =	vunpack.i.l.bf16.f32 v13;
	v6 =	vunpack.i.u.bf16.f32 v7;
	v7 =	vunpack.i.l.bf16.f32 v7;
	v15 =	vld [tilespmem:s25+$0xFFFFFFB0]  }
0x2e0: {  	v17 =	vunpack.i.u.bf16.f32 v11;
	v20 =	vunpack.i.l.bf16.f32 v11;
	v13 =	vunpack.i.u.bf16.f32 v12  }
0x2e1: {  	v12 =	vunpack.i.l.bf16.f32 v12;
	v11 =	vunpack.i.u.bf16.f32 v8;
	v8 =	vunpack.i.l.bf16.f32 v8;
	v21 =	vld [tilespmem:s25+$0xFFFFFFD0]  }
0x2e2: {  	v22 =	vunpack.i.u.bf16.f32 v16;
	v16 =	vunpack.i.l.bf16.f32 v16;
	v23 =	vunpack.i.u.bf16.f32 v19  }
0x2e3: {  	v19 =	vunpack.i.l.bf16.f32 v19;
	v10 =	vadd.f32 v16, v10;
	v14 =	vadd.f32 v22, v14;
	v16 =	vld [tilespmem:s25+$0xFFFFFFF0]  }
0x2e4: {  	v9 =	vadd.f32 v19, v9;
	v18 =	vadd.f32 v23, v18;
	v19 =	vunpack.i.u.bf16.f32 v15  }
.Ltmp13:
0x2e5: {  	v15 =	vunpack.i.l.bf16.f32 v15;
	v8 =	vadd.f32 v8, v10;
	v11 =	vadd.f32 v11, v14;
	v10 =	vld [tilespmem:s25+$0x10];
	(pc) =	sbr.rel @p2 .LBB2_25-.Ltmp13, $4  }
0x2e6: {  	v9 =	vadd.f32 v15, v9;
	v14 =	vadd.f32 v19, v18;
	v15 =	vunpack.i.u.bf16.f32 v21  }
0x2e7: {  	v18 =	vunpack.i.l.bf16.f32 v21;
	v19 =	vadd.f32 v12, v8;
	v21 =	vadd.f32 v13, v11;
	v8 =	vld [tilespmem:s25+$0x30]  }
0x2e8: {  	v12 =	vadd.f32 v18, v9;
	v11 =	vadd.f32 v15, v14;
	v13 =	vunpack.i.u.bf16.f32 v16  }
0x2e9: {  	s25 =	sadd.s32 $0x100, s25;
	v16 =	vunpack.i.l.bf16.f32 v16;
	v15 =	vadd.f32 v20, v19;
	v14 =	vadd.f32 v17, v21;
	v9 =	vld [tilespmem:s21+$0x50]  }
0x2ea: {  	_ = 	snop  }
0x2eb: {  	v12 =	vadd.f32 v16, v12;
	v7 =	vadd.f32 v7, v15  }
0x2ec: {  	v11 =	vadd.f32 v13, v11;
	v13 =	vunpack.i.l.bf16.f32 v10;
	v6 =	vadd.f32 v6, v14  }
0x2ed: {  	v10 =	vunpack.i.u.bf16.f32 v10;
	v14 =	vld [tilespmem:s21+$0x70];
	v12 =	vadd.f32 v13, v12;
	v5 =	vadd.f32 v5, v7  }
0x2ee: {  	v7 =	vadd.f32 v10, v11;
	v10 =	vunpack.i.l.bf16.f32 v8;
	v4 =	vadd.f32 v4, v6  }
0x2ef: {  	v6 =	vunpack.i.u.bf16.f32 v8;
	v8 =	vadd.f32 v10, v12;
	v3 =	vadd.f32 v3, v5  }
0x2f0: {  	v5 =	vadd.f32 v6, v7;
	v6 =	vunpack.i.l.bf16.f32 v9;
	v2 =	vadd.f32 v2, v4  }
0x2f1: {  	v4 =	vunpack.i.u.bf16.f32 v9;
	v6 =	vadd.f32 v6, v8;
	v1 =	vadd.f32 v1, v3  }
0x2f2: {  	v3 =	vadd.f32 v4, v5;
	v4 =	vunpack.i.l.bf16.f32 v14;
	v0 =	vadd.f32 v0, v2  }
0x2f3: {  	v2 =	vunpack.i.u.bf16.f32 v14;
	v4 =	vadd.f32 v4, v6;
	v1 =	vmul.f32 $4.999999890e-03, v1  }
0x2f4: {  	p2 =	seq.s32 s15, $0x3;
	v2 =	vadd.f32 v2, v3;
	v0 =	vmul.f32 $4.999999890e-03, v0  }
0x2f5: {  	s21 =	smul.u32 @!p2 $0x1900, s15;
	[tilespmem:s19+$0x10240] =	vst v1;
	v1 =	vmul.f32 $4.999999890e-03, v4  }
0x2f6: {  	[tilespmem:s19+$0x10250] =	vst v0;
	v0 =	vmul.f32 $4.999999890e-03, v2  }
0x2f7: {  	s21 =	sshra.s32 @!p2 s21, $0x2;
	[tilespmem:s19+$0x10260] =	vst v1  }
0x2f8: {  	s25 =	simm.s32 @!p2 $0x80;
	s28 =	simm.s32 @!p2 $0x3200;
	s23 =	sadd.s32 @!p2 $0x1F40, s21;
	[tilespmem:s19+$0x10270] =	vst v0  }
0x2f9: {  	[tilespmem:s28], [sflag:$0x1] =	stream.indirect.gather @!p2 [spmem:s2], $0x20, s23, s25, $0xb8;
	[tilespmem:$0x15820] =	vst v63  }
0x2fa: {  	s23 =	sadd.s32 @!p2 $0x1FC0, s21;
	s25 =	simm.s32 @!p2 $0x48;
	s28 =	simm.s32 @!p2 $0x4200  }
0x2fb: {  	[tilespmem:s28], [sflag:$0x1] =	stream.indirect.gather @!p2 [spmem:s2], $0x20, s23, s25, $0xb8;
	[tilespmem:$0x15820] =	vst v63  }
0x2fc: {  	_ =	swait.ge [sflag:s31], $0x1900  }
0x2fd: {  	[sflag:s31] =	ssyncset.done $0x0  }
0x2fe: {  	s23 =	simm.s32 $0x6480;
	[sflag:s31] =	ssyncadd.s32 $0xFFFFE700  }
0x2ff: {  	v1 =	vld [tilespmem:s23+$0x60]  }
0x300: {  	v3 =	vld [tilespmem:s23+$0x40]  }
0x301: {  	v5 =	vld [tilespmem:s23+$0x20]  }
0x302: {  	v7 =	vld [tilespmem:s23+$0x0]  }
0x303: {  	v8 =	vld [tilespmem:s23+$0xFFFFFFE0]  }
0x304: {  	v9 =	vld [tilespmem:s23+$0xFFFFFFC0]  }
0x305: {  	v10 =	vld [tilespmem:s23+$0xFFFFFFA0]  }
0x306: {  	v11 =	vld [tilespmem:s23+$0xFFFFFF80]  }
0x307: {  	v12 =	vimm.f32 $0.0e+00;
	v13 =	vld [tilespmem:s23+$0xFFFFFF90];
	v0 =	vunpack.i.u.bf16.f32 v1;
	v1 =	vunpack.i.l.bf16.f32 v1  }
0x308: {  	v4 =	vunpack.i.u.bf16.f32 v5;
	v2 =	vunpack.i.u.bf16.f32 v3;
	v3 =	vunpack.i.l.bf16.f32 v3  }
0x309: {  	v14 =	vld [tilespmem:s23+$0xFFFFFFB0];
	v6 =	vunpack.i.u.bf16.f32 v7;
	v7 =	vunpack.i.l.bf16.f32 v7;
	v5 =	vunpack.i.l.bf16.f32 v5  }
0x30a: {  	v15 =	vunpack.i.u.bf16.f32 v9;
	v17 =	vunpack.i.u.bf16.f32 v8;
	v18 =	vunpack.i.l.bf16.f32 v8  }
0x30b: {  	v16 =	vld [tilespmem:s23+$0xFFFFFFD0];
	v8 =	vunpack.i.u.bf16.f32 v10;
	v10 =	vunpack.i.l.bf16.f32 v10;
	v9 =	vunpack.i.l.bf16.f32 v9  }
0x30c: {  	v19 =	vunpack.i.u.bf16.f32 v11;
	v11 =	vunpack.i.l.bf16.f32 v11;
	v20 =	vunpack.i.u.bf16.f32 v13  }
0x30d: {  	v21 =	vld [tilespmem:s23+$0xFFFFFFF0];
	v13 =	vunpack.i.l.bf16.f32 v13;
	v11 =	vadd.f32 v11, v12;
	v19 =	vadd.f32 v19, v12  }
0x30e: {  	v62 =	vunpack.i.u.bf16.f32 v14;
	v13 =	vadd.f32 v13, v12;
	v12 =	vadd.f32 v20, v12  }
0x30f: {  	v14 =	vunpack.i.l.bf16.f32 v14;
	v11 =	vadd.f32 v10, v11;
	v8 =	vadd.f32 v8, v19;
	v10 =	vld [tilespmem:s23+$0x10]  }
0x310: {  	v13 =	vadd.f32 v14, v13;
	v14 =	vadd.f32 v62, v12;
	v19 =	vunpack.i.u.bf16.f32 v16  }
0x311: {  	v12 =	vunpack.i.l.bf16.f32 v16;
	v9 =	vadd.f32 v9, v11;
	v63 =	vadd.f32 v15, v8;
	v8 =	vld [tilespmem:s23+$0x30]  }
0x312: {  	v16 =	vunpack.i.l.bf16.f32 v21;
	v12 =	vadd.f32 v12, v13;
	v11 =	vadd.f32 v19, v14  }
0x313: {  	s25 =	simm.s32 $0x0;
	s28 =	simm.s32 $0x6580;
	v13 =	vunpack.i.u.bf16.f32 v21;
	v15 =	vadd.f32 v18, v9;
	v14 =	vadd.f32 v17, v63;
	v9 =	vld [tilespmem:s23+$0x50]  }
.LBB2_27:
0x314: {  	v17 =	vld [tilespmem:s28+$0x60];
	v12 =	vadd.f32 v16, v12;
	v11 =	vadd.f32 v13, v11;
	v13 =	vunpack.i.u.bf16.f32 v10  }
0x315: {  	v10 =	vunpack.i.l.bf16.f32 v10;
	v7 =	vadd.f32 v7, v15;
	v6 =	vadd.f32 v6, v14;
	v14 =	vld [tilespmem:s23+$0x70];
	s23 =	smov.u32 s28  }
0x316: {  	v15 =	vld [tilespmem:s28+$0x40];
	v10 =	vadd.f32 v10, v12;
	v11 =	vadd.f32 v13, v11;
	v12 =	vunpack.i.u.bf16.f32 v8  }
0x317: {  	v8 =	vunpack.i.l.bf16.f32 v8;
	v13 =	vld [tilespmem:s28+$0x20];
	v5 =	vadd.f32 v5, v7;
	v4 =	vadd.f32 v4, v6  }
0x318: {  	v7 =	vld [tilespmem:s28+$0x0];
	v6 =	vadd.f32 v8, v10;
	v8 =	vadd.f32 v12, v11;
	v10 =	vunpack.i.u.bf16.f32 v9  }
0x319: {  	v9 =	vunpack.i.l.bf16.f32 v9;
	v11 =	vld [tilespmem:s28+$0xFFFFFFE0];
	v3 =	vadd.f32 v3, v5;
	v2 =	vadd.f32 v2, v4  }
0x31a: {  	v12 =	vld [tilespmem:s28+$0xFFFFFFC0];
	v4 =	vadd.f32 v9, v6;
	v5 =	vadd.f32 v10, v8;
	v6 =	vunpack.i.u.bf16.f32 v14  }
0x31b: {  	v9 =	vunpack.i.l.bf16.f32 v14;
	v8 =	vld [tilespmem:s28+$0xFFFFFFA0];
	v10 =	vadd.f32 v1, v3;
	v14 =	vadd.f32 v0, v2  }
0x31c: {  	v16 =	vld [tilespmem:s28+$0xFFFFFF80];
	v9 =	vadd.f32 v9, v4;
	v18 =	vadd.f32 v6, v5  }
0x31d: {  	v0 =	vunpack.i.u.bf16.f32 v17;
	v1 =	vunpack.i.l.bf16.f32 v17;
	v19 =	vld [tilespmem:s28+$0xFFFFFF90]  }
0x31e: {  	s25 =	sadd.s32 $0x8, s25;
	v2 =	vunpack.i.u.bf16.f32 v15;
	v3 =	vunpack.i.l.bf16.f32 v15;
	v4 =	vunpack.i.u.bf16.f32 v13  }
0x31f: {  	p3 =	slt.u32 s25, $0xC0;
	v5 =	vunpack.i.l.bf16.f32 v13;
	v6 =	vunpack.i.u.bf16.f32 v7;
	v7 =	vunpack.i.l.bf16.f32 v7;
	v15 =	vld [tilespmem:s28+$0xFFFFFFB0]  }
0x320: {  	v17 =	vunpack.i.u.bf16.f32 v11;
	v20 =	vunpack.i.l.bf16.f32 v11;
	v13 =	vunpack.i.u.bf16.f32 v12  }
0x321: {  	v12 =	vunpack.i.l.bf16.f32 v12;
	v11 =	vunpack.i.u.bf16.f32 v8;
	v8 =	vunpack.i.l.bf16.f32 v8;
	v21 =	vld [tilespmem:s28+$0xFFFFFFD0]  }
0x322: {  	v22 =	vunpack.i.u.bf16.f32 v16;
	v16 =	vunpack.i.l.bf16.f32 v16;
	v23 =	vunpack.i.u.bf16.f32 v19  }
0x323: {  	v19 =	vunpack.i.l.bf16.f32 v19;
	v10 =	vadd.f32 v16, v10;
	v14 =	vadd.f32 v22, v14;
	v16 =	vld [tilespmem:s28+$0xFFFFFFF0]  }
0x324: {  	v9 =	vadd.f32 v19, v9;
	v18 =	vadd.f32 v23, v18;
	v19 =	vunpack.i.u.bf16.f32 v15  }
.Ltmp14:
0x325: {  	v15 =	vunpack.i.l.bf16.f32 v15;
	v8 =	vadd.f32 v8, v10;
	v11 =	vadd.f32 v11, v14;
	v10 =	vld [tilespmem:s28+$0x10];
	(pc) =	sbr.rel @p3 .LBB2_27-.Ltmp14, $4  }
0x326: {  	v9 =	vadd.f32 v15, v9;
	v14 =	vadd.f32 v19, v18;
	v15 =	vunpack.i.u.bf16.f32 v21  }
0x327: {  	v18 =	vunpack.i.l.bf16.f32 v21;
	v19 =	vadd.f32 v12, v8;
	v21 =	vadd.f32 v13, v11;
	v8 =	vld [tilespmem:s28+$0x30]  }
0x328: {  	v12 =	vadd.f32 v18, v9;
	v11 =	vadd.f32 v15, v14;
	v13 =	vunpack.i.u.bf16.f32 v16  }
0x329: {  	s28 =	sadd.s32 $0x100, s28;
	v16 =	vunpack.i.l.bf16.f32 v16;
	v15 =	vadd.f32 v20, v19;
	v14 =	vadd.f32 v17, v21;
	v9 =	vld [tilespmem:s23+$0x50]  }
0x32a: {  	_ = 	snop  }
0x32b: {  	v12 =	vadd.f32 v16, v12;
	v7 =	vadd.f32 v7, v15  }
0x32c: {  	v11 =	vadd.f32 v13, v11;
	v13 =	vunpack.i.l.bf16.f32 v10;
	v6 =	vadd.f32 v6, v14  }
0x32d: {  	v10 =	vunpack.i.u.bf16.f32 v10;
	v14 =	vld [tilespmem:s23+$0x70];
	v12 =	vadd.f32 v13, v12;
	v5 =	vadd.f32 v5, v7  }
0x32e: {  	v7 =	vadd.f32 v10, v11;
	v10 =	vunpack.i.l.bf16.f32 v8;
	v4 =	vadd.f32 v4, v6  }
0x32f: {  	v6 =	vunpack.i.u.bf16.f32 v8;
	v8 =	vadd.f32 v10, v12;
	v3 =	vadd.f32 v3, v5  }
0x330: {  	v5 =	vadd.f32 v6, v7;
	v6 =	vunpack.i.l.bf16.f32 v9;
	v2 =	vadd.f32 v2, v4  }
0x331: {  	v4 =	vunpack.i.u.bf16.f32 v9;
	v6 =	vadd.f32 v6, v8;
	v1 =	vadd.f32 v1, v3  }
0x332: {  	v3 =	vadd.f32 v4, v5;
	v4 =	vunpack.i.l.bf16.f32 v14;
	v0 =	vadd.f32 v0, v2  }
0x333: {  	v2 =	vunpack.i.u.bf16.f32 v14;
	v4 =	vadd.f32 v4, v6;
	v1 =	vmul.f32 $4.999999890e-03, v1  }
0x334: {  	v2 =	vadd.f32 v2, v3;
	v0 =	vmul.f32 $4.999999890e-03, v0  }
0x335: {  	[tilespmem:s19+$0x10280] =	vst v1;
	v1 =	vmul.f32 $4.999999890e-03, v4  }
0x336: {  	[tilespmem:s19+$0x10290] =	vst v0;
	v0 =	vmul.f32 $4.999999890e-03, v2  }
0x337: {  	[tilespmem:s19+$0x102A0] =	vst v1  }
0x338: {  	s25 =	simm.s32 @!p2 $0x80;
	s28 =	simm.s32 @!p2 $0x4B00;
	s23 =	sadd.s32 @!p2 $0x2008, s21;
	[tilespmem:s19+$0x102B0] =	vst v0  }
0x339: {  	[tilespmem:s28], [sflag:$0x2] =	stream.indirect.gather @!p2 [spmem:s2], $0x20, s23, s25, $0xb8;
	[tilespmem:$0x15820] =	vst v63  }
0x33a: {  	s23 =	sadd.s32 @!p2 $0x2088, s21;
	s25 =	simm.s32 @!p2 $0x48;
	s28 =	simm.s32 @!p2 $0x5B00  }
0x33b: {  	[tilespmem:s28], [sflag:$0x2] =	stream.indirect.gather @!p2 [spmem:s2], $0x20, s23, s25, $0xb8;
	[tilespmem:$0x15820] =	vst v63  }
0x33c: {  	_ =	swait.ge [sflag:s5], $0x1900  }
0x33d: {  	[sflag:s5] =	ssyncset.done $0x0  }
0x33e: {  	s23 =	simm.s32 $0x7D80;
	[sflag:s5] =	ssyncadd.s32 $0xFFFFE700  }
0x33f: {  	v1 =	vld [tilespmem:s23+$0x60]  }
0x340: {  	v3 =	vld [tilespmem:s23+$0x40]  }
0x341: {  	v5 =	vld [tilespmem:s23+$0x20]  }
0x342: {  	v7 =	vld [tilespmem:s23+$0x0]  }
0x343: {  	v8 =	vld [tilespmem:s23+$0xFFFFFFE0]  }
0x344: {  	v9 =	vld [tilespmem:s23+$0xFFFFFFC0]  }
0x345: {  	v10 =	vld [tilespmem:s23+$0xFFFFFFA0]  }
0x346: {  	v11 =	vld [tilespmem:s23+$0xFFFFFF80]  }
0x347: {  	v12 =	vimm.f32 $0.0e+00;
	v13 =	vld [tilespmem:s23+$0xFFFFFF90];
	v0 =	vunpack.i.u.bf16.f32 v1;
	v1 =	vunpack.i.l.bf16.f32 v1  }
0x348: {  	v4 =	vunpack.i.u.bf16.f32 v5;
	v2 =	vunpack.i.u.bf16.f32 v3;
	v3 =	vunpack.i.l.bf16.f32 v3  }
0x349: {  	v14 =	vld [tilespmem:s23+$0xFFFFFFB0];
	v6 =	vunpack.i.u.bf16.f32 v7;
	v7 =	vunpack.i.l.bf16.f32 v7;
	v5 =	vunpack.i.l.bf16.f32 v5  }
0x34a: {  	v15 =	vunpack.i.u.bf16.f32 v9;
	v17 =	vunpack.i.u.bf16.f32 v8;
	v18 =	vunpack.i.l.bf16.f32 v8  }
0x34b: {  	v16 =	vld [tilespmem:s23+$0xFFFFFFD0];
	v8 =	vunpack.i.u.bf16.f32 v10;
	v10 =	vunpack.i.l.bf16.f32 v10;
	v9 =	vunpack.i.l.bf16.f32 v9  }
0x34c: {  	v19 =	vunpack.i.u.bf16.f32 v11;
	v11 =	vunpack.i.l.bf16.f32 v11;
	v20 =	vunpack.i.u.bf16.f32 v13  }
0x34d: {  	v21 =	vld [tilespmem:s23+$0xFFFFFFF0];
	v13 =	vunpack.i.l.bf16.f32 v13;
	v11 =	vadd.f32 v11, v12;
	v19 =	vadd.f32 v19, v12  }
0x34e: {  	v62 =	vunpack.i.u.bf16.f32 v14;
	v13 =	vadd.f32 v13, v12;
	v12 =	vadd.f32 v20, v12  }
0x34f: {  	v14 =	vunpack.i.l.bf16.f32 v14;
	v11 =	vadd.f32 v10, v11;
	v8 =	vadd.f32 v8, v19;
	v10 =	vld [tilespmem:s23+$0x10]  }
0x350: {  	v13 =	vadd.f32 v14, v13;
	v14 =	vadd.f32 v62, v12;
	v19 =	vunpack.i.u.bf16.f32 v16  }
0x351: {  	v12 =	vunpack.i.l.bf16.f32 v16;
	v9 =	vadd.f32 v9, v11;
	v63 =	vadd.f32 v15, v8;
	v8 =	vld [tilespmem:s23+$0x30]  }
0x352: {  	v16 =	vunpack.i.l.bf16.f32 v21;
	v12 =	vadd.f32 v12, v13;
	v11 =	vadd.f32 v19, v14  }
0x353: {  	s25 =	simm.s32 $0x0;
	s28 =	simm.s32 $0x7E80;
	v13 =	vunpack.i.u.bf16.f32 v21;
	v15 =	vadd.f32 v18, v9;
	v14 =	vadd.f32 v17, v63;
	v9 =	vld [tilespmem:s23+$0x50]  }
.LBB2_29:
0x354: {  	v17 =	vld [tilespmem:s28+$0x60];
	v12 =	vadd.f32 v16, v12;
	v11 =	vadd.f32 v13, v11;
	v13 =	vunpack.i.u.bf16.f32 v10  }
0x355: {  	v10 =	vunpack.i.l.bf16.f32 v10;
	v7 =	vadd.f32 v7, v15;
	v6 =	vadd.f32 v6, v14;
	v14 =	vld [tilespmem:s23+$0x70];
	s23 =	smov.u32 s28  }
0x356: {  	v15 =	vld [tilespmem:s28+$0x40];
	v10 =	vadd.f32 v10, v12;
	v11 =	vadd.f32 v13, v11;
	v12 =	vunpack.i.u.bf16.f32 v8  }
0x357: {  	v8 =	vunpack.i.l.bf16.f32 v8;
	v13 =	vld [tilespmem:s28+$0x20];
	v5 =	vadd.f32 v5, v7;
	v4 =	vadd.f32 v4, v6  }
0x358: {  	v7 =	vld [tilespmem:s28+$0x0];
	v6 =	vadd.f32 v8, v10;
	v8 =	vadd.f32 v12, v11;
	v10 =	vunpack.i.u.bf16.f32 v9  }
0x359: {  	v9 =	vunpack.i.l.bf16.f32 v9;
	v11 =	vld [tilespmem:s28+$0xFFFFFFE0];
	v3 =	vadd.f32 v3, v5;
	v2 =	vadd.f32 v2, v4  }
0x35a: {  	v12 =	vld [tilespmem:s28+$0xFFFFFFC0];
	v4 =	vadd.f32 v9, v6;
	v5 =	vadd.f32 v10, v8;
	v6 =	vunpack.i.u.bf16.f32 v14  }
0x35b: {  	v9 =	vunpack.i.l.bf16.f32 v14;
	v8 =	vld [tilespmem:s28+$0xFFFFFFA0];
	v10 =	vadd.f32 v1, v3;
	v14 =	vadd.f32 v0, v2  }
0x35c: {  	v16 =	vld [tilespmem:s28+$0xFFFFFF80];
	v9 =	vadd.f32 v9, v4;
	v18 =	vadd.f32 v6, v5  }
0x35d: {  	v0 =	vunpack.i.u.bf16.f32 v17;
	v1 =	vunpack.i.l.bf16.f32 v17;
	v19 =	vld [tilespmem:s28+$0xFFFFFF90]  }
0x35e: {  	s25 =	sadd.s32 $0x8, s25;
	v2 =	vunpack.i.u.bf16.f32 v15;
	v3 =	vunpack.i.l.bf16.f32 v15;
	v4 =	vunpack.i.u.bf16.f32 v13  }
0x35f: {  	p3 =	slt.u32 s25, $0xC0;
	v5 =	vunpack.i.l.bf16.f32 v13;
	v6 =	vunpack.i.u.bf16.f32 v7;
	v7 =	vunpack.i.l.bf16.f32 v7;
	v15 =	vld [tilespmem:s28+$0xFFFFFFB0]  }
0x360: {  	v17 =	vunpack.i.u.bf16.f32 v11;
	v20 =	vunpack.i.l.bf16.f32 v11;
	v13 =	vunpack.i.u.bf16.f32 v12  }
0x361: {  	v12 =	vunpack.i.l.bf16.f32 v12;
	v11 =	vunpack.i.u.bf16.f32 v8;
	v8 =	vunpack.i.l.bf16.f32 v8;
	v21 =	vld [tilespmem:s28+$0xFFFFFFD0]  }
0x362: {  	v22 =	vunpack.i.u.bf16.f32 v16;
	v16 =	vunpack.i.l.bf16.f32 v16;
	v23 =	vunpack.i.u.bf16.f32 v19  }
0x363: {  	v19 =	vunpack.i.l.bf16.f32 v19;
	v10 =	vadd.f32 v16, v10;
	v14 =	vadd.f32 v22, v14;
	v16 =	vld [tilespmem:s28+$0xFFFFFFF0]  }
0x364: {  	v9 =	vadd.f32 v19, v9;
	v18 =	vadd.f32 v23, v18;
	v19 =	vunpack.i.u.bf16.f32 v15  }
.Ltmp15:
0x365: {  	v15 =	vunpack.i.l.bf16.f32 v15;
	v8 =	vadd.f32 v8, v10;
	v11 =	vadd.f32 v11, v14;
	v10 =	vld [tilespmem:s28+$0x10];
	(pc) =	sbr.rel @p3 .LBB2_29-.Ltmp15, $4  }
0x366: {  	v9 =	vadd.f32 v15, v9;
	v14 =	vadd.f32 v19, v18;
	v15 =	vunpack.i.u.bf16.f32 v21  }
0x367: {  	v18 =	vunpack.i.l.bf16.f32 v21;
	v19 =	vadd.f32 v12, v8;
	v21 =	vadd.f32 v13, v11;
	v8 =	vld [tilespmem:s28+$0x30]  }
0x368: {  	v12 =	vadd.f32 v18, v9;
	v11 =	vadd.f32 v15, v14;
	v13 =	vunpack.i.u.bf16.f32 v16  }
0x369: {  	s28 =	sadd.s32 $0x100, s28;
	v16 =	vunpack.i.l.bf16.f32 v16;
	v15 =	vadd.f32 v20, v19;
	v14 =	vadd.f32 v17, v21;
	v9 =	vld [tilespmem:s23+$0x50]  }
0x36a: {  	_ = 	snop  }
0x36b: {  	v12 =	vadd.f32 v16, v12;
	v7 =	vadd.f32 v7, v15  }
0x36c: {  	v11 =	vadd.f32 v13, v11;
	v13 =	vunpack.i.l.bf16.f32 v10;
	v6 =	vadd.f32 v6, v14  }
0x36d: {  	v10 =	vunpack.i.u.bf16.f32 v10;
	v14 =	vld [tilespmem:s23+$0x70];
	v12 =	vadd.f32 v13, v12;
	v5 =	vadd.f32 v5, v7  }
0x36e: {  	v7 =	vadd.f32 v10, v11;
	v10 =	vunpack.i.l.bf16.f32 v8;
	v4 =	vadd.f32 v4, v6  }
0x36f: {  	v6 =	vunpack.i.u.bf16.f32 v8;
	v8 =	vadd.f32 v10, v12;
	v3 =	vadd.f32 v3, v5  }
0x370: {  	v5 =	vadd.f32 v6, v7;
	v6 =	vunpack.i.l.bf16.f32 v9;
	v2 =	vadd.f32 v2, v4  }
0x371: {  	v4 =	vunpack.i.u.bf16.f32 v9;
	v6 =	vadd.f32 v6, v8;
	v1 =	vadd.f32 v1, v3  }
0x372: {  	v3 =	vadd.f32 v4, v5;
	v4 =	vunpack.i.l.bf16.f32 v14;
	v0 =	vadd.f32 v0, v2  }
0x373: {  	v2 =	vunpack.i.u.bf16.f32 v14;
	v4 =	vadd.f32 v4, v6;
	v1 =	vmul.f32 $4.999999890e-03, v1  }
0x374: {  	v2 =	vadd.f32 v2, v3;
	v0 =	vmul.f32 $4.999999890e-03, v0  }
0x375: {  	[tilespmem:s19+$0x102C0] =	vst v1;
	v1 =	vmul.f32 $4.999999890e-03, v4  }
0x376: {  	[tilespmem:s19+$0x102D0] =	vst v0;
	v0 =	vmul.f32 $4.999999890e-03, v2  }
0x377: {  	[tilespmem:s19+$0x102E0] =	vst v1  }
0x378: {  	s25 =	simm.s32 @!p2 $0x80;
	s28 =	simm.s32 @!p2 $0x6400;
	s23 =	sadd.s32 @!p2 $0x20D0, s21;
	[tilespmem:s19+$0x102F0] =	vst v0  }
0x379: {  	[tilespmem:s28], [sflag:$0x3] =	stream.indirect.gather @!p2 [spmem:s2], $0x20, s23, s25, $0xb8;
	[tilespmem:$0x15820] =	vst v63  }
0x37a: {  	s23 =	sadd.s32 @!p2 $0x2150, s21;
	s25 =	simm.s32 @!p2 $0x48;
	s28 =	simm.s32 @!p2 $0x7400  }
0x37b: {  	[tilespmem:s28], [sflag:$0x3] =	stream.indirect.gather @!p2 [spmem:s2], $0x20, s23, s25, $0xb8;
	[tilespmem:$0x15820] =	vst v63  }
0x37c: {  	_ =	swait.ge [sflag:s8], $0x1900  }
0x37d: {  	[sflag:s8] =	ssyncset.done $0x0  }
0x37e: {  	s23 =	simm.s32 $0x9680;
	[sflag:s8] =	ssyncadd.s32 $0xFFFFE700  }
0x37f: {  	v1 =	vld [tilespmem:s23+$0x60]  }
0x380: {  	v3 =	vld [tilespmem:s23+$0x40]  }
0x381: {  	v5 =	vld [tilespmem:s23+$0x20]  }
0x382: {  	v7 =	vld [tilespmem:s23+$0x0]  }
0x383: {  	v8 =	vld [tilespmem:s23+$0xFFFFFFE0]  }
0x384: {  	v9 =	vld [tilespmem:s23+$0xFFFFFFC0]  }
0x385: {  	v10 =	vld [tilespmem:s23+$0xFFFFFFA0]  }
0x386: {  	v11 =	vld [tilespmem:s23+$0xFFFFFF80]  }
0x387: {  	v12 =	vimm.f32 $0.0e+00;
	v13 =	vld [tilespmem:s23+$0xFFFFFF90];
	v0 =	vunpack.i.u.bf16.f32 v1;
	v1 =	vunpack.i.l.bf16.f32 v1  }
0x388: {  	v4 =	vunpack.i.u.bf16.f32 v5;
	v2 =	vunpack.i.u.bf16.f32 v3;
	v3 =	vunpack.i.l.bf16.f32 v3  }
0x389: {  	v14 =	vld [tilespmem:s23+$0xFFFFFFB0];
	v6 =	vunpack.i.u.bf16.f32 v7;
	v7 =	vunpack.i.l.bf16.f32 v7;
	v5 =	vunpack.i.l.bf16.f32 v5  }
0x38a: {  	v15 =	vunpack.i.u.bf16.f32 v9;
	v17 =	vunpack.i.u.bf16.f32 v8;
	v18 =	vunpack.i.l.bf16.f32 v8  }
0x38b: {  	v16 =	vld [tilespmem:s23+$0xFFFFFFD0];
	v8 =	vunpack.i.u.bf16.f32 v10;
	v10 =	vunpack.i.l.bf16.f32 v10;
	v9 =	vunpack.i.l.bf16.f32 v9  }
0x38c: {  	v19 =	vunpack.i.u.bf16.f32 v11;
	v11 =	vunpack.i.l.bf16.f32 v11;
	v20 =	vunpack.i.u.bf16.f32 v13  }
0x38d: {  	v21 =	vld [tilespmem:s23+$0xFFFFFFF0];
	v13 =	vunpack.i.l.bf16.f32 v13;
	v11 =	vadd.f32 v11, v12;
	v19 =	vadd.f32 v19, v12  }
0x38e: {  	v62 =	vunpack.i.u.bf16.f32 v14;
	v13 =	vadd.f32 v13, v12;
	v12 =	vadd.f32 v20, v12  }
0x38f: {  	v14 =	vunpack.i.l.bf16.f32 v14;
	v11 =	vadd.f32 v10, v11;
	v8 =	vadd.f32 v8, v19;
	v10 =	vld [tilespmem:s23+$0x10]  }
0x390: {  	v13 =	vadd.f32 v14, v13;
	v14 =	vadd.f32 v62, v12;
	v19 =	vunpack.i.u.bf16.f32 v16  }
0x391: {  	v12 =	vunpack.i.l.bf16.f32 v16;
	v9 =	vadd.f32 v9, v11;
	v63 =	vadd.f32 v15, v8;
	v8 =	vld [tilespmem:s23+$0x30]  }
0x392: {  	v16 =	vunpack.i.l.bf16.f32 v21;
	v12 =	vadd.f32 v12, v13;
	v11 =	vadd.f32 v19, v14  }
0x393: {  	s25 =	simm.s32 $0x0;
	s28 =	simm.s32 $0x9780;
	v13 =	vunpack.i.u.bf16.f32 v21;
	v15 =	vadd.f32 v18, v9;
	v14 =	vadd.f32 v17, v63;
	v9 =	vld [tilespmem:s23+$0x50]  }
.LBB2_31:
0x394: {  	v17 =	vld [tilespmem:s28+$0x60];
	v12 =	vadd.f32 v16, v12;
	v11 =	vadd.f32 v13, v11;
	v13 =	vunpack.i.u.bf16.f32 v10  }
0x395: {  	v10 =	vunpack.i.l.bf16.f32 v10;
	v7 =	vadd.f32 v7, v15;
	v6 =	vadd.f32 v6, v14;
	v14 =	vld [tilespmem:s23+$0x70];
	s23 =	smov.u32 s28  }
0x396: {  	v15 =	vld [tilespmem:s28+$0x40];
	v10 =	vadd.f32 v10, v12;
	v11 =	vadd.f32 v13, v11;
	v12 =	vunpack.i.u.bf16.f32 v8  }
0x397: {  	v8 =	vunpack.i.l.bf16.f32 v8;
	v13 =	vld [tilespmem:s28+$0x20];
	v5 =	vadd.f32 v5, v7;
	v4 =	vadd.f32 v4, v6  }
0x398: {  	v7 =	vld [tilespmem:s28+$0x0];
	v6 =	vadd.f32 v8, v10;
	v8 =	vadd.f32 v12, v11;
	v10 =	vunpack.i.u.bf16.f32 v9  }
0x399: {  	v9 =	vunpack.i.l.bf16.f32 v9;
	v11 =	vld [tilespmem:s28+$0xFFFFFFE0];
	v3 =	vadd.f32 v3, v5;
	v2 =	vadd.f32 v2, v4  }
0x39a: {  	v12 =	vld [tilespmem:s28+$0xFFFFFFC0];
	v4 =	vadd.f32 v9, v6;
	v5 =	vadd.f32 v10, v8;
	v6 =	vunpack.i.u.bf16.f32 v14  }
0x39b: {  	v9 =	vunpack.i.l.bf16.f32 v14;
	v8 =	vld [tilespmem:s28+$0xFFFFFFA0];
	v10 =	vadd.f32 v1, v3;
	v14 =	vadd.f32 v0, v2  }
0x39c: {  	v16 =	vld [tilespmem:s28+$0xFFFFFF80];
	v9 =	vadd.f32 v9, v4;
	v18 =	vadd.f32 v6, v5  }
0x39d: {  	v0 =	vunpack.i.u.bf16.f32 v17;
	v1 =	vunpack.i.l.bf16.f32 v17;
	v19 =	vld [tilespmem:s28+$0xFFFFFF90]  }
0x39e: {  	s25 =	sadd.s32 $0x8, s25;
	v2 =	vunpack.i.u.bf16.f32 v15;
	v3 =	vunpack.i.l.bf16.f32 v15;
	v4 =	vunpack.i.u.bf16.f32 v13  }
0x39f: {  	p3 =	slt.u32 s25, $0xC0;
	v5 =	vunpack.i.l.bf16.f32 v13;
	v6 =	vunpack.i.u.bf16.f32 v7;
	v7 =	vunpack.i.l.bf16.f32 v7;
	v15 =	vld [tilespmem:s28+$0xFFFFFFB0]  }
0x3a0: {  	v17 =	vunpack.i.u.bf16.f32 v11;
	v20 =	vunpack.i.l.bf16.f32 v11;
	v13 =	vunpack.i.u.bf16.f32 v12  }
0x3a1: {  	v12 =	vunpack.i.l.bf16.f32 v12;
	v11 =	vunpack.i.u.bf16.f32 v8;
	v8 =	vunpack.i.l.bf16.f32 v8;
	v21 =	vld [tilespmem:s28+$0xFFFFFFD0]  }
0x3a2: {  	v22 =	vunpack.i.u.bf16.f32 v16;
	v16 =	vunpack.i.l.bf16.f32 v16;
	v23 =	vunpack.i.u.bf16.f32 v19  }
0x3a3: {  	v19 =	vunpack.i.l.bf16.f32 v19;
	v10 =	vadd.f32 v16, v10;
	v14 =	vadd.f32 v22, v14;
	v16 =	vld [tilespmem:s28+$0xFFFFFFF0]  }
0x3a4: {  	v9 =	vadd.f32 v19, v9;
	v18 =	vadd.f32 v23, v18;
	v19 =	vunpack.i.u.bf16.f32 v15  }
.Ltmp16:
0x3a5: {  	v15 =	vunpack.i.l.bf16.f32 v15;
	v8 =	vadd.f32 v8, v10;
	v11 =	vadd.f32 v11, v14;
	v10 =	vld [tilespmem:s28+$0x10];
	(pc) =	sbr.rel @p3 .LBB2_31-.Ltmp16, $4  }
0x3a6: {  	v9 =	vadd.f32 v15, v9;
	v14 =	vadd.f32 v19, v18;
	v15 =	vunpack.i.u.bf16.f32 v21  }
0x3a7: {  	v18 =	vunpack.i.l.bf16.f32 v21;
	v19 =	vadd.f32 v12, v8;
	v21 =	vadd.f32 v13, v11;
	v8 =	vld [tilespmem:s28+$0x30]  }
0x3a8: {  	v12 =	vadd.f32 v18, v9;
	v11 =	vadd.f32 v15, v14;
	v13 =	vunpack.i.u.bf16.f32 v16  }
0x3a9: {  	s28 =	sadd.s32 $0x100, s28;
	v16 =	vunpack.i.l.bf16.f32 v16;
	v15 =	vadd.f32 v20, v19;
	v14 =	vadd.f32 v17, v21;
	v9 =	vld [tilespmem:s23+$0x50]  }
0x3aa: {  	_ = 	snop  }
0x3ab: {  	v12 =	vadd.f32 v16, v12;
	v7 =	vadd.f32 v7, v15  }
0x3ac: {  	v11 =	vadd.f32 v13, v11;
	v13 =	vunpack.i.l.bf16.f32 v10;
	v6 =	vadd.f32 v6, v14  }
0x3ad: {  	v10 =	vunpack.i.u.bf16.f32 v10;
	v14 =	vld [tilespmem:s23+$0x70];
	v12 =	vadd.f32 v13, v12;
	v5 =	vadd.f32 v5, v7  }
0x3ae: {  	v7 =	vadd.f32 v10, v11;
	v10 =	vunpack.i.l.bf16.f32 v8;
	v4 =	vadd.f32 v4, v6  }
0x3af: {  	v6 =	vunpack.i.u.bf16.f32 v8;
	v8 =	vadd.f32 v10, v12;
	v3 =	vadd.f32 v3, v5  }
0x3b0: {  	v5 =	vadd.f32 v6, v7;
	v6 =	vunpack.i.l.bf16.f32 v9;
	v2 =	vadd.f32 v2, v4  }
0x3b1: {  	v4 =	vunpack.i.u.bf16.f32 v9;
	v6 =	vadd.f32 v6, v8;
	v1 =	vadd.f32 v1, v3  }
0x3b2: {  	v3 =	vadd.f32 v4, v5;
	v4 =	vunpack.i.l.bf16.f32 v14;
	v0 =	vadd.f32 v0, v2  }
0x3b3: {  	v2 =	vunpack.i.u.bf16.f32 v14;
	v4 =	vadd.f32 v4, v6;
	v1 =	vmul.f32 $4.999999890e-03, v1  }
0x3b4: {  	v2 =	vadd.f32 v2, v3;
	v0 =	vmul.f32 $4.999999890e-03, v0  }
0x3b5: {  	[tilespmem:s19+$0x10300] =	vst v1;
	v1 =	vmul.f32 $4.999999890e-03, v4  }
0x3b6: {  	[tilespmem:s19+$0x10310] =	vst v0;
	v0 =	vmul.f32 $4.999999890e-03, v2  }
0x3b7: {  	[tilespmem:s19+$0x10320] =	vst v1  }
0x3b8: {  	s25 =	simm.s32 @!p2 $0x80;
	s28 =	simm.s32 @!p2 $0x7D00;
	s23 =	sadd.s32 @!p2 $0x2198, s21;
	[tilespmem:s19+$0x10330] =	vst v0  }
0x3b9: {  	[tilespmem:s28], [sflag:$0x4] =	stream.indirect.gather @!p2 [spmem:s2], $0x20, s23, s25, $0xb8;
	[tilespmem:$0x15820] =	vst v63  }
0x3ba: {  	s23 =	sadd.s32 @!p2 $0x2218, s21;
	s25 =	simm.s32 @!p2 $0x48;
	s28 =	simm.s32 @!p2 $0x8D00  }
0x3bb: {  	[tilespmem:s28], [sflag:$0x4] =	stream.indirect.gather @!p2 [spmem:s2], $0x20, s23, s25, $0xb8;
	[tilespmem:$0x15820] =	vst v63  }
0x3bc: {  	_ =	swait.ge [sflag:s10], $0x1900  }
0x3bd: {  	[sflag:s10] =	ssyncset.done $0x0  }
0x3be: {  	s23 =	simm.s32 $0xAF80;
	[sflag:s10] =	ssyncadd.s32 $0xFFFFE700  }
0x3bf: {  	v1 =	vld [tilespmem:s23+$0x60]  }
0x3c0: {  	v3 =	vld [tilespmem:s23+$0x40]  }
0x3c1: {  	v5 =	vld [tilespmem:s23+$0x20]  }
0x3c2: {  	v7 =	vld [tilespmem:s23+$0x0]  }
0x3c3: {  	v8 =	vld [tilespmem:s23+$0xFFFFFFE0]  }
0x3c4: {  	v9 =	vld [tilespmem:s23+$0xFFFFFFC0]  }
0x3c5: {  	v10 =	vld [tilespmem:s23+$0xFFFFFFA0]  }
0x3c6: {  	v11 =	vld [tilespmem:s23+$0xFFFFFF80]  }
0x3c7: {  	v12 =	vimm.f32 $0.0e+00;
	v13 =	vld [tilespmem:s23+$0xFFFFFF90];
	v0 =	vunpack.i.u.bf16.f32 v1;
	v1 =	vunpack.i.l.bf16.f32 v1  }
0x3c8: {  	v4 =	vunpack.i.u.bf16.f32 v5;
	v2 =	vunpack.i.u.bf16.f32 v3;
	v3 =	vunpack.i.l.bf16.f32 v3  }
0x3c9: {  	v14 =	vld [tilespmem:s23+$0xFFFFFFB0];
	v6 =	vunpack.i.u.bf16.f32 v7;
	v7 =	vunpack.i.l.bf16.f32 v7;
	v5 =	vunpack.i.l.bf16.f32 v5  }
0x3ca: {  	v15 =	vunpack.i.u.bf16.f32 v9;
	v17 =	vunpack.i.u.bf16.f32 v8;
	v18 =	vunpack.i.l.bf16.f32 v8  }
0x3cb: {  	v16 =	vld [tilespmem:s23+$0xFFFFFFD0];
	v8 =	vunpack.i.u.bf16.f32 v10;
	v10 =	vunpack.i.l.bf16.f32 v10;
	v9 =	vunpack.i.l.bf16.f32 v9  }
0x3cc: {  	v19 =	vunpack.i.u.bf16.f32 v11;
	v11 =	vunpack.i.l.bf16.f32 v11;
	v20 =	vunpack.i.u.bf16.f32 v13  }
0x3cd: {  	v21 =	vld [tilespmem:s23+$0xFFFFFFF0];
	v13 =	vunpack.i.l.bf16.f32 v13;
	v11 =	vadd.f32 v11, v12;
	v19 =	vadd.f32 v19, v12  }
0x3ce: {  	v62 =	vunpack.i.u.bf16.f32 v14;
	v13 =	vadd.f32 v13, v12;
	v12 =	vadd.f32 v20, v12  }
0x3cf: {  	v14 =	vunpack.i.l.bf16.f32 v14;
	v11 =	vadd.f32 v10, v11;
	v8 =	vadd.f32 v8, v19;
	v10 =	vld [tilespmem:s23+$0x10]  }
0x3d0: {  	v13 =	vadd.f32 v14, v13;
	v14 =	vadd.f32 v62, v12;
	v19 =	vunpack.i.u.bf16.f32 v16  }
0x3d1: {  	v12 =	vunpack.i.l.bf16.f32 v16;
	v9 =	vadd.f32 v9, v11;
	v63 =	vadd.f32 v15, v8;
	v8 =	vld [tilespmem:s23+$0x30]  }
0x3d2: {  	v16 =	vunpack.i.l.bf16.f32 v21;
	v12 =	vadd.f32 v12, v13;
	v11 =	vadd.f32 v19, v14  }
0x3d3: {  	s25 =	simm.s32 $0x0;
	s28 =	simm.s32 $0xB080;
	v13 =	vunpack.i.u.bf16.f32 v21;
	v15 =	vadd.f32 v18, v9;
	v14 =	vadd.f32 v17, v63;
	v9 =	vld [tilespmem:s23+$0x50]  }
.LBB2_33:
0x3d4: {  	v17 =	vld [tilespmem:s28+$0x60];
	v12 =	vadd.f32 v16, v12;
	v11 =	vadd.f32 v13, v11;
	v13 =	vunpack.i.u.bf16.f32 v10  }
0x3d5: {  	v10 =	vunpack.i.l.bf16.f32 v10;
	v7 =	vadd.f32 v7, v15;
	v6 =	vadd.f32 v6, v14;
	v14 =	vld [tilespmem:s23+$0x70];
	s23 =	smov.u32 s28  }
0x3d6: {  	v15 =	vld [tilespmem:s28+$0x40];
	v10 =	vadd.f32 v10, v12;
	v11 =	vadd.f32 v13, v11;
	v12 =	vunpack.i.u.bf16.f32 v8  }
0x3d7: {  	v8 =	vunpack.i.l.bf16.f32 v8;
	v13 =	vld [tilespmem:s28+$0x20];
	v5 =	vadd.f32 v5, v7;
	v4 =	vadd.f32 v4, v6  }
0x3d8: {  	v7 =	vld [tilespmem:s28+$0x0];
	v6 =	vadd.f32 v8, v10;
	v8 =	vadd.f32 v12, v11;
	v10 =	vunpack.i.u.bf16.f32 v9  }
0x3d9: {  	v9 =	vunpack.i.l.bf16.f32 v9;
	v11 =	vld [tilespmem:s28+$0xFFFFFFE0];
	v3 =	vadd.f32 v3, v5;
	v2 =	vadd.f32 v2, v4  }
0x3da: {  	v12 =	vld [tilespmem:s28+$0xFFFFFFC0];
	v4 =	vadd.f32 v9, v6;
	v5 =	vadd.f32 v10, v8;
	v6 =	vunpack.i.u.bf16.f32 v14  }
0x3db: {  	v9 =	vunpack.i.l.bf16.f32 v14;
	v8 =	vld [tilespmem:s28+$0xFFFFFFA0];
	v10 =	vadd.f32 v1, v3;
	v14 =	vadd.f32 v0, v2  }
0x3dc: {  	v16 =	vld [tilespmem:s28+$0xFFFFFF80];
	v9 =	vadd.f32 v9, v4;
	v18 =	vadd.f32 v6, v5  }
0x3dd: {  	v0 =	vunpack.i.u.bf16.f32 v17;
	v1 =	vunpack.i.l.bf16.f32 v17;
	v19 =	vld [tilespmem:s28+$0xFFFFFF90]  }
0x3de: {  	s25 =	sadd.s32 $0x8, s25;
	v2 =	vunpack.i.u.bf16.f32 v15;
	v3 =	vunpack.i.l.bf16.f32 v15;
	v4 =	vunpack.i.u.bf16.f32 v13  }
0x3df: {  	p3 =	slt.u32 s25, $0xC0;
	v5 =	vunpack.i.l.bf16.f32 v13;
	v6 =	vunpack.i.u.bf16.f32 v7;
	v7 =	vunpack.i.l.bf16.f32 v7;
	v15 =	vld [tilespmem:s28+$0xFFFFFFB0]  }
0x3e0: {  	v17 =	vunpack.i.u.bf16.f32 v11;
	v20 =	vunpack.i.l.bf16.f32 v11;
	v13 =	vunpack.i.u.bf16.f32 v12  }
0x3e1: {  	v12 =	vunpack.i.l.bf16.f32 v12;
	v11 =	vunpack.i.u.bf16.f32 v8;
	v8 =	vunpack.i.l.bf16.f32 v8;
	v21 =	vld [tilespmem:s28+$0xFFFFFFD0]  }
0x3e2: {  	v22 =	vunpack.i.u.bf16.f32 v16;
	v16 =	vunpack.i.l.bf16.f32 v16;
	v23 =	vunpack.i.u.bf16.f32 v19  }
0x3e3: {  	v19 =	vunpack.i.l.bf16.f32 v19;
	v10 =	vadd.f32 v16, v10;
	v14 =	vadd.f32 v22, v14;
	v16 =	vld [tilespmem:s28+$0xFFFFFFF0]  }
0x3e4: {  	v9 =	vadd.f32 v19, v9;
	v18 =	vadd.f32 v23, v18;
	v19 =	vunpack.i.u.bf16.f32 v15  }
.Ltmp17:
0x3e5: {  	v15 =	vunpack.i.l.bf16.f32 v15;
	v8 =	vadd.f32 v8, v10;
	v11 =	vadd.f32 v11, v14;
	v10 =	vld [tilespmem:s28+$0x10];
	(pc) =	sbr.rel @p3 .LBB2_33-.Ltmp17, $4  }
0x3e6: {  	v9 =	vadd.f32 v15, v9;
	v14 =	vadd.f32 v19, v18;
	v15 =	vunpack.i.u.bf16.f32 v21  }
0x3e7: {  	v18 =	vunpack.i.l.bf16.f32 v21;
	v19 =	vadd.f32 v12, v8;
	v21 =	vadd.f32 v13, v11;
	v8 =	vld [tilespmem:s28+$0x30]  }
0x3e8: {  	v12 =	vadd.f32 v18, v9;
	v11 =	vadd.f32 v15, v14;
	v13 =	vunpack.i.u.bf16.f32 v16  }
0x3e9: {  	s28 =	sadd.s32 $0x100, s28;
	v16 =	vunpack.i.l.bf16.f32 v16;
	v15 =	vadd.f32 v20, v19;
	v14 =	vadd.f32 v17, v21;
	v9 =	vld [tilespmem:s23+$0x50]  }
0x3ea: {  	_ = 	snop  }
0x3eb: {  	v12 =	vadd.f32 v16, v12;
	v7 =	vadd.f32 v7, v15  }
0x3ec: {  	v11 =	vadd.f32 v13, v11;
	v13 =	vunpack.i.l.bf16.f32 v10;
	v6 =	vadd.f32 v6, v14  }
0x3ed: {  	v10 =	vunpack.i.u.bf16.f32 v10;
	v14 =	vld [tilespmem:s23+$0x70];
	v12 =	vadd.f32 v13, v12;
	v5 =	vadd.f32 v5, v7  }
0x3ee: {  	v7 =	vadd.f32 v10, v11;
	v10 =	vunpack.i.l.bf16.f32 v8;
	v4 =	vadd.f32 v4, v6  }
0x3ef: {  	v6 =	vunpack.i.u.bf16.f32 v8;
	v8 =	vadd.f32 v10, v12;
	v3 =	vadd.f32 v3, v5  }
0x3f0: {  	v5 =	vadd.f32 v6, v7;
	v6 =	vunpack.i.l.bf16.f32 v9;
	v2 =	vadd.f32 v2, v4  }
0x3f1: {  	v4 =	vunpack.i.u.bf16.f32 v9;
	v6 =	vadd.f32 v6, v8;
	v1 =	vadd.f32 v1, v3  }
0x3f2: {  	v3 =	vadd.f32 v4, v5;
	v4 =	vunpack.i.l.bf16.f32 v14;
	v0 =	vadd.f32 v0, v2  }
0x3f3: {  	v2 =	vunpack.i.u.bf16.f32 v14;
	v4 =	vadd.f32 v4, v6;
	v1 =	vmul.f32 $4.999999890e-03, v1  }
0x3f4: {  	v2 =	vadd.f32 v2, v3;
	v0 =	vmul.f32 $4.999999890e-03, v0  }
0x3f5: {  	[tilespmem:s19+$0x10340] =	vst v1;
	v1 =	vmul.f32 $4.999999890e-03, v4  }
0x3f6: {  	[tilespmem:s19+$0x10350] =	vst v0;
	v0 =	vmul.f32 $4.999999890e-03, v2  }
0x3f7: {  	[tilespmem:s19+$0x10360] =	vst v1  }
0x3f8: {  	s25 =	simm.s32 @!p2 $0x80;
	s28 =	simm.s32 @!p2 $0x9600;
	s23 =	sadd.s32 @!p2 $0x2260, s21;
	[tilespmem:s19+$0x10370] =	vst v0  }
0x3f9: {  	[tilespmem:s28], [sflag:$0x5] =	stream.indirect.gather @!p2 [spmem:s2], $0x20, s23, s25, $0xb8;
	[tilespmem:$0x15820] =	vst v63  }
0x3fa: {  	s23 =	sadd.s32 @!p2 $0x22E0, s21;
	s25 =	simm.s32 @!p2 $0x48;
	s28 =	simm.s32 @!p2 $0xA600  }
0x3fb: {  	[tilespmem:s28], [sflag:$0x5] =	stream.indirect.gather @!p2 [spmem:s2], $0x20, s23, s25, $0xb8;
	[tilespmem:$0x15820] =	vst v63  }
0x3fc: {  	_ =	swait.ge [sflag:s18], $0x1900  }
0x3fd: {  	[sflag:s18] =	ssyncset.done $0x0  }
0x3fe: {  	s23 =	simm.s32 $0xC880;
	[sflag:s18] =	ssyncadd.s32 $0xFFFFE700  }
0x3ff: {  	v1 =	vld [tilespmem:s23+$0x60]  }
0x400: {  	v3 =	vld [tilespmem:s23+$0x40]  }
0x401: {  	v5 =	vld [tilespmem:s23+$0x20]  }
0x402: {  	v7 =	vld [tilespmem:s23+$0x0]  }
0x403: {  	v8 =	vld [tilespmem:s23+$0xFFFFFFE0]  }
0x404: {  	v9 =	vld [tilespmem:s23+$0xFFFFFFC0]  }
0x405: {  	v10 =	vld [tilespmem:s23+$0xFFFFFFA0]  }
0x406: {  	v11 =	vld [tilespmem:s23+$0xFFFFFF80]  }
0x407: {  	v12 =	vimm.f32 $0.0e+00;
	v13 =	vld [tilespmem:s23+$0xFFFFFF90];
	v0 =	vunpack.i.u.bf16.f32 v1;
	v1 =	vunpack.i.l.bf16.f32 v1  }
0x408: {  	v4 =	vunpack.i.u.bf16.f32 v5;
	v2 =	vunpack.i.u.bf16.f32 v3;
	v3 =	vunpack.i.l.bf16.f32 v3  }
0x409: {  	v14 =	vld [tilespmem:s23+$0xFFFFFFB0];
	v6 =	vunpack.i.u.bf16.f32 v7;
	v7 =	vunpack.i.l.bf16.f32 v7;
	v5 =	vunpack.i.l.bf16.f32 v5  }
0x40a: {  	v15 =	vunpack.i.u.bf16.f32 v9;
	v17 =	vunpack.i.u.bf16.f32 v8;
	v18 =	vunpack.i.l.bf16.f32 v8  }
0x40b: {  	v16 =	vld [tilespmem:s23+$0xFFFFFFD0];
	v8 =	vunpack.i.u.bf16.f32 v10;
	v10 =	vunpack.i.l.bf16.f32 v10;
	v9 =	vunpack.i.l.bf16.f32 v9  }
0x40c: {  	v19 =	vunpack.i.u.bf16.f32 v11;
	v11 =	vunpack.i.l.bf16.f32 v11;
	v20 =	vunpack.i.u.bf16.f32 v13  }
0x40d: {  	v21 =	vld [tilespmem:s23+$0xFFFFFFF0];
	v13 =	vunpack.i.l.bf16.f32 v13;
	v11 =	vadd.f32 v11, v12;
	v19 =	vadd.f32 v19, v12  }
0x40e: {  	v62 =	vunpack.i.u.bf16.f32 v14;
	v13 =	vadd.f32 v13, v12;
	v12 =	vadd.f32 v20, v12  }
0x40f: {  	v14 =	vunpack.i.l.bf16.f32 v14;
	v11 =	vadd.f32 v10, v11;
	v8 =	vadd.f32 v8, v19;
	v10 =	vld [tilespmem:s23+$0x10]  }
0x410: {  	v13 =	vadd.f32 v14, v13;
	v14 =	vadd.f32 v62, v12;
	v19 =	vunpack.i.u.bf16.f32 v16  }
0x411: {  	v12 =	vunpack.i.l.bf16.f32 v16;
	v9 =	vadd.f32 v9, v11;
	v63 =	vadd.f32 v15, v8;
	v8 =	vld [tilespmem:s23+$0x30]  }
0x412: {  	v16 =	vunpack.i.l.bf16.f32 v21;
	v12 =	vadd.f32 v12, v13;
	v11 =	vadd.f32 v19, v14  }
0x413: {  	s25 =	simm.s32 $0x0;
	s28 =	simm.s32 $0xC980;
	v13 =	vunpack.i.u.bf16.f32 v21;
	v15 =	vadd.f32 v18, v9;
	v14 =	vadd.f32 v17, v63;
	v9 =	vld [tilespmem:s23+$0x50]  }
.LBB2_35:
0x414: {  	v17 =	vld [tilespmem:s28+$0x60];
	v12 =	vadd.f32 v16, v12;
	v11 =	vadd.f32 v13, v11;
	v13 =	vunpack.i.u.bf16.f32 v10  }
0x415: {  	v10 =	vunpack.i.l.bf16.f32 v10;
	v7 =	vadd.f32 v7, v15;
	v6 =	vadd.f32 v6, v14;
	v14 =	vld [tilespmem:s23+$0x70];
	s23 =	smov.u32 s28  }
0x416: {  	v15 =	vld [tilespmem:s28+$0x40];
	v10 =	vadd.f32 v10, v12;
	v11 =	vadd.f32 v13, v11;
	v12 =	vunpack.i.u.bf16.f32 v8  }
0x417: {  	v8 =	vunpack.i.l.bf16.f32 v8;
	v13 =	vld [tilespmem:s28+$0x20];
	v5 =	vadd.f32 v5, v7;
	v4 =	vadd.f32 v4, v6  }
0x418: {  	v7 =	vld [tilespmem:s28+$0x0];
	v6 =	vadd.f32 v8, v10;
	v8 =	vadd.f32 v12, v11;
	v10 =	vunpack.i.u.bf16.f32 v9  }
0x419: {  	v9 =	vunpack.i.l.bf16.f32 v9;
	v11 =	vld [tilespmem:s28+$0xFFFFFFE0];
	v3 =	vadd.f32 v3, v5;
	v2 =	vadd.f32 v2, v4  }
0x41a: {  	v12 =	vld [tilespmem:s28+$0xFFFFFFC0];
	v4 =	vadd.f32 v9, v6;
	v5 =	vadd.f32 v10, v8;
	v6 =	vunpack.i.u.bf16.f32 v14  }
0x41b: {  	v9 =	vunpack.i.l.bf16.f32 v14;
	v8 =	vld [tilespmem:s28+$0xFFFFFFA0];
	v10 =	vadd.f32 v1, v3;
	v14 =	vadd.f32 v0, v2  }
0x41c: {  	v16 =	vld [tilespmem:s28+$0xFFFFFF80];
	v9 =	vadd.f32 v9, v4;
	v18 =	vadd.f32 v6, v5  }
0x41d: {  	v0 =	vunpack.i.u.bf16.f32 v17;
	v1 =	vunpack.i.l.bf16.f32 v17;
	v19 =	vld [tilespmem:s28+$0xFFFFFF90]  }
0x41e: {  	s25 =	sadd.s32 $0x8, s25;
	v2 =	vunpack.i.u.bf16.f32 v15;
	v3 =	vunpack.i.l.bf16.f32 v15;
	v4 =	vunpack.i.u.bf16.f32 v13  }
0x41f: {  	p3 =	slt.u32 s25, $0xC0;
	v5 =	vunpack.i.l.bf16.f32 v13;
	v6 =	vunpack.i.u.bf16.f32 v7;
	v7 =	vunpack.i.l.bf16.f32 v7;
	v15 =	vld [tilespmem:s28+$0xFFFFFFB0]  }
0x420: {  	v17 =	vunpack.i.u.bf16.f32 v11;
	v20 =	vunpack.i.l.bf16.f32 v11;
	v13 =	vunpack.i.u.bf16.f32 v12  }
0x421: {  	v12 =	vunpack.i.l.bf16.f32 v12;
	v11 =	vunpack.i.u.bf16.f32 v8;
	v8 =	vunpack.i.l.bf16.f32 v8;
	v21 =	vld [tilespmem:s28+$0xFFFFFFD0]  }
0x422: {  	v22 =	vunpack.i.u.bf16.f32 v16;
	v16 =	vunpack.i.l.bf16.f32 v16;
	v23 =	vunpack.i.u.bf16.f32 v19  }
0x423: {  	v19 =	vunpack.i.l.bf16.f32 v19;
	v10 =	vadd.f32 v16, v10;
	v14 =	vadd.f32 v22, v14;
	v16 =	vld [tilespmem:s28+$0xFFFFFFF0]  }
0x424: {  	v9 =	vadd.f32 v19, v9;
	v18 =	vadd.f32 v23, v18;
	v19 =	vunpack.i.u.bf16.f32 v15  }
.Ltmp18:
0x425: {  	v15 =	vunpack.i.l.bf16.f32 v15;
	v8 =	vadd.f32 v8, v10;
	v11 =	vadd.f32 v11, v14;
	v10 =	vld [tilespmem:s28+$0x10];
	(pc) =	sbr.rel @p3 .LBB2_35-.Ltmp18, $4  }
0x426: {  	v9 =	vadd.f32 v15, v9;
	v14 =	vadd.f32 v19, v18;
	v15 =	vunpack.i.u.bf16.f32 v21  }
0x427: {  	v18 =	vunpack.i.l.bf16.f32 v21;
	v19 =	vadd.f32 v12, v8;
	v21 =	vadd.f32 v13, v11;
	v8 =	vld [tilespmem:s28+$0x30]  }
0x428: {  	v12 =	vadd.f32 v18, v9;
	v11 =	vadd.f32 v15, v14;
	v13 =	vunpack.i.u.bf16.f32 v16  }
0x429: {  	s28 =	sadd.s32 $0x100, s28;
	v16 =	vunpack.i.l.bf16.f32 v16;
	v15 =	vadd.f32 v20, v19;
	v14 =	vadd.f32 v17, v21;
	v9 =	vld [tilespmem:s23+$0x50]  }
0x42a: {  	_ = 	snop  }
0x42b: {  	v12 =	vadd.f32 v16, v12;
	v7 =	vadd.f32 v7, v15  }
0x42c: {  	v11 =	vadd.f32 v13, v11;
	v13 =	vunpack.i.l.bf16.f32 v10;
	v6 =	vadd.f32 v6, v14  }
0x42d: {  	v10 =	vunpack.i.u.bf16.f32 v10;
	v14 =	vld [tilespmem:s23+$0x70];
	v12 =	vadd.f32 v13, v12;
	v5 =	vadd.f32 v5, v7  }
0x42e: {  	v7 =	vadd.f32 v10, v11;
	v10 =	vunpack.i.l.bf16.f32 v8;
	v4 =	vadd.f32 v4, v6  }
0x42f: {  	v6 =	vunpack.i.u.bf16.f32 v8;
	v8 =	vadd.f32 v10, v12;
	v3 =	vadd.f32 v3, v5  }
0x430: {  	v5 =	vadd.f32 v6, v7;
	v6 =	vunpack.i.l.bf16.f32 v9;
	v2 =	vadd.f32 v2, v4  }
0x431: {  	v4 =	vunpack.i.u.bf16.f32 v9;
	v6 =	vadd.f32 v6, v8;
	v1 =	vadd.f32 v1, v3  }
0x432: {  	v3 =	vadd.f32 v4, v5;
	v4 =	vunpack.i.l.bf16.f32 v14;
	v0 =	vadd.f32 v0, v2  }
0x433: {  	v2 =	vunpack.i.u.bf16.f32 v14;
	v4 =	vadd.f32 v4, v6;
	v1 =	vmul.f32 $4.999999890e-03, v1  }
0x434: {  	v2 =	vadd.f32 v2, v3;
	v0 =	vmul.f32 $4.999999890e-03, v0  }
0x435: {  	[tilespmem:s19+$0x10380] =	vst v1;
	v1 =	vmul.f32 $4.999999890e-03, v4  }
0x436: {  	[tilespmem:s19+$0x10390] =	vst v0;
	v0 =	vmul.f32 $4.999999890e-03, v2  }
0x437: {  	[tilespmem:s19+$0x103A0] =	vst v1  }
0x438: {  	s25 =	simm.s32 @!p2 $0xAF00;
	s23 =	simm.s32 @!p2 $0x80;
	[tilespmem:s19+$0x103B0] =	vst v0;
	s19 =	sadd.s32 @!p2 $0x2328, s21  }
0x439: {  	[tilespmem:s25], [sflag:$0x6] =	stream.indirect.gather @!p2 [spmem:s2], $0x20, s19, s23, $0xb8;
	[tilespmem:$0x15820] =	vst v63  }
0x43a: {  	s19 =	sadd.s32 @!p2 $0x23A8, s21;
	s21 =	simm.s32 @!p2 $0x48;
	s23 =	simm.s32 @!p2 $0xBF00  }
0x43b: {  	[tilespmem:s23], [sflag:$0x6] =	stream.indirect.gather @!p2 [spmem:s2], $0x20, s19, s21, $0xb8;
	[tilespmem:$0x15820] =	vst v63  }
0x43c: {  	_ =	swait.ge [sflag:s1], $0x1900  }
0x43d: {  	[sflag:s1] =	ssyncset.done $0x0  }
0x43e: {  	s19 =	simm.s32 $0xE180;
	[sflag:s1] =	ssyncadd.s32 $0xFFFFE700  }
0x43f: {  	v1 =	vld [tilespmem:s19+$0x60]  }
0x440: {  	v3 =	vld [tilespmem:s19+$0x40]  }
0x441: {  	v5 =	vld [tilespmem:s19+$0x20]  }
0x442: {  	v7 =	vld [tilespmem:s19+$0x0]  }
0x443: {  	v8 =	vld [tilespmem:s19+$0xFFFFFFE0]  }
0x444: {  	v9 =	vld [tilespmem:s19+$0xFFFFFFC0]  }
0x445: {  	v10 =	vld [tilespmem:s19+$0xFFFFFFA0]  }
0x446: {  	v11 =	vld [tilespmem:s19+$0xFFFFFF80]  }
0x447: {  	v12 =	vimm.f32 $0.0e+00;
	v13 =	vld [tilespmem:s19+$0xFFFFFF90];
	v0 =	vunpack.i.u.bf16.f32 v1;
	v1 =	vunpack.i.l.bf16.f32 v1  }
0x448: {  	v4 =	vunpack.i.u.bf16.f32 v5;
	v2 =	vunpack.i.u.bf16.f32 v3;
	v3 =	vunpack.i.l.bf16.f32 v3  }
0x449: {  	v14 =	vld [tilespmem:s19+$0xFFFFFFB0];
	v6 =	vunpack.i.u.bf16.f32 v7;
	v7 =	vunpack.i.l.bf16.f32 v7;
	v5 =	vunpack.i.l.bf16.f32 v5  }
0x44a: {  	v15 =	vunpack.i.u.bf16.f32 v9;
	v17 =	vunpack.i.u.bf16.f32 v8;
	v18 =	vunpack.i.l.bf16.f32 v8  }
0x44b: {  	v16 =	vld [tilespmem:s19+$0xFFFFFFD0];
	v8 =	vunpack.i.u.bf16.f32 v10;
	v10 =	vunpack.i.l.bf16.f32 v10;
	v9 =	vunpack.i.l.bf16.f32 v9  }
0x44c: {  	v19 =	vunpack.i.u.bf16.f32 v11;
	v11 =	vunpack.i.l.bf16.f32 v11;
	v20 =	vunpack.i.u.bf16.f32 v13  }
0x44d: {  	v21 =	vld [tilespmem:s19+$0xFFFFFFF0];
	v13 =	vunpack.i.l.bf16.f32 v13;
	v11 =	vadd.f32 v11, v12;
	v19 =	vadd.f32 v19, v12  }
0x44e: {  	v62 =	vunpack.i.u.bf16.f32 v14;
	v13 =	vadd.f32 v13, v12;
	v12 =	vadd.f32 v20, v12  }
0x44f: {  	v14 =	vunpack.i.l.bf16.f32 v14;
	v11 =	vadd.f32 v10, v11;
	v8 =	vadd.f32 v8, v19;
	v10 =	vld [tilespmem:s19+$0x10]  }
0x450: {  	v13 =	vadd.f32 v14, v13;
	v14 =	vadd.f32 v62, v12;
	v19 =	vunpack.i.u.bf16.f32 v16  }
0x451: {  	v12 =	vunpack.i.l.bf16.f32 v16;
	v9 =	vadd.f32 v9, v11;
	v63 =	vadd.f32 v15, v8;
	v8 =	vld [tilespmem:s19+$0x30]  }
0x452: {  	v16 =	vunpack.i.l.bf16.f32 v21;
	v12 =	vadd.f32 v12, v13;
	v11 =	vadd.f32 v19, v14  }
0x453: {  	s21 =	simm.s32 $0x0;
	s23 =	simm.s32 $0xE280;
	v13 =	vunpack.i.u.bf16.f32 v21;
	v15 =	vadd.f32 v18, v9;
	v14 =	vadd.f32 v17, v63;
	v9 =	vld [tilespmem:s19+$0x50]  }
.LBB2_37:
0x454: {  	v17 =	vld [tilespmem:s23+$0x60];
	v12 =	vadd.f32 v16, v12;
	v11 =	vadd.f32 v13, v11;
	v13 =	vunpack.i.u.bf16.f32 v10  }
0x455: {  	v10 =	vunpack.i.l.bf16.f32 v10;
	v7 =	vadd.f32 v7, v15;
	v6 =	vadd.f32 v6, v14;
	v14 =	vld [tilespmem:s19+$0x70];
	s19 =	smov.u32 s23  }
0x456: {  	v15 =	vld [tilespmem:s23+$0x40];
	v10 =	vadd.f32 v10, v12;
	v11 =	vadd.f32 v13, v11;
	v12 =	vunpack.i.u.bf16.f32 v8  }
0x457: {  	v8 =	vunpack.i.l.bf16.f32 v8;
	v13 =	vld [tilespmem:s23+$0x20];
	v5 =	vadd.f32 v5, v7;
	v4 =	vadd.f32 v4, v6  }
0x458: {  	v7 =	vld [tilespmem:s23+$0x0];
	v6 =	vadd.f32 v8, v10;
	v8 =	vadd.f32 v12, v11;
	v10 =	vunpack.i.u.bf16.f32 v9  }
0x459: {  	v9 =	vunpack.i.l.bf16.f32 v9;
	v11 =	vld [tilespmem:s23+$0xFFFFFFE0];
	v3 =	vadd.f32 v3, v5;
	v2 =	vadd.f32 v2, v4  }
0x45a: {  	v12 =	vld [tilespmem:s23+$0xFFFFFFC0];
	v4 =	vadd.f32 v9, v6;
	v5 =	vadd.f32 v10, v8;
	v6 =	vunpack.i.u.bf16.f32 v14  }
0x45b: {  	v9 =	vunpack.i.l.bf16.f32 v14;
	v8 =	vld [tilespmem:s23+$0xFFFFFFA0];
	v10 =	vadd.f32 v1, v3;
	v14 =	vadd.f32 v0, v2  }
0x45c: {  	v16 =	vld [tilespmem:s23+$0xFFFFFF80];
	v9 =	vadd.f32 v9, v4;
	v18 =	vadd.f32 v6, v5  }
0x45d: {  	v0 =	vunpack.i.u.bf16.f32 v17;
	v1 =	vunpack.i.l.bf16.f32 v17;
	v19 =	vld [tilespmem:s23+$0xFFFFFF90]  }
0x45e: {  	s21 =	sadd.s32 $0x8, s21;
	v2 =	vunpack.i.u.bf16.f32 v15;
	v3 =	vunpack.i.l.bf16.f32 v15;
	v4 =	vunpack.i.u.bf16.f32 v13  }
0x45f: {  	p3 =	slt.u32 s21, $0xC0;
	v5 =	vunpack.i.l.bf16.f32 v13;
	v6 =	vunpack.i.u.bf16.f32 v7;
	v7 =	vunpack.i.l.bf16.f32 v7;
	v15 =	vld [tilespmem:s23+$0xFFFFFFB0]  }
0x460: {  	v17 =	vunpack.i.u.bf16.f32 v11;
	v20 =	vunpack.i.l.bf16.f32 v11;
	v13 =	vunpack.i.u.bf16.f32 v12  }
0x461: {  	v12 =	vunpack.i.l.bf16.f32 v12;
	v11 =	vunpack.i.u.bf16.f32 v8;
	v8 =	vunpack.i.l.bf16.f32 v8;
	v21 =	vld [tilespmem:s23+$0xFFFFFFD0]  }
0x462: {  	v22 =	vunpack.i.u.bf16.f32 v16;
	v16 =	vunpack.i.l.bf16.f32 v16;
	v23 =	vunpack.i.u.bf16.f32 v19  }
0x463: {  	v19 =	vunpack.i.l.bf16.f32 v19;
	v10 =	vadd.f32 v16, v10;
	v14 =	vadd.f32 v22, v14;
	v16 =	vld [tilespmem:s23+$0xFFFFFFF0]  }
0x464: {  	v9 =	vadd.f32 v19, v9;
	v18 =	vadd.f32 v23, v18;
	v19 =	vunpack.i.u.bf16.f32 v15  }
.Ltmp19:
0x465: {  	v15 =	vunpack.i.l.bf16.f32 v15;
	v8 =	vadd.f32 v8, v10;
	v11 =	vadd.f32 v11, v14;
	v10 =	vld [tilespmem:s23+$0x10];
	(pc) =	sbr.rel @p3 .LBB2_37-.Ltmp19, $4  }
0x466: {  	v9 =	vadd.f32 v15, v9;
	v14 =	vadd.f32 v19, v18;
	v15 =	vunpack.i.u.bf16.f32 v21  }
0x467: {  	v18 =	vunpack.i.l.bf16.f32 v21;
	v19 =	vadd.f32 v12, v8;
	v21 =	vadd.f32 v13, v11;
	v8 =	vld [tilespmem:s23+$0x30]  }
0x468: {  	v12 =	vadd.f32 v18, v9;
	v11 =	vadd.f32 v15, v14;
	v13 =	vunpack.i.u.bf16.f32 v16  }
0x469: {  	s23 =	sadd.s32 $0x100, s23;
	v16 =	vunpack.i.l.bf16.f32 v16;
	v15 =	vadd.f32 v20, v19;
	v14 =	vadd.f32 v17, v21;
	v9 =	vld [tilespmem:s19+$0x50]  }
0x46a: {  	_ = 	snop  }
0x46b: {  	v12 =	vadd.f32 v16, v12;
	v7 =	vadd.f32 v7, v15  }
0x46c: {  	v11 =	vadd.f32 v13, v11;
	v49 =	vunpack.i.l.bf16.f32 v10;
	v6 =	vadd.f32 v6, v14  }
0x46d: {  	v50 =	vunpack.i.u.bf16.f32 v10;
	v51 =	vld [tilespmem:s19+$0x70];
	v12 =	vadd.f32 v49, v12;
	v5 =	vadd.f32 v5, v7  }
0x46e: {  	v52 =	vadd.f32 v50, v11;
	v53 =	vunpack.i.l.bf16.f32 v8;
	v4 =	vadd.f32 v4, v6  }
0x46f: {  	v54 =	vunpack.i.u.bf16.f32 v8;
	v55 =	vadd.f32 v53, v12;
	v3 =	vadd.f32 v3, v5  }
0x470: {  	v56 =	vadd.f32 v54, v52;
	v57 =	vunpack.i.l.bf16.f32 v9;
	v2 =	vadd.f32 v2, v4  }
0x471: {  	v58 =	vunpack.i.u.bf16.f32 v9;
	v6 =	vadd.f32 v57, v55;
	v1 =	vadd.f32 v1, v3  }
0x472: {  	v60 =	vunpack.i.l.bf16.f32 v51;
	v59 =	vadd.f32 v58, v56;
	v0 =	vadd.f32 v0, v2  }
0x473: {  	s17 =	sshll.u32 s17, $0x6;
	v61 =	vunpack.i.u.bf16.f32 v51;
	v4 =	vadd.f32 v60, v6;
	v1 =	vmul.f32 $4.999999890e-03, v1  }
.Ltmp20:
0x474: {  	s17 =	sand.u32 $0x3FFFFFC0, s17;
	v2 =	vadd.f32 v61, v59;
	v0 =	vmul.f32 $4.999999890e-03, v0;
	(pc) =	sbr.rel @p2 .LBB2_40-.Ltmp20, $4  }
0x475: {  	v62 =	vmul.f32 $4.999999890e-03, v4;
	[tilespmem:s17+$0x10200] =	vst v1  }
0x476: {  	v63 =	vmul.f32 $4.999999890e-03, v2;
	[tilespmem:s17+$0x10210] =	vst v0  }
0x477: {  	[tilespmem:s17+$0x10220] =	vst v62  }
0x478: {  	[tilespmem:s17+$0x10230] =	vst v63  }
0x479: {  	s17 =	smul.u32 $0x1900, s15;
	_ =	sdelay $0x1  }
.Ltmp21:
0x47a: {  	s17 =	sshra.s32 s17, $0x2;
	(pc) =	sbr.rel .LBB2_22-.Ltmp21, $4  }
0x47b: {  	s19 =	sadd.s32 $0x23F0, s17  }
0x47c: {  	[tilespmem:s16], [sflag:$0x7] =	stream.indirect.gather [spmem:s2], $0x20, s19, s12, $0xb8;
	[tilespmem:$0x15820] =	vst v63  }
0x47d: {  	s15 =	sadd.s32 $0x1, s15;
	s17 =	sadd.s32 $0x2470, s17  }
0x47e: {  	[tilespmem:s20], [sflag:$0x7] =	stream.indirect.gather [spmem:s2], $0x20, s17, s14, $0xb8;
	[tilespmem:$0x15820] =	vst v63  }
.LBB2_40:
.Ltmp22:
0x47f: {  	(pc) =	sbr.rel @p1 .LBB2_42-.Ltmp22, $4  }
0x480: {  	s13 =	sshll.u32 s13, $0x3  }
0x481: {  	s15 =	rddreg [dreg:$0x1];
	s13 =	sand.u32 $0x1FFFFF00, s13  }
0x482: {  	s28 =	simm.s32 $0x10200;
	s13 =	sadd.s32 s15, s13  }
0x483: {  	[hbm4b:s13+s3] =	stream.linear.scatter [tilespmem:s28], [sflag:$0xB], $0x800, $0x38;
	[tilespmem:$0x15820] =	vst v63  }
.Ltmp23:
0x484: {  	(pc) =	sbr.rel .LBB2_2-.Ltmp23, $4  }
0x485: {  	_ = 	snop  }
0x486: {  	_ =	swait.ge [sflag:s6], $0x1900  }
0x487: {  	[sflag:s6] =	ssyncset.done $0x0  }
0x488: {  	s11 =	sadd.s32 $0x1, s11;
	[sflag:s6] =	ssyncadd.s32 $0xFFFFE700  }
.LBB2_43:
0x489: {  	_ =	sfence.sel $0x180000  }
0x48a: {  	[bflag:$0x0] =	sbarrier.arrive $0xFFFF  }
0x48b: {  	_ =	strace $0x90000047  }
0x48c: {  	[bflag:$0x2] =	sbarrier.arrive $0xFFFF  }
0x48d: {  	s0 =	rddreg [dreg:$0x3]  }
0x48e: {  	s0 =	sadd.s32 @!p0 $0x100000, s0  }
0x48f: {  	[sflag:s0] =	ssyncadd.tile.s32 @!p0 $0x1;
	_ =	shalt  }
.Lfunc_end2:
_tile_overlayer_lowered:
.L_overlay_start_2:
0x490: {  	(tag) =	ssettag $0x2  }
0x491: {  	s0 =	rddreg [dreg:$0x0];
	s2 =	stileid.u32  }
0x492: {  	s1 =	rddreg [dreg:$0x1];
	p0 =	sne.s32 s2, $0x0  }
0x493: {  	s3 =	rddreg [dreg:$0x2];
	[bflag:$0x3] =	sbarrier.arrive $0xFFFF;
	s2 =	simm.s32 @!p0 $0x1C0C  }
0x494: {  	[timem:s3], [sflag:s2] =	dma.local @!p0 [hbm:s0], s1  }
0x495: {  	s0 =	simm.s32 @!p0 $0xC  }
0x496: {  	_ =	swait.ge @!p0 [sflag:s0], s1  }
0x497: {  	s1 =	ssub.s32 @!p0 $0x0, s1;
	[sflag:s0] =	ssyncset.done @!p0 $0x0  }
0x498: {  	[sflag:s0] =	ssyncadd.s32 @!p0 s1  }
0x499: {  	[bflag:$0x3] =	sbarrier.arrive $0xFFFF  }
0x49a: {  	_ =	shalt  }

</sc_bundles>
